<compile_context>
chip_gen: v7x
topology: tpu7x:2x2x1
jax: 0.10.2.dev20260603
libtpu: 0.0.44.dev20260713+nightly
codegen_flags: <defaults>
</compile_context>

<pallas_src>
import functools

import jax
import jax.numpy as jnp
from jax import lax
from jax.experimental import pallas as pl
from jax.experimental.pallas import tpu as pltpu
from jax.experimental.pallas import tpu_sc as plsc

N_NODES = 100000
M_EDGES = 6400000
NC, NS = 2, 16
NW = NC * NS
N_PAD = 100352
TILE_SLICE = N_PAD // NS
CH = 2048
N_CHUNKS = M_EDGES // CH
BASE_C = N_CHUNKS // NW
EXTRA_C = N_CHUNKS - BASE_C * NW
NBUF = 3

_MESH = plsc.VectorSubcoreMesh(core_axis_name="c", subcore_axis_name="s")

_LAYER_SCRATCH = (
    pltpu.VMEM((N_PAD,), jnp.float32),
    pltpu.VMEM_SHARED((N_PAD,), jnp.float32),
    pltpu.VMEM((TILE_SLICE // 2,), jnp.float32),
    pltpu.VMEM((16,), jnp.float32),
    pltpu.VMEM((CH,), jnp.int32),
    pltpu.VMEM((CH,), jnp.int32),
    pltpu.VMEM((CH,), jnp.int32),
    pltpu.VMEM((CH,), jnp.int32),
    pltpu.VMEM((CH,), jnp.int32),
    pltpu.VMEM((CH,), jnp.int32),
    pltpu.VMEM((CH,), jnp.float32),
    pltpu.VMEM((CH,), jnp.float32),
    pltpu.VMEM((CH,), jnp.float32),
    pltpu.SemaphoreType.DMA,
    pltpu.SemaphoreType.DMA,
    pltpu.SemaphoreType.DMA,
)


def _layer_body(combine, *refs):
    if combine:
        (src_hbm, dst_hbm, p0_hbm, p1_hbm, w_hbm, out0_hbm, out1_hbm,
         x_tile, acc_sp, zbuf, wbuf,
         sb0, sb1, sb2, db0, db1, db2, vb0, vb1, vb2,
         isem, tsem, ssem) = refs
    else:
        (src_hbm, dst_hbm, x_hbm, out0_hbm, out1_hbm,
         x_tile, acc_sp, zbuf, wbuf,
         sb0, sb1, sb2, db0, db1, db2, vb0, vb1, vb2,
         isem, tsem, ssem) = refs
    src_bufs = (sb0, sb1, sb2)
    dst_bufs = (db0, db1, db2)
    val_bufs = (vb0, vb1, vb2)
    c = lax.axis_index("c")
    s = lax.axis_index("s")
    w = c * NS + s

    HALF = TILE_SLICE // 2
    if combine:
        pltpu.sync_copy(w_hbm, wbuf)
        wv = wbuf[...]
        for t, width in ((0, CH), (1, CH), (2, CH), (3, TILE_SLICE - 3 * CH)):
            sl_t = pl.ds(s * TILE_SLICE + t * CH, width)
            pltpu.sync_copy(p0_hbm.at[sl_t], vb0.at[pl.ds(0, width)])
            pltpu.sync_copy(p1_hbm.at[sl_t], vb1.at[pl.ds(0, width)])

            @pl.loop(0, width // 16)
            def _comb(k):
                ix = pl.ds(k * 16, 16)
                vb0[ix] = jnp.maximum((vb0[ix] + vb1[ix]) * wv, 0.0)

            pltpu.sync_copy(vb0.at[pl.ds(0, width)], acc_sp.at[sl_t])
        plsc.subcore_barrier()
        pltpu.sync_copy(acc_sp, x_tile)
        plsc.subcore_barrier()
    else:
        xh = pltpu.async_copy(x_hbm, x_tile.at[pl.ds(0, N_NODES)], tsem)

    @pl.loop(0, HALF // 16)
    def _zero(k):
        zbuf[pl.ds(k * 16, 16)] = jnp.zeros((16,), jnp.float32)

    pltpu.sync_copy(zbuf, acc_sp.at[pl.ds(s * TILE_SLICE, HALF)])
    pltpu.sync_copy(zbuf, acc_sp.at[pl.ds(s * TILE_SLICE + HALF, HALF)])
    if not combine:
        xh.wait()
    plsc.subcore_barrier()

    nch = BASE_C + jnp.where(w < EXTRA_C, 1, 0)
    cbase = BASE_C * w + jnp.minimum(w, EXTRA_C)

    def idx_load(b, ci):
        e0 = (cbase + ci) * CH
        pltpu.async_copy(src_hbm.at[pl.ds(e0, CH)], src_bufs[b], isem)
        pltpu.async_copy(dst_hbm.at[pl.ds(e0, CH)], dst_bufs[b], isem)

    def idx_wait(b):
        pltpu.make_async_copy(src_hbm.at[pl.ds(0, CH)], src_bufs[b],
                              isem).wait()
        pltpu.make_async_copy(dst_hbm.at[pl.ds(0, CH)], dst_bufs[b],
                              isem).wait()

    def drain_scatter():
        pltpu.make_async_copy(val_bufs[0], acc_sp.at[dst_bufs[0]],
                              ssem).wait()

    idx_load(0, 0)

    @pl.loop(0, nch)
    def _chunk(i):
        for b in range(NBUF):

            @pl.when(i % NBUF == b)
            def _body(b=b):
                idx_wait(b)

                @pl.when(i >= 2)
                def _drain_old():
                    drain_scatter()

                @pl.when(i + 1 < nch)
                def _prefetch():
                    idx_load((b + 1) % NBUF, i + 1)

                sbuf, vbuf = src_bufs[b], val_bufs[b]

                @pl.loop(0, CH // 16, unroll=8)
                def _gather(k):
                    ix = pl.ds(k * 16, 16)
                    vbuf[ix] = plsc.load_gather(x_tile, [sbuf[ix]])

                pltpu.async_copy(val_bufs[b], acc_sp.at[dst_bufs[b]], ssem,
                                 add=True)

    drain_scatter()
    drain_scatter()
    plsc.subcore_barrier()

    sl = pl.ds(s * TILE_SLICE, TILE_SLICE)

    @pl.when(c == 0)
    def _w0():
        pltpu.sync_copy(acc_sp.at[sl], out0_hbm.at[sl])

    @pl.when(c == 1)
    def _w1():
        pltpu.sync_copy(acc_sp.at[sl], out1_hbm.at[sl])


_EW_CH = N_PAD // NW


def _final_body(q0_hbm, q1_hbm, w_hbm, b_hbm, out_hbm, b0, b1, wbuf, bbuf):
    c = lax.axis_index("c")
    s = lax.axis_index("s")
    w = c * NS + s
    sl = pl.ds(w * _EW_CH, _EW_CH)
    pltpu.sync_copy(q0_hbm.at[sl], b0)
    pltpu.sync_copy(q1_hbm.at[sl], b1)
    pltpu.sync_copy(w_hbm, wbuf)
    pltpu.sync_copy(b_hbm, bbuf)
    wv = wbuf[...]
    bv = bbuf[...]

    @pl.loop(0, _EW_CH // 16)
    def _ew(i):
        ix = pl.ds(i * 16, 16)
        z = jnp.maximum((b0[ix] + b1[ix]) * wv, 0.0) + bv
        b0[ix] = 1.0 / (1.0 + jnp.exp(-z))

    pltpu.sync_copy(b0, out_hbm.at[sl])


_PARTIALS = (jax.ShapeDtypeStruct((N_PAD,), jnp.float32),
             jax.ShapeDtypeStruct((N_PAD,), jnp.float32))

_LAYER_PARAMS = pltpu.CompilerParams(needs_layout_passes=False)

_layer1 = pl.kernel(
    functools.partial(_layer_body, False),
    out_type=_PARTIALS,
    mesh=_MESH,
    scratch_types=list(_LAYER_SCRATCH),
    compiler_params=_LAYER_PARAMS,
)

_layer2 = pl.kernel(
    functools.partial(_layer_body, True),
    out_type=_PARTIALS,
    mesh=_MESH,
    scratch_types=list(_LAYER_SCRATCH),
    compiler_params=_LAYER_PARAMS,
)

_final = pl.kernel(
    _final_body,
    out_type=jax.ShapeDtypeStruct((N_PAD,), jnp.float32),
    mesh=_MESH,
    scratch_types=[
        pltpu.VMEM((_EW_CH,), jnp.float32),
        pltpu.VMEM((_EW_CH,), jnp.float32),
        pltpu.VMEM((16,), jnp.float32),
        pltpu.VMEM((16,), jnp.float32),
    ],
)


def kernel(x, edge_index, weight0, weight1, bias):
    src = edge_index[0].astype(jnp.int32)
    dst = edge_index[1].astype(jnp.int32)
    xv = jnp.squeeze(x, 1)
    w0 = jnp.full((16,), weight0[0, 0], jnp.float32)
    w1 = jnp.full((16,), weight1[0, 0], jnp.float32)
    bv = jnp.full((16,), bias, jnp.float32)
    p0, p1 = _layer1(src, dst, xv)
    q0, q1 = _layer2(src, dst, p0, p1, w0)
    outp = _final(q0, q1, w1, bv)
    return outp[:N_NODES]

# --- scband reference (transcript-rebuilt; emitter-appended) ---
"""Pipeline reference for scband-one-label-lpmodel-85856396248058 (READ-ONLY COPY).

The authoritative reference and input builder live on the scoring server;
editing this copy changes nothing except your own understanding.
"""

import jax, jax.numpy as jnp
import numpy as np

N_NODES = 100000
N_EDGES = 6400000
N_LAYERS = 2

def setup_inputs(seed: int = 0) -> dict:
    key = jax.random.key(seed)
    k1, k2 = jax.random.split(key)
    x = jax.random.uniform(k1, (N_NODES, 1), dtype=jnp.float32)
    edge_index = jax.random.randint(k2, (2, N_EDGES), 0, N_NODES, dtype=jnp.int64)
    # learned params: one [1,1] identity weight per layer, scalar bias (init -2)
    weight0 = jnp.eye(1, dtype=jnp.float32)
    weight1 = jnp.eye(1, dtype=jnp.float32)
    bias = jnp.array(-2.0, dtype=jnp.float32)
    return {"x": x, "edge_index": edge_index, "weight0": weight0, "weight1": weight1, "bias": bias}

def reference(x, edge_index, weight0, weight1, bias):
    src = edge_index[0]
    dst = edge_index[1]
    for w in (weight0, weight1):
        # PyG MessagePassing flow='source_to_target': message x_j = x[src], scatter-add at dst
        msg = jnp.take(x, src, axis=0)
        out = jax.ops.segment_sum(msg, dst, num_segments=N_NODES)
        x = out @ w
        x = jax.nn.relu(x)
    x = jnp.squeeze(x)
    x = x + bias
    return jax.nn.sigmoid(x)

if __name__ == "__main__":
    import jax
    _d = setup_inputs()
    print(jax.jit(kernel)(*tuple(_d.values())))

</pallas_src>

<mosaic_0001>
#map = affine_map<(d0, d1) -> (0)>
module attributes {stable_mosaic.version = 14 : i64} {
  func.func @_layer_body(%arg0: i32, %arg1: i32, %arg2: memref<6400000xi32, #tpu.memory_space<hbm>>, %arg3: memref<6400000xi32, #tpu.memory_space<hbm>>, %arg4: memref<100000xf32, #tpu.memory_space<hbm>>, %arg5: memref<100352xf32, #tpu.memory_space<hbm>>, %arg6: memref<100352xf32, #tpu.memory_space<hbm>>, %arg7: memref<100352xf32, #tpu.memory_space<vmem>>, %arg8: memref<100352xf32, #tpu.memory_space<vmem_shared>>, %arg9: memref<3136xf32, #tpu.memory_space<vmem>>, %arg10: memref<16xf32, #tpu.memory_space<vmem>>, %arg11: memref<2048xi32, #tpu.memory_space<vmem>>, %arg12: memref<2048xi32, #tpu.memory_space<vmem>>, %arg13: memref<2048xi32, #tpu.memory_space<vmem>>, %arg14: memref<2048xi32, #tpu.memory_space<vmem>>, %arg15: memref<2048xi32, #tpu.memory_space<vmem>>, %arg16: memref<2048xi32, #tpu.memory_space<vmem>>, %arg17: memref<2048xf32, #tpu.memory_space<vmem>>, %arg18: memref<2048xf32, #tpu.memory_space<vmem>>, %arg19: memref<2048xf32, #tpu.memory_space<vmem>>, %arg20: memref<!tpu.dma_semaphore, #tpu.memory_space<semaphore_mem>>, %arg21: memref<!tpu.dma_semaphore, #tpu.memory_space<semaphore_mem>>, %arg22: memref<!tpu.dma_semaphore, #tpu.memory_space<semaphore_mem>>) attributes {dimension_semantics = [#tpu.dimension_semantics<core_parallel>, #tpu.dimension_semantics<subcore_parallel>], iteration_bounds = array<i64: 2, 16>, scalar_prefetch = 0 : i64, scratch_operands = 16 : i64, tpu.core_type = #tpu.core_type<sc_vector_subcore>, window_params = [{transform_indices = #map}, {transform_indices = #map}, {transform_indices = #map}, {transform_indices = #map}, {transform_indices = #map}]} {
    %mul3A = arith.constant 16 : i32
    %mul3A_0 = arith.muli %arg0, %mul3A : i32
    %add3A = arith.addi %mul3A_0, %arg1 : i32
    %dma_start3A = arith.constant 0 : i32
    %dma_start3A_1 = tpu.memref_slice %arg7[%dma_start3A] : memref<100352xf32, #tpu.memory_space<vmem>> -> memref<100000xf32, #tpu.memory_space<vmem>>
    %dma_start3A_2 = arith.constant 0 : i32
    %dma_start3A_3 = tpu.memref_slice %arg7[%dma_start3A_2] : memref<100352xf32, #tpu.memory_space<vmem>> -> memref<100000xf32, #tpu.memory_space<vmem>>
    tpu.enqueue_dma source(%arg4 : memref<100000xf32, #tpu.memory_space<hbm>>) target(%dma_start3A_3 : memref<100000xf32, #tpu.memory_space<vmem>>) target_semaphore(%arg21 : memref<!tpu.dma_semaphore, #tpu.memory_space<semaphore_mem>>)
    %scan3A = arith.constant 0 : i32
    %scan3A_4 = arith.constant 196 : i32
    %scan3A_5 = arith.addi %scan3A, %scan3A_4 : i32
    %scan3A_6 = arith.constant 1 : i32
    scf.for %scan3A_63 = %scan3A to %scan3A_5 step %scan3A_6  : i32 {
      %mul3A_64 = arith.constant 1 : i32
      %mul3A_65 = arith.muli %scan3A_63, %mul3A_64 : i32
      %add3A_66 = arith.constant 0 : i32
      %add3A_67 = arith.addi %add3A_66, %mul3A_65 : i32
      %broadcast_in_dim3A = arith.constant 0.000000e+00 : f32
      %broadcast_in_dim3A_68 = vector.broadcast %broadcast_in_dim3A : f32 to vector<16xf32>
      %mul3A_69 = arith.constant 16 : i32
      %mul3A_70 = arith.muli %add3A_67, %mul3A_69 : i32
      %swap3A = arith.index_cast %mul3A_70 : i32 to index
      %swap3A_71 = tpu.vector_load %arg9[%swap3A] {strides = array<i32>} : memref<3136xf32, #tpu.memory_space<vmem>>, vector<16xf32>,
      tpu.vector_store %arg9[%swap3A], %broadcast_in_dim3A_68 {strides = array<i32>} : memref<3136xf32, #tpu.memory_space<vmem>>, vector<16xf32>,
    }
    %scan3A_7 = arith.constant 196 : i32
    %mul3A_8 = arith.constant 6272 : i32
    %mul3A_9 = arith.muli %arg1, %mul3A_8 : i32
    "tpu.region"() ({
      %run_scoped3A = tpu.sem_alloc : memref<!tpu.dma_semaphore, #tpu.memory_space<semaphore_mem>>
      %dma_start3A_63 = tpu.memref_slice %arg8[%mul3A_9] : memref<100352xf32, #tpu.memory_space<vmem_shared>> -> memref<3136xf32, #tpu.memory_space<vmem_shared>>
      %dma_start3A_64 = tpu.memref_slice %arg8[%mul3A_9] : memref<100352xf32, #tpu.memory_space<vmem_shared>> -> memref<3136xf32, #tpu.memory_space<vmem_shared>>
      tpu.enqueue_dma source(%arg9 : memref<3136xf32, #tpu.memory_space<vmem>>) target(%dma_start3A_64 : memref<3136xf32, #tpu.memory_space<vmem_shared>>) target_semaphore(%run_scoped3A : memref<!tpu.dma_semaphore, #tpu.memory_space<semaphore_mem>>)
      %dma_wait3A_65 = tpu.memref_slice %arg8[%mul3A_9] : memref<100352xf32, #tpu.memory_space<vmem_shared>> -> memref<3136xf32, #tpu.memory_space<vmem_shared>>
      %dma_wait3A_66 = tpu.memref_slice %arg8[%mul3A_9] : memref<100352xf32, #tpu.memory_space<vmem_shared>> -> memref<3136xf32, #tpu.memory_space<vmem_shared>>
      tpu.wait_dma2 semaphore(%run_scoped3A : memref<!tpu.dma_semaphore, #tpu.memory_space<semaphore_mem>>) src(%arg9 : memref<3136xf32, #tpu.memory_space<vmem>>) dst(%dma_wait3A_66 : memref<3136xf32, #tpu.memory_space<vmem_shared>>)
      tpu.yield
    }) : () -> ()
    %mul3A_10 = arith.constant 6272 : i32
    %mul3A_11 = arith.muli %arg1, %mul3A_10 : i32
    %add3A_12 = arith.constant 3136 : i32
    %add3A_13 = arith.addi %mul3A_11, %add3A_12 : i32
    "tpu.region"() ({
      %run_scoped3A = tpu.sem_alloc : memref<!tpu.dma_semaphore, #tpu.memory_space<semaphore_mem>>
      %dma_start3A_63 = tpu.memref_slice %arg8[%add3A_13] : memref<100352xf32, #tpu.memory_space<vmem_shared>> -> memref<3136xf32, #tpu.memory_space<vmem_shared>>
      %dma_start3A_64 = tpu.memref_slice %arg8[%add3A_13] : memref<100352xf32, #tpu.memory_space<vmem_shared>> -> memref<3136xf32, #tpu.memory_space<vmem_shared>>
      tpu.enqueue_dma source(%arg9 : memref<3136xf32, #tpu.memory_space<vmem>>) target(%dma_start3A_64 : memref<3136xf32, #tpu.memory_space<vmem_shared>>) target_semaphore(%run_scoped3A : memref<!tpu.dma_semaphore, #tpu.memory_space<semaphore_mem>>)
      %dma_wait3A_65 = tpu.memref_slice %arg8[%add3A_13] : memref<100352xf32, #tpu.memory_space<vmem_shared>> -> memref<3136xf32, #tpu.memory_space<vmem_shared>>
      %dma_wait3A_66 = tpu.memref_slice %arg8[%add3A_13] : memref<100352xf32, #tpu.memory_space<vmem_shared>> -> memref<3136xf32, #tpu.memory_space<vmem_shared>>
      tpu.wait_dma2 semaphore(%run_scoped3A : memref<!tpu.dma_semaphore, #tpu.memory_space<semaphore_mem>>) src(%arg9 : memref<3136xf32, #tpu.memory_space<vmem>>) dst(%dma_wait3A_66 : memref<3136xf32, #tpu.memory_space<vmem_shared>>)
      tpu.yield
    }) : () -> ()
    %dma_wait3A = arith.constant 0 : i32
    %dma_wait3A_14 = tpu.memref_slice %arg7[%dma_wait3A] : memref<100352xf32, #tpu.memory_space<vmem>> -> memref<100000xf32, #tpu.memory_space<vmem>>
    %dma_wait3A_15 = arith.constant 0 : i32
    %dma_wait3A_16 = tpu.memref_slice %arg7[%dma_wait3A_15] : memref<100352xf32, #tpu.memory_space<vmem>> -> memref<100000xf32, #tpu.memory_space<vmem>>
    tpu.wait_dma2 semaphore(%arg21 : memref<!tpu.dma_semaphore, #tpu.memory_space<semaphore_mem>>) src(%arg4 : memref<100000xf32, #tpu.memory_space<hbm>>) dst(%dma_wait3A_16 : memref<100000xf32, #tpu.memory_space<vmem>>)
    %barrier3A = arith.constant 0 : index
    tpu.barrier barrier_id(%barrier3A)
    %lt3A = arith.constant 21 : i32
    %lt3A_17 = arith.cmpi slt, %add3A, %lt3A : i32
    %jit3A = arith.constant 1 : i32
    %jit3A_18 = arith.constant 0 : i32
    %select_n3A = arith.select %lt3A_17, %jit3A, %jit3A_18 : i32
    %add3A_19 = arith.constant 97 : i32
    %add3A_20 = arith.addi %add3A_19, %select_n3A : i32
    %mul3A_21 = arith.constant 97 : i32
    %mul3A_22 = arith.muli %mul3A_21, %add3A : i32
    %min3A = arith.constant 21 : i32
    %min3A_23 = arith.minsi %add3A, %min3A : i32
    %add3A_24 = arith.addi %mul3A_22, %min3A_23 : i32
    %add3A_25 = arith.constant 0 : i32
    %add3A_26 = arith.addi %add3A_24, %add3A_25 : i32
    %mul3A_27 = arith.constant 2048 : i32
    %mul3A_28 = arith.muli %add3A_26, %mul3A_27 : i32
    %dma_start3A_29 = tpu.memref_slice %arg2[%mul3A_28] : memref<6400000xi32, #tpu.memory_space<hbm>> -> memref<2048xi32, #tpu.memory_space<hbm>>
    %dma_start3A_30 = tpu.memref_slice %arg2[%mul3A_28] : memref<6400000xi32, #tpu.memory_space<hbm>> -> memref<2048xi32, #tpu.memory_space<hbm>>
    tpu.enqueue_dma source(%dma_start3A_30 : memref<2048xi32, #tpu.memory_space<hbm>>) target(%arg11 : memref<2048xi32, #tpu.memory_space<vmem>>) target_semaphore(%arg20 : memref<!tpu.dma_semaphore, #tpu.memory_space<semaphore_mem>>)
    %dma_start3A_31 = tpu.memref_slice %arg3[%mul3A_28] : memref<6400000xi32, #tpu.memory_space<hbm>> -> memref<2048xi32, #tpu.memory_space<hbm>>
    %dma_start3A_32 = tpu.memref_slice %arg3[%mul3A_28] : memref<6400000xi32, #tpu.memory_space<hbm>> -> memref<2048xi32, #tpu.memory_space<hbm>>
    tpu.enqueue_dma source(%dma_start3A_32 : memref<2048xi32, #tpu.memory_space<hbm>>) target(%arg14 : memref<2048xi32, #tpu.memory_space<vmem>>) target_semaphore(%arg20 : memref<!tpu.dma_semaphore, #tpu.memory_space<semaphore_mem>>)
    %sub3A = arith.constant 0 : i32
    %sub3A_33 = arith.subi %add3A_20, %sub3A : i32
    %sub3A_34 = arith.constant 1 : i32
    %sub3A_35 = arith.constant 1 : i32
    %sub3A_36 = arith.subi %sub3A_34, %sub3A_35 : i32
    %add3A_37 = arith.addi %sub3A_33, %sub3A_36 : i32
    %div3A = arith.constant 1 : i32
    %div3A_38 = arith.divsi %add3A_37, %div3A : i32
    %while3A = arith.constant 1 : i32
    %while3A_39 = arith.constant 0 : i32
    %while3A_40 = arith.constant 0 : i32
    %while3A_41 = arith.subi %div3A_38, %while3A_40 : i32
    %while3A_42 = arith.addi %while3A_40, %while3A_41 : i32
    %while3A_43 = arith.constant 1 : i32
    %while3A_44 = arith.divsi %while3A_41, %while3A_43 : i32
    %while3A_45 = arith.muli %while3A_44, %while3A_43 : i32
    %while3A_46 = arith.addi %while3A_40, %while3A_45 : i32
    %while3A_47 = arith.constant 1 : i32
    scf.for %while3A_63 = %while3A_40 to %while3A_46 step %while3A_47  : i32 {
      %mul3A_64 = arith.muli %while3A_63, %while3A : i32
      %add3A_65 = arith.addi %while3A_39, %mul3A_64 : i32
      %jit3A_66 = arith.constant 3 : i32
      %eq3A_67 = arith.constant 0 : i32
      %eq3A_68 = arith.cmpi eq, %jit3A_66, %eq3A_67 : i32
      %jit3A_69 = arith.constant 1 : i32
      %select_n3A_70 = arith.select %eq3A_68, %jit3A_69, %jit3A_66 : i32
      %rem3A = arith.remsi %add3A_65, %select_n3A_70 : i32
      %ne3A = arith.constant 0 : i32
      %ne3A_71 = arith.cmpi ne, %rem3A, %ne3A : i32
      %lt3A_72 = arith.constant 0 : i32
      %lt3A_73 = arith.cmpi slt, %rem3A, %lt3A_72 : i32
      %lt3A_74 = arith.constant 0 : i32
      %lt3A_75 = arith.cmpi slt, %select_n3A_70, %lt3A_74 : i32
      %ne3A_76 = arith.xori %lt3A_73, %lt3A_75 : i1
      %and3A = arith.andi %ne3A_76, %ne3A_71 : i1
      %add3A_77 = arith.addi %rem3A, %select_n3A_70 : i32
      %select_n3A_78 = arith.select %and3A, %add3A_77, %rem3A : i32
      %eq3A_79 = arith.constant 0 : i32
      %eq3A_80 = arith.cmpi eq, %select_n3A_78, %eq3A_79 : i32
      %convert_element_type3A_81 = arith.extui %eq3A_80 : i1 to i32
      %cond3A_82 = arith.constant 0 : i32
      %cond3A_83 = arith.cmpi ne, %convert_element_type3A_81, %cond3A_82 : i32
      scf.if %cond3A_83 {
        %dma_wait3A_126 = arith.constant 0 : i32
        %dma_wait3A_127 = tpu.memref_slice %arg2[%dma_wait3A_126] : memref<6400000xi32, #tpu.memory_space<hbm>> -> memref<2048xi32, #tpu.memory_space<hbm>>
        %dma_wait3A_128 = arith.constant 0 : i32
        %dma_wait3A_129 = tpu.memref_slice %arg2[%dma_wait3A_128] : memref<6400000xi32, #tpu.memory_space<hbm>> -> memref<2048xi32, #tpu.memory_space<hbm>>
        tpu.wait_dma2 semaphore(%arg20 : memref<!tpu.dma_semaphore, #tpu.memory_space<semaphore_mem>>) src(%dma_wait3A_129 : memref<2048xi32, #tpu.memory_space<hbm>>) dst(%arg11 : memref<2048xi32, #tpu.memory_space<vmem>>)
        %dma_wait3A_130 = arith.constant 0 : i32
        %dma_wait3A_131 = tpu.memref_slice %arg3[%dma_wait3A_130] : memref<6400000xi32, #tpu.memory_space<hbm>> -> memref<2048xi32, #tpu.memory_space<hbm>>
        %dma_wait3A_132 = arith.constant 0 : i32
        %dma_wait3A_133 = tpu.memref_slice %arg3[%dma_wait3A_132] : memref<6400000xi32, #tpu.memory_space<hbm>> -> memref<2048xi32, #tpu.memory_space<hbm>>
        tpu.wait_dma2 semaphore(%arg20 : memref<!tpu.dma_semaphore, #tpu.memory_space<semaphore_mem>>) src(%dma_wait3A_133 : memref<2048xi32, #tpu.memory_space<hbm>>) dst(%arg14 : memref<2048xi32, #tpu.memory_space<vmem>>)
        %ge3A = arith.constant 2 : i32
        %ge3A_134 = arith.cmpi sge, %add3A_65, %ge3A : i32
        %convert_element_type3A_135 = arith.extui %ge3A_134 : i1 to i32
        %cond3A_136 = arith.constant 0 : i32
        %cond3A_137 = arith.cmpi ne, %convert_element_type3A_135, %cond3A_136 : i32
        scf.if %cond3A_137 {
          %dma_wait3A_151 = arith.constant 0 : i32
          %dma_wait3A_152 = tpu.memref_slice %arg8[%dma_wait3A_151] : memref<100352xf32, #tpu.memory_space<vmem_shared>> -> memref<100352xf32, #tpu.memory_space<vmem_shared>>
          tpu.wait_indirect_dma semaphore(%arg22 : memref<!tpu.dma_semaphore, #tpu.memory_space<semaphore_mem>>) src(%arg17 : memref<2048xf32, #tpu.memory_space<vmem>>) dst(%dma_wait3A_152 : memref<100352xf32, #tpu.memory_space<vmem_shared>>)
        } else {
        }
        %add3A_138 = arith.constant 1 : i32
        %add3A_139 = arith.addi %add3A_65, %add3A_138 : i32
        %lt3A_140 = arith.cmpi slt, %add3A_139, %add3A_20 : i32
        %convert_element_type3A_141 = arith.extui %lt3A_140 : i1 to i32
        %cond3A_142 = arith.constant 0 : i32
        %cond3A_143 = arith.cmpi ne, %convert_element_type3A_141, %cond3A_142 : i32
        scf.if %cond3A_143 {
          %add3A_151 = arith.constant 1 : i32
          %add3A_152 = arith.addi %add3A_65, %add3A_151 : i32
          %add3A_153 = arith.addi %add3A_24, %add3A_152 : i32
          %mul3A_154 = arith.constant 2048 : i32
          %mul3A_155 = arith.muli %add3A_153, %mul3A_154 : i32
          %dma_start3A_156 = tpu.memref_slice %arg2[%mul3A_155] : memref<6400000xi32, #tpu.memory_space<hbm>> -> memref<2048xi32, #tpu.memory_space<hbm>>
          %dma_start3A_157 = tpu.memref_slice %arg2[%mul3A_155] : memref<6400000xi32, #tpu.memory_space<hbm>> -> memref<2048xi32, #tpu.memory_space<hbm>>
          tpu.enqueue_dma source(%dma_start3A_157 : memref<2048xi32, #tpu.memory_space<hbm>>) target(%arg12 : memref<2048xi32, #tpu.memory_space<vmem>>) target_semaphore(%arg20 : memref<!tpu.dma_semaphore, #tpu.memory_space<semaphore_mem>>)
          %dma_start3A_158 = tpu.memref_slice %arg3[%mul3A_155] : memref<6400000xi32, #tpu.memory_space<hbm>> -> memref<2048xi32, #tpu.memory_space<hbm>>
          %dma_start3A_159 = tpu.memref_slice %arg3[%mul3A_155] : memref<6400000xi32, #tpu.memory_space<hbm>> -> memref<2048xi32, #tpu.memory_space<hbm>>
          tpu.enqueue_dma source(%dma_start3A_159 : memref<2048xi32, #tpu.memory_space<hbm>>) target(%arg15 : memref<2048xi32, #tpu.memory_space<vmem>>) target_semaphore(%arg20 : memref<!tpu.dma_semaphore, #tpu.memory_space<semaphore_mem>>)
        } else {
        }
        %scan3A_144 = arith.constant 0 : i32
        %scan3A_145 = arith.constant 128 : i32
        %scan3A_146 = arith.addi %scan3A_144, %scan3A_145 : i32
        %scan3A_147 = arith.constant 8 : i32
        scf.for %scan3A_151 = %scan3A_144 to %scan3A_146 step %scan3A_147  : i32 {
          %mul3A_152 = arith.constant 1 : i32
          %mul3A_153 = arith.muli %scan3A_151, %mul3A_152 : i32
          %add3A_154 = arith.constant 0 : i32
          %add3A_155 = arith.addi %add3A_154, %mul3A_153 : i32
          %mul3A_156 = arith.constant 16 : i32
          %mul3A_157 = arith.muli %add3A_155, %mul3A_156 : i32
          %get3A = arith.index_cast %mul3A_157 : i32 to index
          %get3A_158 = tpu.vector_load %arg11[%get3A] {strides = array<i32>} : memref<2048xi32, #tpu.memory_space<vmem>>, vector<16xi32>,
          %gather3A = tpu.vector_load_idx %arg7[%get3A_158] : memref<100352xf32, #tpu.memory_space<vmem>>[vector<16xi32>], vector<16xf32>,
          %swap3A = arith.index_cast %mul3A_157 : i32 to index
          %swap3A_159 = tpu.vector_load %arg17[%swap3A] {strides = array<i32>} : memref<2048xf32, #tpu.memory_space<vmem>>, vector<16xf32>,
          tpu.vector_store %arg17[%swap3A], %gather3A {strides = array<i32>} : memref<2048xf32, #tpu.memory_space<vmem>>, vector<16xf32>,
          %scan3A_160 = arith.constant 1 : i32
          %scan3A_161 = arith.addi %scan3A_151, %scan3A_160 : i32
          %mul3A_162 = arith.constant 1 : i32
          %mul3A_163 = arith.muli %scan3A_161, %mul3A_162 : i32
          %add3A_164 = arith.constant 0 : i32
          %add3A_165 = arith.addi %add3A_164, %mul3A_163 : i32
          %mul3A_166 = arith.constant 16 : i32
          %mul3A_167 = arith.muli %add3A_165, %mul3A_166 : i32
          %get3A_168 = arith.index_cast %mul3A_167 : i32 to index
          %get3A_169 = tpu.vector_load %arg11[%get3A_168] {strides = array<i32>} : memref<2048xi32, #tpu.memory_space<vmem>>, vector<16xi32>,
          %gather3A_170 = tpu.vector_load_idx %arg7[%get3A_169] : memref<100352xf32, #tpu.memory_space<vmem>>[vector<16xi32>], vector<16xf32>,
          %swap3A_171 = arith.index_cast %mul3A_167 : i32 to index
          %swap3A_172 = tpu.vector_load %arg17[%swap3A_171] {strides = array<i32>} : memref<2048xf32, #tpu.memory_space<vmem>>, vector<16xf32>,
          tpu.vector_store %arg17[%swap3A_171], %gather3A_170 {strides = array<i32>} : memref<2048xf32, #tpu.memory_space<vmem>>, vector<16xf32>,
          %scan3A_173 = arith.constant 2 : i32
          %scan3A_174 = arith.addi %scan3A_151, %scan3A_173 : i32
          %mul3A_175 = arith.constant 1 : i32
          %mul3A_176 = arith.muli %scan3A_174, %mul3A_175 : i32
          %add3A_177 = arith.constant 0 : i32
          %add3A_178 = arith.addi %add3A_177, %mul3A_176 : i32
          %mul3A_179 = arith.constant 16 : i32
          %mul3A_180 = arith.muli %add3A_178, %mul3A_179 : i32
          %get3A_181 = arith.index_cast %mul3A_180 : i32 to index
          %get3A_182 = tpu.vector_load %arg11[%get3A_181] {strides = array<i32>} : memref<2048xi32, #tpu.memory_space<vmem>>, vector<16xi32>,
          %gather3A_183 = tpu.vector_load_idx %arg7[%get3A_182] : memref<100352xf32, #tpu.memory_space<vmem>>[vector<16xi32>], vector<16xf32>,
          %swap3A_184 = arith.index_cast %mul3A_180 : i32 to index
          %swap3A_185 = tpu.vector_load %arg17[%swap3A_184] {strides = array<i32>} : memref<2048xf32, #tpu.memory_space<vmem>>, vector<16xf32>,
          tpu.vector_store %arg17[%swap3A_184], %gather3A_183 {strides = array<i32>} : memref<2048xf32, #tpu.memory_space<vmem>>, vector<16xf32>,
          %scan3A_186 = arith.constant 3 : i32
          %scan3A_187 = arith.addi %scan3A_151, %scan3A_186 : i32
          %mul3A_188 = arith.constant 1 : i32
          %mul3A_189 = arith.muli %scan3A_187, %mul3A_188 : i32
          %add3A_190 = arith.constant 0 : i32
          %add3A_191 = arith.addi %add3A_190, %mul3A_189 : i32
          %mul3A_192 = arith.constant 16 : i32
          %mul3A_193 = arith.muli %add3A_191, %mul3A_192 : i32
          %get3A_194 = arith.index_cast %mul3A_193 : i32 to index
          %get3A_195 = tpu.vector_load %arg11[%get3A_194] {strides = array<i32>} : memref<2048xi32, #tpu.memory_space<vmem>>, vector<16xi32>,
          %gather3A_196 = tpu.vector_load_idx %arg7[%get3A_195] : memref<100352xf32, #tpu.memory_space<vmem>>[vector<16xi32>], vector<16xf32>,
          %swap3A_197 = arith.index_cast %mul3A_193 : i32 to index
          %swap3A_198 = tpu.vector_load %arg17[%swap3A_197] {strides = array<i32>} : memref<2048xf32, #tpu.memory_space<vmem>>, vector<16xf32>,
          tpu.vector_store %arg17[%swap3A_197], %gather3A_196 {strides = array<i32>} : memref<2048xf32, #tpu.memory_space<vmem>>, vector<16xf32>,
          %scan3A_199 = arith.constant 4 : i32
          %scan3A_200 = arith.addi %scan3A_151, %scan3A_199 : i32
          %mul3A_201 = arith.constant 1 : i32
          %mul3A_202 = arith.muli %scan3A_200, %mul3A_201 : i32
          %add3A_203 = arith.constant 0 : i32
          %add3A_204 = arith.addi %add3A_203, %mul3A_202 : i32
          %mul3A_205 = arith.constant 16 : i32
          %mul3A_206 = arith.muli %add3A_204, %mul3A_205 : i32
          %get3A_207 = arith.index_cast %mul3A_206 : i32 to index
          %get3A_208 = tpu.vector_load %arg11[%get3A_207] {strides = array<i32>} : memref<2048xi32, #tpu.memory_space<vmem>>, vector<16xi32>,
          %gather3A_209 = tpu.vector_load_idx %arg7[%get3A_208] : memref<100352xf32, #tpu.memory_space<vmem>>[vector<16xi32>], vector<16xf32>,
          %swap3A_210 = arith.index_cast %mul3A_206 : i32 to index
          %swap3A_211 = tpu.vector_load %arg17[%swap3A_210] {strides = array<i32>} : memref<2048xf32, #tpu.memory_space<vmem>>, vector<16xf32>,
          tpu.vector_store %arg17[%swap3A_210], %gather3A_209 {strides = array<i32>} : memref<2048xf32, #tpu.memory_space<vmem>>, vector<16xf32>,
          %scan3A_212 = arith.constant 5 : i32
          %scan3A_213 = arith.addi %scan3A_151, %scan3A_212 : i32
          %mul3A_214 = arith.constant 1 : i32
          %mul3A_215 = arith.muli %scan3A_213, %mul3A_214 : i32
          %add3A_216 = arith.constant 0 : i32
          %add3A_217 = arith.addi %add3A_216, %mul3A_215 : i32
          %mul3A_218 = arith.constant 16 : i32
          %mul3A_219 = arith.muli %add3A_217, %mul3A_218 : i32
          %get3A_220 = arith.index_cast %mul3A_219 : i32 to index
          %get3A_221 = tpu.vector_load %arg11[%get3A_220] {strides = array<i32>} : memref<2048xi32, #tpu.memory_space<vmem>>, vector<16xi32>,
          %gather3A_222 = tpu.vector_load_idx %arg7[%get3A_221] : memref<100352xf32, #tpu.memory_space<vmem>>[vector<16xi32>], vector<16xf32>,
          %swap3A_223 = arith.index_cast %mul3A_219 : i32 to index
          %swap3A_224 = tpu.vector_load %arg17[%swap3A_223] {strides = array<i32>} : memref<2048xf32, #tpu.memory_space<vmem>>, vector<16xf32>,
          tpu.vector_store %arg17[%swap3A_223], %gather3A_222 {strides = array<i32>} : memref<2048xf32, #tpu.memory_space<vmem>>, vector<16xf32>,
          %scan3A_225 = arith.constant 6 : i32
          %scan3A_226 = arith.addi %scan3A_151, %scan3A_225 : i32
          %mul3A_227 = arith.constant 1 : i32
          %mul3A_228 = arith.muli %scan3A_226, %mul3A_227 : i32
          %add3A_229 = arith.constant 0 : i32
          %add3A_230 = arith.addi %add3A_229, %mul3A_228 : i32
          %mul3A_231 = arith.constant 16 : i32
          %mul3A_232 = arith.muli %add3A_230, %mul3A_231 : i32
          %get3A_233 = arith.index_cast %mul3A_232 : i32 to index
          %get3A_234 = tpu.vector_load %arg11[%get3A_233] {strides = array<i32>} : memref<2048xi32, #tpu.memory_space<vmem>>, vector<16xi32>,
          %gather3A_235 = tpu.vector_load_idx %arg7[%get3A_234] : memref<100352xf32, #tpu.memory_space<vmem>>[vector<16xi32>], vector<16xf32>,
          %swap3A_236 = arith.index_cast %mul3A_232 : i32 to index
          %swap3A_237 = tpu.vector_load %arg17[%swap3A_236] {strides = array<i32>} : memref<2048xf32, #tpu.memory_space<vmem>>, vector<16xf32>,
          tpu.vector_store %arg17[%swap3A_236], %gather3A_235 {strides = array<i32>} : memref<2048xf32, #tpu.memory_space<vmem>>, vector<16xf32>,
          %scan3A_238 = arith.constant 7 : i32
          %scan3A_239 = arith.addi %scan3A_151, %scan3A_238 : i32
          %mul3A_240 = arith.constant 1 : i32
          %mul3A_241 = arith.muli %scan3A_239, %mul3A_240 : i32
          %add3A_242 = arith.constant 0 : i32
          %add3A_243 = arith.addi %add3A_242, %mul3A_241 : i32
          %mul3A_244 = arith.constant 16 : i32
          %mul3A_245 = arith.muli %add3A_243, %mul3A_244 : i32
          %get3A_246 = arith.index_cast %mul3A_245 : i32 to index
          %get3A_247 = tpu.vector_load %arg11[%get3A_246] {strides = array<i32>} : memref<2048xi32, #tpu.memory_space<vmem>>, vector<16xi32>,
          %gather3A_248 = tpu.vector_load_idx %arg7[%get3A_247] : memref<100352xf32, #tpu.memory_space<vmem>>[vector<16xi32>], vector<16xf32>,
          %swap3A_249 = arith.index_cast %mul3A_245 : i32 to index
          %swap3A_250 = tpu.vector_load %arg17[%swap3A_249] {strides = array<i32>} : memref<2048xf32, #tpu.memory_space<vmem>>, vector<16xf32>,
          tpu.vector_store %arg17[%swap3A_249], %gather3A_248 {strides = array<i32>} : memref<2048xf32, #tpu.memory_space<vmem>>, vector<16xf32>,
        }
        %scan3A_148 = arith.constant 128 : i32
        %dma_start3A_149 = arith.constant 0 : i32
        %dma_start3A_150 = tpu.memref_slice %arg8[%dma_start3A_149] : memref<100352xf32, #tpu.memory_space<vmem_shared>> -> memref<100352xf32, #tpu.memory_space<vmem_shared>>
        tpu.enqueue_indirect_dma source(%arg17 : memref<2048xf32, #tpu.memory_space<vmem>>) target(%dma_start3A_150 : memref<100352xf32, #tpu.memory_space<vmem_shared>>) offsets(%arg14 : memref<2048xi32, #tpu.memory_space<vmem>>) semaphore(%arg22 : memref<!tpu.dma_semaphore, #tpu.memory_space<semaphore_mem>>) {add = true}
      } else {
      }
      %jit3A_84 = arith.constant 3 : i32
      %eq3A_85 = arith.constant 0 : i32
      %eq3A_86 = arith.cmpi eq, %jit3A_84, %eq3A_85 : i32
      %jit3A_87 = arith.constant 1 : i32
      %select_n3A_88 = arith.select %eq3A_86, %jit3A_87, %jit3A_84 : i32
      %rem3A_89 = arith.remsi %add3A_65, %select_n3A_88 : i32
      %ne3A_90 = arith.constant 0 : i32
      %ne3A_91 = arith.cmpi ne, %rem3A_89, %ne3A_90 : i32
      %lt3A_92 = arith.constant 0 : i32
      %lt3A_93 = arith.cmpi slt, %rem3A_89, %lt3A_92 : i32
      %lt3A_94 = arith.constant 0 : i32
      %lt3A_95 = arith.cmpi slt, %select_n3A_88, %lt3A_94 : i32
      %ne3A_96 = arith.xori %lt3A_93, %lt3A_95 : i1
      %and3A_97 = arith.andi %ne3A_96, %ne3A_91 : i1
      %add3A_98 = arith.addi %rem3A_89, %select_n3A_88 : i32
      %select_n3A_99 = arith.select %and3A_97, %add3A_98, %rem3A_89 : i32
      %eq3A_100 = arith.constant 1 : i32
      %eq3A_101 = arith.cmpi eq, %select_n3A_99, %eq3A_100 : i32
      %convert_element_type3A_102 = arith.extui %eq3A_101 : i1 to i32
      %cond3A_103 = arith.constant 0 : i32
      %cond3A_104 = arith.cmpi ne, %convert_element_type3A_102, %cond3A_103 : i32
      scf.if %cond3A_104 {
        %dma_wait3A_126 = arith.constant 0 : i32
        %dma_wait3A_127 = tpu.memref_slice %arg2[%dma_wait3A_126] : memref<6400000xi32, #tpu.memory_space<hbm>> -> memref<2048xi32, #tpu.memory_space<hbm>>
        %dma_wait3A_128 = arith.constant 0 : i32
        %dma_wait3A_129 = tpu.memref_slice %arg2[%dma_wait3A_128] : memref<6400000xi32, #tpu.memory_space<hbm>> -> memref<2048xi32, #tpu.memory_space<hbm>>
        tpu.wait_dma2 semaphore(%arg20 : memref<!tpu.dma_semaphore, #tpu.memory_space<semaphore_mem>>) src(%dma_wait3A_129 : memref<2048xi32, #tpu.memory_space<hbm>>) dst(%arg12 : memref<2048xi32, #tpu.memory_space<vmem>>)
        %dma_wait3A_130 = arith.constant 0 : i32
        %dma_wait3A_131 = tpu.memref_slice %arg3[%dma_wait3A_130] : memref<6400000xi32, #tpu.memory_space<hbm>> -> memref<2048xi32, #tpu.memory_space<hbm>>
        %dma_wait3A_132 = arith.constant 0 : i32
        %dma_wait3A_133 = tpu.memref_slice %arg3[%dma_wait3A_132] : memref<6400000xi32, #tpu.memory_space<hbm>> -> memref<2048xi32, #tpu.memory_space<hbm>>
        tpu.wait_dma2 semaphore(%arg20 : memref<!tpu.dma_semaphore, #tpu.memory_space<semaphore_mem>>) src(%dma_wait3A_133 : memref<2048xi32, #tpu.memory_space<hbm>>) dst(%arg15 : memref<2048xi32, #tpu.memory_space<vmem>>)
        %ge3A = arith.constant 2 : i32
        %ge3A_134 = arith.cmpi sge, %add3A_65, %ge3A : i32
        %convert_element_type3A_135 = arith.extui %ge3A_134 : i1 to i32
        %cond3A_136 = arith.constant 0 : i32
        %cond3A_137 = arith.cmpi ne, %convert_element_type3A_135, %cond3A_136 : i32
        scf.if %cond3A_137 {
          %dma_wait3A_151 = arith.constant 0 : i32
          %dma_wait3A_152 = tpu.memref_slice %arg8[%dma_wait3A_151] : memref<100352xf32, #tpu.memory_space<vmem_shared>> -> memref<100352xf32, #tpu.memory_space<vmem_shared>>
          tpu.wait_indirect_dma semaphore(%arg22 : memref<!tpu.dma_semaphore, #tpu.memory_space<semaphore_mem>>) src(%arg17 : memref<2048xf32, #tpu.memory_space<vmem>>) dst(%dma_wait3A_152 : memref<100352xf32, #tpu.memory_space<vmem_shared>>)
        } else {
        }
        %add3A_138 = arith.constant 1 : i32
        %add3A_139 = arith.addi %add3A_65, %add3A_138 : i32
        %lt3A_140 = arith.cmpi slt, %add3A_139, %add3A_20 : i32
        %convert_element_type3A_141 = arith.extui %lt3A_140 : i1 to i32
        %cond3A_142 = arith.constant 0 : i32
        %cond3A_143 = arith.cmpi ne, %convert_element_type3A_141, %cond3A_142 : i32
        scf.if %cond3A_143 {
          %add3A_151 = arith.constant 1 : i32
          %add3A_152 = arith.addi %add3A_65, %add3A_151 : i32
          %add3A_153 = arith.addi %add3A_24, %add3A_152 : i32
          %mul3A_154 = arith.constant 2048 : i32
          %mul3A_155 = arith.muli %add3A_153, %mul3A_154 : i32
          %dma_start3A_156 = tpu.memref_slice %arg2[%mul3A_155] : memref<6400000xi32, #tpu.memory_space<hbm>> -> memref<2048xi32, #tpu.memory_space<hbm>>
          %dma_start3A_157 = tpu.memref_slice %arg2[%mul3A_155] : memref<6400000xi32, #tpu.memory_space<hbm>> -> memref<2048xi32, #tpu.memory_space<hbm>>
          tpu.enqueue_dma source(%dma_start3A_157 : memref<2048xi32, #tpu.memory_space<hbm>>) target(%arg13 : memref<2048xi32, #tpu.memory_space<vmem>>) target_semaphore(%arg20 : memref<!tpu.dma_semaphore, #tpu.memory_space<semaphore_mem>>)
          %dma_start3A_158 = tpu.memref_slice %arg3[%mul3A_155] : memref<6400000xi32, #tpu.memory_space<hbm>> -> memref<2048xi32, #tpu.memory_space<hbm>>
          %dma_start3A_159 = tpu.memref_slice %arg3[%mul3A_155] : memref<6400000xi32, #tpu.memory_space<hbm>> -> memref<2048xi32, #tpu.memory_space<hbm>>
          tpu.enqueue_dma source(%dma_start3A_159 : memref<2048xi32, #tpu.memory_space<hbm>>) target(%arg16 : memref<2048xi32, #tpu.memory_space<vmem>>) target_semaphore(%arg20 : memref<!tpu.dma_semaphore, #tpu.memory_space<semaphore_mem>>)
        } else {
        }
        %scan3A_144 = arith.constant 0 : i32
        %scan3A_145 = arith.constant 128 : i32
        %scan3A_146 = arith.addi %scan3A_144, %scan3A_145 : i32
        %scan3A_147 = arith.constant 8 : i32
        scf.for %scan3A_151 = %scan3A_144 to %scan3A_146 step %scan3A_147  : i32 {
          %mul3A_152 = arith.constant 1 : i32
          %mul3A_153 = arith.muli %scan3A_151, %mul3A_152 : i32
          %add3A_154 = arith.constant 0 : i32
          %add3A_155 = arith.addi %add3A_154, %mul3A_153 : i32
          %mul3A_156 = arith.constant 16 : i32
          %mul3A_157 = arith.muli %add3A_155, %mul3A_156 : i32
          %get3A = arith.index_cast %mul3A_157 : i32 to index
          %get3A_158 = tpu.vector_load %arg12[%get3A] {strides = array<i32>} : memref<2048xi32, #tpu.memory_space<vmem>>, vector<16xi32>,
          %gather3A = tpu.vector_load_idx %arg7[%get3A_158] : memref<100352xf32, #tpu.memory_space<vmem>>[vector<16xi32>], vector<16xf32>,
          %swap3A = arith.index_cast %mul3A_157 : i32 to index
          %swap3A_159 = tpu.vector_load %arg18[%swap3A] {strides = array<i32>} : memref<2048xf32, #tpu.memory_space<vmem>>, vector<16xf32>,
          tpu.vector_store %arg18[%swap3A], %gather3A {strides = array<i32>} : memref<2048xf32, #tpu.memory_space<vmem>>, vector<16xf32>,
          %scan3A_160 = arith.constant 1 : i32
          %scan3A_161 = arith.addi %scan3A_151, %scan3A_160 : i32
          %mul3A_162 = arith.constant 1 : i32
          %mul3A_163 = arith.muli %scan3A_161, %mul3A_162 : i32
          %add3A_164 = arith.constant 0 : i32
          %add3A_165 = arith.addi %add3A_164, %mul3A_163 : i32
          %mul3A_166 = arith.constant 16 : i32
          %mul3A_167 = arith.muli %add3A_165, %mul3A_166 : i32
          %get3A_168 = arith.index_cast %mul3A_167 : i32 to index
          %get3A_169 = tpu.vector_load %arg12[%get3A_168] {strides = array<i32>} : memref<2048xi32, #tpu.memory_space<vmem>>, vector<16xi32>,
          %gather3A_170 = tpu.vector_load_idx %arg7[%get3A_169] : memref<100352xf32, #tpu.memory_space<vmem>>[vector<16xi32>], vector<16xf32>,
          %swap3A_171 = arith.index_cast %mul3A_167 : i32 to index
          %swap3A_172 = tpu.vector_load %arg18[%swap3A_171] {strides = array<i32>} : memref<2048xf32, #tpu.memory_space<vmem>>, vector<16xf32>,
          tpu.vector_store %arg18[%swap3A_171], %gather3A_170 {strides = array<i32>} : memref<2048xf32, #tpu.memory_space<vmem>>, vector<16xf32>,
          %scan3A_173 = arith.constant 2 : i32
          %scan3A_174 = arith.addi %scan3A_151, %scan3A_173 : i32
          %mul3A_175 = arith.constant 1 : i32
          %mul3A_176 = arith.muli %scan3A_174, %mul3A_175 : i32
          %add3A_177 = arith.constant 0 : i32
          %add3A_178 = arith.addi %add3A_177, %mul3A_176 : i32
          %mul3A_179 = arith.constant 16 : i32
          %mul3A_180 = arith.muli %add3A_178, %mul3A_179 : i32
          %get3A_181 = arith.index_cast %mul3A_180 : i32 to index
          %get3A_182 = tpu.vector_load %arg12[%get3A_181] {strides = array<i32>} : memref<2048xi32, #tpu.memory_space<vmem>>, vector<16xi32>,
          %gather3A_183 = tpu.vector_load_idx %arg7[%get3A_182] : memref<100352xf32, #tpu.memory_space<vmem>>[vector<16xi32>], vector<16xf32>,
          %swap3A_184 = arith.index_cast %mul3A_180 : i32 to index
          %swap3A_185 = tpu.vector_load %arg18[%swap3A_184] {strides = array<i32>} : memref<2048xf32, #tpu.memory_space<vmem>>, vector<16xf32>,
          tpu.vector_store %arg18[%swap3A_184], %gather3A_183 {strides = array<i32>} : memref<2048xf32, #tpu.memory_space<vmem>>, vector<16xf32>,
          %scan3A_186 = arith.constant 3 : i32
          %scan3A_187 = arith.addi %scan3A_151, %scan3A_186 : i32
          %mul3A_188 = arith.constant 1 : i32
          %mul3A_189 = arith.muli %scan3A_187, %mul3A_188 : i32
          %add3A_190 = arith.constant 0 : i32
          %add3A_191 = arith.addi %add3A_190, %mul3A_189 : i32
          %mul3A_192 = arith.constant 16 : i32
          %mul3A_193 = arith.muli %add3A_191, %mul3A_192 : i32
          %get3A_194 = arith.index_cast %mul3A_193 : i32 to index
          %get3A_195 = tpu.vector_load %arg12[%get3A_194] {strides = array<i32>} : memref<2048xi32, #tpu.memory_space<vmem>>, vector<16xi32>,
          %gather3A_196 = tpu.vector_load_idx %arg7[%get3A_195] : memref<100352xf32, #tpu.memory_space<vmem>>[vector<16xi32>], vector<16xf32>,
          %swap3A_197 = arith.index_cast %mul3A_193 : i32 to index
          %swap3A_198 = tpu.vector_load %arg18[%swap3A_197] {strides = array<i32>} : memref<2048xf32, #tpu.memory_space<vmem>>, vector<16xf32>,
          tpu.vector_store %arg18[%swap3A_197], %gather3A_196 {strides = array<i32>} : memref<2048xf32, #tpu.memory_space<vmem>>, vector<16xf32>,
          %scan3A_199 = arith.constant 4 : i32
          %scan3A_200 = arith.addi %scan3A_151, %scan3A_199 : i32
          %mul3A_201 = arith.constant 1 : i32
          %mul3A_202 = arith.muli %scan3A_200, %mul3A_201 : i32
          %add3A_203 = arith.constant 0 : i32
          %add3A_204 = arith.addi %add3A_203, %mul3A_202 : i32
          %mul3A_205 = arith.constant 16 : i32
          %mul3A_206 = arith.muli %add3A_204, %mul3A_205 : i32
          %get3A_207 = arith.index_cast %mul3A_206 : i32 to index
          %get3A_208 = tpu.vector_load %arg12[%get3A_207] {strides = array<i32>} : memref<2048xi32, #tpu.memory_space<vmem>>, vector<16xi32>,
          %gather3A_209 = tpu.vector_load_idx %arg7[%get3A_208] : memref<100352xf32, #tpu.memory_space<vmem>>[vector<16xi32>], vector<16xf32>,
          %swap3A_210 = arith.index_cast %mul3A_206 : i32 to index
          %swap3A_211 = tpu.vector_load %arg18[%swap3A_210] {strides = array<i32>} : memref<2048xf32, #tpu.memory_space<vmem>>, vector<16xf32>,
          tpu.vector_store %arg18[%swap3A_210], %gather3A_209 {strides = array<i32>} : memref<2048xf32, #tpu.memory_space<vmem>>, vector<16xf32>,
          %scan3A_212 = arith.constant 5 : i32
          %scan3A_213 = arith.addi %scan3A_151, %scan3A_212 : i32
          %mul3A_214 = arith.constant 1 : i32
          %mul3A_215 = arith.muli %scan3A_213, %mul3A_214 : i32
          %add3A_216 = arith.constant 0 : i32
          %add3A_217 = arith.addi %add3A_216, %mul3A_215 : i32
          %mul3A_218 = arith.constant 16 : i32
          %mul3A_219 = arith.muli %add3A_217, %mul3A_218 : i32
          %get3A_220 = arith.index_cast %mul3A_219 : i32 to index
          %get3A_221 = tpu.vector_load %arg12[%get3A_220] {strides = array<i32>} : memref<2048xi32, #tpu.memory_space<vmem>>, vector<16xi32>,
          %gather3A_222 = tpu.vector_load_idx %arg7[%get3A_221] : memref<100352xf32, #tpu.memory_space<vmem>>[vector<16xi32>], vector<16xf32>,
          %swap3A_223 = arith.index_cast %mul3A_219 : i32 to index
          %swap3A_224 = tpu.vector_load %arg18[%swap3A_223] {strides = array<i32>} : memref<2048xf32, #tpu.memory_space<vmem>>, vector<16xf32>,
          tpu.vector_store %arg18[%swap3A_223], %gather3A_222 {strides = array<i32>} : memref<2048xf32, #tpu.memory_space<vmem>>, vector<16xf32>,
          %scan3A_225 = arith.constant 6 : i32
          %scan3A_226 = arith.addi %scan3A_151, %scan3A_225 : i32
          %mul3A_227 = arith.constant 1 : i32
          %mul3A_228 = arith.muli %scan3A_226, %mul3A_227 : i32
          %add3A_229 = arith.constant 0 : i32
          %add3A_230 = arith.addi %add3A_229, %mul3A_228 : i32
          %mul3A_231 = arith.constant 16 : i32
          %mul3A_232 = arith.muli %add3A_230, %mul3A_231 : i32
          %get3A_233 = arith.index_cast %mul3A_232 : i32 to index
          %get3A_234 = tpu.vector_load %arg12[%get3A_233] {strides = array<i32>} : memref<2048xi32, #tpu.memory_space<vmem>>, vector<16xi32>,
          %gather3A_235 = tpu.vector_load_idx %arg7[%get3A_234] : memref<100352xf32, #tpu.memory_space<vmem>>[vector<16xi32>], vector<16xf32>,
          %swap3A_236 = arith.index_cast %mul3A_232 : i32 to index
          %swap3A_237 = tpu.vector_load %arg18[%swap3A_236] {strides = array<i32>} : memref<2048xf32, #tpu.memory_space<vmem>>, vector<16xf32>,
          tpu.vector_store %arg18[%swap3A_236], %gather3A_235 {strides = array<i32>} : memref<2048xf32, #tpu.memory_space<vmem>>, vector<16xf32>,
          %scan3A_238 = arith.constant 7 : i32
          %scan3A_239 = arith.addi %scan3A_151, %scan3A_238 : i32
          %mul3A_240 = arith.constant 1 : i32
          %mul3A_241 = arith.muli %scan3A_239, %mul3A_240 : i32
          %add3A_242 = arith.constant 0 : i32
          %add3A_243 = arith.addi %add3A_242, %mul3A_241 : i32
          %mul3A_244 = arith.constant 16 : i32
          %mul3A_245 = arith.muli %add3A_243, %mul3A_244 : i32
          %get3A_246 = arith.index_cast %mul3A_245 : i32 to index
          %get3A_247 = tpu.vector_load %arg12[%get3A_246] {strides = array<i32>} : memref<2048xi32, #tpu.memory_space<vmem>>, vector<16xi32>,
          %gather3A_248 = tpu.vector_load_idx %arg7[%get3A_247] : memref<100352xf32, #tpu.memory_space<vmem>>[vector<16xi32>], vector<16xf32>,
          %swap3A_249 = arith.index_cast %mul3A_245 : i32 to index
          %swap3A_250 = tpu.vector_load %arg18[%swap3A_249] {strides = array<i32>} : memref<2048xf32, #tpu.memory_space<vmem>>, vector<16xf32>,
          tpu.vector_store %arg18[%swap3A_249], %gather3A_248 {strides = array<i32>} : memref<2048xf32, #tpu.memory_space<vmem>>, vector<16xf32>,
        }
        %scan3A_148 = arith.constant 128 : i32
        %dma_start3A_149 = arith.constant 0 : i32
        %dma_start3A_150 = tpu.memref_slice %arg8[%dma_start3A_149] : memref<100352xf32, #tpu.memory_space<vmem_shared>> -> memref<100352xf32, #tpu.memory_space<vmem_shared>>
        tpu.enqueue_indirect_dma source(%arg18 : memref<2048xf32, #tpu.memory_space<vmem>>) target(%dma_start3A_150 : memref<100352xf32, #tpu.memory_space<vmem_shared>>) offsets(%arg15 : memref<2048xi32, #tpu.memory_space<vmem>>) semaphore(%arg22 : memref<!tpu.dma_semaphore, #tpu.memory_space<semaphore_mem>>) {add = true}
      } else {
      }
      %jit3A_105 = arith.constant 3 : i32
      %eq3A_106 = arith.constant 0 : i32
      %eq3A_107 = arith.cmpi eq, %jit3A_105, %eq3A_106 : i32
      %jit3A_108 = arith.constant 1 : i32
      %select_n3A_109 = arith.select %eq3A_107, %jit3A_108, %jit3A_105 : i32
      %rem3A_110 = arith.remsi %add3A_65, %select_n3A_109 : i32
      %ne3A_111 = arith.constant 0 : i32
      %ne3A_112 = arith.cmpi ne, %rem3A_110, %ne3A_111 : i32
      %lt3A_113 = arith.constant 0 : i32
      %lt3A_114 = arith.cmpi slt, %rem3A_110, %lt3A_113 : i32
      %lt3A_115 = arith.constant 0 : i32
      %lt3A_116 = arith.cmpi slt, %select_n3A_109, %lt3A_115 : i32
      %ne3A_117 = arith.xori %lt3A_114, %lt3A_116 : i1
      %and3A_118 = arith.andi %ne3A_117, %ne3A_112 : i1
      %add3A_119 = arith.addi %rem3A_110, %select_n3A_109 : i32
      %select_n3A_120 = arith.select %and3A_118, %add3A_119, %rem3A_110 : i32
      %eq3A_121 = arith.constant 2 : i32
      %eq3A_122 = arith.cmpi eq, %select_n3A_120, %eq3A_121 : i32
      %convert_element_type3A_123 = arith.extui %eq3A_122 : i1 to i32
      %cond3A_124 = arith.constant 0 : i32
      %cond3A_125 = arith.cmpi ne, %convert_element_type3A_123, %cond3A_124 : i32
      scf.if %cond3A_125 {
        %dma_wait3A_126 = arith.constant 0 : i32
        %dma_wait3A_127 = tpu.memref_slice %arg2[%dma_wait3A_126] : memref<6400000xi32, #tpu.memory_space<hbm>> -> memref<2048xi32, #tpu.memory_space<hbm>>
        %dma_wait3A_128 = arith.constant 0 : i32
        %dma_wait3A_129 = tpu.memref_slice %arg2[%dma_wait3A_128] : memref<6400000xi32, #tpu.memory_space<hbm>> -> memref<2048xi32, #tpu.memory_space<hbm>>
        tpu.wait_dma2 semaphore(%arg20 : memref<!tpu.dma_semaphore, #tpu.memory_space<semaphore_mem>>) src(%dma_wait3A_129 : memref<2048xi32, #tpu.memory_space<hbm>>) dst(%arg13 : memref<2048xi32, #tpu.memory_space<vmem>>)
        %dma_wait3A_130 = arith.constant 0 : i32
        %dma_wait3A_131 = tpu.memref_slice %arg3[%dma_wait3A_130] : memref<6400000xi32, #tpu.memory_space<hbm>> -> memref<2048xi32, #tpu.memory_space<hbm>>
        %dma_wait3A_132 = arith.constant 0 : i32
        %dma_wait3A_133 = tpu.memref_slice %arg3[%dma_wait3A_132] : memref<6400000xi32, #tpu.memory_space<hbm>> -> memref<2048xi32, #tpu.memory_space<hbm>>
        tpu.wait_dma2 semaphore(%arg20 : memref<!tpu.dma_semaphore, #tpu.memory_space<semaphore_mem>>) src(%dma_wait3A_133 : memref<2048xi32, #tpu.memory_space<hbm>>) dst(%arg16 : memref<2048xi32, #tpu.memory_space<vmem>>)
        %ge3A = arith.constant 2 : i32
        %ge3A_134 = arith.cmpi sge, %add3A_65, %ge3A : i32
        %convert_element_type3A_135 = arith.extui %ge3A_134 : i1 to i32
        %cond3A_136 = arith.constant 0 : i32
        %cond3A_137 = arith.cmpi ne, %convert_element_type3A_135, %cond3A_136 : i32
        scf.if %cond3A_137 {
          %dma_wait3A_151 = arith.constant 0 : i32
          %dma_wait3A_152 = tpu.memref_slice %arg8[%dma_wait3A_151] : memref<100352xf32, #tpu.memory_space<vmem_shared>> -> memref<100352xf32, #tpu.memory_space<vmem_shared>>
          tpu.wait_indirect_dma semaphore(%arg22 : memref<!tpu.dma_semaphore, #tpu.memory_space<semaphore_mem>>) src(%arg17 : memref<2048xf32, #tpu.memory_space<vmem>>) dst(%dma_wait3A_152 : memref<100352xf32, #tpu.memory_space<vmem_shared>>)
        } else {
        }
        %add3A_138 = arith.constant 1 : i32
        %add3A_139 = arith.addi %add3A_65, %add3A_138 : i32
        %lt3A_140 = arith.cmpi slt, %add3A_139, %add3A_20 : i32
        %convert_element_type3A_141 = arith.extui %lt3A_140 : i1 to i32
        %cond3A_142 = arith.constant 0 : i32
        %cond3A_143 = arith.cmpi ne, %convert_element_type3A_141, %cond3A_142 : i32
        scf.if %cond3A_143 {
          %add3A_151 = arith.constant 1 : i32
          %add3A_152 = arith.addi %add3A_65, %add3A_151 : i32
          %add3A_153 = arith.addi %add3A_24, %add3A_152 : i32
          %mul3A_154 = arith.constant 2048 : i32
          %mul3A_155 = arith.muli %add3A_153, %mul3A_154 : i32
          %dma_start3A_156 = tpu.memref_slice %arg2[%mul3A_155] : memref<6400000xi32, #tpu.memory_space<hbm>> -> memref<2048xi32, #tpu.memory_space<hbm>>
          %dma_start3A_157 = tpu.memref_slice %arg2[%mul3A_155] : memref<6400000xi32, #tpu.memory_space<hbm>> -> memref<2048xi32, #tpu.memory_space<hbm>>
          tpu.enqueue_dma source(%dma_start3A_157 : memref<2048xi32, #tpu.memory_space<hbm>>) target(%arg11 : memref<2048xi32, #tpu.memory_space<vmem>>) target_semaphore(%arg20 : memref<!tpu.dma_semaphore, #tpu.memory_space<semaphore_mem>>)
          %dma_start3A_158 = tpu.memref_slice %arg3[%mul3A_155] : memref<6400000xi32, #tpu.memory_space<hbm>> -> memref<2048xi32, #tpu.memory_space<hbm>>
          %dma_start3A_159 = tpu.memref_slice %arg3[%mul3A_155] : memref<6400000xi32, #tpu.memory_space<hbm>> -> memref<2048xi32, #tpu.memory_space<hbm>>
          tpu.enqueue_dma source(%dma_start3A_159 : memref<2048xi32, #tpu.memory_space<hbm>>) target(%arg14 : memref<2048xi32, #tpu.memory_space<vmem>>) target_semaphore(%arg20 : memref<!tpu.dma_semaphore, #tpu.memory_space<semaphore_mem>>)
        } else {
        }
        %scan3A_144 = arith.constant 0 : i32
        %scan3A_145 = arith.constant 128 : i32
        %scan3A_146 = arith.addi %scan3A_144, %scan3A_145 : i32
        %scan3A_147 = arith.constant 8 : i32
        scf.for %scan3A_151 = %scan3A_144 to %scan3A_146 step %scan3A_147  : i32 {
          %mul3A_152 = arith.constant 1 : i32
          %mul3A_153 = arith.muli %scan3A_151, %mul3A_152 : i32
          %add3A_154 = arith.constant 0 : i32
          %add3A_155 = arith.addi %add3A_154, %mul3A_153 : i32
          %mul3A_156 = arith.constant 16 : i32
          %mul3A_157 = arith.muli %add3A_155, %mul3A_156 : i32
          %get3A = arith.index_cast %mul3A_157 : i32 to index
          %get3A_158 = tpu.vector_load %arg13[%get3A] {strides = array<i32>} : memref<2048xi32, #tpu.memory_space<vmem>>, vector<16xi32>,
          %gather3A = tpu.vector_load_idx %arg7[%get3A_158] : memref<100352xf32, #tpu.memory_space<vmem>>[vector<16xi32>], vector<16xf32>,
          %swap3A = arith.index_cast %mul3A_157 : i32 to index
          %swap3A_159 = tpu.vector_load %arg19[%swap3A] {strides = array<i32>} : memref<2048xf32, #tpu.memory_space<vmem>>, vector<16xf32>,
          tpu.vector_store %arg19[%swap3A], %gather3A {strides = array<i32>} : memref<2048xf32, #tpu.memory_space<vmem>>, vector<16xf32>,
          %scan3A_160 = arith.constant 1 : i32
          %scan3A_161 = arith.addi %scan3A_151, %scan3A_160 : i32
          %mul3A_162 = arith.constant 1 : i32
          %mul3A_163 = arith.muli %scan3A_161, %mul3A_162 : i32
          %add3A_164 = arith.constant 0 : i32
          %add3A_165 = arith.addi %add3A_164, %mul3A_163 : i32
          %mul3A_166 = arith.constant 16 : i32
          %mul3A_167 = arith.muli %add3A_165, %mul3A_166 : i32
          %get3A_168 = arith.index_cast %mul3A_167 : i32 to index
          %get3A_169 = tpu.vector_load %arg13[%get3A_168] {strides = array<i32>} : memref<2048xi32, #tpu.memory_space<vmem>>, vector<16xi32>,
          %gather3A_170 = tpu.vector_load_idx %arg7[%get3A_169] : memref<100352xf32, #tpu.memory_space<vmem>>[vector<16xi32>], vector<16xf32>,
          %swap3A_171 = arith.index_cast %mul3A_167 : i32 to index
          %swap3A_172 = tpu.vector_load %arg19[%swap3A_171] {strides = array<i32>} : memref<2048xf32, #tpu.memory_space<vmem>>, vector<16xf32>,
          tpu.vector_store %arg19[%swap3A_171], %gather3A_170 {strides = array<i32>} : memref<2048xf32, #tpu.memory_space<vmem>>, vector<16xf32>,
          %scan3A_173 = arith.constant 2 : i32
          %scan3A_174 = arith.addi %scan3A_151, %scan3A_173 : i32
          %mul3A_175 = arith.constant 1 : i32
          %mul3A_176 = arith.muli %scan3A_174, %mul3A_175 : i32
          %add3A_177 = arith.constant 0 : i32
          %add3A_178 = arith.addi %add3A_177, %mul3A_176 : i32
          %mul3A_179 = arith.constant 16 : i32
          %mul3A_180 = arith.muli %add3A_178, %mul3A_179 : i32
          %get3A_181 = arith.index_cast %mul3A_180 : i32 to index
          %get3A_182 = tpu.vector_load %arg13[%get3A_181] {strides = array<i32>} : memref<2048xi32, #tpu.memory_space<vmem>>, vector<16xi32>,
          %gather3A_183 = tpu.vector_load_idx %arg7[%get3A_182] : memref<100352xf32, #tpu.memory_space<vmem>>[vector<16xi32>], vector<16xf32>,
          %swap3A_184 = arith.index_cast %mul3A_180 : i32 to index
          %swap3A_185 = tpu.vector_load %arg19[%swap3A_184] {strides = array<i32>} : memref<2048xf32, #tpu.memory_space<vmem>>, vector<16xf32>,
          tpu.vector_store %arg19[%swap3A_184], %gather3A_183 {strides = array<i32>} : memref<2048xf32, #tpu.memory_space<vmem>>, vector<16xf32>,
          %scan3A_186 = arith.constant 3 : i32
          %scan3A_187 = arith.addi %scan3A_151, %scan3A_186 : i32
          %mul3A_188 = arith.constant 1 : i32
          %mul3A_189 = arith.muli %scan3A_187, %mul3A_188 : i32
          %add3A_190 = arith.constant 0 : i32
          %add3A_191 = arith.addi %add3A_190, %mul3A_189 : i32
          %mul3A_192 = arith.constant 16 : i32
          %mul3A_193 = arith.muli %add3A_191, %mul3A_192 : i32
          %get3A_194 = arith.index_cast %mul3A_193 : i32 to index
          %get3A_195 = tpu.vector_load %arg13[%get3A_194] {strides = array<i32>} : memref<2048xi32, #tpu.memory_space<vmem>>, vector<16xi32>,
          %gather3A_196 = tpu.vector_load_idx %arg7[%get3A_195] : memref<100352xf32, #tpu.memory_space<vmem>>[vector<16xi32>], vector<16xf32>,
          %swap3A_197 = arith.index_cast %mul3A_193 : i32 to index
          %swap3A_198 = tpu.vector_load %arg19[%swap3A_197] {strides = array<i32>} : memref<2048xf32, #tpu.memory_space<vmem>>, vector<16xf32>,
          tpu.vector_store %arg19[%swap3A_197], %gather3A_196 {strides = array<i32>} : memref<2048xf32, #tpu.memory_space<vmem>>, vector<16xf32>,
          %scan3A_199 = arith.constant 4 : i32
          %scan3A_200 = arith.addi %scan3A_151, %scan3A_199 : i32
          %mul3A_201 = arith.constant 1 : i32
          %mul3A_202 = arith.muli %scan3A_200, %mul3A_201 : i32
          %add3A_203 = arith.constant 0 : i32
          %add3A_204 = arith.addi %add3A_203, %mul3A_202 : i32
          %mul3A_205 = arith.constant 16 : i32
          %mul3A_206 = arith.muli %add3A_204, %mul3A_205 : i32
          %get3A_207 = arith.index_cast %mul3A_206 : i32 to index
          %get3A_208 = tpu.vector_load %arg13[%get3A_207] {strides = array<i32>} : memref<2048xi32, #tpu.memory_space<vmem>>, vector<16xi32>,
          %gather3A_209 = tpu.vector_load_idx %arg7[%get3A_208] : memref<100352xf32, #tpu.memory_space<vmem>>[vector<16xi32>], vector<16xf32>,
          %swap3A_210 = arith.index_cast %mul3A_206 : i32 to index
          %swap3A_211 = tpu.vector_load %arg19[%swap3A_210] {strides = array<i32>} : memref<2048xf32, #tpu.memory_space<vmem>>, vector<16xf32>,
          tpu.vector_store %arg19[%swap3A_210], %gather3A_209 {strides = array<i32>} : memref<2048xf32, #tpu.memory_space<vmem>>, vector<16xf32>,
          %scan3A_212 = arith.constant 5 : i32
          %scan3A_213 = arith.addi %scan3A_151, %scan3A_212 : i32
          %mul3A_214 = arith.constant 1 : i32
          %mul3A_215 = arith.muli %scan3A_213, %mul3A_214 : i32
          %add3A_216 = arith.constant 0 : i32
          %add3A_217 = arith.addi %add3A_216, %mul3A_215 : i32
          %mul3A_218 = arith.constant 16 : i32
          %mul3A_219 = arith.muli %add3A_217, %mul3A_218 : i32
          %get3A_220 = arith.index_cast %mul3A_219 : i32 to index
          %get3A_221 = tpu.vector_load %arg13[%get3A_220] {strides = array<i32>} : memref<2048xi32, #tpu.memory_space<vmem>>, vector<16xi32>,
          %gather3A_222 = tpu.vector_load_idx %arg7[%get3A_221] : memref<100352xf32, #tpu.memory_space<vmem>>[vector<16xi32>], vector<16xf32>,
          %swap3A_223 = arith.index_cast %mul3A_219 : i32 to index
          %swap3A_224 = tpu.vector_load %arg19[%swap3A_223] {strides = array<i32>} : memref<2048xf32, #tpu.memory_space<vmem>>, vector<16xf32>,
          tpu.vector_store %arg19[%swap3A_223], %gather3A_222 {strides = array<i32>} : memref<2048xf32, #tpu.memory_space<vmem>>, vector<16xf32>,
          %scan3A_225 = arith.constant 6 : i32
          %scan3A_226 = arith.addi %scan3A_151, %scan3A_225 : i32
          %mul3A_227 = arith.constant 1 : i32
          %mul3A_228 = arith.muli %scan3A_226, %mul3A_227 : i32
          %add3A_229 = arith.constant 0 : i32
          %add3A_230 = arith.addi %add3A_229, %mul3A_228 : i32
          %mul3A_231 = arith.constant 16 : i32
          %mul3A_232 = arith.muli %add3A_230, %mul3A_231 : i32
          %get3A_233 = arith.index_cast %mul3A_232 : i32 to index
          %get3A_234 = tpu.vector_load %arg13[%get3A_233] {strides = array<i32>} : memref<2048xi32, #tpu.memory_space<vmem>>, vector<16xi32>,
          %gather3A_235 = tpu.vector_load_idx %arg7[%get3A_234] : memref<100352xf32, #tpu.memory_space<vmem>>[vector<16xi32>], vector<16xf32>,
          %swap3A_236 = arith.index_cast %mul3A_232 : i32 to index
          %swap3A_237 = tpu.vector_load %arg19[%swap3A_236] {strides = array<i32>} : memref<2048xf32, #tpu.memory_space<vmem>>, vector<16xf32>,
          tpu.vector_store %arg19[%swap3A_236], %gather3A_235 {strides = array<i32>} : memref<2048xf32, #tpu.memory_space<vmem>>, vector<16xf32>,
          %scan3A_238 = arith.constant 7 : i32
          %scan3A_239 = arith.addi %scan3A_151, %scan3A_238 : i32
          %mul3A_240 = arith.constant 1 : i32
          %mul3A_241 = arith.muli %scan3A_239, %mul3A_240 : i32
          %add3A_242 = arith.constant 0 : i32
          %add3A_243 = arith.addi %add3A_242, %mul3A_241 : i32
          %mul3A_244 = arith.constant 16 : i32
          %mul3A_245 = arith.muli %add3A_243, %mul3A_244 : i32
          %get3A_246 = arith.index_cast %mul3A_245 : i32 to index
          %get3A_247 = tpu.vector_load %arg13[%get3A_246] {strides = array<i32>} : memref<2048xi32, #tpu.memory_space<vmem>>, vector<16xi32>,
          %gather3A_248 = tpu.vector_load_idx %arg7[%get3A_247] : memref<100352xf32, #tpu.memory_space<vmem>>[vector<16xi32>], vector<16xf32>,
          %swap3A_249 = arith.index_cast %mul3A_245 : i32 to index
          %swap3A_250 = tpu.vector_load %arg19[%swap3A_249] {strides = array<i32>} : memref<2048xf32, #tpu.memory_space<vmem>>, vector<16xf32>,
          tpu.vector_store %arg19[%swap3A_249], %gather3A_248 {strides = array<i32>} : memref<2048xf32, #tpu.memory_space<vmem>>, vector<16xf32>,
        }
        %scan3A_148 = arith.constant 128 : i32
        %dma_start3A_149 = arith.constant 0 : i32
        %dma_start3A_150 = tpu.memref_slice %arg8[%dma_start3A_149] : memref<100352xf32, #tpu.memory_space<vmem_shared>> -> memref<100352xf32, #tpu.memory_space<vmem_shared>>
        tpu.enqueue_indirect_dma source(%arg19 : memref<2048xf32, #tpu.memory_space<vmem>>) target(%dma_start3A_150 : memref<100352xf32, #tpu.memory_space<vmem_shared>>) offsets(%arg16 : memref<2048xi32, #tpu.memory_space<vmem>>) semaphore(%arg22 : memref<!tpu.dma_semaphore, #tpu.memory_space<semaphore_mem>>) {add = true}
      } else {
      }
    }
    %while3A_48 = arith.constant 1 : i32
    scf.for %while3A_63 = %while3A_46 to %while3A_42 step %while3A_48  : i32 {
      %mul3A_64 = arith.muli %while3A_63, %while3A : i32
      %add3A_65 = arith.addi %while3A_39, %mul3A_64 : i32
      %jit3A_66 = arith.constant 3 : i32
      %eq3A_67 = arith.constant 0 : i32
      %eq3A_68 = arith.cmpi eq, %jit3A_66, %eq3A_67 : i32
      %jit3A_69 = arith.constant 1 : i32
      %select_n3A_70 = arith.select %eq3A_68, %jit3A_69, %jit3A_66 : i32
      %rem3A = arith.remsi %add3A_65, %select_n3A_70 : i32
      %ne3A = arith.constant 0 : i32
      %ne3A_71 = arith.cmpi ne, %rem3A, %ne3A : i32
      %lt3A_72 = arith.constant 0 : i32
      %lt3A_73 = arith.cmpi slt, %rem3A, %lt3A_72 : i32
      %lt3A_74 = arith.constant 0 : i32
      %lt3A_75 = arith.cmpi slt, %select_n3A_70, %lt3A_74 : i32
      %ne3A_76 = arith.xori %lt3A_73, %lt3A_75 : i1
      %and3A = arith.andi %ne3A_76, %ne3A_71 : i1
      %add3A_77 = arith.addi %rem3A, %select_n3A_70 : i32
      %select_n3A_78 = arith.select %and3A, %add3A_77, %rem3A : i32
      %eq3A_79 = arith.constant 0 : i32
      %eq3A_80 = arith.cmpi eq, %select_n3A_78, %eq3A_79 : i32
      %convert_element_type3A_81 = arith.extui %eq3A_80 : i1 to i32
      %cond3A_82 = arith.constant 0 : i32
      %cond3A_83 = arith.cmpi ne, %convert_element_type3A_81, %cond3A_82 : i32
      scf.if %cond3A_83 {
        %dma_wait3A_126 = arith.constant 0 : i32
        %dma_wait3A_127 = tpu.memref_slice %arg2[%dma_wait3A_126] : memref<6400000xi32, #tpu.memory_space<hbm>> -> memref<2048xi32, #tpu.memory_space<hbm>>
        %dma_wait3A_128 = arith.constant 0 : i32
        %dma_wait3A_129 = tpu.memref_slice %arg2[%dma_wait3A_128] : memref<6400000xi32, #tpu.memory_space<hbm>> -> memref<2048xi32, #tpu.memory_space<hbm>>
        tpu.wait_dma2 semaphore(%arg20 : memref<!tpu.dma_semaphore, #tpu.memory_space<semaphore_mem>>) src(%dma_wait3A_129 : memref<2048xi32, #tpu.memory_space<hbm>>) dst(%arg11 : memref<2048xi32, #tpu.memory_space<vmem>>)
        %dma_wait3A_130 = arith.constant 0 : i32
        %dma_wait3A_131 = tpu.memref_slice %arg3[%dma_wait3A_130] : memref<6400000xi32, #tpu.memory_space<hbm>> -> memref<2048xi32, #tpu.memory_space<hbm>>
        %dma_wait3A_132 = arith.constant 0 : i32
        %dma_wait3A_133 = tpu.memref_slice %arg3[%dma_wait3A_132] : memref<6400000xi32, #tpu.memory_space<hbm>> -> memref<2048xi32, #tpu.memory_space<hbm>>
        tpu.wait_dma2 semaphore(%arg20 : memref<!tpu.dma_semaphore, #tpu.memory_space<semaphore_mem>>) src(%dma_wait3A_133 : memref<2048xi32, #tpu.memory_space<hbm>>) dst(%arg14 : memref<2048xi32, #tpu.memory_space<vmem>>)
        %ge3A = arith.constant 2 : i32
        %ge3A_134 = arith.cmpi sge, %add3A_65, %ge3A : i32
        %convert_element_type3A_135 = arith.extui %ge3A_134 : i1 to i32
        %cond3A_136 = arith.constant 0 : i32
        %cond3A_137 = arith.cmpi ne, %convert_element_type3A_135, %cond3A_136 : i32
        scf.if %cond3A_137 {
          %dma_wait3A_151 = arith.constant 0 : i32
          %dma_wait3A_152 = tpu.memref_slice %arg8[%dma_wait3A_151] : memref<100352xf32, #tpu.memory_space<vmem_shared>> -> memref<100352xf32, #tpu.memory_space<vmem_shared>>
          tpu.wait_indirect_dma semaphore(%arg22 : memref<!tpu.dma_semaphore, #tpu.memory_space<semaphore_mem>>) src(%arg17 : memref<2048xf32, #tpu.memory_space<vmem>>) dst(%dma_wait3A_152 : memref<100352xf32, #tpu.memory_space<vmem_shared>>)
        } else {
        }
        %add3A_138 = arith.constant 1 : i32
        %add3A_139 = arith.addi %add3A_65, %add3A_138 : i32
        %lt3A_140 = arith.cmpi slt, %add3A_139, %add3A_20 : i32
        %convert_element_type3A_141 = arith.extui %lt3A_140 : i1 to i32
        %cond3A_142 = arith.constant 0 : i32
        %cond3A_143 = arith.cmpi ne, %convert_element_type3A_141, %cond3A_142 : i32
        scf.if %cond3A_143 {
          %add3A_151 = arith.constant 1 : i32
          %add3A_152 = arith.addi %add3A_65, %add3A_151 : i32
          %add3A_153 = arith.addi %add3A_24, %add3A_152 : i32
          %mul3A_154 = arith.constant 2048 : i32
          %mul3A_155 = arith.muli %add3A_153, %mul3A_154 : i32
          %dma_start3A_156 = tpu.memref_slice %arg2[%mul3A_155] : memref<6400000xi32, #tpu.memory_space<hbm>> -> memref<2048xi32, #tpu.memory_space<hbm>>
          %dma_start3A_157 = tpu.memref_slice %arg2[%mul3A_155] : memref<6400000xi32, #tpu.memory_space<hbm>> -> memref<2048xi32, #tpu.memory_space<hbm>>
          tpu.enqueue_dma source(%dma_start3A_157 : memref<2048xi32, #tpu.memory_space<hbm>>) target(%arg12 : memref<2048xi32, #tpu.memory_space<vmem>>) target_semaphore(%arg20 : memref<!tpu.dma_semaphore, #tpu.memory_space<semaphore_mem>>)
          %dma_start3A_158 = tpu.memref_slice %arg3[%mul3A_155] : memref<6400000xi32, #tpu.memory_space<hbm>> -> memref<2048xi32, #tpu.memory_space<hbm>>
          %dma_start3A_159 = tpu.memref_slice %arg3[%mul3A_155] : memref<6400000xi32, #tpu.memory_space<hbm>> -> memref<2048xi32, #tpu.memory_space<hbm>>
          tpu.enqueue_dma source(%dma_start3A_159 : memref<2048xi32, #tpu.memory_space<hbm>>) target(%arg15 : memref<2048xi32, #tpu.memory_space<vmem>>) target_semaphore(%arg20 : memref<!tpu.dma_semaphore, #tpu.memory_space<semaphore_mem>>)
        } else {
        }
        %scan3A_144 = arith.constant 0 : i32
        %scan3A_145 = arith.constant 128 : i32
        %scan3A_146 = arith.addi %scan3A_144, %scan3A_145 : i32
        %scan3A_147 = arith.constant 8 : i32
        scf.for %scan3A_151 = %scan3A_144 to %scan3A_146 step %scan3A_147  : i32 {
          %mul3A_152 = arith.constant 1 : i32
          %mul3A_153 = arith.muli %scan3A_151, %mul3A_152 : i32
          %add3A_154 = arith.constant 0 : i32
          %add3A_155 = arith.addi %add3A_154, %mul3A_153 : i32
          %mul3A_156 = arith.constant 16 : i32
          %mul3A_157 = arith.muli %add3A_155, %mul3A_156 : i32
          %get3A = arith.index_cast %mul3A_157 : i32 to index
          %get3A_158 = tpu.vector_load %arg11[%get3A] {strides = array<i32>} : memref<2048xi32, #tpu.memory_space<vmem>>, vector<16xi32>,
          %gather3A = tpu.vector_load_idx %arg7[%get3A_158] : memref<100352xf32, #tpu.memory_space<vmem>>[vector<16xi32>], vector<16xf32>,
          %swap3A = arith.index_cast %mul3A_157 : i32 to index
          %swap3A_159 = tpu.vector_load %arg17[%swap3A] {strides = array<i32>} : memref<2048xf32, #tpu.memory_space<vmem>>, vector<16xf32>,
          tpu.vector_store %arg17[%swap3A], %gather3A {strides = array<i32>} : memref<2048xf32, #tpu.memory_space<vmem>>, vector<16xf32>,
          %scan3A_160 = arith.constant 1 : i32
          %scan3A_161 = arith.addi %scan3A_151, %scan3A_160 : i32
          %mul3A_162 = arith.constant 1 : i32
          %mul3A_163 = arith.muli %scan3A_161, %mul3A_162 : i32
          %add3A_164 = arith.constant 0 : i32
          %add3A_165 = arith.addi %add3A_164, %mul3A_163 : i32
          %mul3A_166 = arith.constant 16 : i32
          %mul3A_167 = arith.muli %add3A_165, %mul3A_166 : i32
          %get3A_168 = arith.index_cast %mul3A_167 : i32 to index
          %get3A_169 = tpu.vector_load %arg11[%get3A_168] {strides = array<i32>} : memref<2048xi32, #tpu.memory_space<vmem>>, vector<16xi32>,
          %gather3A_170 = tpu.vector_load_idx %arg7[%get3A_169] : memref<100352xf32, #tpu.memory_space<vmem>>[vector<16xi32>], vector<16xf32>,
          %swap3A_171 = arith.index_cast %mul3A_167 : i32 to index
          %swap3A_172 = tpu.vector_load %arg17[%swap3A_171] {strides = array<i32>} : memref<2048xf32, #tpu.memory_space<vmem>>, vector<16xf32>,
          tpu.vector_store %arg17[%swap3A_171], %gather3A_170 {strides = array<i32>} : memref<2048xf32, #tpu.memory_space<vmem>>, vector<16xf32>,
          %scan3A_173 = arith.constant 2 : i32
          %scan3A_174 = arith.addi %scan3A_151, %scan3A_173 : i32
          %mul3A_175 = arith.constant 1 : i32
          %mul3A_176 = arith.muli %scan3A_174, %mul3A_175 : i32
          %add3A_177 = arith.constant 0 : i32
          %add3A_178 = arith.addi %add3A_177, %mul3A_176 : i32
          %mul3A_179 = arith.constant 16 : i32
          %mul3A_180 = arith.muli %add3A_178, %mul3A_179 : i32
          %get3A_181 = arith.index_cast %mul3A_180 : i32 to index
          %get3A_182 = tpu.vector_load %arg11[%get3A_181] {strides = array<i32>} : memref<2048xi32, #tpu.memory_space<vmem>>, vector<16xi32>,
          %gather3A_183 = tpu.vector_load_idx %arg7[%get3A_182] : memref<100352xf32, #tpu.memory_space<vmem>>[vector<16xi32>], vector<16xf32>,
          %swap3A_184 = arith.index_cast %mul3A_180 : i32 to index
          %swap3A_185 = tpu.vector_load %arg17[%swap3A_184] {strides = array<i32>} : memref<2048xf32, #tpu.memory_space<vmem>>, vector<16xf32>,
          tpu.vector_store %arg17[%swap3A_184], %gather3A_183 {strides = array<i32>} : memref<2048xf32, #tpu.memory_space<vmem>>, vector<16xf32>,
          %scan3A_186 = arith.constant 3 : i32
          %scan3A_187 = arith.addi %scan3A_151, %scan3A_186 : i32
          %mul3A_188 = arith.constant 1 : i32
          %mul3A_189 = arith.muli %scan3A_187, %mul3A_188 : i32
          %add3A_190 = arith.constant 0 : i32
          %add3A_191 = arith.addi %add3A_190, %mul3A_189 : i32
          %mul3A_192 = arith.constant 16 : i32
          %mul3A_193 = arith.muli %add3A_191, %mul3A_192 : i32
          %get3A_194 = arith.index_cast %mul3A_193 : i32 to index
          %get3A_195 = tpu.vector_load %arg11[%get3A_194] {strides = array<i32>} : memref<2048xi32, #tpu.memory_space<vmem>>, vector<16xi32>,
          %gather3A_196 = tpu.vector_load_idx %arg7[%get3A_195] : memref<100352xf32, #tpu.memory_space<vmem>>[vector<16xi32>], vector<16xf32>,
          %swap3A_197 = arith.index_cast %mul3A_193 : i32 to index
          %swap3A_198 = tpu.vector_load %arg17[%swap3A_197] {strides = array<i32>} : memref<2048xf32, #tpu.memory_space<vmem>>, vector<16xf32>,
          tpu.vector_store %arg17[%swap3A_197], %gather3A_196 {strides = array<i32>} : memref<2048xf32, #tpu.memory_space<vmem>>, vector<16xf32>,
          %scan3A_199 = arith.constant 4 : i32
          %scan3A_200 = arith.addi %scan3A_151, %scan3A_199 : i32
          %mul3A_201 = arith.constant 1 : i32
          %mul3A_202 = arith.muli %scan3A_200, %mul3A_201 : i32
          %add3A_203 = arith.constant 0 : i32
          %add3A_204 = arith.addi %add3A_203, %mul3A_202 : i32
          %mul3A_205 = arith.constant 16 : i32
          %mul3A_206 = arith.muli %add3A_204, %mul3A_205 : i32
          %get3A_207 = arith.index_cast %mul3A_206 : i32 to index
          %get3A_208 = tpu.vector_load %arg11[%get3A_207] {strides = array<i32>} : memref<2048xi32, #tpu.memory_space<vmem>>, vector<16xi32>,
          %gather3A_209 = tpu.vector_load_idx %arg7[%get3A_208] : memref<100352xf32, #tpu.memory_space<vmem>>[vector<16xi32>], vector<16xf32>,
          %swap3A_210 = arith.index_cast %mul3A_206 : i32 to index
          %swap3A_211 = tpu.vector_load %arg17[%swap3A_210] {strides = array<i32>} : memref<2048xf32, #tpu.memory_space<vmem>>, vector<16xf32>,
          tpu.vector_store %arg17[%swap3A_210], %gather3A_209 {strides = array<i32>} : memref<2048xf32, #tpu.memory_space<vmem>>, vector<16xf32>,
          %scan3A_212 = arith.constant 5 : i32
          %scan3A_213 = arith.addi %scan3A_151, %scan3A_212 : i32
          %mul3A_214 = arith.constant 1 : i32
          %mul3A_215 = arith.muli %scan3A_213, %mul3A_214 : i32
          %add3A_216 = arith.constant 0 : i32
          %add3A_217 = arith.addi %add3A_216, %mul3A_215 : i32
          %mul3A_218 = arith.constant 16 : i32
          %mul3A_219 = arith.muli %add3A_217, %mul3A_218 : i32
          %get3A_220 = arith.index_cast %mul3A_219 : i32 to index
          %get3A_221 = tpu.vector_load %arg11[%get3A_220] {strides = array<i32>} : memref<2048xi32, #tpu.memory_space<vmem>>, vector<16xi32>,
          %gather3A_222 = tpu.vector_load_idx %arg7[%get3A_221] : memref<100352xf32, #tpu.memory_space<vmem>>[vector<16xi32>], vector<16xf32>,
          %swap3A_223 = arith.index_cast %mul3A_219 : i32 to index
          %swap3A_224 = tpu.vector_load %arg17[%swap3A_223] {strides = array<i32>} : memref<2048xf32, #tpu.memory_space<vmem>>, vector<16xf32>,
          tpu.vector_store %arg17[%swap3A_223], %gather3A_222 {strides = array<i32>} : memref<2048xf32, #tpu.memory_space<vmem>>, vector<16xf32>,
          %scan3A_225 = arith.constant 6 : i32
          %scan3A_226 = arith.addi %scan3A_151, %scan3A_225 : i32
          %mul3A_227 = arith.constant 1 : i32
          %mul3A_228 = arith.muli %scan3A_226, %mul3A_227 : i32
          %add3A_229 = arith.constant 0 : i32
          %add3A_230 = arith.addi %add3A_229, %mul3A_228 : i32
          %mul3A_231 = arith.constant 16 : i32
          %mul3A_232 = arith.muli %add3A_230, %mul3A_231 : i32
          %get3A_233 = arith.index_cast %mul3A_232 : i32 to index
          %get3A_234 = tpu.vector_load %arg11[%get3A_233] {strides = array<i32>} : memref<2048xi32, #tpu.memory_space<vmem>>, vector<16xi32>,
          %gather3A_235 = tpu.vector_load_idx %arg7[%get3A_234] : memref<100352xf32, #tpu.memory_space<vmem>>[vector<16xi32>], vector<16xf32>,
          %swap3A_236 = arith.index_cast %mul3A_232 : i32 to index
          %swap3A_237 = tpu.vector_load %arg17[%swap3A_236] {strides = array<i32>} : memref<2048xf32, #tpu.memory_space<vmem>>, vector<16xf32>,
          tpu.vector_store %arg17[%swap3A_236], %gather3A_235 {strides = array<i32>} : memref<2048xf32, #tpu.memory_space<vmem>>, vector<16xf32>,
          %scan3A_238 = arith.constant 7 : i32
          %scan3A_239 = arith.addi %scan3A_151, %scan3A_238 : i32
          %mul3A_240 = arith.constant 1 : i32
          %mul3A_241 = arith.muli %scan3A_239, %mul3A_240 : i32
          %add3A_242 = arith.constant 0 : i32
          %add3A_243 = arith.addi %add3A_242, %mul3A_241 : i32
          %mul3A_244 = arith.constant 16 : i32
          %mul3A_245 = arith.muli %add3A_243, %mul3A_244 : i32
          %get3A_246 = arith.index_cast %mul3A_245 : i32 to index
          %get3A_247 = tpu.vector_load %arg11[%get3A_246] {strides = array<i32>} : memref<2048xi32, #tpu.memory_space<vmem>>, vector<16xi32>,
          %gather3A_248 = tpu.vector_load_idx %arg7[%get3A_247] : memref<100352xf32, #tpu.memory_space<vmem>>[vector<16xi32>], vector<16xf32>,
          %swap3A_249 = arith.index_cast %mul3A_245 : i32 to index
          %swap3A_250 = tpu.vector_load %arg17[%swap3A_249] {strides = array<i32>} : memref<2048xf32, #tpu.memory_space<vmem>>, vector<16xf32>,
          tpu.vector_store %arg17[%swap3A_249], %gather3A_248 {strides = array<i32>} : memref<2048xf32, #tpu.memory_space<vmem>>, vector<16xf32>,
        }
        %scan3A_148 = arith.constant 128 : i32
        %dma_start3A_149 = arith.constant 0 : i32
        %dma_start3A_150 = tpu.memref_slice %arg8[%dma_start3A_149] : memref<100352xf32, #tpu.memory_space<vmem_shared>> -> memref<100352xf32, #tpu.memory_space<vmem_shared>>
        tpu.enqueue_indirect_dma source(%arg17 : memref<2048xf32, #tpu.memory_space<vmem>>) target(%dma_start3A_150 : memref<100352xf32, #tpu.memory_space<vmem_shared>>) offsets(%arg14 : memref<2048xi32, #tpu.memory_space<vmem>>) semaphore(%arg22 : memref<!tpu.dma_semaphore, #tpu.memory_space<semaphore_mem>>) {add = true}
      } else {
      }
      %jit3A_84 = arith.constant 3 : i32
      %eq3A_85 = arith.constant 0 : i32
      %eq3A_86 = arith.cmpi eq, %jit3A_84, %eq3A_85 : i32
      %jit3A_87 = arith.constant 1 : i32
      %select_n3A_88 = arith.select %eq3A_86, %jit3A_87, %jit3A_84 : i32
      %rem3A_89 = arith.remsi %add3A_65, %select_n3A_88 : i32
      %ne3A_90 = arith.constant 0 : i32
      %ne3A_91 = arith.cmpi ne, %rem3A_89, %ne3A_90 : i32
      %lt3A_92 = arith.constant 0 : i32
      %lt3A_93 = arith.cmpi slt, %rem3A_89, %lt3A_92 : i32
      %lt3A_94 = arith.constant 0 : i32
      %lt3A_95 = arith.cmpi slt, %select_n3A_88, %lt3A_94 : i32
      %ne3A_96 = arith.xori %lt3A_93, %lt3A_95 : i1
      %and3A_97 = arith.andi %ne3A_96, %ne3A_91 : i1
      %add3A_98 = arith.addi %rem3A_89, %select_n3A_88 : i32
      %select_n3A_99 = arith.select %and3A_97, %add3A_98, %rem3A_89 : i32
      %eq3A_100 = arith.constant 1 : i32
      %eq3A_101 = arith.cmpi eq, %select_n3A_99, %eq3A_100 : i32
      %convert_element_type3A_102 = arith.extui %eq3A_101 : i1 to i32
      %cond3A_103 = arith.constant 0 : i32
      %cond3A_104 = arith.cmpi ne, %convert_element_type3A_102, %cond3A_103 : i32
      scf.if %cond3A_104 {
        %dma_wait3A_126 = arith.constant 0 : i32
        %dma_wait3A_127 = tpu.memref_slice %arg2[%dma_wait3A_126] : memref<6400000xi32, #tpu.memory_space<hbm>> -> memref<2048xi32, #tpu.memory_space<hbm>>
        %dma_wait3A_128 = arith.constant 0 : i32
        %dma_wait3A_129 = tpu.memref_slice %arg2[%dma_wait3A_128] : memref<6400000xi32, #tpu.memory_space<hbm>> -> memref<2048xi32, #tpu.memory_space<hbm>>
        tpu.wait_dma2 semaphore(%arg20 : memref<!tpu.dma_semaphore, #tpu.memory_space<semaphore_mem>>) src(%dma_wait3A_129 : memref<2048xi32, #tpu.memory_space<hbm>>) dst(%arg12 : memref<2048xi32, #tpu.memory_space<vmem>>)
        %dma_wait3A_130 = arith.constant 0 : i32
        %dma_wait3A_131 = tpu.memref_slice %arg3[%dma_wait3A_130] : memref<6400000xi32, #tpu.memory_space<hbm>> -> memref<2048xi32, #tpu.memory_space<hbm>>
        %dma_wait3A_132 = arith.constant 0 : i32
        %dma_wait3A_133 = tpu.memref_slice %arg3[%dma_wait3A_132] : memref<6400000xi32, #tpu.memory_space<hbm>> -> memref<2048xi32, #tpu.memory_space<hbm>>
        tpu.wait_dma2 semaphore(%arg20 : memref<!tpu.dma_semaphore, #tpu.memory_space<semaphore_mem>>) src(%dma_wait3A_133 : memref<2048xi32, #tpu.memory_space<hbm>>) dst(%arg15 : memref<2048xi32, #tpu.memory_space<vmem>>)
        %ge3A = arith.constant 2 : i32
        %ge3A_134 = arith.cmpi sge, %add3A_65, %ge3A : i32
        %convert_element_type3A_135 = arith.extui %ge3A_134 : i1 to i32
        %cond3A_136 = arith.constant 0 : i32
        %cond3A_137 = arith.cmpi ne, %convert_element_type3A_135, %cond3A_136 : i32
        scf.if %cond3A_137 {
          %dma_wait3A_151 = arith.constant 0 : i32
          %dma_wait3A_152 = tpu.memref_slice %arg8[%dma_wait3A_151] : memref<100352xf32, #tpu.memory_space<vmem_shared>> -> memref<100352xf32, #tpu.memory_space<vmem_shared>>
          tpu.wait_indirect_dma semaphore(%arg22 : memref<!tpu.dma_semaphore, #tpu.memory_space<semaphore_mem>>) src(%arg17 : memref<2048xf32, #tpu.memory_space<vmem>>) dst(%dma_wait3A_152 : memref<100352xf32, #tpu.memory_space<vmem_shared>>)
        } else {
        }
        %add3A_138 = arith.constant 1 : i32
        %add3A_139 = arith.addi %add3A_65, %add3A_138 : i32
        %lt3A_140 = arith.cmpi slt, %add3A_139, %add3A_20 : i32
        %convert_element_type3A_141 = arith.extui %lt3A_140 : i1 to i32
        %cond3A_142 = arith.constant 0 : i32
        %cond3A_143 = arith.cmpi ne, %convert_element_type3A_141, %cond3A_142 : i32
        scf.if %cond3A_143 {
          %add3A_151 = arith.constant 1 : i32
          %add3A_152 = arith.addi %add3A_65, %add3A_151 : i32
          %add3A_153 = arith.addi %add3A_24, %add3A_152 : i32
          %mul3A_154 = arith.constant 2048 : i32
          %mul3A_155 = arith.muli %add3A_153, %mul3A_154 : i32
          %dma_start3A_156 = tpu.memref_slice %arg2[%mul3A_155] : memref<6400000xi32, #tpu.memory_space<hbm>> -> memref<2048xi32, #tpu.memory_space<hbm>>
          %dma_start3A_157 = tpu.memref_slice %arg2[%mul3A_155] : memref<6400000xi32, #tpu.memory_space<hbm>> -> memref<2048xi32, #tpu.memory_space<hbm>>
          tpu.enqueue_dma source(%dma_start3A_157 : memref<2048xi32, #tpu.memory_space<hbm>>) target(%arg13 : memref<2048xi32, #tpu.memory_space<vmem>>) target_semaphore(%arg20 : memref<!tpu.dma_semaphore, #tpu.memory_space<semaphore_mem>>)
          %dma_start3A_158 = tpu.memref_slice %arg3[%mul3A_155] : memref<6400000xi32, #tpu.memory_space<hbm>> -> memref<2048xi32, #tpu.memory_space<hbm>>
          %dma_start3A_159 = tpu.memref_slice %arg3[%mul3A_155] : memref<6400000xi32, #tpu.memory_space<hbm>> -> memref<2048xi32, #tpu.memory_space<hbm>>
          tpu.enqueue_dma source(%dma_start3A_159 : memref<2048xi32, #tpu.memory_space<hbm>>) target(%arg16 : memref<2048xi32, #tpu.memory_space<vmem>>) target_semaphore(%arg20 : memref<!tpu.dma_semaphore, #tpu.memory_space<semaphore_mem>>)
        } else {
        }
        %scan3A_144 = arith.constant 0 : i32
        %scan3A_145 = arith.constant 128 : i32
        %scan3A_146 = arith.addi %scan3A_144, %scan3A_145 : i32
        %scan3A_147 = arith.constant 8 : i32
        scf.for %scan3A_151 = %scan3A_144 to %scan3A_146 step %scan3A_147  : i32 {
          %mul3A_152 = arith.constant 1 : i32
          %mul3A_153 = arith.muli %scan3A_151, %mul3A_152 : i32
          %add3A_154 = arith.constant 0 : i32
          %add3A_155 = arith.addi %add3A_154, %mul3A_153 : i32
          %mul3A_156 = arith.constant 16 : i32
          %mul3A_157 = arith.muli %add3A_155, %mul3A_156 : i32
          %get3A = arith.index_cast %mul3A_157 : i32 to index
          %get3A_158 = tpu.vector_load %arg12[%get3A] {strides = array<i32>} : memref<2048xi32, #tpu.memory_space<vmem>>, vector<16xi32>,
          %gather3A = tpu.vector_load_idx %arg7[%get3A_158] : memref<100352xf32, #tpu.memory_space<vmem>>[vector<16xi32>], vector<16xf32>,
          %swap3A = arith.index_cast %mul3A_157 : i32 to index
          %swap3A_159 = tpu.vector_load %arg18[%swap3A] {strides = array<i32>} : memref<2048xf32, #tpu.memory_space<vmem>>, vector<16xf32>,
          tpu.vector_store %arg18[%swap3A], %gather3A {strides = array<i32>} : memref<2048xf32, #tpu.memory_space<vmem>>, vector<16xf32>,
          %scan3A_160 = arith.constant 1 : i32
          %scan3A_161 = arith.addi %scan3A_151, %scan3A_160 : i32
          %mul3A_162 = arith.constant 1 : i32
          %mul3A_163 = arith.muli %scan3A_161, %mul3A_162 : i32
          %add3A_164 = arith.constant 0 : i32
          %add3A_165 = arith.addi %add3A_164, %mul3A_163 : i32
          %mul3A_166 = arith.constant 16 : i32
          %mul3A_167 = arith.muli %add3A_165, %mul3A_166 : i32
          %get3A_168 = arith.index_cast %mul3A_167 : i32 to index
          %get3A_169 = tpu.vector_load %arg12[%get3A_168] {strides = array<i32>} : memref<2048xi32, #tpu.memory_space<vmem>>, vector<16xi32>,
          %gather3A_170 = tpu.vector_load_idx %arg7[%get3A_169] : memref<100352xf32, #tpu.memory_space<vmem>>[vector<16xi32>], vector<16xf32>,
          %swap3A_171 = arith.index_cast %mul3A_167 : i32 to index
          %swap3A_172 = tpu.vector_load %arg18[%swap3A_171] {strides = array<i32>} : memref<2048xf32, #tpu.memory_space<vmem>>, vector<16xf32>,
          tpu.vector_store %arg18[%swap3A_171], %gather3A_170 {strides = array<i32>} : memref<2048xf32, #tpu.memory_space<vmem>>, vector<16xf32>,
          %scan3A_173 = arith.constant 2 : i32
          %scan3A_174 = arith.addi %scan3A_151, %scan3A_173 : i32
          %mul3A_175 = arith.constant 1 : i32
          %mul3A_176 = arith.muli %scan3A_174, %mul3A_175 : i32
          %add3A_177 = arith.constant 0 : i32
          %add3A_178 = arith.addi %add3A_177, %mul3A_176 : i32
          %mul3A_179 = arith.constant 16 : i32
          %mul3A_180 = arith.muli %add3A_178, %mul3A_179 : i32
          %get3A_181 = arith.index_cast %mul3A_180 : i32 to index
          %get3A_182 = tpu.vector_load %arg12[%get3A_181] {strides = array<i32>} : memref<2048xi32, #tpu.memory_space<vmem>>, vector<16xi32>,
          %gather3A_183 = tpu.vector_load_idx %arg7[%get3A_182] : memref<100352xf32, #tpu.memory_space<vmem>>[vector<16xi32>], vector<16xf32>,
          %swap3A_184 = arith.index_cast %mul3A_180 : i32 to index
          %swap3A_185 = tpu.vector_load %arg18[%swap3A_184] {strides = array<i32>} : memref<2048xf32, #tpu.memory_space<vmem>>, vector<16xf32>,
          tpu.vector_store %arg18[%swap3A_184], %gather3A_183 {strides = array<i32>} : memref<2048xf32, #tpu.memory_space<vmem>>, vector<16xf32>,
          %scan3A_186 = arith.constant 3 : i32
          %scan3A_187 = arith.addi %scan3A_151, %scan3A_186 : i32
          %mul3A_188 = arith.constant 1 : i32
          %mul3A_189 = arith.muli %scan3A_187, %mul3A_188 : i32
          %add3A_190 = arith.constant 0 : i32
          %add3A_191 = arith.addi %add3A_190, %mul3A_189 : i32
          %mul3A_192 = arith.constant 16 : i32
          %mul3A_193 = arith.muli %add3A_191, %mul3A_192 : i32
          %get3A_194 = arith.index_cast %mul3A_193 : i32 to index
          %get3A_195 = tpu.vector_load %arg12[%get3A_194] {strides = array<i32>} : memref<2048xi32, #tpu.memory_space<vmem>>, vector<16xi32>,
          %gather3A_196 = tpu.vector_load_idx %arg7[%get3A_195] : memref<100352xf32, #tpu.memory_space<vmem>>[vector<16xi32>], vector<16xf32>,
          %swap3A_197 = arith.index_cast %mul3A_193 : i32 to index
          %swap3A_198 = tpu.vector_load %arg18[%swap3A_197] {strides = array<i32>} : memref<2048xf32, #tpu.memory_space<vmem>>, vector<16xf32>,
          tpu.vector_store %arg18[%swap3A_197], %gather3A_196 {strides = array<i32>} : memref<2048xf32, #tpu.memory_space<vmem>>, vector<16xf32>,
          %scan3A_199 = arith.constant 4 : i32
          %scan3A_200 = arith.addi %scan3A_151, %scan3A_199 : i32
          %mul3A_201 = arith.constant 1 : i32
          %mul3A_202 = arith.muli %scan3A_200, %mul3A_201 : i32
          %add3A_203 = arith.constant 0 : i32
          %add3A_204 = arith.addi %add3A_203, %mul3A_202 : i32
          %mul3A_205 = arith.constant 16 : i32
          %mul3A_206 = arith.muli %add3A_204, %mul3A_205 : i32
          %get3A_207 = arith.index_cast %mul3A_206 : i32 to index
          %get3A_208 = tpu.vector_load %arg12[%get3A_207] {strides = array<i32>} : memref<2048xi32, #tpu.memory_space<vmem>>, vector<16xi32>,
          %gather3A_209 = tpu.vector_load_idx %arg7[%get3A_208] : memref<100352xf32, #tpu.memory_space<vmem>>[vector<16xi32>], vector<16xf32>,
          %swap3A_210 = arith.index_cast %mul3A_206 : i32 to index
          %swap3A_211 = tpu.vector_load %arg18[%swap3A_210] {strides = array<i32>} : memref<2048xf32, #tpu.memory_space<vmem>>, vector<16xf32>,
          tpu.vector_store %arg18[%swap3A_210], %gather3A_209 {strides = array<i32>} : memref<2048xf32, #tpu.memory_space<vmem>>, vector<16xf32>,
          %scan3A_212 = arith.constant 5 : i32
          %scan3A_213 = arith.addi %scan3A_151, %scan3A_212 : i32
          %mul3A_214 = arith.constant 1 : i32
          %mul3A_215 = arith.muli %scan3A_213, %mul3A_214 : i32
          %add3A_216 = arith.constant 0 : i32
          %add3A_217 = arith.addi %add3A_216, %mul3A_215 : i32
          %mul3A_218 = arith.constant 16 : i32
          %mul3A_219 = arith.muli %add3A_217, %mul3A_218 : i32
          %get3A_220 = arith.index_cast %mul3A_219 : i32 to index
          %get3A_221 = tpu.vector_load %arg12[%get3A_220] {strides = array<i32>} : memref<2048xi32, #tpu.memory_space<vmem>>, vector<16xi32>,
          %gather3A_222 = tpu.vector_load_idx %arg7[%get3A_221] : memref<100352xf32, #tpu.memory_space<vmem>>[vector<16xi32>], vector<16xf32>,
          %swap3A_223 = arith.index_cast %mul3A_219 : i32 to index
          %swap3A_224 = tpu.vector_load %arg18[%swap3A_223] {strides = array<i32>} : memref<2048xf32, #tpu.memory_space<vmem>>, vector<16xf32>,
          tpu.vector_store %arg18[%swap3A_223], %gather3A_222 {strides = array<i32>} : memref<2048xf32, #tpu.memory_space<vmem>>, vector<16xf32>,
          %scan3A_225 = arith.constant 6 : i32
          %scan3A_226 = arith.addi %scan3A_151, %scan3A_225 : i32
          %mul3A_227 = arith.constant 1 : i32
          %mul3A_228 = arith.muli %scan3A_226, %mul3A_227 : i32
          %add3A_229 = arith.constant 0 : i32
          %add3A_230 = arith.addi %add3A_229, %mul3A_228 : i32
          %mul3A_231 = arith.constant 16 : i32
          %mul3A_232 = arith.muli %add3A_230, %mul3A_231 : i32
          %get3A_233 = arith.index_cast %mul3A_232 : i32 to index
          %get3A_234 = tpu.vector_load %arg12[%get3A_233] {strides = array<i32>} : memref<2048xi32, #tpu.memory_space<vmem>>, vector<16xi32>,
          %gather3A_235 = tpu.vector_load_idx %arg7[%get3A_234] : memref<100352xf32, #tpu.memory_space<vmem>>[vector<16xi32>], vector<16xf32>,
          %swap3A_236 = arith.index_cast %mul3A_232 : i32 to index
          %swap3A_237 = tpu.vector_load %arg18[%swap3A_236] {strides = array<i32>} : memref<2048xf32, #tpu.memory_space<vmem>>, vector<16xf32>,
          tpu.vector_store %arg18[%swap3A_236], %gather3A_235 {strides = array<i32>} : memref<2048xf32, #tpu.memory_space<vmem>>, vector<16xf32>,
          %scan3A_238 = arith.constant 7 : i32
          %scan3A_239 = arith.addi %scan3A_151, %scan3A_238 : i32
          %mul3A_240 = arith.constant 1 : i32
          %mul3A_241 = arith.muli %scan3A_239, %mul3A_240 : i32
          %add3A_242 = arith.constant 0 : i32
          %add3A_243 = arith.addi %add3A_242, %mul3A_241 : i32
          %mul3A_244 = arith.constant 16 : i32
          %mul3A_245 = arith.muli %add3A_243, %mul3A_244 : i32
          %get3A_246 = arith.index_cast %mul3A_245 : i32 to index
          %get3A_247 = tpu.vector_load %arg12[%get3A_246] {strides = array<i32>} : memref<2048xi32, #tpu.memory_space<vmem>>, vector<16xi32>,
          %gather3A_248 = tpu.vector_load_idx %arg7[%get3A_247] : memref<100352xf32, #tpu.memory_space<vmem>>[vector<16xi32>], vector<16xf32>,
          %swap3A_249 = arith.index_cast %mul3A_245 : i32 to index
          %swap3A_250 = tpu.vector_load %arg18[%swap3A_249] {strides = array<i32>} : memref<2048xf32, #tpu.memory_space<vmem>>, vector<16xf32>,
          tpu.vector_store %arg18[%swap3A_249], %gather3A_248 {strides = array<i32>} : memref<2048xf32, #tpu.memory_space<vmem>>, vector<16xf32>,
        }
        %scan3A_148 = arith.constant 128 : i32
        %dma_start3A_149 = arith.constant 0 : i32
        %dma_start3A_150 = tpu.memref_slice %arg8[%dma_start3A_149] : memref<100352xf32, #tpu.memory_space<vmem_shared>> -> memref<100352xf32, #tpu.memory_space<vmem_shared>>
        tpu.enqueue_indirect_dma source(%arg18 : memref<2048xf32, #tpu.memory_space<vmem>>) target(%dma_start3A_150 : memref<100352xf32, #tpu.memory_space<vmem_shared>>) offsets(%arg15 : memref<2048xi32, #tpu.memory_space<vmem>>) semaphore(%arg22 : memref<!tpu.dma_semaphore, #tpu.memory_space<semaphore_mem>>) {add = true}
      } else {
      }
      %jit3A_105 = arith.constant 3 : i32
      %eq3A_106 = arith.constant 0 : i32
      %eq3A_107 = arith.cmpi eq, %jit3A_105, %eq3A_106 : i32
      %jit3A_108 = arith.constant 1 : i32
      %select_n3A_109 = arith.select %eq3A_107, %jit3A_108, %jit3A_105 : i32
      %rem3A_110 = arith.remsi %add3A_65, %select_n3A_109 : i32
      %ne3A_111 = arith.constant 0 : i32
      %ne3A_112 = arith.cmpi ne, %rem3A_110, %ne3A_111 : i32
      %lt3A_113 = arith.constant 0 : i32
      %lt3A_114 = arith.cmpi slt, %rem3A_110, %lt3A_113 : i32
      %lt3A_115 = arith.constant 0 : i32
      %lt3A_116 = arith.cmpi slt, %select_n3A_109, %lt3A_115 : i32
      %ne3A_117 = arith.xori %lt3A_114, %lt3A_116 : i1
      %and3A_118 = arith.andi %ne3A_117, %ne3A_112 : i1
      %add3A_119 = arith.addi %rem3A_110, %select_n3A_109 : i32
      %select_n3A_120 = arith.select %and3A_118, %add3A_119, %rem3A_110 : i32
      %eq3A_121 = arith.constant 2 : i32
      %eq3A_122 = arith.cmpi eq, %select_n3A_120, %eq3A_121 : i32
      %convert_element_type3A_123 = arith.extui %eq3A_122 : i1 to i32
      %cond3A_124 = arith.constant 0 : i32
      %cond3A_125 = arith.cmpi ne, %convert_element_type3A_123, %cond3A_124 : i32
      scf.if %cond3A_125 {
        %dma_wait3A_126 = arith.constant 0 : i32
        %dma_wait3A_127 = tpu.memref_slice %arg2[%dma_wait3A_126] : memref<6400000xi32, #tpu.memory_space<hbm>> -> memref<2048xi32, #tpu.memory_space<hbm>>
        %dma_wait3A_128 = arith.constant 0 : i32
        %dma_wait3A_129 = tpu.memref_slice %arg2[%dma_wait3A_128] : memref<6400000xi32, #tpu.memory_space<hbm>> -> memref<2048xi32, #tpu.memory_space<hbm>>
        tpu.wait_dma2 semaphore(%arg20 : memref<!tpu.dma_semaphore, #tpu.memory_space<semaphore_mem>>) src(%dma_wait3A_129 : memref<2048xi32, #tpu.memory_space<hbm>>) dst(%arg13 : memref<2048xi32, #tpu.memory_space<vmem>>)
        %dma_wait3A_130 = arith.constant 0 : i32
        %dma_wait3A_131 = tpu.memref_slice %arg3[%dma_wait3A_130] : memref<6400000xi32, #tpu.memory_space<hbm>> -> memref<2048xi32, #tpu.memory_space<hbm>>
        %dma_wait3A_132 = arith.constant 0 : i32
        %dma_wait3A_133 = tpu.memref_slice %arg3[%dma_wait3A_132] : memref<6400000xi32, #tpu.memory_space<hbm>> -> memref<2048xi32, #tpu.memory_space<hbm>>
        tpu.wait_dma2 semaphore(%arg20 : memref<!tpu.dma_semaphore, #tpu.memory_space<semaphore_mem>>) src(%dma_wait3A_133 : memref<2048xi32, #tpu.memory_space<hbm>>) dst(%arg16 : memref<2048xi32, #tpu.memory_space<vmem>>)
        %ge3A = arith.constant 2 : i32
        %ge3A_134 = arith.cmpi sge, %add3A_65, %ge3A : i32
        %convert_element_type3A_135 = arith.extui %ge3A_134 : i1 to i32
        %cond3A_136 = arith.constant 0 : i32
        %cond3A_137 = arith.cmpi ne, %convert_element_type3A_135, %cond3A_136 : i32
        scf.if %cond3A_137 {
          %dma_wait3A_151 = arith.constant 0 : i32
          %dma_wait3A_152 = tpu.memref_slice %arg8[%dma_wait3A_151] : memref<100352xf32, #tpu.memory_space<vmem_shared>> -> memref<100352xf32, #tpu.memory_space<vmem_shared>>
          tpu.wait_indirect_dma semaphore(%arg22 : memref<!tpu.dma_semaphore, #tpu.memory_space<semaphore_mem>>) src(%arg17 : memref<2048xf32, #tpu.memory_space<vmem>>) dst(%dma_wait3A_152 : memref<100352xf32, #tpu.memory_space<vmem_shared>>)
        } else {
        }
        %add3A_138 = arith.constant 1 : i32
        %add3A_139 = arith.addi %add3A_65, %add3A_138 : i32
        %lt3A_140 = arith.cmpi slt, %add3A_139, %add3A_20 : i32
        %convert_element_type3A_141 = arith.extui %lt3A_140 : i1 to i32
        %cond3A_142 = arith.constant 0 : i32
        %cond3A_143 = arith.cmpi ne, %convert_element_type3A_141, %cond3A_142 : i32
        scf.if %cond3A_143 {
          %add3A_151 = arith.constant 1 : i32
          %add3A_152 = arith.addi %add3A_65, %add3A_151 : i32
          %add3A_153 = arith.addi %add3A_24, %add3A_152 : i32
          %mul3A_154 = arith.constant 2048 : i32
          %mul3A_155 = arith.muli %add3A_153, %mul3A_154 : i32
          %dma_start3A_156 = tpu.memref_slice %arg2[%mul3A_155] : memref<6400000xi32, #tpu.memory_space<hbm>> -> memref<2048xi32, #tpu.memory_space<hbm>>
          %dma_start3A_157 = tpu.memref_slice %arg2[%mul3A_155] : memref<6400000xi32, #tpu.memory_space<hbm>> -> memref<2048xi32, #tpu.memory_space<hbm>>
          tpu.enqueue_dma source(%dma_start3A_157 : memref<2048xi32, #tpu.memory_space<hbm>>) target(%arg11 : memref<2048xi32, #tpu.memory_space<vmem>>) target_semaphore(%arg20 : memref<!tpu.dma_semaphore, #tpu.memory_space<semaphore_mem>>)
          %dma_start3A_158 = tpu.memref_slice %arg3[%mul3A_155] : memref<6400000xi32, #tpu.memory_space<hbm>> -> memref<2048xi32, #tpu.memory_space<hbm>>
          %dma_start3A_159 = tpu.memref_slice %arg3[%mul3A_155] : memref<6400000xi32, #tpu.memory_space<hbm>> -> memref<2048xi32, #tpu.memory_space<hbm>>
          tpu.enqueue_dma source(%dma_start3A_159 : memref<2048xi32, #tpu.memory_space<hbm>>) target(%arg14 : memref<2048xi32, #tpu.memory_space<vmem>>) target_semaphore(%arg20 : memref<!tpu.dma_semaphore, #tpu.memory_space<semaphore_mem>>)
        } else {
        }
        %scan3A_144 = arith.constant 0 : i32
        %scan3A_145 = arith.constant 128 : i32
        %scan3A_146 = arith.addi %scan3A_144, %scan3A_145 : i32
        %scan3A_147 = arith.constant 8 : i32
        scf.for %scan3A_151 = %scan3A_144 to %scan3A_146 step %scan3A_147  : i32 {
          %mul3A_152 = arith.constant 1 : i32
          %mul3A_153 = arith.muli %scan3A_151, %mul3A_152 : i32
          %add3A_154 = arith.constant 0 : i32
          %add3A_155 = arith.addi %add3A_154, %mul3A_153 : i32
          %mul3A_156 = arith.constant 16 : i32
          %mul3A_157 = arith.muli %add3A_155, %mul3A_156 : i32
          %get3A = arith.index_cast %mul3A_157 : i32 to index
          %get3A_158 = tpu.vector_load %arg13[%get3A] {strides = array<i32>} : memref<2048xi32, #tpu.memory_space<vmem>>, vector<16xi32>,
          %gather3A = tpu.vector_load_idx %arg7[%get3A_158] : memref<100352xf32, #tpu.memory_space<vmem>>[vector<16xi32>], vector<16xf32>,
          %swap3A = arith.index_cast %mul3A_157 : i32 to index
          %swap3A_159 = tpu.vector_load %arg19[%swap3A] {strides = array<i32>} : memref<2048xf32, #tpu.memory_space<vmem>>, vector<16xf32>,
          tpu.vector_store %arg19[%swap3A], %gather3A {strides = array<i32>} : memref<2048xf32, #tpu.memory_space<vmem>>, vector<16xf32>,
          %scan3A_160 = arith.constant 1 : i32
          %scan3A_161 = arith.addi %scan3A_151, %scan3A_160 : i32
          %mul3A_162 = arith.constant 1 : i32
          %mul3A_163 = arith.muli %scan3A_161, %mul3A_162 : i32
          %add3A_164 = arith.constant 0 : i32
          %add3A_165 = arith.addi %add3A_164, %mul3A_163 : i32
          %mul3A_166 = arith.constant 16 : i32
          %mul3A_167 = arith.muli %add3A_165, %mul3A_166 : i32
          %get3A_168 = arith.index_cast %mul3A_167 : i32 to index
          %get3A_169 = tpu.vector_load %arg13[%get3A_168] {strides = array<i32>} : memref<2048xi32, #tpu.memory_space<vmem>>, vector<16xi32>,
          %gather3A_170 = tpu.vector_load_idx %arg7[%get3A_169] : memref<100352xf32, #tpu.memory_space<vmem>>[vector<16xi32>], vector<16xf32>,
          %swap3A_171 = arith.index_cast %mul3A_167 : i32 to index
          %swap3A_172 = tpu.vector_load %arg19[%swap3A_171] {strides = array<i32>} : memref<2048xf32, #tpu.memory_space<vmem>>, vector<16xf32>,
          tpu.vector_store %arg19[%swap3A_171], %gather3A_170 {strides = array<i32>} : memref<2048xf32, #tpu.memory_space<vmem>>, vector<16xf32>,
          %scan3A_173 = arith.constant 2 : i32
          %scan3A_174 = arith.addi %scan3A_151, %scan3A_173 : i32
          %mul3A_175 = arith.constant 1 : i32
          %mul3A_176 = arith.muli %scan3A_174, %mul3A_175 : i32
          %add3A_177 = arith.constant 0 : i32
          %add3A_178 = arith.addi %add3A_177, %mul3A_176 : i32
          %mul3A_179 = arith.constant 16 : i32
          %mul3A_180 = arith.muli %add3A_178, %mul3A_179 : i32
          %get3A_181 = arith.index_cast %mul3A_180 : i32 to index
          %get3A_182 = tpu.vector_load %arg13[%get3A_181] {strides = array<i32>} : memref<2048xi32, #tpu.memory_space<vmem>>, vector<16xi32>,
          %gather3A_183 = tpu.vector_load_idx %arg7[%get3A_182] : memref<100352xf32, #tpu.memory_space<vmem>>[vector<16xi32>], vector<16xf32>,
          %swap3A_184 = arith.index_cast %mul3A_180 : i32 to index
          %swap3A_185 = tpu.vector_load %arg19[%swap3A_184] {strides = array<i32>} : memref<2048xf32, #tpu.memory_space<vmem>>, vector<16xf32>,
          tpu.vector_store %arg19[%swap3A_184], %gather3A_183 {strides = array<i32>} : memref<2048xf32, #tpu.memory_space<vmem>>, vector<16xf32>,
          %scan3A_186 = arith.constant 3 : i32
          %scan3A_187 = arith.addi %scan3A_151, %scan3A_186 : i32
          %mul3A_188 = arith.constant 1 : i32
          %mul3A_189 = arith.muli %scan3A_187, %mul3A_188 : i32
          %add3A_190 = arith.constant 0 : i32
          %add3A_191 = arith.addi %add3A_190, %mul3A_189 : i32
          %mul3A_192 = arith.constant 16 : i32
          %mul3A_193 = arith.muli %add3A_191, %mul3A_192 : i32
          %get3A_194 = arith.index_cast %mul3A_193 : i32 to index
          %get3A_195 = tpu.vector_load %arg13[%get3A_194] {strides = array<i32>} : memref<2048xi32, #tpu.memory_space<vmem>>, vector<16xi32>,
          %gather3A_196 = tpu.vector_load_idx %arg7[%get3A_195] : memref<100352xf32, #tpu.memory_space<vmem>>[vector<16xi32>], vector<16xf32>,
          %swap3A_197 = arith.index_cast %mul3A_193 : i32 to index
          %swap3A_198 = tpu.vector_load %arg19[%swap3A_197] {strides = array<i32>} : memref<2048xf32, #tpu.memory_space<vmem>>, vector<16xf32>,
          tpu.vector_store %arg19[%swap3A_197], %gather3A_196 {strides = array<i32>} : memref<2048xf32, #tpu.memory_space<vmem>>, vector<16xf32>,
          %scan3A_199 = arith.constant 4 : i32
          %scan3A_200 = arith.addi %scan3A_151, %scan3A_199 : i32
          %mul3A_201 = arith.constant 1 : i32
          %mul3A_202 = arith.muli %scan3A_200, %mul3A_201 : i32
          %add3A_203 = arith.constant 0 : i32
          %add3A_204 = arith.addi %add3A_203, %mul3A_202 : i32
          %mul3A_205 = arith.constant 16 : i32
          %mul3A_206 = arith.muli %add3A_204, %mul3A_205 : i32
          %get3A_207 = arith.index_cast %mul3A_206 : i32 to index
          %get3A_208 = tpu.vector_load %arg13[%get3A_207] {strides = array<i32>} : memref<2048xi32, #tpu.memory_space<vmem>>, vector<16xi32>,
          %gather3A_209 = tpu.vector_load_idx %arg7[%get3A_208] : memref<100352xf32, #tpu.memory_space<vmem>>[vector<16xi32>], vector<16xf32>,
          %swap3A_210 = arith.index_cast %mul3A_206 : i32 to index
          %swap3A_211 = tpu.vector_load %arg19[%swap3A_210] {strides = array<i32>} : memref<2048xf32, #tpu.memory_space<vmem>>, vector<16xf32>,
          tpu.vector_store %arg19[%swap3A_210], %gather3A_209 {strides = array<i32>} : memref<2048xf32, #tpu.memory_space<vmem>>, vector<16xf32>,
          %scan3A_212 = arith.constant 5 : i32
          %scan3A_213 = arith.addi %scan3A_151, %scan3A_212 : i32
          %mul3A_214 = arith.constant 1 : i32
          %mul3A_215 = arith.muli %scan3A_213, %mul3A_214 : i32
          %add3A_216 = arith.constant 0 : i32
          %add3A_217 = arith.addi %add3A_216, %mul3A_215 : i32
          %mul3A_218 = arith.constant 16 : i32
          %mul3A_219 = arith.muli %add3A_217, %mul3A_218 : i32
          %get3A_220 = arith.index_cast %mul3A_219 : i32 to index
          %get3A_221 = tpu.vector_load %arg13[%get3A_220] {strides = array<i32>} : memref<2048xi32, #tpu.memory_space<vmem>>, vector<16xi32>,
          %gather3A_222 = tpu.vector_load_idx %arg7[%get3A_221] : memref<100352xf32, #tpu.memory_space<vmem>>[vector<16xi32>], vector<16xf32>,
          %swap3A_223 = arith.index_cast %mul3A_219 : i32 to index
          %swap3A_224 = tpu.vector_load %arg19[%swap3A_223] {strides = array<i32>} : memref<2048xf32, #tpu.memory_space<vmem>>, vector<16xf32>,
          tpu.vector_store %arg19[%swap3A_223], %gather3A_222 {strides = array<i32>} : memref<2048xf32, #tpu.memory_space<vmem>>, vector<16xf32>,
          %scan3A_225 = arith.constant 6 : i32
          %scan3A_226 = arith.addi %scan3A_151, %scan3A_225 : i32
          %mul3A_227 = arith.constant 1 : i32
          %mul3A_228 = arith.muli %scan3A_226, %mul3A_227 : i32
          %add3A_229 = arith.constant 0 : i32
          %add3A_230 = arith.addi %add3A_229, %mul3A_228 : i32
          %mul3A_231 = arith.constant 16 : i32
          %mul3A_232 = arith.muli %add3A_230, %mul3A_231 : i32
          %get3A_233 = arith.index_cast %mul3A_232 : i32 to index
          %get3A_234 = tpu.vector_load %arg13[%get3A_233] {strides = array<i32>} : memref<2048xi32, #tpu.memory_space<vmem>>, vector<16xi32>,
          %gather3A_235 = tpu.vector_load_idx %arg7[%get3A_234] : memref<100352xf32, #tpu.memory_space<vmem>>[vector<16xi32>], vector<16xf32>,
          %swap3A_236 = arith.index_cast %mul3A_232 : i32 to index
          %swap3A_237 = tpu.vector_load %arg19[%swap3A_236] {strides = array<i32>} : memref<2048xf32, #tpu.memory_space<vmem>>, vector<16xf32>,
          tpu.vector_store %arg19[%swap3A_236], %gather3A_235 {strides = array<i32>} : memref<2048xf32, #tpu.memory_space<vmem>>, vector<16xf32>,
          %scan3A_238 = arith.constant 7 : i32
          %scan3A_239 = arith.addi %scan3A_151, %scan3A_238 : i32
          %mul3A_240 = arith.constant 1 : i32
          %mul3A_241 = arith.muli %scan3A_239, %mul3A_240 : i32
          %add3A_242 = arith.constant 0 : i32
          %add3A_243 = arith.addi %add3A_242, %mul3A_241 : i32
          %mul3A_244 = arith.constant 16 : i32
          %mul3A_245 = arith.muli %add3A_243, %mul3A_244 : i32
          %get3A_246 = arith.index_cast %mul3A_245 : i32 to index
          %get3A_247 = tpu.vector_load %arg13[%get3A_246] {strides = array<i32>} : memref<2048xi32, #tpu.memory_space<vmem>>, vector<16xi32>,
          %gather3A_248 = tpu.vector_load_idx %arg7[%get3A_247] : memref<100352xf32, #tpu.memory_space<vmem>>[vector<16xi32>], vector<16xf32>,
          %swap3A_249 = arith.index_cast %mul3A_245 : i32 to index
          %swap3A_250 = tpu.vector_load %arg19[%swap3A_249] {strides = array<i32>} : memref<2048xf32, #tpu.memory_space<vmem>>, vector<16xf32>,
          tpu.vector_store %arg19[%swap3A_249], %gather3A_248 {strides = array<i32>} : memref<2048xf32, #tpu.memory_space<vmem>>, vector<16xf32>,
        }
        %scan3A_148 = arith.constant 128 : i32
        %dma_start3A_149 = arith.constant 0 : i32
        %dma_start3A_150 = tpu.memref_slice %arg8[%dma_start3A_149] : memref<100352xf32, #tpu.memory_space<vmem_shared>> -> memref<100352xf32, #tpu.memory_space<vmem_shared>>
        tpu.enqueue_indirect_dma source(%arg19 : memref<2048xf32, #tpu.memory_space<vmem>>) target(%dma_start3A_150 : memref<100352xf32, #tpu.memory_space<vmem_shared>>) offsets(%arg16 : memref<2048xi32, #tpu.memory_space<vmem>>) semaphore(%arg22 : memref<!tpu.dma_semaphore, #tpu.memory_space<semaphore_mem>>) {add = true}
      } else {
      }
    }
    %dma_wait3A_49 = arith.constant 0 : i32
    %dma_wait3A_50 = tpu.memref_slice %arg8[%dma_wait3A_49] : memref<100352xf32, #tpu.memory_space<vmem_shared>> -> memref<100352xf32, #tpu.memory_space<vmem_shared>>
    tpu.wait_indirect_dma semaphore(%arg22 : memref<!tpu.dma_semaphore, #tpu.memory_space<semaphore_mem>>) src(%arg17 : memref<2048xf32, #tpu.memory_space<vmem>>) dst(%dma_wait3A_50 : memref<100352xf32, #tpu.memory_space<vmem_shared>>)
    %dma_wait3A_51 = arith.constant 0 : i32
    %dma_wait3A_52 = tpu.memref_slice %arg8[%dma_wait3A_51] : memref<100352xf32, #tpu.memory_space<vmem_shared>> -> memref<100352xf32, #tpu.memory_space<vmem_shared>>
    tpu.wait_indirect_dma semaphore(%arg22 : memref<!tpu.dma_semaphore, #tpu.memory_space<semaphore_mem>>) src(%arg17 : memref<2048xf32, #tpu.memory_space<vmem>>) dst(%dma_wait3A_52 : memref<100352xf32, #tpu.memory_space<vmem_shared>>)
    %barrier3A_53 = arith.constant 0 : index
    tpu.barrier barrier_id(%barrier3A_53)
    %mul3A_54 = arith.constant 6272 : i32
    %mul3A_55 = arith.muli %arg1, %mul3A_54 : i32
    %eq3A = arith.constant 0 : i32
    %eq3A_56 = arith.cmpi eq, %arg0, %eq3A : i32
    %convert_element_type3A = arith.extui %eq3A_56 : i1 to i32
    %cond3A = arith.constant 0 : i32
    %cond3A_57 = arith.cmpi ne, %convert_element_type3A, %cond3A : i32
    scf.if %cond3A_57 {
      "tpu.region"() ({
        %run_scoped3A = tpu.sem_alloc : memref<!tpu.dma_semaphore, #tpu.memory_space<semaphore_mem>>
        %dma_start3A_63 = tpu.memref_slice %arg5[%mul3A_55] : memref<100352xf32, #tpu.memory_space<hbm>> -> memref<6272xf32, #tpu.memory_space<hbm>>
        %dma_start3A_64 = tpu.memref_slice %arg8[%mul3A_55] : memref<100352xf32, #tpu.memory_space<vmem_shared>> -> memref<6272xf32, #tpu.memory_space<vmem_shared>>
        tpu.enqueue_dma source(%dma_start3A_64 : memref<6272xf32, #tpu.memory_space<vmem_shared>>) target(%dma_start3A_63 : memref<6272xf32, #tpu.memory_space<hbm>>) target_semaphore(%run_scoped3A : memref<!tpu.dma_semaphore, #tpu.memory_space<semaphore_mem>>)
        %dma_wait3A_65 = tpu.memref_slice %arg5[%mul3A_55] : memref<100352xf32, #tpu.memory_space<hbm>> -> memref<6272xf32, #tpu.memory_space<hbm>>
        %dma_wait3A_66 = tpu.memref_slice %arg8[%mul3A_55] : memref<100352xf32, #tpu.memory_space<vmem_shared>> -> memref<6272xf32, #tpu.memory_space<vmem_shared>>
        tpu.wait_dma2 semaphore(%run_scoped3A : memref<!tpu.dma_semaphore, #tpu.memory_space<semaphore_mem>>) src(%dma_wait3A_66 : memref<6272xf32, #tpu.memory_space<vmem_shared>>) dst(%dma_wait3A_65 : memref<6272xf32, #tpu.memory_space<hbm>>)
        tpu.yield
      }) : () -> ()
    } else {
    }
    %eq3A_58 = arith.constant 1 : i32
    %eq3A_59 = arith.cmpi eq, %arg0, %eq3A_58 : i32
    %convert_element_type3A_60 = arith.extui %eq3A_59 : i1 to i32
    %cond3A_61 = arith.constant 0 : i32
    %cond3A_62 = arith.cmpi ne, %convert_element_type3A_60, %cond3A_61 : i32
    scf.if %cond3A_62 {
      "tpu.region"() ({
        %run_scoped3A = tpu.sem_alloc : memref<!tpu.dma_semaphore, #tpu.memory_space<semaphore_mem>>
        %dma_start3A_63 = tpu.memref_slice %arg6[%mul3A_55] : memref<100352xf32, #tpu.memory_space<hbm>> -> memref<6272xf32, #tpu.memory_space<hbm>>
        %dma_start3A_64 = tpu.memref_slice %arg8[%mul3A_55] : memref<100352xf32, #tpu.memory_space<vmem_shared>> -> memref<6272xf32, #tpu.memory_space<vmem_shared>>
        tpu.enqueue_dma source(%dma_start3A_64 : memref<6272xf32, #tpu.memory_space<vmem_shared>>) target(%dma_start3A_63 : memref<6272xf32, #tpu.memory_space<hbm>>) target_semaphore(%run_scoped3A : memref<!tpu.dma_semaphore, #tpu.memory_space<semaphore_mem>>)
        %dma_wait3A_65 = tpu.memref_slice %arg6[%mul3A_55] : memref<100352xf32, #tpu.memory_space<hbm>> -> memref<6272xf32, #tpu.memory_space<hbm>>
        %dma_wait3A_66 = tpu.memref_slice %arg8[%mul3A_55] : memref<100352xf32, #tpu.memory_space<vmem_shared>> -> memref<6272xf32, #tpu.memory_space<vmem_shared>>
        tpu.wait_dma2 semaphore(%run_scoped3A : memref<!tpu.dma_semaphore, #tpu.memory_space<semaphore_mem>>) src(%dma_wait3A_66 : memref<6272xf32, #tpu.memory_space<vmem_shared>>) dst(%dma_wait3A_65 : memref<6272xf32, #tpu.memory_space<hbm>>)
        tpu.yield
      }) : () -> ()
    } else {
    }
    return
  }
}

#map = affine_map<(d0, d1) -> (0)>
module attributes {stable_mosaic.version = 14 : i64} {
  func.func @_layer_body(%arg0: i32, %arg1: i32, %arg2: memref<6400000xi32, #tpu.memory_space<hbm>>, %arg3: memref<6400000xi32, #tpu.memory_space<hbm>>, %arg4: memref<100352xf32, #tpu.memory_space<hbm>>, %arg5: memref<100352xf32, #tpu.memory_space<hbm>>, %arg6: memref<16xf32, #tpu.memory_space<hbm>>, %arg7: memref<100352xf32, #tpu.memory_space<hbm>>, %arg8: memref<100352xf32, #tpu.memory_space<hbm>>, %arg9: memref<100352xf32, #tpu.memory_space<vmem>>, %arg10: memref<100352xf32, #tpu.memory_space<vmem_shared>>, %arg11: memref<3136xf32, #tpu.memory_space<vmem>>, %arg12: memref<16xf32, #tpu.memory_space<vmem>>, %arg13: memref<2048xi32, #tpu.memory_space<vmem>>, %arg14: memref<2048xi32, #tpu.memory_space<vmem>>, %arg15: memref<2048xi32, #tpu.memory_space<vmem>>, %arg16: memref<2048xi32, #tpu.memory_space<vmem>>, %arg17: memref<2048xi32, #tpu.memory_space<vmem>>, %arg18: memref<2048xi32, #tpu.memory_space<vmem>>, %arg19: memref<2048xf32, #tpu.memory_space<vmem>>, %arg20: memref<2048xf32, #tpu.memory_space<vmem>>, %arg21: memref<2048xf32, #tpu.memory_space<vmem>>, %arg22: memref<!tpu.dma_semaphore, #tpu.memory_space<semaphore_mem>>, %arg23: memref<!tpu.dma_semaphore, #tpu.memory_space<semaphore_mem>>, %arg24: memref<!tpu.dma_semaphore, #tpu.memory_space<semaphore_mem>>) attributes {dimension_semantics = [#tpu.dimension_semantics<core_parallel>, #tpu.dimension_semantics<subcore_parallel>], iteration_bounds = array<i64: 2, 16>, scalar_prefetch = 0 : i64, scratch_operands = 16 : i64, tpu.core_type = #tpu.core_type<sc_vector_subcore>, window_params = [{transform_indices = #map}, {transform_indices = #map}, {transform_indices = #map}, {transform_indices = #map}, {transform_indices = #map}, {transform_indices = #map}, {transform_indices = #map}]} {
    %mul3A = arith.constant 16 : i32
    %mul3A_0 = arith.muli %arg0, %mul3A : i32
    %add3A = arith.addi %mul3A_0, %arg1 : i32
    "tpu.region"() ({
      %run_scoped3A = tpu.sem_alloc : memref<!tpu.dma_semaphore, #tpu.memory_space<semaphore_mem>>
      tpu.enqueue_dma source(%arg6 : memref<16xf32, #tpu.memory_space<hbm>>) target(%arg12 : memref<16xf32, #tpu.memory_space<vmem>>) target_semaphore(%run_scoped3A : memref<!tpu.dma_semaphore, #tpu.memory_space<semaphore_mem>>)
      tpu.wait_dma2 semaphore(%run_scoped3A : memref<!tpu.dma_semaphore, #tpu.memory_space<semaphore_mem>>) src(%arg6 : memref<16xf32, #tpu.memory_space<hbm>>) dst(%arg12 : memref<16xf32, #tpu.memory_space<vmem>>)
      tpu.yield
    }) : () -> ()
    %get3A = arith.constant 0 : index
    %get3A_1 = tpu.vector_load %arg12[%get3A] {strides = array<i32>} : memref<16xf32, #tpu.memory_space<vmem>>, vector<16xf32>,
    %mul3A_2 = arith.constant 6272 : i32
    %mul3A_3 = arith.muli %arg1, %mul3A_2 : i32
    %add3A_4 = arith.constant 0 : i32
    %add3A_5 = arith.addi %mul3A_3, %add3A_4 : i32
    "tpu.region"() ({
      %run_scoped3A = tpu.sem_alloc : memref<!tpu.dma_semaphore, #tpu.memory_space<semaphore_mem>>
      %dma_start3A_94 = arith.constant 0 : i32
      %dma_start3A_95 = tpu.memref_slice %arg19[%dma_start3A_94] : memref<2048xf32, #tpu.memory_space<vmem>> -> memref<2048xf32, #tpu.memory_space<vmem>>
      %dma_start3A_96 = tpu.memref_slice %arg4[%add3A_5] : memref<100352xf32, #tpu.memory_space<hbm>> -> memref<2048xf32, #tpu.memory_space<hbm>>
      %dma_start3A_97 = arith.constant 0 : i32
      %dma_start3A_98 = tpu.memref_slice %arg19[%dma_start3A_97] : memref<2048xf32, #tpu.memory_space<vmem>> -> memref<2048xf32, #tpu.memory_space<vmem>>
      %dma_start3A_99 = tpu.memref_slice %arg4[%add3A_5] : memref<100352xf32, #tpu.memory_space<hbm>> -> memref<2048xf32, #tpu.memory_space<hbm>>
      tpu.enqueue_dma source(%dma_start3A_99 : memref<2048xf32, #tpu.memory_space<hbm>>) target(%dma_start3A_98 : memref<2048xf32, #tpu.memory_space<vmem>>) target_semaphore(%run_scoped3A : memref<!tpu.dma_semaphore, #tpu.memory_space<semaphore_mem>>)
      %dma_wait3A_100 = arith.constant 0 : i32
      %dma_wait3A_101 = tpu.memref_slice %arg19[%dma_wait3A_100] : memref<2048xf32, #tpu.memory_space<vmem>> -> memref<2048xf32, #tpu.memory_space<vmem>>
      %dma_wait3A_102 = tpu.memref_slice %arg4[%add3A_5] : memref<100352xf32, #tpu.memory_space<hbm>> -> memref<2048xf32, #tpu.memory_space<hbm>>
      %dma_wait3A_103 = arith.constant 0 : i32
      %dma_wait3A_104 = tpu.memref_slice %arg19[%dma_wait3A_103] : memref<2048xf32, #tpu.memory_space<vmem>> -> memref<2048xf32, #tpu.memory_space<vmem>>
      %dma_wait3A_105 = tpu.memref_slice %arg4[%add3A_5] : memref<100352xf32, #tpu.memory_space<hbm>> -> memref<2048xf32, #tpu.memory_space<hbm>>
      tpu.wait_dma2 semaphore(%run_scoped3A : memref<!tpu.dma_semaphore, #tpu.memory_space<semaphore_mem>>) src(%dma_wait3A_105 : memref<2048xf32, #tpu.memory_space<hbm>>) dst(%dma_wait3A_104 : memref<2048xf32, #tpu.memory_space<vmem>>)
      tpu.yield
    }) : () -> ()
    "tpu.region"() ({
      %run_scoped3A = tpu.sem_alloc : memref<!tpu.dma_semaphore, #tpu.memory_space<semaphore_mem>>
      %dma_start3A_94 = arith.constant 0 : i32
      %dma_start3A_95 = tpu.memref_slice %arg20[%dma_start3A_94] : memref<2048xf32, #tpu.memory_space<vmem>> -> memref<2048xf32, #tpu.memory_space<vmem>>
      %dma_start3A_96 = tpu.memref_slice %arg5[%add3A_5] : memref<100352xf32, #tpu.memory_space<hbm>> -> memref<2048xf32, #tpu.memory_space<hbm>>
      %dma_start3A_97 = arith.constant 0 : i32
      %dma_start3A_98 = tpu.memref_slice %arg20[%dma_start3A_97] : memref<2048xf32, #tpu.memory_space<vmem>> -> memref<2048xf32, #tpu.memory_space<vmem>>
      %dma_start3A_99 = tpu.memref_slice %arg5[%add3A_5] : memref<100352xf32, #tpu.memory_space<hbm>> -> memref<2048xf32, #tpu.memory_space<hbm>>
      tpu.enqueue_dma source(%dma_start3A_99 : memref<2048xf32, #tpu.memory_space<hbm>>) target(%dma_start3A_98 : memref<2048xf32, #tpu.memory_space<vmem>>) target_semaphore(%run_scoped3A : memref<!tpu.dma_semaphore, #tpu.memory_space<semaphore_mem>>)
      %dma_wait3A_100 = arith.constant 0 : i32
      %dma_wait3A_101 = tpu.memref_slice %arg20[%dma_wait3A_100] : memref<2048xf32, #tpu.memory_space<vmem>> -> memref<2048xf32, #tpu.memory_space<vmem>>
      %dma_wait3A_102 = tpu.memref_slice %arg5[%add3A_5] : memref<100352xf32, #tpu.memory_space<hbm>> -> memref<2048xf32, #tpu.memory_space<hbm>>
      %dma_wait3A_103 = arith.constant 0 : i32
      %dma_wait3A_104 = tpu.memref_slice %arg20[%dma_wait3A_103] : memref<2048xf32, #tpu.memory_space<vmem>> -> memref<2048xf32, #tpu.memory_space<vmem>>
      %dma_wait3A_105 = tpu.memref_slice %arg5[%add3A_5] : memref<100352xf32, #tpu.memory_space<hbm>> -> memref<2048xf32, #tpu.memory_space<hbm>>
      tpu.wait_dma2 semaphore(%run_scoped3A : memref<!tpu.dma_semaphore, #tpu.memory_space<semaphore_mem>>) src(%dma_wait3A_105 : memref<2048xf32, #tpu.memory_space<hbm>>) dst(%dma_wait3A_104 : memref<2048xf32, #tpu.memory_space<vmem>>)
      tpu.yield
    }) : () -> ()
    %scan3A = arith.constant 0 : i32
    %scan3A_6 = arith.constant 128 : i32
    %scan3A_7 = arith.addi %scan3A, %scan3A_6 : i32
    %scan3A_8 = arith.constant 1 : i32
    scf.for %scan3A_94 = %scan3A to %scan3A_7 step %scan3A_8  : i32 {
      %mul3A_95 = arith.constant 1 : i32
      %mul3A_96 = arith.muli %scan3A_94, %mul3A_95 : i32
      %add3A_97 = arith.constant 0 : i32
      %add3A_98 = arith.addi %add3A_97, %mul3A_96 : i32
      %mul3A_99 = arith.constant 16 : i32
      %mul3A_100 = arith.muli %add3A_98, %mul3A_99 : i32
      %get3A_101 = arith.index_cast %mul3A_100 : i32 to index
      %get3A_102 = tpu.vector_load %arg19[%get3A_101] {strides = array<i32>} : memref<2048xf32, #tpu.memory_space<vmem>>, vector<16xf32>,
      %get3A_103 = arith.index_cast %mul3A_100 : i32 to index
      %get3A_104 = tpu.vector_load %arg20[%get3A_103] {strides = array<i32>} : memref<2048xf32, #tpu.memory_space<vmem>>, vector<16xf32>,
      %add3A_105 = arith.addf %get3A_102, %get3A_104 : vector<16xf32>
      %mul3A_106 = arith.mulf %add3A_105, %get3A_1 : vector<16xf32>
      %max3A = arith.constant 0.000000e+00 : f32
      %max3A_107 = vector.broadcast %max3A : f32 to vector<16xf32>
      %max3A_108 = arith.maximumf %mul3A_106, %max3A_107 : vector<16xf32>
      %swap3A = arith.index_cast %mul3A_100 : i32 to index
      %swap3A_109 = tpu.vector_load %arg19[%swap3A] {strides = array<i32>} : memref<2048xf32, #tpu.memory_space<vmem>>, vector<16xf32>,
      tpu.vector_store %arg19[%swap3A], %max3A_108 {strides = array<i32>} : memref<2048xf32, #tpu.memory_space<vmem>>, vector<16xf32>,
    }
    %scan3A_9 = arith.constant 128 : i32
    "tpu.region"() ({
      %run_scoped3A = tpu.sem_alloc : memref<!tpu.dma_semaphore, #tpu.memory_space<semaphore_mem>>
      %dma_start3A_94 = arith.constant 0 : i32
      %dma_start3A_95 = tpu.memref_slice %arg19[%dma_start3A_94] : memref<2048xf32, #tpu.memory_space<vmem>> -> memref<2048xf32, #tpu.memory_space<vmem>>
      %dma_start3A_96 = tpu.memref_slice %arg10[%add3A_5] : memref<100352xf32, #tpu.memory_space<vmem_shared>> -> memref<2048xf32, #tpu.memory_space<vmem_shared>>
      %dma_start3A_97 = tpu.memref_slice %arg10[%add3A_5] : memref<100352xf32, #tpu.memory_space<vmem_shared>> -> memref<2048xf32, #tpu.memory_space<vmem_shared>>
      %dma_start3A_98 = arith.constant 0 : i32
      %dma_start3A_99 = tpu.memref_slice %arg19[%dma_start3A_98] : memref<2048xf32, #tpu.memory_space<vmem>> -> memref<2048xf32, #tpu.memory_space<vmem>>
      tpu.enqueue_dma source(%dma_start3A_99 : memref<2048xf32, #tpu.memory_space<vmem>>) target(%dma_start3A_97 : memref<2048xf32, #tpu.memory_space<vmem_shared>>) target_semaphore(%run_scoped3A : memref<!tpu.dma_semaphore, #tpu.memory_space<semaphore_mem>>)
      %dma_wait3A_100 = arith.constant 0 : i32
      %dma_wait3A_101 = tpu.memref_slice %arg19[%dma_wait3A_100] : memref<2048xf32, #tpu.memory_space<vmem>> -> memref<2048xf32, #tpu.memory_space<vmem>>
      %dma_wait3A_102 = tpu.memref_slice %arg10[%add3A_5] : memref<100352xf32, #tpu.memory_space<vmem_shared>> -> memref<2048xf32, #tpu.memory_space<vmem_shared>>
      %dma_wait3A_103 = tpu.memref_slice %arg10[%add3A_5] : memref<100352xf32, #tpu.memory_space<vmem_shared>> -> memref<2048xf32, #tpu.memory_space<vmem_shared>>
      %dma_wait3A_104 = arith.constant 0 : i32
      %dma_wait3A_105 = tpu.memref_slice %arg19[%dma_wait3A_104] : memref<2048xf32, #tpu.memory_space<vmem>> -> memref<2048xf32, #tpu.memory_space<vmem>>
      tpu.wait_dma2 semaphore(%run_scoped3A : memref<!tpu.dma_semaphore, #tpu.memory_space<semaphore_mem>>) src(%dma_wait3A_105 : memref<2048xf32, #tpu.memory_space<vmem>>) dst(%dma_wait3A_103 : memref<2048xf32, #tpu.memory_space<vmem_shared>>)
      tpu.yield
    }) : () -> ()
    %mul3A_10 = arith.constant 6272 : i32
    %mul3A_11 = arith.muli %arg1, %mul3A_10 : i32
    %add3A_12 = arith.constant 2048 : i32
    %add3A_13 = arith.addi %mul3A_11, %add3A_12 : i32
    "tpu.region"() ({
      %run_scoped3A = tpu.sem_alloc : memref<!tpu.dma_semaphore, #tpu.memory_space<semaphore_mem>>
      %dma_start3A_94 = arith.constant 0 : i32
      %dma_start3A_95 = tpu.memref_slice %arg19[%dma_start3A_94] : memref<2048xf32, #tpu.memory_space<vmem>> -> memref<2048xf32, #tpu.memory_space<vmem>>
      %dma_start3A_96 = tpu.memref_slice %arg4[%add3A_13] : memref<100352xf32, #tpu.memory_space<hbm>> -> memref<2048xf32, #tpu.memory_space<hbm>>
      %dma_start3A_97 = arith.constant 0 : i32
      %dma_start3A_98 = tpu.memref_slice %arg19[%dma_start3A_97] : memref<2048xf32, #tpu.memory_space<vmem>> -> memref<2048xf32, #tpu.memory_space<vmem>>
      %dma_start3A_99 = tpu.memref_slice %arg4[%add3A_13] : memref<100352xf32, #tpu.memory_space<hbm>> -> memref<2048xf32, #tpu.memory_space<hbm>>
      tpu.enqueue_dma source(%dma_start3A_99 : memref<2048xf32, #tpu.memory_space<hbm>>) target(%dma_start3A_98 : memref<2048xf32, #tpu.memory_space<vmem>>) target_semaphore(%run_scoped3A : memref<!tpu.dma_semaphore, #tpu.memory_space<semaphore_mem>>)
      %dma_wait3A_100 = arith.constant 0 : i32
      %dma_wait3A_101 = tpu.memref_slice %arg19[%dma_wait3A_100] : memref<2048xf32, #tpu.memory_space<vmem>> -> memref<2048xf32, #tpu.memory_space<vmem>>
      %dma_wait3A_102 = tpu.memref_slice %arg4[%add3A_13] : memref<100352xf32, #tpu.memory_space<hbm>> -> memref<2048xf32, #tpu.memory_space<hbm>>
      %dma_wait3A_103 = arith.constant 0 : i32
      %dma_wait3A_104 = tpu.memref_slice %arg19[%dma_wait3A_103] : memref<2048xf32, #tpu.memory_space<vmem>> -> memref<2048xf32, #tpu.memory_space<vmem>>
      %dma_wait3A_105 = tpu.memref_slice %arg4[%add3A_13] : memref<100352xf32, #tpu.memory_space<hbm>> -> memref<2048xf32, #tpu.memory_space<hbm>>
      tpu.wait_dma2 semaphore(%run_scoped3A : memref<!tpu.dma_semaphore, #tpu.memory_space<semaphore_mem>>) src(%dma_wait3A_105 : memref<2048xf32, #tpu.memory_space<hbm>>) dst(%dma_wait3A_104 : memref<2048xf32, #tpu.memory_space<vmem>>)
      tpu.yield
    }) : () -> ()
    "tpu.region"() ({
      %run_scoped3A = tpu.sem_alloc : memref<!tpu.dma_semaphore, #tpu.memory_space<semaphore_mem>>
      %dma_start3A_94 = arith.constant 0 : i32
      %dma_start3A_95 = tpu.memref_slice %arg20[%dma_start3A_94] : memref<2048xf32, #tpu.memory_space<vmem>> -> memref<2048xf32, #tpu.memory_space<vmem>>
      %dma_start3A_96 = tpu.memref_slice %arg5[%add3A_13] : memref<100352xf32, #tpu.memory_space<hbm>> -> memref<2048xf32, #tpu.memory_space<hbm>>
      %dma_start3A_97 = arith.constant 0 : i32
      %dma_start3A_98 = tpu.memref_slice %arg20[%dma_start3A_97] : memref<2048xf32, #tpu.memory_space<vmem>> -> memref<2048xf32, #tpu.memory_space<vmem>>
      %dma_start3A_99 = tpu.memref_slice %arg5[%add3A_13] : memref<100352xf32, #tpu.memory_space<hbm>> -> memref<2048xf32, #tpu.memory_space<hbm>>
      tpu.enqueue_dma source(%dma_start3A_99 : memref<2048xf32, #tpu.memory_space<hbm>>) target(%dma_start3A_98 : memref<2048xf32, #tpu.memory_space<vmem>>) target_semaphore(%run_scoped3A : memref<!tpu.dma_semaphore, #tpu.memory_space<semaphore_mem>>)
      %dma_wait3A_100 = arith.constant 0 : i32
      %dma_wait3A_101 = tpu.memref_slice %arg20[%dma_wait3A_100] : memref<2048xf32, #tpu.memory_space<vmem>> -> memref<2048xf32, #tpu.memory_space<vmem>>
      %dma_wait3A_102 = tpu.memref_slice %arg5[%add3A_13] : memref<100352xf32, #tpu.memory_space<hbm>> -> memref<2048xf32, #tpu.memory_space<hbm>>
      %dma_wait3A_103 = arith.constant 0 : i32
      %dma_wait3A_104 = tpu.memref_slice %arg20[%dma_wait3A_103] : memref<2048xf32, #tpu.memory_space<vmem>> -> memref<2048xf32, #tpu.memory_space<vmem>>
      %dma_wait3A_105 = tpu.memref_slice %arg5[%add3A_13] : memref<100352xf32, #tpu.memory_space<hbm>> -> memref<2048xf32, #tpu.memory_space<hbm>>
      tpu.wait_dma2 semaphore(%run_scoped3A : memref<!tpu.dma_semaphore, #tpu.memory_space<semaphore_mem>>) src(%dma_wait3A_105 : memref<2048xf32, #tpu.memory_space<hbm>>) dst(%dma_wait3A_104 : memref<2048xf32, #tpu.memory_space<vmem>>)
      tpu.yield
    }) : () -> ()
    %scan3A_14 = arith.constant 0 : i32
    %scan3A_15 = arith.constant 128 : i32
    %scan3A_16 = arith.addi %scan3A_14, %scan3A_15 : i32
    %scan3A_17 = arith.constant 1 : i32
    scf.for %scan3A_94 = %scan3A_14 to %scan3A_16 step %scan3A_17  : i32 {
      %mul3A_95 = arith.constant 1 : i32
      %mul3A_96 = arith.muli %scan3A_94, %mul3A_95 : i32
      %add3A_97 = arith.constant 0 : i32
      %add3A_98 = arith.addi %add3A_97, %mul3A_96 : i32
      %mul3A_99 = arith.constant 16 : i32
      %mul3A_100 = arith.muli %add3A_98, %mul3A_99 : i32
      %get3A_101 = arith.index_cast %mul3A_100 : i32 to index
      %get3A_102 = tpu.vector_load %arg19[%get3A_101] {strides = array<i32>} : memref<2048xf32, #tpu.memory_space<vmem>>, vector<16xf32>,
      %get3A_103 = arith.index_cast %mul3A_100 : i32 to index
      %get3A_104 = tpu.vector_load %arg20[%get3A_103] {strides = array<i32>} : memref<2048xf32, #tpu.memory_space<vmem>>, vector<16xf32>,
      %add3A_105 = arith.addf %get3A_102, %get3A_104 : vector<16xf32>
      %mul3A_106 = arith.mulf %add3A_105, %get3A_1 : vector<16xf32>
      %max3A = arith.constant 0.000000e+00 : f32
      %max3A_107 = vector.broadcast %max3A : f32 to vector<16xf32>
      %max3A_108 = arith.maximumf %mul3A_106, %max3A_107 : vector<16xf32>
      %swap3A = arith.index_cast %mul3A_100 : i32 to index
      %swap3A_109 = tpu.vector_load %arg19[%swap3A] {strides = array<i32>} : memref<2048xf32, #tpu.memory_space<vmem>>, vector<16xf32>,
      tpu.vector_store %arg19[%swap3A], %max3A_108 {strides = array<i32>} : memref<2048xf32, #tpu.memory_space<vmem>>, vector<16xf32>,
    }
    %scan3A_18 = arith.constant 128 : i32
    "tpu.region"() ({
      %run_scoped3A = tpu.sem_alloc : memref<!tpu.dma_semaphore, #tpu.memory_space<semaphore_mem>>
      %dma_start3A_94 = arith.constant 0 : i32
      %dma_start3A_95 = tpu.memref_slice %arg19[%dma_start3A_94] : memref<2048xf32, #tpu.memory_space<vmem>> -> memref<2048xf32, #tpu.memory_space<vmem>>
      %dma_start3A_96 = tpu.memref_slice %arg10[%add3A_13] : memref<100352xf32, #tpu.memory_space<vmem_shared>> -> memref<2048xf32, #tpu.memory_space<vmem_shared>>
      %dma_start3A_97 = tpu.memref_slice %arg10[%add3A_13] : memref<100352xf32, #tpu.memory_space<vmem_shared>> -> memref<2048xf32, #tpu.memory_space<vmem_shared>>
      %dma_start3A_98 = arith.constant 0 : i32
      %dma_start3A_99 = tpu.memref_slice %arg19[%dma_start3A_98] : memref<2048xf32, #tpu.memory_space<vmem>> -> memref<2048xf32, #tpu.memory_space<vmem>>
      tpu.enqueue_dma source(%dma_start3A_99 : memref<2048xf32, #tpu.memory_space<vmem>>) target(%dma_start3A_97 : memref<2048xf32, #tpu.memory_space<vmem_shared>>) target_semaphore(%run_scoped3A : memref<!tpu.dma_semaphore, #tpu.memory_space<semaphore_mem>>)
      %dma_wait3A_100 = arith.constant 0 : i32
      %dma_wait3A_101 = tpu.memref_slice %arg19[%dma_wait3A_100] : memref<2048xf32, #tpu.memory_space<vmem>> -> memref<2048xf32, #tpu.memory_space<vmem>>
      %dma_wait3A_102 = tpu.memref_slice %arg10[%add3A_13] : memref<100352xf32, #tpu.memory_space<vmem_shared>> -> memref<2048xf32, #tpu.memory_space<vmem_shared>>
      %dma_wait3A_103 = tpu.memref_slice %arg10[%add3A_13] : memref<100352xf32, #tpu.memory_space<vmem_shared>> -> memref<2048xf32, #tpu.memory_space<vmem_shared>>
      %dma_wait3A_104 = arith.constant 0 : i32
      %dma_wait3A_105 = tpu.memref_slice %arg19[%dma_wait3A_104] : memref<2048xf32, #tpu.memory_space<vmem>> -> memref<2048xf32, #tpu.memory_space<vmem>>
      tpu.wait_dma2 semaphore(%run_scoped3A : memref<!tpu.dma_semaphore, #tpu.memory_space<semaphore_mem>>) src(%dma_wait3A_105 : memref<2048xf32, #tpu.memory_space<vmem>>) dst(%dma_wait3A_103 : memref<2048xf32, #tpu.memory_space<vmem_shared>>)
      tpu.yield
    }) : () -> ()
    %mul3A_19 = arith.constant 6272 : i32
    %mul3A_20 = arith.muli %arg1, %mul3A_19 : i32
    %add3A_21 = arith.constant 4096 : i32
    %add3A_22 = arith.addi %mul3A_20, %add3A_21 : i32
    "tpu.region"() ({
      %run_scoped3A = tpu.sem_alloc : memref<!tpu.dma_semaphore, #tpu.memory_space<semaphore_mem>>
      %dma_start3A_94 = arith.constant 0 : i32
      %dma_start3A_95 = tpu.memref_slice %arg19[%dma_start3A_94] : memref<2048xf32, #tpu.memory_space<vmem>> -> memref<2048xf32, #tpu.memory_space<vmem>>
      %dma_start3A_96 = tpu.memref_slice %arg4[%add3A_22] : memref<100352xf32, #tpu.memory_space<hbm>> -> memref<2048xf32, #tpu.memory_space<hbm>>
      %dma_start3A_97 = arith.constant 0 : i32
      %dma_start3A_98 = tpu.memref_slice %arg19[%dma_start3A_97] : memref<2048xf32, #tpu.memory_space<vmem>> -> memref<2048xf32, #tpu.memory_space<vmem>>
      %dma_start3A_99 = tpu.memref_slice %arg4[%add3A_22] : memref<100352xf32, #tpu.memory_space<hbm>> -> memref<2048xf32, #tpu.memory_space<hbm>>
      tpu.enqueue_dma source(%dma_start3A_99 : memref<2048xf32, #tpu.memory_space<hbm>>) target(%dma_start3A_98 : memref<2048xf32, #tpu.memory_space<vmem>>) target_semaphore(%run_scoped3A : memref<!tpu.dma_semaphore, #tpu.memory_space<semaphore_mem>>)
      %dma_wait3A_100 = arith.constant 0 : i32
      %dma_wait3A_101 = tpu.memref_slice %arg19[%dma_wait3A_100] : memref<2048xf32, #tpu.memory_space<vmem>> -> memref<2048xf32, #tpu.memory_space<vmem>>
      %dma_wait3A_102 = tpu.memref_slice %arg4[%add3A_22] : memref<100352xf32, #tpu.memory_space<hbm>> -> memref<2048xf32, #tpu.memory_space<hbm>>
      %dma_wait3A_103 = arith.constant 0 : i32
      %dma_wait3A_104 = tpu.memref_slice %arg19[%dma_wait3A_103] : memref<2048xf32, #tpu.memory_space<vmem>> -> memref<2048xf32, #tpu.memory_space<vmem>>
      %dma_wait3A_105 = tpu.memref_slice %arg4[%add3A_22] : memref<100352xf32, #tpu.memory_space<hbm>> -> memref<2048xf32, #tpu.memory_space<hbm>>
      tpu.wait_dma2 semaphore(%run_scoped3A : memref<!tpu.dma_semaphore, #tpu.memory_space<semaphore_mem>>) src(%dma_wait3A_105 : memref<2048xf32, #tpu.memory_space<hbm>>) dst(%dma_wait3A_104 : memref<2048xf32, #tpu.memory_space<vmem>>)
      tpu.yield
    }) : () -> ()
    "tpu.region"() ({
      %run_scoped3A = tpu.sem_alloc : memref<!tpu.dma_semaphore, #tpu.memory_space<semaphore_mem>>
      %dma_start3A_94 = arith.constant 0 : i32
      %dma_start3A_95 = tpu.memref_slice %arg20[%dma_start3A_94] : memref<2048xf32, #tpu.memory_space<vmem>> -> memref<2048xf32, #tpu.memory_space<vmem>>
      %dma_start3A_96 = tpu.memref_slice %arg5[%add3A_22] : memref<100352xf32, #tpu.memory_space<hbm>> -> memref<2048xf32, #tpu.memory_space<hbm>>
      %dma_start3A_97 = arith.constant 0 : i32
      %dma_start3A_98 = tpu.memref_slice %arg20[%dma_start3A_97] : memref<2048xf32, #tpu.memory_space<vmem>> -> memref<2048xf32, #tpu.memory_space<vmem>>
      %dma_start3A_99 = tpu.memref_slice %arg5[%add3A_22] : memref<100352xf32, #tpu.memory_space<hbm>> -> memref<2048xf32, #tpu.memory_space<hbm>>
      tpu.enqueue_dma source(%dma_start3A_99 : memref<2048xf32, #tpu.memory_space<hbm>>) target(%dma_start3A_98 : memref<2048xf32, #tpu.memory_space<vmem>>) target_semaphore(%run_scoped3A : memref<!tpu.dma_semaphore, #tpu.memory_space<semaphore_mem>>)
      %dma_wait3A_100 = arith.constant 0 : i32
      %dma_wait3A_101 = tpu.memref_slice %arg20[%dma_wait3A_100] : memref<2048xf32, #tpu.memory_space<vmem>> -> memref<2048xf32, #tpu.memory_space<vmem>>
      %dma_wait3A_102 = tpu.memref_slice %arg5[%add3A_22] : memref<100352xf32, #tpu.memory_space<hbm>> -> memref<2048xf32, #tpu.memory_space<hbm>>
      %dma_wait3A_103 = arith.constant 0 : i32
      %dma_wait3A_104 = tpu.memref_slice %arg20[%dma_wait3A_103] : memref<2048xf32, #tpu.memory_space<vmem>> -> memref<2048xf32, #tpu.memory_space<vmem>>
      %dma_wait3A_105 = tpu.memref_slice %arg5[%add3A_22] : memref<100352xf32, #tpu.memory_space<hbm>> -> memref<2048xf32, #tpu.memory_space<hbm>>
      tpu.wait_dma2 semaphore(%run_scoped3A : memref<!tpu.dma_semaphore, #tpu.memory_space<semaphore_mem>>) src(%dma_wait3A_105 : memref<2048xf32, #tpu.memory_space<hbm>>) dst(%dma_wait3A_104 : memref<2048xf32, #tpu.memory_space<vmem>>)
      tpu.yield
    }) : () -> ()
    %scan3A_23 = arith.constant 0 : i32
    %scan3A_24 = arith.constant 128 : i32
    %scan3A_25 = arith.addi %scan3A_23, %scan3A_24 : i32
    %scan3A_26 = arith.constant 1 : i32
    scf.for %scan3A_94 = %scan3A_23 to %scan3A_25 step %scan3A_26  : i32 {
      %mul3A_95 = arith.constant 1 : i32
      %mul3A_96 = arith.muli %scan3A_94, %mul3A_95 : i32
      %add3A_97 = arith.constant 0 : i32
      %add3A_98 = arith.addi %add3A_97, %mul3A_96 : i32
      %mul3A_99 = arith.constant 16 : i32
      %mul3A_100 = arith.muli %add3A_98, %mul3A_99 : i32
      %get3A_101 = arith.index_cast %mul3A_100 : i32 to index
      %get3A_102 = tpu.vector_load %arg19[%get3A_101] {strides = array<i32>} : memref<2048xf32, #tpu.memory_space<vmem>>, vector<16xf32>,
      %get3A_103 = arith.index_cast %mul3A_100 : i32 to index
      %get3A_104 = tpu.vector_load %arg20[%get3A_103] {strides = array<i32>} : memref<2048xf32, #tpu.memory_space<vmem>>, vector<16xf32>,
      %add3A_105 = arith.addf %get3A_102, %get3A_104 : vector<16xf32>
      %mul3A_106 = arith.mulf %add3A_105, %get3A_1 : vector<16xf32>
      %max3A = arith.constant 0.000000e+00 : f32
      %max3A_107 = vector.broadcast %max3A : f32 to vector<16xf32>
      %max3A_108 = arith.maximumf %mul3A_106, %max3A_107 : vector<16xf32>
      %swap3A = arith.index_cast %mul3A_100 : i32 to index
      %swap3A_109 = tpu.vector_load %arg19[%swap3A] {strides = array<i32>} : memref<2048xf32, #tpu.memory_space<vmem>>, vector<16xf32>,
      tpu.vector_store %arg19[%swap3A], %max3A_108 {strides = array<i32>} : memref<2048xf32, #tpu.memory_space<vmem>>, vector<16xf32>,
    }
    %scan3A_27 = arith.constant 128 : i32
    "tpu.region"() ({
      %run_scoped3A = tpu.sem_alloc : memref<!tpu.dma_semaphore, #tpu.memory_space<semaphore_mem>>
      %dma_start3A_94 = arith.constant 0 : i32
      %dma_start3A_95 = tpu.memref_slice %arg19[%dma_start3A_94] : memref<2048xf32, #tpu.memory_space<vmem>> -> memref<2048xf32, #tpu.memory_space<vmem>>
      %dma_start3A_96 = tpu.memref_slice %arg10[%add3A_22] : memref<100352xf32, #tpu.memory_space<vmem_shared>> -> memref<2048xf32, #tpu.memory_space<vmem_shared>>
      %dma_start3A_97 = tpu.memref_slice %arg10[%add3A_22] : memref<100352xf32, #tpu.memory_space<vmem_shared>> -> memref<2048xf32, #tpu.memory_space<vmem_shared>>
      %dma_start3A_98 = arith.constant 0 : i32
      %dma_start3A_99 = tpu.memref_slice %arg19[%dma_start3A_98] : memref<2048xf32, #tpu.memory_space<vmem>> -> memref<2048xf32, #tpu.memory_space<vmem>>
      tpu.enqueue_dma source(%dma_start3A_99 : memref<2048xf32, #tpu.memory_space<vmem>>) target(%dma_start3A_97 : memref<2048xf32, #tpu.memory_space<vmem_shared>>) target_semaphore(%run_scoped3A : memref<!tpu.dma_semaphore, #tpu.memory_space<semaphore_mem>>)
      %dma_wait3A_100 = arith.constant 0 : i32
      %dma_wait3A_101 = tpu.memref_slice %arg19[%dma_wait3A_100] : memref<2048xf32, #tpu.memory_space<vmem>> -> memref<2048xf32, #tpu.memory_space<vmem>>
      %dma_wait3A_102 = tpu.memref_slice %arg10[%add3A_22] : memref<100352xf32, #tpu.memory_space<vmem_shared>> -> memref<2048xf32, #tpu.memory_space<vmem_shared>>
      %dma_wait3A_103 = tpu.memref_slice %arg10[%add3A_22] : memref<100352xf32, #tpu.memory_space<vmem_shared>> -> memref<2048xf32, #tpu.memory_space<vmem_shared>>
      %dma_wait3A_104 = arith.constant 0 : i32
      %dma_wait3A_105 = tpu.memref_slice %arg19[%dma_wait3A_104] : memref<2048xf32, #tpu.memory_space<vmem>> -> memref<2048xf32, #tpu.memory_space<vmem>>
      tpu.wait_dma2 semaphore(%run_scoped3A : memref<!tpu.dma_semaphore, #tpu.memory_space<semaphore_mem>>) src(%dma_wait3A_105 : memref<2048xf32, #tpu.memory_space<vmem>>) dst(%dma_wait3A_103 : memref<2048xf32, #tpu.memory_space<vmem_shared>>)
      tpu.yield
    }) : () -> ()
    %mul3A_28 = arith.constant 6272 : i32
    %mul3A_29 = arith.muli %arg1, %mul3A_28 : i32
    %add3A_30 = arith.constant 6144 : i32
    %add3A_31 = arith.addi %mul3A_29, %add3A_30 : i32
    "tpu.region"() ({
      %run_scoped3A = tpu.sem_alloc : memref<!tpu.dma_semaphore, #tpu.memory_space<semaphore_mem>>
      %dma_start3A_94 = arith.constant 0 : i32
      %dma_start3A_95 = tpu.memref_slice %arg19[%dma_start3A_94] : memref<2048xf32, #tpu.memory_space<vmem>> -> memref<128xf32, #tpu.memory_space<vmem>>
      %dma_start3A_96 = tpu.memref_slice %arg4[%add3A_31] : memref<100352xf32, #tpu.memory_space<hbm>> -> memref<128xf32, #tpu.memory_space<hbm>>
      %dma_start3A_97 = arith.constant 0 : i32
      %dma_start3A_98 = tpu.memref_slice %arg19[%dma_start3A_97] : memref<2048xf32, #tpu.memory_space<vmem>> -> memref<128xf32, #tpu.memory_space<vmem>>
      %dma_start3A_99 = tpu.memref_slice %arg4[%add3A_31] : memref<100352xf32, #tpu.memory_space<hbm>> -> memref<128xf32, #tpu.memory_space<hbm>>
      tpu.enqueue_dma source(%dma_start3A_99 : memref<128xf32, #tpu.memory_space<hbm>>) target(%dma_start3A_98 : memref<128xf32, #tpu.memory_space<vmem>>) target_semaphore(%run_scoped3A : memref<!tpu.dma_semaphore, #tpu.memory_space<semaphore_mem>>)
      %dma_wait3A_100 = arith.constant 0 : i32
      %dma_wait3A_101 = tpu.memref_slice %arg19[%dma_wait3A_100] : memref<2048xf32, #tpu.memory_space<vmem>> -> memref<128xf32, #tpu.memory_space<vmem>>
      %dma_wait3A_102 = tpu.memref_slice %arg4[%add3A_31] : memref<100352xf32, #tpu.memory_space<hbm>> -> memref<128xf32, #tpu.memory_space<hbm>>
      %dma_wait3A_103 = arith.constant 0 : i32
      %dma_wait3A_104 = tpu.memref_slice %arg19[%dma_wait3A_103] : memref<2048xf32, #tpu.memory_space<vmem>> -> memref<128xf32, #tpu.memory_space<vmem>>
      %dma_wait3A_105 = tpu.memref_slice %arg4[%add3A_31] : memref<100352xf32, #tpu.memory_space<hbm>> -> memref<128xf32, #tpu.memory_space<hbm>>
      tpu.wait_dma2 semaphore(%run_scoped3A : memref<!tpu.dma_semaphore, #tpu.memory_space<semaphore_mem>>) src(%dma_wait3A_105 : memref<128xf32, #tpu.memory_space<hbm>>) dst(%dma_wait3A_104 : memref<128xf32, #tpu.memory_space<vmem>>)
      tpu.yield
    }) : () -> ()
    "tpu.region"() ({
      %run_scoped3A = tpu.sem_alloc : memref<!tpu.dma_semaphore, #tpu.memory_space<semaphore_mem>>
      %dma_start3A_94 = arith.constant 0 : i32
      %dma_start3A_95 = tpu.memref_slice %arg20[%dma_start3A_94] : memref<2048xf32, #tpu.memory_space<vmem>> -> memref<128xf32, #tpu.memory_space<vmem>>
      %dma_start3A_96 = tpu.memref_slice %arg5[%add3A_31] : memref<100352xf32, #tpu.memory_space<hbm>> -> memref<128xf32, #tpu.memory_space<hbm>>
      %dma_start3A_97 = arith.constant 0 : i32
      %dma_start3A_98 = tpu.memref_slice %arg20[%dma_start3A_97] : memref<2048xf32, #tpu.memory_space<vmem>> -> memref<128xf32, #tpu.memory_space<vmem>>
      %dma_start3A_99 = tpu.memref_slice %arg5[%add3A_31] : memref<100352xf32, #tpu.memory_space<hbm>> -> memref<128xf32, #tpu.memory_space<hbm>>
      tpu.enqueue_dma source(%dma_start3A_99 : memref<128xf32, #tpu.memory_space<hbm>>) target(%dma_start3A_98 : memref<128xf32, #tpu.memory_space<vmem>>) target_semaphore(%run_scoped3A : memref<!tpu.dma_semaphore, #tpu.memory_space<semaphore_mem>>)
      %dma_wait3A_100 = arith.constant 0 : i32
      %dma_wait3A_101 = tpu.memref_slice %arg20[%dma_wait3A_100] : memref<2048xf32, #tpu.memory_space<vmem>> -> memref<128xf32, #tpu.memory_space<vmem>>
      %dma_wait3A_102 = tpu.memref_slice %arg5[%add3A_31] : memref<100352xf32, #tpu.memory_space<hbm>> -> memref<128xf32, #tpu.memory_space<hbm>>
      %dma_wait3A_103 = arith.constant 0 : i32
      %dma_wait3A_104 = tpu.memref_slice %arg20[%dma_wait3A_103] : memref<2048xf32, #tpu.memory_space<vmem>> -> memref<128xf32, #tpu.memory_space<vmem>>
      %dma_wait3A_105 = tpu.memref_slice %arg5[%add3A_31] : memref<100352xf32, #tpu.memory_space<hbm>> -> memref<128xf32, #tpu.memory_space<hbm>>
      tpu.wait_dma2 semaphore(%run_scoped3A : memref<!tpu.dma_semaphore, #tpu.memory_space<semaphore_mem>>) src(%dma_wait3A_105 : memref<128xf32, #tpu.memory_space<hbm>>) dst(%dma_wait3A_104 : memref<128xf32, #tpu.memory_space<vmem>>)
      tpu.yield
    }) : () -> ()
    %scan3A_32 = arith.constant 0 : i32
    %scan3A_33 = arith.constant 8 : i32
    %scan3A_34 = arith.addi %scan3A_32, %scan3A_33 : i32
    %scan3A_35 = arith.constant 1 : i32
    scf.for %scan3A_94 = %scan3A_32 to %scan3A_34 step %scan3A_35  : i32 {
      %mul3A_95 = arith.constant 1 : i32
      %mul3A_96 = arith.muli %scan3A_94, %mul3A_95 : i32
      %add3A_97 = arith.constant 0 : i32
      %add3A_98 = arith.addi %add3A_97, %mul3A_96 : i32
      %mul3A_99 = arith.constant 16 : i32
      %mul3A_100 = arith.muli %add3A_98, %mul3A_99 : i32
      %get3A_101 = arith.index_cast %mul3A_100 : i32 to index
      %get3A_102 = tpu.vector_load %arg19[%get3A_101] {strides = array<i32>} : memref<2048xf32, #tpu.memory_space<vmem>>, vector<16xf32>,
      %get3A_103 = arith.index_cast %mul3A_100 : i32 to index
      %get3A_104 = tpu.vector_load %arg20[%get3A_103] {strides = array<i32>} : memref<2048xf32, #tpu.memory_space<vmem>>, vector<16xf32>,
      %add3A_105 = arith.addf %get3A_102, %get3A_104 : vector<16xf32>
      %mul3A_106 = arith.mulf %add3A_105, %get3A_1 : vector<16xf32>
      %max3A = arith.constant 0.000000e+00 : f32
      %max3A_107 = vector.broadcast %max3A : f32 to vector<16xf32>
      %max3A_108 = arith.maximumf %mul3A_106, %max3A_107 : vector<16xf32>
      %swap3A = arith.index_cast %mul3A_100 : i32 to index
      %swap3A_109 = tpu.vector_load %arg19[%swap3A] {strides = array<i32>} : memref<2048xf32, #tpu.memory_space<vmem>>, vector<16xf32>,
      tpu.vector_store %arg19[%swap3A], %max3A_108 {strides = array<i32>} : memref<2048xf32, #tpu.memory_space<vmem>>, vector<16xf32>,
    }
    %scan3A_36 = arith.constant 8 : i32
    "tpu.region"() ({
      %run_scoped3A = tpu.sem_alloc : memref<!tpu.dma_semaphore, #tpu.memory_space<semaphore_mem>>
      %dma_start3A_94 = arith.constant 0 : i32
      %dma_start3A_95 = tpu.memref_slice %arg19[%dma_start3A_94] : memref<2048xf32, #tpu.memory_space<vmem>> -> memref<128xf32, #tpu.memory_space<vmem>>
      %dma_start3A_96 = tpu.memref_slice %arg10[%add3A_31] : memref<100352xf32, #tpu.memory_space<vmem_shared>> -> memref<128xf32, #tpu.memory_space<vmem_shared>>
      %dma_start3A_97 = tpu.memref_slice %arg10[%add3A_31] : memref<100352xf32, #tpu.memory_space<vmem_shared>> -> memref<128xf32, #tpu.memory_space<vmem_shared>>
      %dma_start3A_98 = arith.constant 0 : i32
      %dma_start3A_99 = tpu.memref_slice %arg19[%dma_start3A_98] : memref<2048xf32, #tpu.memory_space<vmem>> -> memref<128xf32, #tpu.memory_space<vmem>>
      tpu.enqueue_dma source(%dma_start3A_99 : memref<128xf32, #tpu.memory_space<vmem>>) target(%dma_start3A_97 : memref<128xf32, #tpu.memory_space<vmem_shared>>) target_semaphore(%run_scoped3A : memref<!tpu.dma_semaphore, #tpu.memory_space<semaphore_mem>>)
      %dma_wait3A_100 = arith.constant 0 : i32
      %dma_wait3A_101 = tpu.memref_slice %arg19[%dma_wait3A_100] : memref<2048xf32, #tpu.memory_space<vmem>> -> memref<128xf32, #tpu.memory_space<vmem>>
      %dma_wait3A_102 = tpu.memref_slice %arg10[%add3A_31] : memref<100352xf32, #tpu.memory_space<vmem_shared>> -> memref<128xf32, #tpu.memory_space<vmem_shared>>
      %dma_wait3A_103 = tpu.memref_slice %arg10[%add3A_31] : memref<100352xf32, #tpu.memory_space<vmem_shared>> -> memref<128xf32, #tpu.memory_space<vmem_shared>>
      %dma_wait3A_104 = arith.constant 0 : i32
      %dma_wait3A_105 = tpu.memref_slice %arg19[%dma_wait3A_104] : memref<2048xf32, #tpu.memory_space<vmem>> -> memref<128xf32, #tpu.memory_space<vmem>>
      tpu.wait_dma2 semaphore(%run_scoped3A : memref<!tpu.dma_semaphore, #tpu.memory_space<semaphore_mem>>) src(%dma_wait3A_105 : memref<128xf32, #tpu.memory_space<vmem>>) dst(%dma_wait3A_103 : memref<128xf32, #tpu.memory_space<vmem_shared>>)
      tpu.yield
    }) : () -> ()
    %barrier3A = arith.constant 0 : index
    tpu.barrier barrier_id(%barrier3A)
    "tpu.region"() ({
      %run_scoped3A = tpu.sem_alloc : memref<!tpu.dma_semaphore, #tpu.memory_space<semaphore_mem>>
      tpu.enqueue_dma source(%arg10 : memref<100352xf32, #tpu.memory_space<vmem_shared>>) target(%arg9 : memref<100352xf32, #tpu.memory_space<vmem>>) target_semaphore(%run_scoped3A : memref<!tpu.dma_semaphore, #tpu.memory_space<semaphore_mem>>)
      tpu.wait_dma2 semaphore(%run_scoped3A : memref<!tpu.dma_semaphore, #tpu.memory_space<semaphore_mem>>) src(%arg10 : memref<100352xf32, #tpu.memory_space<vmem_shared>>) dst(%arg9 : memref<100352xf32, #tpu.memory_space<vmem>>)
      tpu.yield
    }) : () -> ()
    %barrier3A_37 = arith.constant 0 : index
    tpu.barrier barrier_id(%barrier3A_37)
    %scan3A_38 = arith.constant 0 : i32
    %scan3A_39 = arith.constant 196 : i32
    %scan3A_40 = arith.addi %scan3A_38, %scan3A_39 : i32
    %scan3A_41 = arith.constant 1 : i32
    scf.for %scan3A_94 = %scan3A_38 to %scan3A_40 step %scan3A_41  : i32 {
      %mul3A_95 = arith.constant 1 : i32
      %mul3A_96 = arith.muli %scan3A_94, %mul3A_95 : i32
      %add3A_97 = arith.constant 0 : i32
      %add3A_98 = arith.addi %add3A_97, %mul3A_96 : i32
      %broadcast_in_dim3A = arith.constant 0.000000e+00 : f32
      %broadcast_in_dim3A_99 = vector.broadcast %broadcast_in_dim3A : f32 to vector<16xf32>
      %mul3A_100 = arith.constant 16 : i32
      %mul3A_101 = arith.muli %add3A_98, %mul3A_100 : i32
      %swap3A = arith.index_cast %mul3A_101 : i32 to index
      %swap3A_102 = tpu.vector_load %arg11[%swap3A] {strides = array<i32>} : memref<3136xf32, #tpu.memory_space<vmem>>, vector<16xf32>,
      tpu.vector_store %arg11[%swap3A], %broadcast_in_dim3A_99 {strides = array<i32>} : memref<3136xf32, #tpu.memory_space<vmem>>, vector<16xf32>,
    }
    %scan3A_42 = arith.constant 196 : i32
    %mul3A_43 = arith.constant 6272 : i32
    %mul3A_44 = arith.muli %arg1, %mul3A_43 : i32
    "tpu.region"() ({
      %run_scoped3A = tpu.sem_alloc : memref<!tpu.dma_semaphore, #tpu.memory_space<semaphore_mem>>
      %dma_start3A_94 = tpu.memref_slice %arg10[%mul3A_44] : memref<100352xf32, #tpu.memory_space<vmem_shared>> -> memref<3136xf32, #tpu.memory_space<vmem_shared>>
      %dma_start3A_95 = tpu.memref_slice %arg10[%mul3A_44] : memref<100352xf32, #tpu.memory_space<vmem_shared>> -> memref<3136xf32, #tpu.memory_space<vmem_shared>>
      tpu.enqueue_dma source(%arg11 : memref<3136xf32, #tpu.memory_space<vmem>>) target(%dma_start3A_95 : memref<3136xf32, #tpu.memory_space<vmem_shared>>) target_semaphore(%run_scoped3A : memref<!tpu.dma_semaphore, #tpu.memory_space<semaphore_mem>>)
      %dma_wait3A_96 = tpu.memref_slice %arg10[%mul3A_44] : memref<100352xf32, #tpu.memory_space<vmem_shared>> -> memref<3136xf32, #tpu.memory_space<vmem_shared>>
      %dma_wait3A_97 = tpu.memref_slice %arg10[%mul3A_44] : memref<100352xf32, #tpu.memory_space<vmem_shared>> -> memref<3136xf32, #tpu.memory_space<vmem_shared>>
      tpu.wait_dma2 semaphore(%run_scoped3A : memref<!tpu.dma_semaphore, #tpu.memory_space<semaphore_mem>>) src(%arg11 : memref<3136xf32, #tpu.memory_space<vmem>>) dst(%dma_wait3A_97 : memref<3136xf32, #tpu.memory_space<vmem_shared>>)
      tpu.yield
    }) : () -> ()
    %mul3A_45 = arith.constant 6272 : i32
    %mul3A_46 = arith.muli %arg1, %mul3A_45 : i32
    %add3A_47 = arith.constant 3136 : i32
    %add3A_48 = arith.addi %mul3A_46, %add3A_47 : i32
    "tpu.region"() ({
      %run_scoped3A = tpu.sem_alloc : memref<!tpu.dma_semaphore, #tpu.memory_space<semaphore_mem>>
      %dma_start3A_94 = tpu.memref_slice %arg10[%add3A_48] : memref<100352xf32, #tpu.memory_space<vmem_shared>> -> memref<3136xf32, #tpu.memory_space<vmem_shared>>
      %dma_start3A_95 = tpu.memref_slice %arg10[%add3A_48] : memref<100352xf32, #tpu.memory_space<vmem_shared>> -> memref<3136xf32, #tpu.memory_space<vmem_shared>>
      tpu.enqueue_dma source(%arg11 : memref<3136xf32, #tpu.memory_space<vmem>>) target(%dma_start3A_95 : memref<3136xf32, #tpu.memory_space<vmem_shared>>) target_semaphore(%run_scoped3A : memref<!tpu.dma_semaphore, #tpu.memory_space<semaphore_mem>>)
      %dma_wait3A_96 = tpu.memref_slice %arg10[%add3A_48] : memref<100352xf32, #tpu.memory_space<vmem_shared>> -> memref<3136xf32, #tpu.memory_space<vmem_shared>>
      %dma_wait3A_97 = tpu.memref_slice %arg10[%add3A_48] : memref<100352xf32, #tpu.memory_space<vmem_shared>> -> memref<3136xf32, #tpu.memory_space<vmem_shared>>
      tpu.wait_dma2 semaphore(%run_scoped3A : memref<!tpu.dma_semaphore, #tpu.memory_space<semaphore_mem>>) src(%arg11 : memref<3136xf32, #tpu.memory_space<vmem>>) dst(%dma_wait3A_97 : memref<3136xf32, #tpu.memory_space<vmem_shared>>)
      tpu.yield
    }) : () -> ()
    %barrier3A_49 = arith.constant 0 : index
    tpu.barrier barrier_id(%barrier3A_49)
    %lt3A = arith.constant 21 : i32
    %lt3A_50 = arith.cmpi slt, %add3A, %lt3A : i32
    %jit3A = arith.constant 1 : i32
    %jit3A_51 = arith.constant 0 : i32
    %select_n3A = arith.select %lt3A_50, %jit3A, %jit3A_51 : i32
    %add3A_52 = arith.constant 97 : i32
    %add3A_53 = arith.addi %add3A_52, %select_n3A : i32
    %mul3A_54 = arith.constant 97 : i32
    %mul3A_55 = arith.muli %mul3A_54, %add3A : i32
    %min3A = arith.constant 21 : i32
    %min3A_56 = arith.minsi %add3A, %min3A : i32
    %add3A_57 = arith.addi %mul3A_55, %min3A_56 : i32
    %add3A_58 = arith.constant 0 : i32
    %add3A_59 = arith.addi %add3A_57, %add3A_58 : i32
    %mul3A_60 = arith.constant 2048 : i32
    %mul3A_61 = arith.muli %add3A_59, %mul3A_60 : i32
    %dma_start3A = tpu.memref_slice %arg2[%mul3A_61] : memref<6400000xi32, #tpu.memory_space<hbm>> -> memref<2048xi32, #tpu.memory_space<hbm>>
    %dma_start3A_62 = tpu.memref_slice %arg2[%mul3A_61] : memref<6400000xi32, #tpu.memory_space<hbm>> -> memref<2048xi32, #tpu.memory_space<hbm>>
    tpu.enqueue_dma source(%dma_start3A_62 : memref<2048xi32, #tpu.memory_space<hbm>>) target(%arg13 : memref<2048xi32, #tpu.memory_space<vmem>>) target_semaphore(%arg22 : memref<!tpu.dma_semaphore, #tpu.memory_space<semaphore_mem>>)
    %dma_start3A_63 = tpu.memref_slice %arg3[%mul3A_61] : memref<6400000xi32, #tpu.memory_space<hbm>> -> memref<2048xi32, #tpu.memory_space<hbm>>
    %dma_start3A_64 = tpu.memref_slice %arg3[%mul3A_61] : memref<6400000xi32, #tpu.memory_space<hbm>> -> memref<2048xi32, #tpu.memory_space<hbm>>
    tpu.enqueue_dma source(%dma_start3A_64 : memref<2048xi32, #tpu.memory_space<hbm>>) target(%arg16 : memref<2048xi32, #tpu.memory_space<vmem>>) target_semaphore(%arg22 : memref<!tpu.dma_semaphore, #tpu.memory_space<semaphore_mem>>)
    %sub3A = arith.constant 0 : i32
    %sub3A_65 = arith.subi %add3A_53, %sub3A : i32
    %sub3A_66 = arith.constant 1 : i32
    %sub3A_67 = arith.constant 1 : i32
    %sub3A_68 = arith.subi %sub3A_66, %sub3A_67 : i32
    %add3A_69 = arith.addi %sub3A_65, %sub3A_68 : i32
    %div3A = arith.constant 1 : i32
    %div3A_70 = arith.divsi %add3A_69, %div3A : i32
    %while3A = arith.constant 1 : i32
    %while3A_71 = arith.constant 0 : i32
    %while3A_72 = arith.constant 0 : i32
    %while3A_73 = arith.subi %div3A_70, %while3A_72 : i32
    %while3A_74 = arith.addi %while3A_72, %while3A_73 : i32
    %while3A_75 = arith.constant 1 : i32
    %while3A_76 = arith.divsi %while3A_73, %while3A_75 : i32
    %while3A_77 = arith.muli %while3A_76, %while3A_75 : i32
    %while3A_78 = arith.addi %while3A_72, %while3A_77 : i32
    %while3A_79 = arith.constant 1 : i32
    scf.for %while3A_94 = %while3A_72 to %while3A_78 step %while3A_79  : i32 {
      %mul3A_95 = arith.muli %while3A_94, %while3A : i32
      %add3A_96 = arith.addi %while3A_71, %mul3A_95 : i32
      %jit3A_97 = arith.constant 3 : i32
      %eq3A_98 = arith.constant 0 : i32
      %eq3A_99 = arith.cmpi eq, %jit3A_97, %eq3A_98 : i32
      %jit3A_100 = arith.constant 1 : i32
      %select_n3A_101 = arith.select %eq3A_99, %jit3A_100, %jit3A_97 : i32
      %rem3A = arith.remsi %add3A_96, %select_n3A_101 : i32
      %ne3A = arith.constant 0 : i32
      %ne3A_102 = arith.cmpi ne, %rem3A, %ne3A : i32
      %lt3A_103 = arith.constant 0 : i32
      %lt3A_104 = arith.cmpi slt, %rem3A, %lt3A_103 : i32
      %lt3A_105 = arith.constant 0 : i32
      %lt3A_106 = arith.cmpi slt, %select_n3A_101, %lt3A_105 : i32
      %ne3A_107 = arith.xori %lt3A_104, %lt3A_106 : i1
      %and3A = arith.andi %ne3A_107, %ne3A_102 : i1
      %add3A_108 = arith.addi %rem3A, %select_n3A_101 : i32
      %select_n3A_109 = arith.select %and3A, %add3A_108, %rem3A : i32
      %eq3A_110 = arith.constant 0 : i32
      %eq3A_111 = arith.cmpi eq, %select_n3A_109, %eq3A_110 : i32
      %convert_element_type3A_112 = arith.extui %eq3A_111 : i1 to i32
      %cond3A_113 = arith.constant 0 : i32
      %cond3A_114 = arith.cmpi ne, %convert_element_type3A_112, %cond3A_113 : i32
      scf.if %cond3A_114 {
        %dma_wait3A_157 = arith.constant 0 : i32
        %dma_wait3A_158 = tpu.memref_slice %arg2[%dma_wait3A_157] : memref<6400000xi32, #tpu.memory_space<hbm>> -> memref<2048xi32, #tpu.memory_space<hbm>>
        %dma_wait3A_159 = arith.constant 0 : i32
        %dma_wait3A_160 = tpu.memref_slice %arg2[%dma_wait3A_159] : memref<6400000xi32, #tpu.memory_space<hbm>> -> memref<2048xi32, #tpu.memory_space<hbm>>
        tpu.wait_dma2 semaphore(%arg22 : memref<!tpu.dma_semaphore, #tpu.memory_space<semaphore_mem>>) src(%dma_wait3A_160 : memref<2048xi32, #tpu.memory_space<hbm>>) dst(%arg13 : memref<2048xi32, #tpu.memory_space<vmem>>)
        %dma_wait3A_161 = arith.constant 0 : i32
        %dma_wait3A_162 = tpu.memref_slice %arg3[%dma_wait3A_161] : memref<6400000xi32, #tpu.memory_space<hbm>> -> memref<2048xi32, #tpu.memory_space<hbm>>
        %dma_wait3A_163 = arith.constant 0 : i32
        %dma_wait3A_164 = tpu.memref_slice %arg3[%dma_wait3A_163] : memref<6400000xi32, #tpu.memory_space<hbm>> -> memref<2048xi32, #tpu.memory_space<hbm>>
        tpu.wait_dma2 semaphore(%arg22 : memref<!tpu.dma_semaphore, #tpu.memory_space<semaphore_mem>>) src(%dma_wait3A_164 : memref<2048xi32, #tpu.memory_space<hbm>>) dst(%arg16 : memref<2048xi32, #tpu.memory_space<vmem>>)
        %ge3A = arith.constant 2 : i32
        %ge3A_165 = arith.cmpi sge, %add3A_96, %ge3A : i32
        %convert_element_type3A_166 = arith.extui %ge3A_165 : i1 to i32
        %cond3A_167 = arith.constant 0 : i32
        %cond3A_168 = arith.cmpi ne, %convert_element_type3A_166, %cond3A_167 : i32
        scf.if %cond3A_168 {
          %dma_wait3A_182 = arith.constant 0 : i32
          %dma_wait3A_183 = tpu.memref_slice %arg10[%dma_wait3A_182] : memref<100352xf32, #tpu.memory_space<vmem_shared>> -> memref<100352xf32, #tpu.memory_space<vmem_shared>>
          tpu.wait_indirect_dma semaphore(%arg24 : memref<!tpu.dma_semaphore, #tpu.memory_space<semaphore_mem>>) src(%arg19 : memref<2048xf32, #tpu.memory_space<vmem>>) dst(%dma_wait3A_183 : memref<100352xf32, #tpu.memory_space<vmem_shared>>)
        } else {
        }
        %add3A_169 = arith.constant 1 : i32
        %add3A_170 = arith.addi %add3A_96, %add3A_169 : i32
        %lt3A_171 = arith.cmpi slt, %add3A_170, %add3A_53 : i32
        %convert_element_type3A_172 = arith.extui %lt3A_171 : i1 to i32
        %cond3A_173 = arith.constant 0 : i32
        %cond3A_174 = arith.cmpi ne, %convert_element_type3A_172, %cond3A_173 : i32
        scf.if %cond3A_174 {
          %add3A_182 = arith.constant 1 : i32
          %add3A_183 = arith.addi %add3A_96, %add3A_182 : i32
          %add3A_184 = arith.addi %add3A_57, %add3A_183 : i32
          %mul3A_185 = arith.constant 2048 : i32
          %mul3A_186 = arith.muli %add3A_184, %mul3A_185 : i32
          %dma_start3A_187 = tpu.memref_slice %arg2[%mul3A_186] : memref<6400000xi32, #tpu.memory_space<hbm>> -> memref<2048xi32, #tpu.memory_space<hbm>>
          %dma_start3A_188 = tpu.memref_slice %arg2[%mul3A_186] : memref<6400000xi32, #tpu.memory_space<hbm>> -> memref<2048xi32, #tpu.memory_space<hbm>>
          tpu.enqueue_dma source(%dma_start3A_188 : memref<2048xi32, #tpu.memory_space<hbm>>) target(%arg14 : memref<2048xi32, #tpu.memory_space<vmem>>) target_semaphore(%arg22 : memref<!tpu.dma_semaphore, #tpu.memory_space<semaphore_mem>>)
          %dma_start3A_189 = tpu.memref_slice %arg3[%mul3A_186] : memref<6400000xi32, #tpu.memory_space<hbm>> -> memref<2048xi32, #tpu.memory_space<hbm>>
          %dma_start3A_190 = tpu.memref_slice %arg3[%mul3A_186] : memref<6400000xi32, #tpu.memory_space<hbm>> -> memref<2048xi32, #tpu.memory_space<hbm>>
          tpu.enqueue_dma source(%dma_start3A_190 : memref<2048xi32, #tpu.memory_space<hbm>>) target(%arg17 : memref<2048xi32, #tpu.memory_space<vmem>>) target_semaphore(%arg22 : memref<!tpu.dma_semaphore, #tpu.memory_space<semaphore_mem>>)
        } else {
        }
        %scan3A_175 = arith.constant 0 : i32
        %scan3A_176 = arith.constant 128 : i32
        %scan3A_177 = arith.addi %scan3A_175, %scan3A_176 : i32
        %scan3A_178 = arith.constant 8 : i32
        scf.for %scan3A_182 = %scan3A_175 to %scan3A_177 step %scan3A_178  : i32 {
          %mul3A_183 = arith.constant 1 : i32
          %mul3A_184 = arith.muli %scan3A_182, %mul3A_183 : i32
          %add3A_185 = arith.constant 0 : i32
          %add3A_186 = arith.addi %add3A_185, %mul3A_184 : i32
          %mul3A_187 = arith.constant 16 : i32
          %mul3A_188 = arith.muli %add3A_186, %mul3A_187 : i32
          %get3A_189 = arith.index_cast %mul3A_188 : i32 to index
          %get3A_190 = tpu.vector_load %arg13[%get3A_189] {strides = array<i32>} : memref<2048xi32, #tpu.memory_space<vmem>>, vector<16xi32>,
          %gather3A = tpu.vector_load_idx %arg9[%get3A_190] : memref<100352xf32, #tpu.memory_space<vmem>>[vector<16xi32>], vector<16xf32>,
          %swap3A = arith.index_cast %mul3A_188 : i32 to index
          %swap3A_191 = tpu.vector_load %arg19[%swap3A] {strides = array<i32>} : memref<2048xf32, #tpu.memory_space<vmem>>, vector<16xf32>,
          tpu.vector_store %arg19[%swap3A], %gather3A {strides = array<i32>} : memref<2048xf32, #tpu.memory_space<vmem>>, vector<16xf32>,
          %scan3A_192 = arith.constant 1 : i32
          %scan3A_193 = arith.addi %scan3A_182, %scan3A_192 : i32
          %mul3A_194 = arith.constant 1 : i32
          %mul3A_195 = arith.muli %scan3A_193, %mul3A_194 : i32
          %add3A_196 = arith.constant 0 : i32
          %add3A_197 = arith.addi %add3A_196, %mul3A_195 : i32
          %mul3A_198 = arith.constant 16 : i32
          %mul3A_199 = arith.muli %add3A_197, %mul3A_198 : i32
          %get3A_200 = arith.index_cast %mul3A_199 : i32 to index
          %get3A_201 = tpu.vector_load %arg13[%get3A_200] {strides = array<i32>} : memref<2048xi32, #tpu.memory_space<vmem>>, vector<16xi32>,
          %gather3A_202 = tpu.vector_load_idx %arg9[%get3A_201] : memref<100352xf32, #tpu.memory_space<vmem>>[vector<16xi32>], vector<16xf32>,
          %swap3A_203 = arith.index_cast %mul3A_199 : i32 to index
          %swap3A_204 = tpu.vector_load %arg19[%swap3A_203] {strides = array<i32>} : memref<2048xf32, #tpu.memory_space<vmem>>, vector<16xf32>,
          tpu.vector_store %arg19[%swap3A_203], %gather3A_202 {strides = array<i32>} : memref<2048xf32, #tpu.memory_space<vmem>>, vector<16xf32>,
          %scan3A_205 = arith.constant 2 : i32
          %scan3A_206 = arith.addi %scan3A_182, %scan3A_205 : i32
          %mul3A_207 = arith.constant 1 : i32
          %mul3A_208 = arith.muli %scan3A_206, %mul3A_207 : i32
          %add3A_209 = arith.constant 0 : i32
          %add3A_210 = arith.addi %add3A_209, %mul3A_208 : i32
          %mul3A_211 = arith.constant 16 : i32
          %mul3A_212 = arith.muli %add3A_210, %mul3A_211 : i32
          %get3A_213 = arith.index_cast %mul3A_212 : i32 to index
          %get3A_214 = tpu.vector_load %arg13[%get3A_213] {strides = array<i32>} : memref<2048xi32, #tpu.memory_space<vmem>>, vector<16xi32>,
          %gather3A_215 = tpu.vector_load_idx %arg9[%get3A_214] : memref<100352xf32, #tpu.memory_space<vmem>>[vector<16xi32>], vector<16xf32>,
          %swap3A_216 = arith.index_cast %mul3A_212 : i32 to index
          %swap3A_217 = tpu.vector_load %arg19[%swap3A_216] {strides = array<i32>} : memref<2048xf32, #tpu.memory_space<vmem>>, vector<16xf32>,
          tpu.vector_store %arg19[%swap3A_216], %gather3A_215 {strides = array<i32>} : memref<2048xf32, #tpu.memory_space<vmem>>, vector<16xf32>,
          %scan3A_218 = arith.constant 3 : i32
          %scan3A_219 = arith.addi %scan3A_182, %scan3A_218 : i32
          %mul3A_220 = arith.constant 1 : i32
          %mul3A_221 = arith.muli %scan3A_219, %mul3A_220 : i32
          %add3A_222 = arith.constant 0 : i32
          %add3A_223 = arith.addi %add3A_222, %mul3A_221 : i32
          %mul3A_224 = arith.constant 16 : i32
          %mul3A_225 = arith.muli %add3A_223, %mul3A_224 : i32
          %get3A_226 = arith.index_cast %mul3A_225 : i32 to index
          %get3A_227 = tpu.vector_load %arg13[%get3A_226] {strides = array<i32>} : memref<2048xi32, #tpu.memory_space<vmem>>, vector<16xi32>,
          %gather3A_228 = tpu.vector_load_idx %arg9[%get3A_227] : memref<100352xf32, #tpu.memory_space<vmem>>[vector<16xi32>], vector<16xf32>,
          %swap3A_229 = arith.index_cast %mul3A_225 : i32 to index
          %swap3A_230 = tpu.vector_load %arg19[%swap3A_229] {strides = array<i32>} : memref<2048xf32, #tpu.memory_space<vmem>>, vector<16xf32>,
          tpu.vector_store %arg19[%swap3A_229], %gather3A_228 {strides = array<i32>} : memref<2048xf32, #tpu.memory_space<vmem>>, vector<16xf32>,
          %scan3A_231 = arith.constant 4 : i32
          %scan3A_232 = arith.addi %scan3A_182, %scan3A_231 : i32
          %mul3A_233 = arith.constant 1 : i32
          %mul3A_234 = arith.muli %scan3A_232, %mul3A_233 : i32
          %add3A_235 = arith.constant 0 : i32
          %add3A_236 = arith.addi %add3A_235, %mul3A_234 : i32
          %mul3A_237 = arith.constant 16 : i32
          %mul3A_238 = arith.muli %add3A_236, %mul3A_237 : i32
          %get3A_239 = arith.index_cast %mul3A_238 : i32 to index
          %get3A_240 = tpu.vector_load %arg13[%get3A_239] {strides = array<i32>} : memref<2048xi32, #tpu.memory_space<vmem>>, vector<16xi32>,
          %gather3A_241 = tpu.vector_load_idx %arg9[%get3A_240] : memref<100352xf32, #tpu.memory_space<vmem>>[vector<16xi32>], vector<16xf32>,
          %swap3A_242 = arith.index_cast %mul3A_238 : i32 to index
          %swap3A_243 = tpu.vector_load %arg19[%swap3A_242] {strides = array<i32>} : memref<2048xf32, #tpu.memory_space<vmem>>, vector<16xf32>,
          tpu.vector_store %arg19[%swap3A_242], %gather3A_241 {strides = array<i32>} : memref<2048xf32, #tpu.memory_space<vmem>>, vector<16xf32>,
          %scan3A_244 = arith.constant 5 : i32
          %scan3A_245 = arith.addi %scan3A_182, %scan3A_244 : i32
          %mul3A_246 = arith.constant 1 : i32
          %mul3A_247 = arith.muli %scan3A_245, %mul3A_246 : i32
          %add3A_248 = arith.constant 0 : i32
          %add3A_249 = arith.addi %add3A_248, %mul3A_247 : i32
          %mul3A_250 = arith.constant 16 : i32
          %mul3A_251 = arith.muli %add3A_249, %mul3A_250 : i32
          %get3A_252 = arith.index_cast %mul3A_251 : i32 to index
          %get3A_253 = tpu.vector_load %arg13[%get3A_252] {strides = array<i32>} : memref<2048xi32, #tpu.memory_space<vmem>>, vector<16xi32>,
          %gather3A_254 = tpu.vector_load_idx %arg9[%get3A_253] : memref<100352xf32, #tpu.memory_space<vmem>>[vector<16xi32>], vector<16xf32>,
          %swap3A_255 = arith.index_cast %mul3A_251 : i32 to index
          %swap3A_256 = tpu.vector_load %arg19[%swap3A_255] {strides = array<i32>} : memref<2048xf32, #tpu.memory_space<vmem>>, vector<16xf32>,
          tpu.vector_store %arg19[%swap3A_255], %gather3A_254 {strides = array<i32>} : memref<2048xf32, #tpu.memory_space<vmem>>, vector<16xf32>,
          %scan3A_257 = arith.constant 6 : i32
          %scan3A_258 = arith.addi %scan3A_182, %scan3A_257 : i32
          %mul3A_259 = arith.constant 1 : i32
          %mul3A_260 = arith.muli %scan3A_258, %mul3A_259 : i32
          %add3A_261 = arith.constant 0 : i32
          %add3A_262 = arith.addi %add3A_261, %mul3A_260 : i32
          %mul3A_263 = arith.constant 16 : i32
          %mul3A_264 = arith.muli %add3A_262, %mul3A_263 : i32
          %get3A_265 = arith.index_cast %mul3A_264 : i32 to index
          %get3A_266 = tpu.vector_load %arg13[%get3A_265] {strides = array<i32>} : memref<2048xi32, #tpu.memory_space<vmem>>, vector<16xi32>,
          %gather3A_267 = tpu.vector_load_idx %arg9[%get3A_266] : memref<100352xf32, #tpu.memory_space<vmem>>[vector<16xi32>], vector<16xf32>,
          %swap3A_268 = arith.index_cast %mul3A_264 : i32 to index
          %swap3A_269 = tpu.vector_load %arg19[%swap3A_268] {strides = array<i32>} : memref<2048xf32, #tpu.memory_space<vmem>>, vector<16xf32>,
          tpu.vector_store %arg19[%swap3A_268], %gather3A_267 {strides = array<i32>} : memref<2048xf32, #tpu.memory_space<vmem>>, vector<16xf32>,
          %scan3A_270 = arith.constant 7 : i32
          %scan3A_271 = arith.addi %scan3A_182, %scan3A_270 : i32
          %mul3A_272 = arith.constant 1 : i32
          %mul3A_273 = arith.muli %scan3A_271, %mul3A_272 : i32
          %add3A_274 = arith.constant 0 : i32
          %add3A_275 = arith.addi %add3A_274, %mul3A_273 : i32
          %mul3A_276 = arith.constant 16 : i32
          %mul3A_277 = arith.muli %add3A_275, %mul3A_276 : i32
          %get3A_278 = arith.index_cast %mul3A_277 : i32 to index
          %get3A_279 = tpu.vector_load %arg13[%get3A_278] {strides = array<i32>} : memref<2048xi32, #tpu.memory_space<vmem>>, vector<16xi32>,
          %gather3A_280 = tpu.vector_load_idx %arg9[%get3A_279] : memref<100352xf32, #tpu.memory_space<vmem>>[vector<16xi32>], vector<16xf32>,
          %swap3A_281 = arith.index_cast %mul3A_277 : i32 to index
          %swap3A_282 = tpu.vector_load %arg19[%swap3A_281] {strides = array<i32>} : memref<2048xf32, #tpu.memory_space<vmem>>, vector<16xf32>,
          tpu.vector_store %arg19[%swap3A_281], %gather3A_280 {strides = array<i32>} : memref<2048xf32, #tpu.memory_space<vmem>>, vector<16xf32>,
        }
        %scan3A_179 = arith.constant 128 : i32
        %dma_start3A_180 = arith.constant 0 : i32
        %dma_start3A_181 = tpu.memref_slice %arg10[%dma_start3A_180] : memref<100352xf32, #tpu.memory_space<vmem_shared>> -> memref<100352xf32, #tpu.memory_space<vmem_shared>>
        tpu.enqueue_indirect_dma source(%arg19 : memref<2048xf32, #tpu.memory_space<vmem>>) target(%dma_start3A_181 : memref<100352xf32, #tpu.memory_space<vmem_shared>>) offsets(%arg16 : memref<2048xi32, #tpu.memory_space<vmem>>) semaphore(%arg24 : memref<!tpu.dma_semaphore, #tpu.memory_space<semaphore_mem>>) {add = true}
      } else {
      }
      %jit3A_115 = arith.constant 3 : i32
      %eq3A_116 = arith.constant 0 : i32
      %eq3A_117 = arith.cmpi eq, %jit3A_115, %eq3A_116 : i32
      %jit3A_118 = arith.constant 1 : i32
      %select_n3A_119 = arith.select %eq3A_117, %jit3A_118, %jit3A_115 : i32
      %rem3A_120 = arith.remsi %add3A_96, %select_n3A_119 : i32
      %ne3A_121 = arith.constant 0 : i32
      %ne3A_122 = arith.cmpi ne, %rem3A_120, %ne3A_121 : i32
      %lt3A_123 = arith.constant 0 : i32
      %lt3A_124 = arith.cmpi slt, %rem3A_120, %lt3A_123 : i32
      %lt3A_125 = arith.constant 0 : i32
      %lt3A_126 = arith.cmpi slt, %select_n3A_119, %lt3A_125 : i32
      %ne3A_127 = arith.xori %lt3A_124, %lt3A_126 : i1
      %and3A_128 = arith.andi %ne3A_127, %ne3A_122 : i1
      %add3A_129 = arith.addi %rem3A_120, %select_n3A_119 : i32
      %select_n3A_130 = arith.select %and3A_128, %add3A_129, %rem3A_120 : i32
      %eq3A_131 = arith.constant 1 : i32
      %eq3A_132 = arith.cmpi eq, %select_n3A_130, %eq3A_131 : i32
      %convert_element_type3A_133 = arith.extui %eq3A_132 : i1 to i32
      %cond3A_134 = arith.constant 0 : i32
      %cond3A_135 = arith.cmpi ne, %convert_element_type3A_133, %cond3A_134 : i32
      scf.if %cond3A_135 {
        %dma_wait3A_157 = arith.constant 0 : i32
        %dma_wait3A_158 = tpu.memref_slice %arg2[%dma_wait3A_157] : memref<6400000xi32, #tpu.memory_space<hbm>> -> memref<2048xi32, #tpu.memory_space<hbm>>
        %dma_wait3A_159 = arith.constant 0 : i32
        %dma_wait3A_160 = tpu.memref_slice %arg2[%dma_wait3A_159] : memref<6400000xi32, #tpu.memory_space<hbm>> -> memref<2048xi32, #tpu.memory_space<hbm>>
        tpu.wait_dma2 semaphore(%arg22 : memref<!tpu.dma_semaphore, #tpu.memory_space<semaphore_mem>>) src(%dma_wait3A_160 : memref<2048xi32, #tpu.memory_space<hbm>>) dst(%arg14 : memref<2048xi32, #tpu.memory_space<vmem>>)
        %dma_wait3A_161 = arith.constant 0 : i32
        %dma_wait3A_162 = tpu.memref_slice %arg3[%dma_wait3A_161] : memref<6400000xi32, #tpu.memory_space<hbm>> -> memref<2048xi32, #tpu.memory_space<hbm>>
        %dma_wait3A_163 = arith.constant 0 : i32
        %dma_wait3A_164 = tpu.memref_slice %arg3[%dma_wait3A_163] : memref<6400000xi32, #tpu.memory_space<hbm>> -> memref<2048xi32, #tpu.memory_space<hbm>>
        tpu.wait_dma2 semaphore(%arg22 : memref<!tpu.dma_semaphore, #tpu.memory_space<semaphore_mem>>) src(%dma_wait3A_164 : memref<2048xi32, #tpu.memory_space<hbm>>) dst(%arg17 : memref<2048xi32, #tpu.memory_space<vmem>>)
        %ge3A = arith.constant 2 : i32
        %ge3A_165 = arith.cmpi sge, %add3A_96, %ge3A : i32
        %convert_element_type3A_166 = arith.extui %ge3A_165 : i1 to i32
        %cond3A_167 = arith.constant 0 : i32
        %cond3A_168 = arith.cmpi ne, %convert_element_type3A_166, %cond3A_167 : i32
        scf.if %cond3A_168 {
          %dma_wait3A_182 = arith.constant 0 : i32
          %dma_wait3A_183 = tpu.memref_slice %arg10[%dma_wait3A_182] : memref<100352xf32, #tpu.memory_space<vmem_shared>> -> memref<100352xf32, #tpu.memory_space<vmem_shared>>
          tpu.wait_indirect_dma semaphore(%arg24 : memref<!tpu.dma_semaphore, #tpu.memory_space<semaphore_mem>>) src(%arg19 : memref<2048xf32, #tpu.memory_space<vmem>>) dst(%dma_wait3A_183 : memref<100352xf32, #tpu.memory_space<vmem_shared>>)
        } else {
        }
        %add3A_169 = arith.constant 1 : i32
        %add3A_170 = arith.addi %add3A_96, %add3A_169 : i32
        %lt3A_171 = arith.cmpi slt, %add3A_170, %add3A_53 : i32
        %convert_element_type3A_172 = arith.extui %lt3A_171 : i1 to i32
        %cond3A_173 = arith.constant 0 : i32
        %cond3A_174 = arith.cmpi ne, %convert_element_type3A_172, %cond3A_173 : i32
        scf.if %cond3A_174 {
          %add3A_182 = arith.constant 1 : i32
          %add3A_183 = arith.addi %add3A_96, %add3A_182 : i32
          %add3A_184 = arith.addi %add3A_57, %add3A_183 : i32
          %mul3A_185 = arith.constant 2048 : i32
          %mul3A_186 = arith.muli %add3A_184, %mul3A_185 : i32
          %dma_start3A_187 = tpu.memref_slice %arg2[%mul3A_186] : memref<6400000xi32, #tpu.memory_space<hbm>> -> memref<2048xi32, #tpu.memory_space<hbm>>
          %dma_start3A_188 = tpu.memref_slice %arg2[%mul3A_186] : memref<6400000xi32, #tpu.memory_space<hbm>> -> memref<2048xi32, #tpu.memory_space<hbm>>
          tpu.enqueue_dma source(%dma_start3A_188 : memref<2048xi32, #tpu.memory_space<hbm>>) target(%arg15 : memref<2048xi32, #tpu.memory_space<vmem>>) target_semaphore(%arg22 : memref<!tpu.dma_semaphore, #tpu.memory_space<semaphore_mem>>)
          %dma_start3A_189 = tpu.memref_slice %arg3[%mul3A_186] : memref<6400000xi32, #tpu.memory_space<hbm>> -> memref<2048xi32, #tpu.memory_space<hbm>>
          %dma_start3A_190 = tpu.memref_slice %arg3[%mul3A_186] : memref<6400000xi32, #tpu.memory_space<hbm>> -> memref<2048xi32, #tpu.memory_space<hbm>>
          tpu.enqueue_dma source(%dma_start3A_190 : memref<2048xi32, #tpu.memory_space<hbm>>) target(%arg18 : memref<2048xi32, #tpu.memory_space<vmem>>) target_semaphore(%arg22 : memref<!tpu.dma_semaphore, #tpu.memory_space<semaphore_mem>>)
        } else {
        }
        %scan3A_175 = arith.constant 0 : i32
        %scan3A_176 = arith.constant 128 : i32
        %scan3A_177 = arith.addi %scan3A_175, %scan3A_176 : i32
        %scan3A_178 = arith.constant 8 : i32
        scf.for %scan3A_182 = %scan3A_175 to %scan3A_177 step %scan3A_178  : i32 {
          %mul3A_183 = arith.constant 1 : i32
          %mul3A_184 = arith.muli %scan3A_182, %mul3A_183 : i32
          %add3A_185 = arith.constant 0 : i32
          %add3A_186 = arith.addi %add3A_185, %mul3A_184 : i32
          %mul3A_187 = arith.constant 16 : i32
          %mul3A_188 = arith.muli %add3A_186, %mul3A_187 : i32
          %get3A_189 = arith.index_cast %mul3A_188 : i32 to index
          %get3A_190 = tpu.vector_load %arg14[%get3A_189] {strides = array<i32>} : memref<2048xi32, #tpu.memory_space<vmem>>, vector<16xi32>,
          %gather3A = tpu.vector_load_idx %arg9[%get3A_190] : memref<100352xf32, #tpu.memory_space<vmem>>[vector<16xi32>], vector<16xf32>,
          %swap3A = arith.index_cast %mul3A_188 : i32 to index
          %swap3A_191 = tpu.vector_load %arg20[%swap3A] {strides = array<i32>} : memref<2048xf32, #tpu.memory_space<vmem>>, vector<16xf32>,
          tpu.vector_store %arg20[%swap3A], %gather3A {strides = array<i32>} : memref<2048xf32, #tpu.memory_space<vmem>>, vector<16xf32>,
          %scan3A_192 = arith.constant 1 : i32
          %scan3A_193 = arith.addi %scan3A_182, %scan3A_192 : i32
          %mul3A_194 = arith.constant 1 : i32
          %mul3A_195 = arith.muli %scan3A_193, %mul3A_194 : i32
          %add3A_196 = arith.constant 0 : i32
          %add3A_197 = arith.addi %add3A_196, %mul3A_195 : i32
          %mul3A_198 = arith.constant 16 : i32
          %mul3A_199 = arith.muli %add3A_197, %mul3A_198 : i32
          %get3A_200 = arith.index_cast %mul3A_199 : i32 to index
          %get3A_201 = tpu.vector_load %arg14[%get3A_200] {strides = array<i32>} : memref<2048xi32, #tpu.memory_space<vmem>>, vector<16xi32>,
          %gather3A_202 = tpu.vector_load_idx %arg9[%get3A_201] : memref<100352xf32, #tpu.memory_space<vmem>>[vector<16xi32>], vector<16xf32>,
          %swap3A_203 = arith.index_cast %mul3A_199 : i32 to index
          %swap3A_204 = tpu.vector_load %arg20[%swap3A_203] {strides = array<i32>} : memref<2048xf32, #tpu.memory_space<vmem>>, vector<16xf32>,
          tpu.vector_store %arg20[%swap3A_203], %gather3A_202 {strides = array<i32>} : memref<2048xf32, #tpu.memory_space<vmem>>, vector<16xf32>,
          %scan3A_205 = arith.constant 2 : i32
          %scan3A_206 = arith.addi %scan3A_182, %scan3A_205 : i32
          %mul3A_207 = arith.constant 1 : i32
          %mul3A_208 = arith.muli %scan3A_206, %mul3A_207 : i32
          %add3A_209 = arith.constant 0 : i32
          %add3A_210 = arith.addi %add3A_209, %mul3A_208 : i32
          %mul3A_211 = arith.constant 16 : i32
          %mul3A_212 = arith.muli %add3A_210, %mul3A_211 : i32
          %get3A_213 = arith.index_cast %mul3A_212 : i32 to index
          %get3A_214 = tpu.vector_load %arg14[%get3A_213] {strides = array<i32>} : memref<2048xi32, #tpu.memory_space<vmem>>, vector<16xi32>,
          %gather3A_215 = tpu.vector_load_idx %arg9[%get3A_214] : memref<100352xf32, #tpu.memory_space<vmem>>[vector<16xi32>], vector<16xf32>,
          %swap3A_216 = arith.index_cast %mul3A_212 : i32 to index
          %swap3A_217 = tpu.vector_load %arg20[%swap3A_216] {strides = array<i32>} : memref<2048xf32, #tpu.memory_space<vmem>>, vector<16xf32>,
          tpu.vector_store %arg20[%swap3A_216], %gather3A_215 {strides = array<i32>} : memref<2048xf32, #tpu.memory_space<vmem>>, vector<16xf32>,
          %scan3A_218 = arith.constant 3 : i32
          %scan3A_219 = arith.addi %scan3A_182, %scan3A_218 : i32
          %mul3A_220 = arith.constant 1 : i32
          %mul3A_221 = arith.muli %scan3A_219, %mul3A_220 : i32
          %add3A_222 = arith.constant 0 : i32
          %add3A_223 = arith.addi %add3A_222, %mul3A_221 : i32
          %mul3A_224 = arith.constant 16 : i32
          %mul3A_225 = arith.muli %add3A_223, %mul3A_224 : i32
          %get3A_226 = arith.index_cast %mul3A_225 : i32 to index
          %get3A_227 = tpu.vector_load %arg14[%get3A_226] {strides = array<i32>} : memref<2048xi32, #tpu.memory_space<vmem>>, vector<16xi32>,
          %gather3A_228 = tpu.vector_load_idx %arg9[%get3A_227] : memref<100352xf32, #tpu.memory_space<vmem>>[vector<16xi32>], vector<16xf32>,
          %swap3A_229 = arith.index_cast %mul3A_225 : i32 to index
          %swap3A_230 = tpu.vector_load %arg20[%swap3A_229] {strides = array<i32>} : memref<2048xf32, #tpu.memory_space<vmem>>, vector<16xf32>,
          tpu.vector_store %arg20[%swap3A_229], %gather3A_228 {strides = array<i32>} : memref<2048xf32, #tpu.memory_space<vmem>>, vector<16xf32>,
          %scan3A_231 = arith.constant 4 : i32
          %scan3A_232 = arith.addi %scan3A_182, %scan3A_231 : i32
          %mul3A_233 = arith.constant 1 : i32
          %mul3A_234 = arith.muli %scan3A_232, %mul3A_233 : i32
          %add3A_235 = arith.constant 0 : i32
          %add3A_236 = arith.addi %add3A_235, %mul3A_234 : i32
          %mul3A_237 = arith.constant 16 : i32
          %mul3A_238 = arith.muli %add3A_236, %mul3A_237 : i32
          %get3A_239 = arith.index_cast %mul3A_238 : i32 to index
          %get3A_240 = tpu.vector_load %arg14[%get3A_239] {strides = array<i32>} : memref<2048xi32, #tpu.memory_space<vmem>>, vector<16xi32>,
          %gather3A_241 = tpu.vector_load_idx %arg9[%get3A_240] : memref<100352xf32, #tpu.memory_space<vmem>>[vector<16xi32>], vector<16xf32>,
          %swap3A_242 = arith.index_cast %mul3A_238 : i32 to index
          %swap3A_243 = tpu.vector_load %arg20[%swap3A_242] {strides = array<i32>} : memref<2048xf32, #tpu.memory_space<vmem>>, vector<16xf32>,
          tpu.vector_store %arg20[%swap3A_242], %gather3A_241 {strides = array<i32>} : memref<2048xf32, #tpu.memory_space<vmem>>, vector<16xf32>,
          %scan3A_244 = arith.constant 5 : i32
          %scan3A_245 = arith.addi %scan3A_182, %scan3A_244 : i32
          %mul3A_246 = arith.constant 1 : i32
          %mul3A_247 = arith.muli %scan3A_245, %mul3A_246 : i32
          %add3A_248 = arith.constant 0 : i32
          %add3A_249 = arith.addi %add3A_248, %mul3A_247 : i32
          %mul3A_250 = arith.constant 16 : i32
          %mul3A_251 = arith.muli %add3A_249, %mul3A_250 : i32
          %get3A_252 = arith.index_cast %mul3A_251 : i32 to index
          %get3A_253 = tpu.vector_load %arg14[%get3A_252] {strides = array<i32>} : memref<2048xi32, #tpu.memory_space<vmem>>, vector<16xi32>,
          %gather3A_254 = tpu.vector_load_idx %arg9[%get3A_253] : memref<100352xf32, #tpu.memory_space<vmem>>[vector<16xi32>], vector<16xf32>,
          %swap3A_255 = arith.index_cast %mul3A_251 : i32 to index
          %swap3A_256 = tpu.vector_load %arg20[%swap3A_255] {strides = array<i32>} : memref<2048xf32, #tpu.memory_space<vmem>>, vector<16xf32>,
          tpu.vector_store %arg20[%swap3A_255], %gather3A_254 {strides = array<i32>} : memref<2048xf32, #tpu.memory_space<vmem>>, vector<16xf32>,
          %scan3A_257 = arith.constant 6 : i32
          %scan3A_258 = arith.addi %scan3A_182, %scan3A_257 : i32
          %mul3A_259 = arith.constant 1 : i32
          %mul3A_260 = arith.muli %scan3A_258, %mul3A_259 : i32
          %add3A_261 = arith.constant 0 : i32
          %add3A_262 = arith.addi %add3A_261, %mul3A_260 : i32
          %mul3A_263 = arith.constant 16 : i32
          %mul3A_264 = arith.muli %add3A_262, %mul3A_263 : i32
          %get3A_265 = arith.index_cast %mul3A_264 : i32 to index
          %get3A_266 = tpu.vector_load %arg14[%get3A_265] {strides = array<i32>} : memref<2048xi32, #tpu.memory_space<vmem>>, vector<16xi32>,
          %gather3A_267 = tpu.vector_load_idx %arg9[%get3A_266] : memref<100352xf32, #tpu.memory_space<vmem>>[vector<16xi32>], vector<16xf32>,
          %swap3A_268 = arith.index_cast %mul3A_264 : i32 to index
          %swap3A_269 = tpu.vector_load %arg20[%swap3A_268] {strides = array<i32>} : memref<2048xf32, #tpu.memory_space<vmem>>, vector<16xf32>,
          tpu.vector_store %arg20[%swap3A_268], %gather3A_267 {strides = array<i32>} : memref<2048xf32, #tpu.memory_space<vmem>>, vector<16xf32>,
          %scan3A_270 = arith.constant 7 : i32
          %scan3A_271 = arith.addi %scan3A_182, %scan3A_270 : i32
          %mul3A_272 = arith.constant 1 : i32
          %mul3A_273 = arith.muli %scan3A_271, %mul3A_272 : i32
          %add3A_274 = arith.constant 0 : i32
          %add3A_275 = arith.addi %add3A_274, %mul3A_273 : i32
          %mul3A_276 = arith.constant 16 : i32
          %mul3A_277 = arith.muli %add3A_275, %mul3A_276 : i32
          %get3A_278 = arith.index_cast %mul3A_277 : i32 to index
          %get3A_279 = tpu.vector_load %arg14[%get3A_278] {strides = array<i32>} : memref<2048xi32, #tpu.memory_space<vmem>>, vector<16xi32>,
          %gather3A_280 = tpu.vector_load_idx %arg9[%get3A_279] : memref<100352xf32, #tpu.memory_space<vmem>>[vector<16xi32>], vector<16xf32>,
          %swap3A_281 = arith.index_cast %mul3A_277 : i32 to index
          %swap3A_282 = tpu.vector_load %arg20[%swap3A_281] {strides = array<i32>} : memref<2048xf32, #tpu.memory_space<vmem>>, vector<16xf32>,
          tpu.vector_store %arg20[%swap3A_281], %gather3A_280 {strides = array<i32>} : memref<2048xf32, #tpu.memory_space<vmem>>, vector<16xf32>,
        }
        %scan3A_179 = arith.constant 128 : i32
        %dma_start3A_180 = arith.constant 0 : i32
        %dma_start3A_181 = tpu.memref_slice %arg10[%dma_start3A_180] : memref<100352xf32, #tpu.memory_space<vmem_shared>> -> memref<100352xf32, #tpu.memory_space<vmem_shared>>
        tpu.enqueue_indirect_dma source(%arg20 : memref<2048xf32, #tpu.memory_space<vmem>>) target(%dma_start3A_181 : memref<100352xf32, #tpu.memory_space<vmem_shared>>) offsets(%arg17 : memref<2048xi32, #tpu.memory_space<vmem>>) semaphore(%arg24 : memref<!tpu.dma_semaphore, #tpu.memory_space<semaphore_mem>>) {add = true}
      } else {
      }
      %jit3A_136 = arith.constant 3 : i32
      %eq3A_137 = arith.constant 0 : i32
      %eq3A_138 = arith.cmpi eq, %jit3A_136, %eq3A_137 : i32
      %jit3A_139 = arith.constant 1 : i32
      %select_n3A_140 = arith.select %eq3A_138, %jit3A_139, %jit3A_136 : i32
      %rem3A_141 = arith.remsi %add3A_96, %select_n3A_140 : i32
      %ne3A_142 = arith.constant 0 : i32
      %ne3A_143 = arith.cmpi ne, %rem3A_141, %ne3A_142 : i32
      %lt3A_144 = arith.constant 0 : i32
      %lt3A_145 = arith.cmpi slt, %rem3A_141, %lt3A_144 : i32
      %lt3A_146 = arith.constant 0 : i32
      %lt3A_147 = arith.cmpi slt, %select_n3A_140, %lt3A_146 : i32
      %ne3A_148 = arith.xori %lt3A_145, %lt3A_147 : i1
      %and3A_149 = arith.andi %ne3A_148, %ne3A_143 : i1
      %add3A_150 = arith.addi %rem3A_141, %select_n3A_140 : i32
      %select_n3A_151 = arith.select %and3A_149, %add3A_150, %rem3A_141 : i32
      %eq3A_152 = arith.constant 2 : i32
      %eq3A_153 = arith.cmpi eq, %select_n3A_151, %eq3A_152 : i32
      %convert_element_type3A_154 = arith.extui %eq3A_153 : i1 to i32
      %cond3A_155 = arith.constant 0 : i32
      %cond3A_156 = arith.cmpi ne, %convert_element_type3A_154, %cond3A_155 : i32
      scf.if %cond3A_156 {
        %dma_wait3A_157 = arith.constant 0 : i32
        %dma_wait3A_158 = tpu.memref_slice %arg2[%dma_wait3A_157] : memref<6400000xi32, #tpu.memory_space<hbm>> -> memref<2048xi32, #tpu.memory_space<hbm>>
        %dma_wait3A_159 = arith.constant 0 : i32
        %dma_wait3A_160 = tpu.memref_slice %arg2[%dma_wait3A_159] : memref<6400000xi32, #tpu.memory_space<hbm>> -> memref<2048xi32, #tpu.memory_space<hbm>>
        tpu.wait_dma2 semaphore(%arg22 : memref<!tpu.dma_semaphore, #tpu.memory_space<semaphore_mem>>) src(%dma_wait3A_160 : memref<2048xi32, #tpu.memory_space<hbm>>) dst(%arg15 : memref<2048xi32, #tpu.memory_space<vmem>>)
        %dma_wait3A_161 = arith.constant 0 : i32
        %dma_wait3A_162 = tpu.memref_slice %arg3[%dma_wait3A_161] : memref<6400000xi32, #tpu.memory_space<hbm>> -> memref<2048xi32, #tpu.memory_space<hbm>>
        %dma_wait3A_163 = arith.constant 0 : i32
        %dma_wait3A_164 = tpu.memref_slice %arg3[%dma_wait3A_163] : memref<6400000xi32, #tpu.memory_space<hbm>> -> memref<2048xi32, #tpu.memory_space<hbm>>
        tpu.wait_dma2 semaphore(%arg22 : memref<!tpu.dma_semaphore, #tpu.memory_space<semaphore_mem>>) src(%dma_wait3A_164 : memref<2048xi32, #tpu.memory_space<hbm>>) dst(%arg18 : memref<2048xi32, #tpu.memory_space<vmem>>)
        %ge3A = arith.constant 2 : i32
        %ge3A_165 = arith.cmpi sge, %add3A_96, %ge3A : i32
        %convert_element_type3A_166 = arith.extui %ge3A_165 : i1 to i32
        %cond3A_167 = arith.constant 0 : i32
        %cond3A_168 = arith.cmpi ne, %convert_element_type3A_166, %cond3A_167 : i32
        scf.if %cond3A_168 {
          %dma_wait3A_182 = arith.constant 0 : i32
          %dma_wait3A_183 = tpu.memref_slice %arg10[%dma_wait3A_182] : memref<100352xf32, #tpu.memory_space<vmem_shared>> -> memref<100352xf32, #tpu.memory_space<vmem_shared>>
          tpu.wait_indirect_dma semaphore(%arg24 : memref<!tpu.dma_semaphore, #tpu.memory_space<semaphore_mem>>) src(%arg19 : memref<2048xf32, #tpu.memory_space<vmem>>) dst(%dma_wait3A_183 : memref<100352xf32, #tpu.memory_space<vmem_shared>>)
        } else {
        }
        %add3A_169 = arith.constant 1 : i32
        %add3A_170 = arith.addi %add3A_96, %add3A_169 : i32
        %lt3A_171 = arith.cmpi slt, %add3A_170, %add3A_53 : i32
        %convert_element_type3A_172 = arith.extui %lt3A_171 : i1 to i32
        %cond3A_173 = arith.constant 0 : i32
        %cond3A_174 = arith.cmpi ne, %convert_element_type3A_172, %cond3A_173 : i32
        scf.if %cond3A_174 {
          %add3A_182 = arith.constant 1 : i32
          %add3A_183 = arith.addi %add3A_96, %add3A_182 : i32
          %add3A_184 = arith.addi %add3A_57, %add3A_183 : i32
          %mul3A_185 = arith.constant 2048 : i32
          %mul3A_186 = arith.muli %add3A_184, %mul3A_185 : i32
          %dma_start3A_187 = tpu.memref_slice %arg2[%mul3A_186] : memref<6400000xi32, #tpu.memory_space<hbm>> -> memref<2048xi32, #tpu.memory_space<hbm>>
          %dma_start3A_188 = tpu.memref_slice %arg2[%mul3A_186] : memref<6400000xi32, #tpu.memory_space<hbm>> -> memref<2048xi32, #tpu.memory_space<hbm>>
          tpu.enqueue_dma source(%dma_start3A_188 : memref<2048xi32, #tpu.memory_space<hbm>>) target(%arg13 : memref<2048xi32, #tpu.memory_space<vmem>>) target_semaphore(%arg22 : memref<!tpu.dma_semaphore, #tpu.memory_space<semaphore_mem>>)
          %dma_start3A_189 = tpu.memref_slice %arg3[%mul3A_186] : memref<6400000xi32, #tpu.memory_space<hbm>> -> memref<2048xi32, #tpu.memory_space<hbm>>
          %dma_start3A_190 = tpu.memref_slice %arg3[%mul3A_186] : memref<6400000xi32, #tpu.memory_space<hbm>> -> memref<2048xi32, #tpu.memory_space<hbm>>
          tpu.enqueue_dma source(%dma_start3A_190 : memref<2048xi32, #tpu.memory_space<hbm>>) target(%arg16 : memref<2048xi32, #tpu.memory_space<vmem>>) target_semaphore(%arg22 : memref<!tpu.dma_semaphore, #tpu.memory_space<semaphore_mem>>)
        } else {
        }
        %scan3A_175 = arith.constant 0 : i32
        %scan3A_176 = arith.constant 128 : i32
        %scan3A_177 = arith.addi %scan3A_175, %scan3A_176 : i32
        %scan3A_178 = arith.constant 8 : i32
        scf.for %scan3A_182 = %scan3A_175 to %scan3A_177 step %scan3A_178  : i32 {
          %mul3A_183 = arith.constant 1 : i32
          %mul3A_184 = arith.muli %scan3A_182, %mul3A_183 : i32
          %add3A_185 = arith.constant 0 : i32
          %add3A_186 = arith.addi %add3A_185, %mul3A_184 : i32
          %mul3A_187 = arith.constant 16 : i32
          %mul3A_188 = arith.muli %add3A_186, %mul3A_187 : i32
          %get3A_189 = arith.index_cast %mul3A_188 : i32 to index
          %get3A_190 = tpu.vector_load %arg15[%get3A_189] {strides = array<i32>} : memref<2048xi32, #tpu.memory_space<vmem>>, vector<16xi32>,
          %gather3A = tpu.vector_load_idx %arg9[%get3A_190] : memref<100352xf32, #tpu.memory_space<vmem>>[vector<16xi32>], vector<16xf32>,
          %swap3A = arith.index_cast %mul3A_188 : i32 to index
          %swap3A_191 = tpu.vector_load %arg21[%swap3A] {strides = array<i32>} : memref<2048xf32, #tpu.memory_space<vmem>>, vector<16xf32>,
          tpu.vector_store %arg21[%swap3A], %gather3A {strides = array<i32>} : memref<2048xf32, #tpu.memory_space<vmem>>, vector<16xf32>,
          %scan3A_192 = arith.constant 1 : i32
          %scan3A_193 = arith.addi %scan3A_182, %scan3A_192 : i32
          %mul3A_194 = arith.constant 1 : i32
          %mul3A_195 = arith.muli %scan3A_193, %mul3A_194 : i32
          %add3A_196 = arith.constant 0 : i32
          %add3A_197 = arith.addi %add3A_196, %mul3A_195 : i32
          %mul3A_198 = arith.constant 16 : i32
          %mul3A_199 = arith.muli %add3A_197, %mul3A_198 : i32
          %get3A_200 = arith.index_cast %mul3A_199 : i32 to index
          %get3A_201 = tpu.vector_load %arg15[%get3A_200] {strides = array<i32>} : memref<2048xi32, #tpu.memory_space<vmem>>, vector<16xi32>,
          %gather3A_202 = tpu.vector_load_idx %arg9[%get3A_201] : memref<100352xf32, #tpu.memory_space<vmem>>[vector<16xi32>], vector<16xf32>,
          %swap3A_203 = arith.index_cast %mul3A_199 : i32 to index
          %swap3A_204 = tpu.vector_load %arg21[%swap3A_203] {strides = array<i32>} : memref<2048xf32, #tpu.memory_space<vmem>>, vector<16xf32>,
          tpu.vector_store %arg21[%swap3A_203], %gather3A_202 {strides = array<i32>} : memref<2048xf32, #tpu.memory_space<vmem>>, vector<16xf32>,
          %scan3A_205 = arith.constant 2 : i32
          %scan3A_206 = arith.addi %scan3A_182, %scan3A_205 : i32
          %mul3A_207 = arith.constant 1 : i32
          %mul3A_208 = arith.muli %scan3A_206, %mul3A_207 : i32
          %add3A_209 = arith.constant 0 : i32
          %add3A_210 = arith.addi %add3A_209, %mul3A_208 : i32
          %mul3A_211 = arith.constant 16 : i32
          %mul3A_212 = arith.muli %add3A_210, %mul3A_211 : i32
          %get3A_213 = arith.index_cast %mul3A_212 : i32 to index
          %get3A_214 = tpu.vector_load %arg15[%get3A_213] {strides = array<i32>} : memref<2048xi32, #tpu.memory_space<vmem>>, vector<16xi32>,
          %gather3A_215 = tpu.vector_load_idx %arg9[%get3A_214] : memref<100352xf32, #tpu.memory_space<vmem>>[vector<16xi32>], vector<16xf32>,
          %swap3A_216 = arith.index_cast %mul3A_212 : i32 to index
          %swap3A_217 = tpu.vector_load %arg21[%swap3A_216] {strides = array<i32>} : memref<2048xf32, #tpu.memory_space<vmem>>, vector<16xf32>,
          tpu.vector_store %arg21[%swap3A_216], %gather3A_215 {strides = array<i32>} : memref<2048xf32, #tpu.memory_space<vmem>>, vector<16xf32>,
          %scan3A_218 = arith.constant 3 : i32
          %scan3A_219 = arith.addi %scan3A_182, %scan3A_218 : i32
          %mul3A_220 = arith.constant 1 : i32
          %mul3A_221 = arith.muli %scan3A_219, %mul3A_220 : i32
          %add3A_222 = arith.constant 0 : i32
          %add3A_223 = arith.addi %add3A_222, %mul3A_221 : i32
          %mul3A_224 = arith.constant 16 : i32
          %mul3A_225 = arith.muli %add3A_223, %mul3A_224 : i32
          %get3A_226 = arith.index_cast %mul3A_225 : i32 to index
          %get3A_227 = tpu.vector_load %arg15[%get3A_226] {strides = array<i32>} : memref<2048xi32, #tpu.memory_space<vmem>>, vector<16xi32>,
          %gather3A_228 = tpu.vector_load_idx %arg9[%get3A_227] : memref<100352xf32, #tpu.memory_space<vmem>>[vector<16xi32>], vector<16xf32>,
          %swap3A_229 = arith.index_cast %mul3A_225 : i32 to index
          %swap3A_230 = tpu.vector_load %arg21[%swap3A_229] {strides = array<i32>} : memref<2048xf32, #tpu.memory_space<vmem>>, vector<16xf32>,
          tpu.vector_store %arg21[%swap3A_229], %gather3A_228 {strides = array<i32>} : memref<2048xf32, #tpu.memory_space<vmem>>, vector<16xf32>,
          %scan3A_231 = arith.constant 4 : i32
          %scan3A_232 = arith.addi %scan3A_182, %scan3A_231 : i32
          %mul3A_233 = arith.constant 1 : i32
          %mul3A_234 = arith.muli %scan3A_232, %mul3A_233 : i32
          %add3A_235 = arith.constant 0 : i32
          %add3A_236 = arith.addi %add3A_235, %mul3A_234 : i32
          %mul3A_237 = arith.constant 16 : i32
          %mul3A_238 = arith.muli %add3A_236, %mul3A_237 : i32
          %get3A_239 = arith.index_cast %mul3A_238 : i32 to index
          %get3A_240 = tpu.vector_load %arg15[%get3A_239] {strides = array<i32>} : memref<2048xi32, #tpu.memory_space<vmem>>, vector<16xi32>,
          %gather3A_241 = tpu.vector_load_idx %arg9[%get3A_240] : memref<100352xf32, #tpu.memory_space<vmem>>[vector<16xi32>], vector<16xf32>,
          %swap3A_242 = arith.index_cast %mul3A_238 : i32 to index
          %swap3A_243 = tpu.vector_load %arg21[%swap3A_242] {strides = array<i32>} : memref<2048xf32, #tpu.memory_space<vmem>>, vector<16xf32>,
          tpu.vector_store %arg21[%swap3A_242], %gather3A_241 {strides = array<i32>} : memref<2048xf32, #tpu.memory_space<vmem>>, vector<16xf32>,
          %scan3A_244 = arith.constant 5 : i32
          %scan3A_245 = arith.addi %scan3A_182, %scan3A_244 : i32
          %mul3A_246 = arith.constant 1 : i32
          %mul3A_247 = arith.muli %scan3A_245, %mul3A_246 : i32
          %add3A_248 = arith.constant 0 : i32
          %add3A_249 = arith.addi %add3A_248, %mul3A_247 : i32
          %mul3A_250 = arith.constant 16 : i32
          %mul3A_251 = arith.muli %add3A_249, %mul3A_250 : i32
          %get3A_252 = arith.index_cast %mul3A_251 : i32 to index
          %get3A_253 = tpu.vector_load %arg15[%get3A_252] {strides = array<i32>} : memref<2048xi32, #tpu.memory_space<vmem>>, vector<16xi32>,
          %gather3A_254 = tpu.vector_load_idx %arg9[%get3A_253] : memref<100352xf32, #tpu.memory_space<vmem>>[vector<16xi32>], vector<16xf32>,
          %swap3A_255 = arith.index_cast %mul3A_251 : i32 to index
          %swap3A_256 = tpu.vector_load %arg21[%swap3A_255] {strides = array<i32>} : memref<2048xf32, #tpu.memory_space<vmem>>, vector<16xf32>,
          tpu.vector_store %arg21[%swap3A_255], %gather3A_254 {strides = array<i32>} : memref<2048xf32, #tpu.memory_space<vmem>>, vector<16xf32>,
          %scan3A_257 = arith.constant 6 : i32
          %scan3A_258 = arith.addi %scan3A_182, %scan3A_257 : i32
          %mul3A_259 = arith.constant 1 : i32
          %mul3A_260 = arith.muli %scan3A_258, %mul3A_259 : i32
          %add3A_261 = arith.constant 0 : i32
          %add3A_262 = arith.addi %add3A_261, %mul3A_260 : i32
          %mul3A_263 = arith.constant 16 : i32
          %mul3A_264 = arith.muli %add3A_262, %mul3A_263 : i32
          %get3A_265 = arith.index_cast %mul3A_264 : i32 to index
          %get3A_266 = tpu.vector_load %arg15[%get3A_265] {strides = array<i32>} : memref<2048xi32, #tpu.memory_space<vmem>>, vector<16xi32>,
          %gather3A_267 = tpu.vector_load_idx %arg9[%get3A_266] : memref<100352xf32, #tpu.memory_space<vmem>>[vector<16xi32>], vector<16xf32>,
          %swap3A_268 = arith.index_cast %mul3A_264 : i32 to index
          %swap3A_269 = tpu.vector_load %arg21[%swap3A_268] {strides = array<i32>} : memref<2048xf32, #tpu.memory_space<vmem>>, vector<16xf32>,
          tpu.vector_store %arg21[%swap3A_268], %gather3A_267 {strides = array<i32>} : memref<2048xf32, #tpu.memory_space<vmem>>, vector<16xf32>,
          %scan3A_270 = arith.constant 7 : i32
          %scan3A_271 = arith.addi %scan3A_182, %scan3A_270 : i32
          %mul3A_272 = arith.constant 1 : i32
          %mul3A_273 = arith.muli %scan3A_271, %mul3A_272 : i32
          %add3A_274 = arith.constant 0 : i32
          %add3A_275 = arith.addi %add3A_274, %mul3A_273 : i32
          %mul3A_276 = arith.constant 16 : i32
          %mul3A_277 = arith.muli %add3A_275, %mul3A_276 : i32
          %get3A_278 = arith.index_cast %mul3A_277 : i32 to index
          %get3A_279 = tpu.vector_load %arg15[%get3A_278] {strides = array<i32>} : memref<2048xi32, #tpu.memory_space<vmem>>, vector<16xi32>,
          %gather3A_280 = tpu.vector_load_idx %arg9[%get3A_279] : memref<100352xf32, #tpu.memory_space<vmem>>[vector<16xi32>], vector<16xf32>,
          %swap3A_281 = arith.index_cast %mul3A_277 : i32 to index
          %swap3A_282 = tpu.vector_load %arg21[%swap3A_281] {strides = array<i32>} : memref<2048xf32, #tpu.memory_space<vmem>>, vector<16xf32>,
          tpu.vector_store %arg21[%swap3A_281], %gather3A_280 {strides = array<i32>} : memref<2048xf32, #tpu.memory_space<vmem>>, vector<16xf32>,
        }
        %scan3A_179 = arith.constant 128 : i32
        %dma_start3A_180 = arith.constant 0 : i32
        %dma_start3A_181 = tpu.memref_slice %arg10[%dma_start3A_180] : memref<100352xf32, #tpu.memory_space<vmem_shared>> -> memref<100352xf32, #tpu.memory_space<vmem_shared>>
        tpu.enqueue_indirect_dma source(%arg21 : memref<2048xf32, #tpu.memory_space<vmem>>) target(%dma_start3A_181 : memref<100352xf32, #tpu.memory_space<vmem_shared>>) offsets(%arg18 : memref<2048xi32, #tpu.memory_space<vmem>>) semaphore(%arg24 : memref<!tpu.dma_semaphore, #tpu.memory_space<semaphore_mem>>) {add = true}
      } else {
      }
    }
    %while3A_80 = arith.constant 1 : i32
    scf.for %while3A_94 = %while3A_78 to %while3A_74 step %while3A_80  : i32 {
      %mul3A_95 = arith.muli %while3A_94, %while3A : i32
      %add3A_96 = arith.addi %while3A_71, %mul3A_95 : i32
      %jit3A_97 = arith.constant 3 : i32
      %eq3A_98 = arith.constant 0 : i32
      %eq3A_99 = arith.cmpi eq, %jit3A_97, %eq3A_98 : i32
      %jit3A_100 = arith.constant 1 : i32
      %select_n3A_101 = arith.select %eq3A_99, %jit3A_100, %jit3A_97 : i32
      %rem3A = arith.remsi %add3A_96, %select_n3A_101 : i32
      %ne3A = arith.constant 0 : i32
      %ne3A_102 = arith.cmpi ne, %rem3A, %ne3A : i32
      %lt3A_103 = arith.constant 0 : i32
      %lt3A_104 = arith.cmpi slt, %rem3A, %lt3A_103 : i32
      %lt3A_105 = arith.constant 0 : i32
      %lt3A_106 = arith.cmpi slt, %select_n3A_101, %lt3A_105 : i32
      %ne3A_107 = arith.xori %lt3A_104, %lt3A_106 : i1
      %and3A = arith.andi %ne3A_107, %ne3A_102 : i1
      %add3A_108 = arith.addi %rem3A, %select_n3A_101 : i32
      %select_n3A_109 = arith.select %and3A, %add3A_108, %rem3A : i32
      %eq3A_110 = arith.constant 0 : i32
      %eq3A_111 = arith.cmpi eq, %select_n3A_109, %eq3A_110 : i32
      %convert_element_type3A_112 = arith.extui %eq3A_111 : i1 to i32
      %cond3A_113 = arith.constant 0 : i32
      %cond3A_114 = arith.cmpi ne, %convert_element_type3A_112, %cond3A_113 : i32
      scf.if %cond3A_114 {
        %dma_wait3A_157 = arith.constant 0 : i32
        %dma_wait3A_158 = tpu.memref_slice %arg2[%dma_wait3A_157] : memref<6400000xi32, #tpu.memory_space<hbm>> -> memref<2048xi32, #tpu.memory_space<hbm>>
        %dma_wait3A_159 = arith.constant 0 : i32
        %dma_wait3A_160 = tpu.memref_slice %arg2[%dma_wait3A_159] : memref<6400000xi32, #tpu.memory_space<hbm>> -> memref<2048xi32, #tpu.memory_space<hbm>>
        tpu.wait_dma2 semaphore(%arg22 : memref<!tpu.dma_semaphore, #tpu.memory_space<semaphore_mem>>) src(%dma_wait3A_160 : memref<2048xi32, #tpu.memory_space<hbm>>) dst(%arg13 : memref<2048xi32, #tpu.memory_space<vmem>>)
        %dma_wait3A_161 = arith.constant 0 : i32
        %dma_wait3A_162 = tpu.memref_slice %arg3[%dma_wait3A_161] : memref<6400000xi32, #tpu.memory_space<hbm>> -> memref<2048xi32, #tpu.memory_space<hbm>>
        %dma_wait3A_163 = arith.constant 0 : i32
        %dma_wait3A_164 = tpu.memref_slice %arg3[%dma_wait3A_163] : memref<6400000xi32, #tpu.memory_space<hbm>> -> memref<2048xi32, #tpu.memory_space<hbm>>
        tpu.wait_dma2 semaphore(%arg22 : memref<!tpu.dma_semaphore, #tpu.memory_space<semaphore_mem>>) src(%dma_wait3A_164 : memref<2048xi32, #tpu.memory_space<hbm>>) dst(%arg16 : memref<2048xi32, #tpu.memory_space<vmem>>)
        %ge3A = arith.constant 2 : i32
        %ge3A_165 = arith.cmpi sge, %add3A_96, %ge3A : i32
        %convert_element_type3A_166 = arith.extui %ge3A_165 : i1 to i32
        %cond3A_167 = arith.constant 0 : i32
        %cond3A_168 = arith.cmpi ne, %convert_element_type3A_166, %cond3A_167 : i32
        scf.if %cond3A_168 {
          %dma_wait3A_182 = arith.constant 0 : i32
          %dma_wait3A_183 = tpu.memref_slice %arg10[%dma_wait3A_182] : memref<100352xf32, #tpu.memory_space<vmem_shared>> -> memref<100352xf32, #tpu.memory_space<vmem_shared>>
          tpu.wait_indirect_dma semaphore(%arg24 : memref<!tpu.dma_semaphore, #tpu.memory_space<semaphore_mem>>) src(%arg19 : memref<2048xf32, #tpu.memory_space<vmem>>) dst(%dma_wait3A_183 : memref<100352xf32, #tpu.memory_space<vmem_shared>>)
        } else {
        }
        %add3A_169 = arith.constant 1 : i32
        %add3A_170 = arith.addi %add3A_96, %add3A_169 : i32
        %lt3A_171 = arith.cmpi slt, %add3A_170, %add3A_53 : i32
        %convert_element_type3A_172 = arith.extui %lt3A_171 : i1 to i32
        %cond3A_173 = arith.constant 0 : i32
        %cond3A_174 = arith.cmpi ne, %convert_element_type3A_172, %cond3A_173 : i32
        scf.if %cond3A_174 {
          %add3A_182 = arith.constant 1 : i32
          %add3A_183 = arith.addi %add3A_96, %add3A_182 : i32
          %add3A_184 = arith.addi %add3A_57, %add3A_183 : i32
          %mul3A_185 = arith.constant 2048 : i32
          %mul3A_186 = arith.muli %add3A_184, %mul3A_185 : i32
          %dma_start3A_187 = tpu.memref_slice %arg2[%mul3A_186] : memref<6400000xi32, #tpu.memory_space<hbm>> -> memref<2048xi32, #tpu.memory_space<hbm>>
          %dma_start3A_188 = tpu.memref_slice %arg2[%mul3A_186] : memref<6400000xi32, #tpu.memory_space<hbm>> -> memref<2048xi32, #tpu.memory_space<hbm>>
          tpu.enqueue_dma source(%dma_start3A_188 : memref<2048xi32, #tpu.memory_space<hbm>>) target(%arg14 : memref<2048xi32, #tpu.memory_space<vmem>>) target_semaphore(%arg22 : memref<!tpu.dma_semaphore, #tpu.memory_space<semaphore_mem>>)
          %dma_start3A_189 = tpu.memref_slice %arg3[%mul3A_186] : memref<6400000xi32, #tpu.memory_space<hbm>> -> memref<2048xi32, #tpu.memory_space<hbm>>
          %dma_start3A_190 = tpu.memref_slice %arg3[%mul3A_186] : memref<6400000xi32, #tpu.memory_space<hbm>> -> memref<2048xi32, #tpu.memory_space<hbm>>
          tpu.enqueue_dma source(%dma_start3A_190 : memref<2048xi32, #tpu.memory_space<hbm>>) target(%arg17 : memref<2048xi32, #tpu.memory_space<vmem>>) target_semaphore(%arg22 : memref<!tpu.dma_semaphore, #tpu.memory_space<semaphore_mem>>)
        } else {
        }
        %scan3A_175 = arith.constant 0 : i32
        %scan3A_176 = arith.constant 128 : i32
        %scan3A_177 = arith.addi %scan3A_175, %scan3A_176 : i32
        %scan3A_178 = arith.constant 8 : i32
        scf.for %scan3A_182 = %scan3A_175 to %scan3A_177 step %scan3A_178  : i32 {
          %mul3A_183 = arith.constant 1 : i32
          %mul3A_184 = arith.muli %scan3A_182, %mul3A_183 : i32
          %add3A_185 = arith.constant 0 : i32
          %add3A_186 = arith.addi %add3A_185, %mul3A_184 : i32
          %mul3A_187 = arith.constant 16 : i32
          %mul3A_188 = arith.muli %add3A_186, %mul3A_187 : i32
          %get3A_189 = arith.index_cast %mul3A_188 : i32 to index
          %get3A_190 = tpu.vector_load %arg13[%get3A_189] {strides = array<i32>} : memref<2048xi32, #tpu.memory_space<vmem>>, vector<16xi32>,
          %gather3A = tpu.vector_load_idx %arg9[%get3A_190] : memref<100352xf32, #tpu.memory_space<vmem>>[vector<16xi32>], vector<16xf32>,
          %swap3A = arith.index_cast %mul3A_188 : i32 to index
          %swap3A_191 = tpu.vector_load %arg19[%swap3A] {strides = array<i32>} : memref<2048xf32, #tpu.memory_space<vmem>>, vector<16xf32>,
          tpu.vector_store %arg19[%swap3A], %gather3A {strides = array<i32>} : memref<2048xf32, #tpu.memory_space<vmem>>, vector<16xf32>,
          %scan3A_192 = arith.constant 1 : i32
          %scan3A_193 = arith.addi %scan3A_182, %scan3A_192 : i32
          %mul3A_194 = arith.constant 1 : i32
          %mul3A_195 = arith.muli %scan3A_193, %mul3A_194 : i32
          %add3A_196 = arith.constant 0 : i32
          %add3A_197 = arith.addi %add3A_196, %mul3A_195 : i32
          %mul3A_198 = arith.constant 16 : i32
          %mul3A_199 = arith.muli %add3A_197, %mul3A_198 : i32
          %get3A_200 = arith.index_cast %mul3A_199 : i32 to index
          %get3A_201 = tpu.vector_load %arg13[%get3A_200] {strides = array<i32>} : memref<2048xi32, #tpu.memory_space<vmem>>, vector<16xi32>,
          %gather3A_202 = tpu.vector_load_idx %arg9[%get3A_201] : memref<100352xf32, #tpu.memory_space<vmem>>[vector<16xi32>], vector<16xf32>,
          %swap3A_203 = arith.index_cast %mul3A_199 : i32 to index
          %swap3A_204 = tpu.vector_load %arg19[%swap3A_203] {strides = array<i32>} : memref<2048xf32, #tpu.memory_space<vmem>>, vector<16xf32>,
          tpu.vector_store %arg19[%swap3A_203], %gather3A_202 {strides = array<i32>} : memref<2048xf32, #tpu.memory_space<vmem>>, vector<16xf32>,
          %scan3A_205 = arith.constant 2 : i32
          %scan3A_206 = arith.addi %scan3A_182, %scan3A_205 : i32
          %mul3A_207 = arith.constant 1 : i32
          %mul3A_208 = arith.muli %scan3A_206, %mul3A_207 : i32
          %add3A_209 = arith.constant 0 : i32
          %add3A_210 = arith.addi %add3A_209, %mul3A_208 : i32
          %mul3A_211 = arith.constant 16 : i32
          %mul3A_212 = arith.muli %add3A_210, %mul3A_211 : i32
          %get3A_213 = arith.index_cast %mul3A_212 : i32 to index
          %get3A_214 = tpu.vector_load %arg13[%get3A_213] {strides = array<i32>} : memref<2048xi32, #tpu.memory_space<vmem>>, vector<16xi32>,
          %gather3A_215 = tpu.vector_load_idx %arg9[%get3A_214] : memref<100352xf32, #tpu.memory_space<vmem>>[vector<16xi32>], vector<16xf32>,
          %swap3A_216 = arith.index_cast %mul3A_212 : i32 to index
          %swap3A_217 = tpu.vector_load %arg19[%swap3A_216] {strides = array<i32>} : memref<2048xf32, #tpu.memory_space<vmem>>, vector<16xf32>,
          tpu.vector_store %arg19[%swap3A_216], %gather3A_215 {strides = array<i32>} : memref<2048xf32, #tpu.memory_space<vmem>>, vector<16xf32>,
          %scan3A_218 = arith.constant 3 : i32
          %scan3A_219 = arith.addi %scan3A_182, %scan3A_218 : i32
          %mul3A_220 = arith.constant 1 : i32
          %mul3A_221 = arith.muli %scan3A_219, %mul3A_220 : i32
          %add3A_222 = arith.constant 0 : i32
          %add3A_223 = arith.addi %add3A_222, %mul3A_221 : i32
          %mul3A_224 = arith.constant 16 : i32
          %mul3A_225 = arith.muli %add3A_223, %mul3A_224 : i32
          %get3A_226 = arith.index_cast %mul3A_225 : i32 to index
          %get3A_227 = tpu.vector_load %arg13[%get3A_226] {strides = array<i32>} : memref<2048xi32, #tpu.memory_space<vmem>>, vector<16xi32>,
          %gather3A_228 = tpu.vector_load_idx %arg9[%get3A_227] : memref<100352xf32, #tpu.memory_space<vmem>>[vector<16xi32>], vector<16xf32>,
          %swap3A_229 = arith.index_cast %mul3A_225 : i32 to index
          %swap3A_230 = tpu.vector_load %arg19[%swap3A_229] {strides = array<i32>} : memref<2048xf32, #tpu.memory_space<vmem>>, vector<16xf32>,
          tpu.vector_store %arg19[%swap3A_229], %gather3A_228 {strides = array<i32>} : memref<2048xf32, #tpu.memory_space<vmem>>, vector<16xf32>,
          %scan3A_231 = arith.constant 4 : i32
          %scan3A_232 = arith.addi %scan3A_182, %scan3A_231 : i32
          %mul3A_233 = arith.constant 1 : i32
          %mul3A_234 = arith.muli %scan3A_232, %mul3A_233 : i32
          %add3A_235 = arith.constant 0 : i32
          %add3A_236 = arith.addi %add3A_235, %mul3A_234 : i32
          %mul3A_237 = arith.constant 16 : i32
          %mul3A_238 = arith.muli %add3A_236, %mul3A_237 : i32
          %get3A_239 = arith.index_cast %mul3A_238 : i32 to index
          %get3A_240 = tpu.vector_load %arg13[%get3A_239] {strides = array<i32>} : memref<2048xi32, #tpu.memory_space<vmem>>, vector<16xi32>,
          %gather3A_241 = tpu.vector_load_idx %arg9[%get3A_240] : memref<100352xf32, #tpu.memory_space<vmem>>[vector<16xi32>], vector<16xf32>,
          %swap3A_242 = arith.index_cast %mul3A_238 : i32 to index
          %swap3A_243 = tpu.vector_load %arg19[%swap3A_242] {strides = array<i32>} : memref<2048xf32, #tpu.memory_space<vmem>>, vector<16xf32>,
          tpu.vector_store %arg19[%swap3A_242], %gather3A_241 {strides = array<i32>} : memref<2048xf32, #tpu.memory_space<vmem>>, vector<16xf32>,
          %scan3A_244 = arith.constant 5 : i32
          %scan3A_245 = arith.addi %scan3A_182, %scan3A_244 : i32
          %mul3A_246 = arith.constant 1 : i32
          %mul3A_247 = arith.muli %scan3A_245, %mul3A_246 : i32
          %add3A_248 = arith.constant 0 : i32
          %add3A_249 = arith.addi %add3A_248, %mul3A_247 : i32
          %mul3A_250 = arith.constant 16 : i32
          %mul3A_251 = arith.muli %add3A_249, %mul3A_250 : i32
          %get3A_252 = arith.index_cast %mul3A_251 : i32 to index
          %get3A_253 = tpu.vector_load %arg13[%get3A_252] {strides = array<i32>} : memref<2048xi32, #tpu.memory_space<vmem>>, vector<16xi32>,
          %gather3A_254 = tpu.vector_load_idx %arg9[%get3A_253] : memref<100352xf32, #tpu.memory_space<vmem>>[vector<16xi32>], vector<16xf32>,
          %swap3A_255 = arith.index_cast %mul3A_251 : i32 to index
          %swap3A_256 = tpu.vector_load %arg19[%swap3A_255] {strides = array<i32>} : memref<2048xf32, #tpu.memory_space<vmem>>, vector<16xf32>,
          tpu.vector_store %arg19[%swap3A_255], %gather3A_254 {strides = array<i32>} : memref<2048xf32, #tpu.memory_space<vmem>>, vector<16xf32>,
          %scan3A_257 = arith.constant 6 : i32
          %scan3A_258 = arith.addi %scan3A_182, %scan3A_257 : i32
          %mul3A_259 = arith.constant 1 : i32
          %mul3A_260 = arith.muli %scan3A_258, %mul3A_259 : i32
          %add3A_261 = arith.constant 0 : i32
          %add3A_262 = arith.addi %add3A_261, %mul3A_260 : i32
          %mul3A_263 = arith.constant 16 : i32
          %mul3A_264 = arith.muli %add3A_262, %mul3A_263 : i32
          %get3A_265 = arith.index_cast %mul3A_264 : i32 to index
          %get3A_266 = tpu.vector_load %arg13[%get3A_265] {strides = array<i32>} : memref<2048xi32, #tpu.memory_space<vmem>>, vector<16xi32>,
          %gather3A_267 = tpu.vector_load_idx %arg9[%get3A_266] : memref<100352xf32, #tpu.memory_space<vmem>>[vector<16xi32>], vector<16xf32>,
          %swap3A_268 = arith.index_cast %mul3A_264 : i32 to index
          %swap3A_269 = tpu.vector_load %arg19[%swap3A_268] {strides = array<i32>} : memref<2048xf32, #tpu.memory_space<vmem>>, vector<16xf32>,
          tpu.vector_store %arg19[%swap3A_268], %gather3A_267 {strides = array<i32>} : memref<2048xf32, #tpu.memory_space<vmem>>, vector<16xf32>,
          %scan3A_270 = arith.constant 7 : i32
          %scan3A_271 = arith.addi %scan3A_182, %scan3A_270 : i32
          %mul3A_272 = arith.constant 1 : i32
          %mul3A_273 = arith.muli %scan3A_271, %mul3A_272 : i32
          %add3A_274 = arith.constant 0 : i32
          %add3A_275 = arith.addi %add3A_274, %mul3A_273 : i32
          %mul3A_276 = arith.constant 16 : i32
          %mul3A_277 = arith.muli %add3A_275, %mul3A_276 : i32
          %get3A_278 = arith.index_cast %mul3A_277 : i32 to index
          %get3A_279 = tpu.vector_load %arg13[%get3A_278] {strides = array<i32>} : memref<2048xi32, #tpu.memory_space<vmem>>, vector<16xi32>,
          %gather3A_280 = tpu.vector_load_idx %arg9[%get3A_279] : memref<100352xf32, #tpu.memory_space<vmem>>[vector<16xi32>], vector<16xf32>,
          %swap3A_281 = arith.index_cast %mul3A_277 : i32 to index
          %swap3A_282 = tpu.vector_load %arg19[%swap3A_281] {strides = array<i32>} : memref<2048xf32, #tpu.memory_space<vmem>>, vector<16xf32>,
          tpu.vector_store %arg19[%swap3A_281], %gather3A_280 {strides = array<i32>} : memref<2048xf32, #tpu.memory_space<vmem>>, vector<16xf32>,
        }
        %scan3A_179 = arith.constant 128 : i32
        %dma_start3A_180 = arith.constant 0 : i32
        %dma_start3A_181 = tpu.memref_slice %arg10[%dma_start3A_180] : memref<100352xf32, #tpu.memory_space<vmem_shared>> -> memref<100352xf32, #tpu.memory_space<vmem_shared>>
        tpu.enqueue_indirect_dma source(%arg19 : memref<2048xf32, #tpu.memory_space<vmem>>) target(%dma_start3A_181 : memref<100352xf32, #tpu.memory_space<vmem_shared>>) offsets(%arg16 : memref<2048xi32, #tpu.memory_space<vmem>>) semaphore(%arg24 : memref<!tpu.dma_semaphore, #tpu.memory_space<semaphore_mem>>) {add = true}
      } else {
      }
      %jit3A_115 = arith.constant 3 : i32
      %eq3A_116 = arith.constant 0 : i32
      %eq3A_117 = arith.cmpi eq, %jit3A_115, %eq3A_116 : i32
      %jit3A_118 = arith.constant 1 : i32
      %select_n3A_119 = arith.select %eq3A_117, %jit3A_118, %jit3A_115 : i32
      %rem3A_120 = arith.remsi %add3A_96, %select_n3A_119 : i32
      %ne3A_121 = arith.constant 0 : i32
      %ne3A_122 = arith.cmpi ne, %rem3A_120, %ne3A_121 : i32
      %lt3A_123 = arith.constant 0 : i32
      %lt3A_124 = arith.cmpi slt, %rem3A_120, %lt3A_123 : i32
      %lt3A_125 = arith.constant 0 : i32
      %lt3A_126 = arith.cmpi slt, %select_n3A_119, %lt3A_125 : i32
      %ne3A_127 = arith.xori %lt3A_124, %lt3A_126 : i1
      %and3A_128 = arith.andi %ne3A_127, %ne3A_122 : i1
      %add3A_129 = arith.addi %rem3A_120, %select_n3A_119 : i32
      %select_n3A_130 = arith.select %and3A_128, %add3A_129, %rem3A_120 : i32
      %eq3A_131 = arith.constant 1 : i32
      %eq3A_132 = arith.cmpi eq, %select_n3A_130, %eq3A_131 : i32
      %convert_element_type3A_133 = arith.extui %eq3A_132 : i1 to i32
      %cond3A_134 = arith.constant 0 : i32
      %cond3A_135 = arith.cmpi ne, %convert_element_type3A_133, %cond3A_134 : i32
      scf.if %cond3A_135 {
        %dma_wait3A_157 = arith.constant 0 : i32
        %dma_wait3A_158 = tpu.memref_slice %arg2[%dma_wait3A_157] : memref<6400000xi32, #tpu.memory_space<hbm>> -> memref<2048xi32, #tpu.memory_space<hbm>>
        %dma_wait3A_159 = arith.constant 0 : i32
        %dma_wait3A_160 = tpu.memref_slice %arg2[%dma_wait3A_159] : memref<6400000xi32, #tpu.memory_space<hbm>> -> memref<2048xi32, #tpu.memory_space<hbm>>
        tpu.wait_dma2 semaphore(%arg22 : memref<!tpu.dma_semaphore, #tpu.memory_space<semaphore_mem>>) src(%dma_wait3A_160 : memref<2048xi32, #tpu.memory_space<hbm>>) dst(%arg14 : memref<2048xi32, #tpu.memory_space<vmem>>)
        %dma_wait3A_161 = arith.constant 0 : i32
        %dma_wait3A_162 = tpu.memref_slice %arg3[%dma_wait3A_161] : memref<6400000xi32, #tpu.memory_space<hbm>> -> memref<2048xi32, #tpu.memory_space<hbm>>
        %dma_wait3A_163 = arith.constant 0 : i32
        %dma_wait3A_164 = tpu.memref_slice %arg3[%dma_wait3A_163] : memref<6400000xi32, #tpu.memory_space<hbm>> -> memref<2048xi32, #tpu.memory_space<hbm>>
        tpu.wait_dma2 semaphore(%arg22 : memref<!tpu.dma_semaphore, #tpu.memory_space<semaphore_mem>>) src(%dma_wait3A_164 : memref<2048xi32, #tpu.memory_space<hbm>>) dst(%arg17 : memref<2048xi32, #tpu.memory_space<vmem>>)
        %ge3A = arith.constant 2 : i32
        %ge3A_165 = arith.cmpi sge, %add3A_96, %ge3A : i32
        %convert_element_type3A_166 = arith.extui %ge3A_165 : i1 to i32
        %cond3A_167 = arith.constant 0 : i32
        %cond3A_168 = arith.cmpi ne, %convert_element_type3A_166, %cond3A_167 : i32
        scf.if %cond3A_168 {
          %dma_wait3A_182 = arith.constant 0 : i32
          %dma_wait3A_183 = tpu.memref_slice %arg10[%dma_wait3A_182] : memref<100352xf32, #tpu.memory_space<vmem_shared>> -> memref<100352xf32, #tpu.memory_space<vmem_shared>>
          tpu.wait_indirect_dma semaphore(%arg24 : memref<!tpu.dma_semaphore, #tpu.memory_space<semaphore_mem>>) src(%arg19 : memref<2048xf32, #tpu.memory_space<vmem>>) dst(%dma_wait3A_183 : memref<100352xf32, #tpu.memory_space<vmem_shared>>)
        } else {
        }
        %add3A_169 = arith.constant 1 : i32
        %add3A_170 = arith.addi %add3A_96, %add3A_169 : i32
        %lt3A_171 = arith.cmpi slt, %add3A_170, %add3A_53 : i32
        %convert_element_type3A_172 = arith.extui %lt3A_171 : i1 to i32
        %cond3A_173 = arith.constant 0 : i32
        %cond3A_174 = arith.cmpi ne, %convert_element_type3A_172, %cond3A_173 : i32
        scf.if %cond3A_174 {
          %add3A_182 = arith.constant 1 : i32
          %add3A_183 = arith.addi %add3A_96, %add3A_182 : i32
          %add3A_184 = arith.addi %add3A_57, %add3A_183 : i32
          %mul3A_185 = arith.constant 2048 : i32
          %mul3A_186 = arith.muli %add3A_184, %mul3A_185 : i32
          %dma_start3A_187 = tpu.memref_slice %arg2[%mul3A_186] : memref<6400000xi32, #tpu.memory_space<hbm>> -> memref<2048xi32, #tpu.memory_space<hbm>>
          %dma_start3A_188 = tpu.memref_slice %arg2[%mul3A_186] : memref<6400000xi32, #tpu.memory_space<hbm>> -> memref<2048xi32, #tpu.memory_space<hbm>>
          tpu.enqueue_dma source(%dma_start3A_188 : memref<2048xi32, #tpu.memory_space<hbm>>) target(%arg15 : memref<2048xi32, #tpu.memory_space<vmem>>) target_semaphore(%arg22 : memref<!tpu.dma_semaphore, #tpu.memory_space<semaphore_mem>>)
          %dma_start3A_189 = tpu.memref_slice %arg3[%mul3A_186] : memref<6400000xi32, #tpu.memory_space<hbm>> -> memref<2048xi32, #tpu.memory_space<hbm>>
          %dma_start3A_190 = tpu.memref_slice %arg3[%mul3A_186] : memref<6400000xi32, #tpu.memory_space<hbm>> -> memref<2048xi32, #tpu.memory_space<hbm>>
          tpu.enqueue_dma source(%dma_start3A_190 : memref<2048xi32, #tpu.memory_space<hbm>>) target(%arg18 : memref<2048xi32, #tpu.memory_space<vmem>>) target_semaphore(%arg22 : memref<!tpu.dma_semaphore, #tpu.memory_space<semaphore_mem>>)
        } else {
        }
        %scan3A_175 = arith.constant 0 : i32
        %scan3A_176 = arith.constant 128 : i32
        %scan3A_177 = arith.addi %scan3A_175, %scan3A_176 : i32
        %scan3A_178 = arith.constant 8 : i32
        scf.for %scan3A_182 = %scan3A_175 to %scan3A_177 step %scan3A_178  : i32 {
          %mul3A_183 = arith.constant 1 : i32
          %mul3A_184 = arith.muli %scan3A_182, %mul3A_183 : i32
          %add3A_185 = arith.constant 0 : i32
          %add3A_186 = arith.addi %add3A_185, %mul3A_184 : i32
          %mul3A_187 = arith.constant 16 : i32
          %mul3A_188 = arith.muli %add3A_186, %mul3A_187 : i32
          %get3A_189 = arith.index_cast %mul3A_188 : i32 to index
          %get3A_190 = tpu.vector_load %arg14[%get3A_189] {strides = array<i32>} : memref<2048xi32, #tpu.memory_space<vmem>>, vector<16xi32>,
          %gather3A = tpu.vector_load_idx %arg9[%get3A_190] : memref<100352xf32, #tpu.memory_space<vmem>>[vector<16xi32>], vector<16xf32>,
          %swap3A = arith.index_cast %mul3A_188 : i32 to index
          %swap3A_191 = tpu.vector_load %arg20[%swap3A] {strides = array<i32>} : memref<2048xf32, #tpu.memory_space<vmem>>, vector<16xf32>,
          tpu.vector_store %arg20[%swap3A], %gather3A {strides = array<i32>} : memref<2048xf32, #tpu.memory_space<vmem>>, vector<16xf32>,
          %scan3A_192 = arith.constant 1 : i32
          %scan3A_193 = arith.addi %scan3A_182, %scan3A_192 : i32
          %mul3A_194 = arith.constant 1 : i32
          %mul3A_195 = arith.muli %scan3A_193, %mul3A_194 : i32
          %add3A_196 = arith.constant 0 : i32
          %add3A_197 = arith.addi %add3A_196, %mul3A_195 : i32
          %mul3A_198 = arith.constant 16 : i32
          %mul3A_199 = arith.muli %add3A_197, %mul3A_198 : i32
          %get3A_200 = arith.index_cast %mul3A_199 : i32 to index
          %get3A_201 = tpu.vector_load %arg14[%get3A_200] {strides = array<i32>} : memref<2048xi32, #tpu.memory_space<vmem>>, vector<16xi32>,
          %gather3A_202 = tpu.vector_load_idx %arg9[%get3A_201] : memref<100352xf32, #tpu.memory_space<vmem>>[vector<16xi32>], vector<16xf32>,
          %swap3A_203 = arith.index_cast %mul3A_199 : i32 to index
          %swap3A_204 = tpu.vector_load %arg20[%swap3A_203] {strides = array<i32>} : memref<2048xf32, #tpu.memory_space<vmem>>, vector<16xf32>,
          tpu.vector_store %arg20[%swap3A_203], %gather3A_202 {strides = array<i32>} : memref<2048xf32, #tpu.memory_space<vmem>>, vector<16xf32>,
          %scan3A_205 = arith.constant 2 : i32
          %scan3A_206 = arith.addi %scan3A_182, %scan3A_205 : i32
          %mul3A_207 = arith.constant 1 : i32
          %mul3A_208 = arith.muli %scan3A_206, %mul3A_207 : i32
          %add3A_209 = arith.constant 0 : i32
          %add3A_210 = arith.addi %add3A_209, %mul3A_208 : i32
          %mul3A_211 = arith.constant 16 : i32
          %mul3A_212 = arith.muli %add3A_210, %mul3A_211 : i32
          %get3A_213 = arith.index_cast %mul3A_212 : i32 to index
          %get3A_214 = tpu.vector_load %arg14[%get3A_213] {strides = array<i32>} : memref<2048xi32, #tpu.memory_space<vmem>>, vector<16xi32>,
          %gather3A_215 = tpu.vector_load_idx %arg9[%get3A_214] : memref<100352xf32, #tpu.memory_space<vmem>>[vector<16xi32>], vector<16xf32>,
          %swap3A_216 = arith.index_cast %mul3A_212 : i32 to index
          %swap3A_217 = tpu.vector_load %arg20[%swap3A_216] {strides = array<i32>} : memref<2048xf32, #tpu.memory_space<vmem>>, vector<16xf32>,
          tpu.vector_store %arg20[%swap3A_216], %gather3A_215 {strides = array<i32>} : memref<2048xf32, #tpu.memory_space<vmem>>, vector<16xf32>,
          %scan3A_218 = arith.constant 3 : i32
          %scan3A_219 = arith.addi %scan3A_182, %scan3A_218 : i32
          %mul3A_220 = arith.constant 1 : i32
          %mul3A_221 = arith.muli %scan3A_219, %mul3A_220 : i32
          %add3A_222 = arith.constant 0 : i32
          %add3A_223 = arith.addi %add3A_222, %mul3A_221 : i32
          %mul3A_224 = arith.constant 16 : i32
          %mul3A_225 = arith.muli %add3A_223, %mul3A_224 : i32
          %get3A_226 = arith.index_cast %mul3A_225 : i32 to index
          %get3A_227 = tpu.vector_load %arg14[%get3A_226] {strides = array<i32>} : memref<2048xi32, #tpu.memory_space<vmem>>, vector<16xi32>,
          %gather3A_228 = tpu.vector_load_idx %arg9[%get3A_227] : memref<100352xf32, #tpu.memory_space<vmem>>[vector<16xi32>], vector<16xf32>,
          %swap3A_229 = arith.index_cast %mul3A_225 : i32 to index
          %swap3A_230 = tpu.vector_load %arg20[%swap3A_229] {strides = array<i32>} : memref<2048xf32, #tpu.memory_space<vmem>>, vector<16xf32>,
          tpu.vector_store %arg20[%swap3A_229], %gather3A_228 {strides = array<i32>} : memref<2048xf32, #tpu.memory_space<vmem>>, vector<16xf32>,
          %scan3A_231 = arith.constant 4 : i32
          %scan3A_232 = arith.addi %scan3A_182, %scan3A_231 : i32
          %mul3A_233 = arith.constant 1 : i32
          %mul3A_234 = arith.muli %scan3A_232, %mul3A_233 : i32
          %add3A_235 = arith.constant 0 : i32
          %add3A_236 = arith.addi %add3A_235, %mul3A_234 : i32
          %mul3A_237 = arith.constant 16 : i32
          %mul3A_238 = arith.muli %add3A_236, %mul3A_237 : i32
          %get3A_239 = arith.index_cast %mul3A_238 : i32 to index
          %get3A_240 = tpu.vector_load %arg14[%get3A_239] {strides = array<i32>} : memref<2048xi32, #tpu.memory_space<vmem>>, vector<16xi32>,
          %gather3A_241 = tpu.vector_load_idx %arg9[%get3A_240] : memref<100352xf32, #tpu.memory_space<vmem>>[vector<16xi32>], vector<16xf32>,
          %swap3A_242 = arith.index_cast %mul3A_238 : i32 to index
          %swap3A_243 = tpu.vector_load %arg20[%swap3A_242] {strides = array<i32>} : memref<2048xf32, #tpu.memory_space<vmem>>, vector<16xf32>,
          tpu.vector_store %arg20[%swap3A_242], %gather3A_241 {strides = array<i32>} : memref<2048xf32, #tpu.memory_space<vmem>>, vector<16xf32>,
          %scan3A_244 = arith.constant 5 : i32
          %scan3A_245 = arith.addi %scan3A_182, %scan3A_244 : i32
          %mul3A_246 = arith.constant 1 : i32
          %mul3A_247 = arith.muli %scan3A_245, %mul3A_246 : i32
          %add3A_248 = arith.constant 0 : i32
          %add3A_249 = arith.addi %add3A_248, %mul3A_247 : i32
          %mul3A_250 = arith.constant 16 : i32
          %mul3A_251 = arith.muli %add3A_249, %mul3A_250 : i32
          %get3A_252 = arith.index_cast %mul3A_251 : i32 to index
          %get3A_253 = tpu.vector_load %arg14[%get3A_252] {strides = array<i32>} : memref<2048xi32, #tpu.memory_space<vmem>>, vector<16xi32>,
          %gather3A_254 = tpu.vector_load_idx %arg9[%get3A_253] : memref<100352xf32, #tpu.memory_space<vmem>>[vector<16xi32>], vector<16xf32>,
          %swap3A_255 = arith.index_cast %mul3A_251 : i32 to index
          %swap3A_256 = tpu.vector_load %arg20[%swap3A_255] {strides = array<i32>} : memref<2048xf32, #tpu.memory_space<vmem>>, vector<16xf32>,
          tpu.vector_store %arg20[%swap3A_255], %gather3A_254 {strides = array<i32>} : memref<2048xf32, #tpu.memory_space<vmem>>, vector<16xf32>,
          %scan3A_257 = arith.constant 6 : i32
          %scan3A_258 = arith.addi %scan3A_182, %scan3A_257 : i32
          %mul3A_259 = arith.constant 1 : i32
          %mul3A_260 = arith.muli %scan3A_258, %mul3A_259 : i32
          %add3A_261 = arith.constant 0 : i32
          %add3A_262 = arith.addi %add3A_261, %mul3A_260 : i32
          %mul3A_263 = arith.constant 16 : i32
          %mul3A_264 = arith.muli %add3A_262, %mul3A_263 : i32
          %get3A_265 = arith.index_cast %mul3A_264 : i32 to index
          %get3A_266 = tpu.vector_load %arg14[%get3A_265] {strides = array<i32>} : memref<2048xi32, #tpu.memory_space<vmem>>, vector<16xi32>,
          %gather3A_267 = tpu.vector_load_idx %arg9[%get3A_266] : memref<100352xf32, #tpu.memory_space<vmem>>[vector<16xi32>], vector<16xf32>,
          %swap3A_268 = arith.index_cast %mul3A_264 : i32 to index
          %swap3A_269 = tpu.vector_load %arg20[%swap3A_268] {strides = array<i32>} : memref<2048xf32, #tpu.memory_space<vmem>>, vector<16xf32>,
          tpu.vector_store %arg20[%swap3A_268], %gather3A_267 {strides = array<i32>} : memref<2048xf32, #tpu.memory_space<vmem>>, vector<16xf32>,
          %scan3A_270 = arith.constant 7 : i32
          %scan3A_271 = arith.addi %scan3A_182, %scan3A_270 : i32
          %mul3A_272 = arith.constant 1 : i32
          %mul3A_273 = arith.muli %scan3A_271, %mul3A_272 : i32
          %add3A_274 = arith.constant 0 : i32
          %add3A_275 = arith.addi %add3A_274, %mul3A_273 : i32
          %mul3A_276 = arith.constant 16 : i32
          %mul3A_277 = arith.muli %add3A_275, %mul3A_276 : i32
          %get3A_278 = arith.index_cast %mul3A_277 : i32 to index
          %get3A_279 = tpu.vector_load %arg14[%get3A_278] {strides = array<i32>} : memref<2048xi32, #tpu.memory_space<vmem>>, vector<16xi32>,
          %gather3A_280 = tpu.vector_load_idx %arg9[%get3A_279] : memref<100352xf32, #tpu.memory_space<vmem>>[vector<16xi32>], vector<16xf32>,
          %swap3A_281 = arith.index_cast %mul3A_277 : i32 to index
          %swap3A_282 = tpu.vector_load %arg20[%swap3A_281] {strides = array<i32>} : memref<2048xf32, #tpu.memory_space<vmem>>, vector<16xf32>,
          tpu.vector_store %arg20[%swap3A_281], %gather3A_280 {strides = array<i32>} : memref<2048xf32, #tpu.memory_space<vmem>>, vector<16xf32>,
        }
        %scan3A_179 = arith.constant 128 : i32
        %dma_start3A_180 = arith.constant 0 : i32
        %dma_start3A_181 = tpu.memref_slice %arg10[%dma_start3A_180] : memref<100352xf32, #tpu.memory_space<vmem_shared>> -> memref<100352xf32, #tpu.memory_space<vmem_shared>>
        tpu.enqueue_indirect_dma source(%arg20 : memref<2048xf32, #tpu.memory_space<vmem>>) target(%dma_start3A_181 : memref<100352xf32, #tpu.memory_space<vmem_shared>>) offsets(%arg17 : memref<2048xi32, #tpu.memory_space<vmem>>) semaphore(%arg24 : memref<!tpu.dma_semaphore, #tpu.memory_space<semaphore_mem>>) {add = true}
      } else {
      }
      %jit3A_136 = arith.constant 3 : i32
      %eq3A_137 = arith.constant 0 : i32
      %eq3A_138 = arith.cmpi eq, %jit3A_136, %eq3A_137 : i32
      %jit3A_139 = arith.constant 1 : i32
      %select_n3A_140 = arith.select %eq3A_138, %jit3A_139, %jit3A_136 : i32
      %rem3A_141 = arith.remsi %add3A_96, %select_n3A_140 : i32
      %ne3A_142 = arith.constant 0 : i32
      %ne3A_143 = arith.cmpi ne, %rem3A_141, %ne3A_142 : i32
      %lt3A_144 = arith.constant 0 : i32
      %lt3A_145 = arith.cmpi slt, %rem3A_141, %lt3A_144 : i32
      %lt3A_146 = arith.constant 0 : i32
      %lt3A_147 = arith.cmpi slt, %select_n3A_140, %lt3A_146 : i32
      %ne3A_148 = arith.xori %lt3A_145, %lt3A_147 : i1
      %and3A_149 = arith.andi %ne3A_148, %ne3A_143 : i1
      %add3A_150 = arith.addi %rem3A_141, %select_n3A_140 : i32
      %select_n3A_151 = arith.select %and3A_149, %add3A_150, %rem3A_141 : i32
      %eq3A_152 = arith.constant 2 : i32
      %eq3A_153 = arith.cmpi eq, %select_n3A_151, %eq3A_152 : i32
      %convert_element_type3A_154 = arith.extui %eq3A_153 : i1 to i32
      %cond3A_155 = arith.constant 0 : i32
      %cond3A_156 = arith.cmpi ne, %convert_element_type3A_154, %cond3A_155 : i32
      scf.if %cond3A_156 {
        %dma_wait3A_157 = arith.constant 0 : i32
        %dma_wait3A_158 = tpu.memref_slice %arg2[%dma_wait3A_157] : memref<6400000xi32, #tpu.memory_space<hbm>> -> memref<2048xi32, #tpu.memory_space<hbm>>
        %dma_wait3A_159 = arith.constant 0 : i32
        %dma_wait3A_160 = tpu.memref_slice %arg2[%dma_wait3A_159] : memref<6400000xi32, #tpu.memory_space<hbm>> -> memref<2048xi32, #tpu.memory_space<hbm>>
        tpu.wait_dma2 semaphore(%arg22 : memref<!tpu.dma_semaphore, #tpu.memory_space<semaphore_mem>>) src(%dma_wait3A_160 : memref<2048xi32, #tpu.memory_space<hbm>>) dst(%arg15 : memref<2048xi32, #tpu.memory_space<vmem>>)
        %dma_wait3A_161 = arith.constant 0 : i32
        %dma_wait3A_162 = tpu.memref_slice %arg3[%dma_wait3A_161] : memref<6400000xi32, #tpu.memory_space<hbm>> -> memref<2048xi32, #tpu.memory_space<hbm>>
        %dma_wait3A_163 = arith.constant 0 : i32
        %dma_wait3A_164 = tpu.memref_slice %arg3[%dma_wait3A_163] : memref<6400000xi32, #tpu.memory_space<hbm>> -> memref<2048xi32, #tpu.memory_space<hbm>>
        tpu.wait_dma2 semaphore(%arg22 : memref<!tpu.dma_semaphore, #tpu.memory_space<semaphore_mem>>) src(%dma_wait3A_164 : memref<2048xi32, #tpu.memory_space<hbm>>) dst(%arg18 : memref<2048xi32, #tpu.memory_space<vmem>>)
        %ge3A = arith.constant 2 : i32
        %ge3A_165 = arith.cmpi sge, %add3A_96, %ge3A : i32
        %convert_element_type3A_166 = arith.extui %ge3A_165 : i1 to i32
        %cond3A_167 = arith.constant 0 : i32
        %cond3A_168 = arith.cmpi ne, %convert_element_type3A_166, %cond3A_167 : i32
        scf.if %cond3A_168 {
          %dma_wait3A_182 = arith.constant 0 : i32
          %dma_wait3A_183 = tpu.memref_slice %arg10[%dma_wait3A_182] : memref<100352xf32, #tpu.memory_space<vmem_shared>> -> memref<100352xf32, #tpu.memory_space<vmem_shared>>
          tpu.wait_indirect_dma semaphore(%arg24 : memref<!tpu.dma_semaphore, #tpu.memory_space<semaphore_mem>>) src(%arg19 : memref<2048xf32, #tpu.memory_space<vmem>>) dst(%dma_wait3A_183 : memref<100352xf32, #tpu.memory_space<vmem_shared>>)
        } else {
        }
        %add3A_169 = arith.constant 1 : i32
        %add3A_170 = arith.addi %add3A_96, %add3A_169 : i32
        %lt3A_171 = arith.cmpi slt, %add3A_170, %add3A_53 : i32
        %convert_element_type3A_172 = arith.extui %lt3A_171 : i1 to i32
        %cond3A_173 = arith.constant 0 : i32
        %cond3A_174 = arith.cmpi ne, %convert_element_type3A_172, %cond3A_173 : i32
        scf.if %cond3A_174 {
          %add3A_182 = arith.constant 1 : i32
          %add3A_183 = arith.addi %add3A_96, %add3A_182 : i32
          %add3A_184 = arith.addi %add3A_57, %add3A_183 : i32
          %mul3A_185 = arith.constant 2048 : i32
          %mul3A_186 = arith.muli %add3A_184, %mul3A_185 : i32
          %dma_start3A_187 = tpu.memref_slice %arg2[%mul3A_186] : memref<6400000xi32, #tpu.memory_space<hbm>> -> memref<2048xi32, #tpu.memory_space<hbm>>
          %dma_start3A_188 = tpu.memref_slice %arg2[%mul3A_186] : memref<6400000xi32, #tpu.memory_space<hbm>> -> memref<2048xi32, #tpu.memory_space<hbm>>
          tpu.enqueue_dma source(%dma_start3A_188 : memref<2048xi32, #tpu.memory_space<hbm>>) target(%arg13 : memref<2048xi32, #tpu.memory_space<vmem>>) target_semaphore(%arg22 : memref<!tpu.dma_semaphore, #tpu.memory_space<semaphore_mem>>)
          %dma_start3A_189 = tpu.memref_slice %arg3[%mul3A_186] : memref<6400000xi32, #tpu.memory_space<hbm>> -> memref<2048xi32, #tpu.memory_space<hbm>>
          %dma_start3A_190 = tpu.memref_slice %arg3[%mul3A_186] : memref<6400000xi32, #tpu.memory_space<hbm>> -> memref<2048xi32, #tpu.memory_space<hbm>>
          tpu.enqueue_dma source(%dma_start3A_190 : memref<2048xi32, #tpu.memory_space<hbm>>) target(%arg16 : memref<2048xi32, #tpu.memory_space<vmem>>) target_semaphore(%arg22 : memref<!tpu.dma_semaphore, #tpu.memory_space<semaphore_mem>>)
        } else {
        }
        %scan3A_175 = arith.constant 0 : i32
        %scan3A_176 = arith.constant 128 : i32
        %scan3A_177 = arith.addi %scan3A_175, %scan3A_176 : i32
        %scan3A_178 = arith.constant 8 : i32
        scf.for %scan3A_182 = %scan3A_175 to %scan3A_177 step %scan3A_178  : i32 {
          %mul3A_183 = arith.constant 1 : i32
          %mul3A_184 = arith.muli %scan3A_182, %mul3A_183 : i32
          %add3A_185 = arith.constant 0 : i32
          %add3A_186 = arith.addi %add3A_185, %mul3A_184 : i32
          %mul3A_187 = arith.constant 16 : i32
          %mul3A_188 = arith.muli %add3A_186, %mul3A_187 : i32
          %get3A_189 = arith.index_cast %mul3A_188 : i32 to index
          %get3A_190 = tpu.vector_load %arg15[%get3A_189] {strides = array<i32>} : memref<2048xi32, #tpu.memory_space<vmem>>, vector<16xi32>,
          %gather3A = tpu.vector_load_idx %arg9[%get3A_190] : memref<100352xf32, #tpu.memory_space<vmem>>[vector<16xi32>], vector<16xf32>,
          %swap3A = arith.index_cast %mul3A_188 : i32 to index
          %swap3A_191 = tpu.vector_load %arg21[%swap3A] {strides = array<i32>} : memref<2048xf32, #tpu.memory_space<vmem>>, vector<16xf32>,
          tpu.vector_store %arg21[%swap3A], %gather3A {strides = array<i32>} : memref<2048xf32, #tpu.memory_space<vmem>>, vector<16xf32>,
          %scan3A_192 = arith.constant 1 : i32
          %scan3A_193 = arith.addi %scan3A_182, %scan3A_192 : i32
          %mul3A_194 = arith.constant 1 : i32
          %mul3A_195 = arith.muli %scan3A_193, %mul3A_194 : i32
          %add3A_196 = arith.constant 0 : i32
          %add3A_197 = arith.addi %add3A_196, %mul3A_195 : i32
          %mul3A_198 = arith.constant 16 : i32
          %mul3A_199 = arith.muli %add3A_197, %mul3A_198 : i32
          %get3A_200 = arith.index_cast %mul3A_199 : i32 to index
          %get3A_201 = tpu.vector_load %arg15[%get3A_200] {strides = array<i32>} : memref<2048xi32, #tpu.memory_space<vmem>>, vector<16xi32>,
          %gather3A_202 = tpu.vector_load_idx %arg9[%get3A_201] : memref<100352xf32, #tpu.memory_space<vmem>>[vector<16xi32>], vector<16xf32>,
          %swap3A_203 = arith.index_cast %mul3A_199 : i32 to index
          %swap3A_204 = tpu.vector_load %arg21[%swap3A_203] {strides = array<i32>} : memref<2048xf32, #tpu.memory_space<vmem>>, vector<16xf32>,
          tpu.vector_store %arg21[%swap3A_203], %gather3A_202 {strides = array<i32>} : memref<2048xf32, #tpu.memory_space<vmem>>, vector<16xf32>,
          %scan3A_205 = arith.constant 2 : i32
          %scan3A_206 = arith.addi %scan3A_182, %scan3A_205 : i32
          %mul3A_207 = arith.constant 1 : i32
          %mul3A_208 = arith.muli %scan3A_206, %mul3A_207 : i32
          %add3A_209 = arith.constant 0 : i32
          %add3A_210 = arith.addi %add3A_209, %mul3A_208 : i32
          %mul3A_211 = arith.constant 16 : i32
          %mul3A_212 = arith.muli %add3A_210, %mul3A_211 : i32
          %get3A_213 = arith.index_cast %mul3A_212 : i32 to index
          %get3A_214 = tpu.vector_load %arg15[%get3A_213] {strides = array<i32>} : memref<2048xi32, #tpu.memory_space<vmem>>, vector<16xi32>,
          %gather3A_215 = tpu.vector_load_idx %arg9[%get3A_214] : memref<100352xf32, #tpu.memory_space<vmem>>[vector<16xi32>], vector<16xf32>,
          %swap3A_216 = arith.index_cast %mul3A_212 : i32 to index
          %swap3A_217 = tpu.vector_load %arg21[%swap3A_216] {strides = array<i32>} : memref<2048xf32, #tpu.memory_space<vmem>>, vector<16xf32>,
          tpu.vector_store %arg21[%swap3A_216], %gather3A_215 {strides = array<i32>} : memref<2048xf32, #tpu.memory_space<vmem>>, vector<16xf32>,
          %scan3A_218 = arith.constant 3 : i32
          %scan3A_219 = arith.addi %scan3A_182, %scan3A_218 : i32
          %mul3A_220 = arith.constant 1 : i32
          %mul3A_221 = arith.muli %scan3A_219, %mul3A_220 : i32
          %add3A_222 = arith.constant 0 : i32
          %add3A_223 = arith.addi %add3A_222, %mul3A_221 : i32
          %mul3A_224 = arith.constant 16 : i32
          %mul3A_225 = arith.muli %add3A_223, %mul3A_224 : i32
          %get3A_226 = arith.index_cast %mul3A_225 : i32 to index
          %get3A_227 = tpu.vector_load %arg15[%get3A_226] {strides = array<i32>} : memref<2048xi32, #tpu.memory_space<vmem>>, vector<16xi32>,
          %gather3A_228 = tpu.vector_load_idx %arg9[%get3A_227] : memref<100352xf32, #tpu.memory_space<vmem>>[vector<16xi32>], vector<16xf32>,
          %swap3A_229 = arith.index_cast %mul3A_225 : i32 to index
          %swap3A_230 = tpu.vector_load %arg21[%swap3A_229] {strides = array<i32>} : memref<2048xf32, #tpu.memory_space<vmem>>, vector<16xf32>,
          tpu.vector_store %arg21[%swap3A_229], %gather3A_228 {strides = array<i32>} : memref<2048xf32, #tpu.memory_space<vmem>>, vector<16xf32>,
          %scan3A_231 = arith.constant 4 : i32
          %scan3A_232 = arith.addi %scan3A_182, %scan3A_231 : i32
          %mul3A_233 = arith.constant 1 : i32
          %mul3A_234 = arith.muli %scan3A_232, %mul3A_233 : i32
          %add3A_235 = arith.constant 0 : i32
          %add3A_236 = arith.addi %add3A_235, %mul3A_234 : i32
          %mul3A_237 = arith.constant 16 : i32
          %mul3A_238 = arith.muli %add3A_236, %mul3A_237 : i32
          %get3A_239 = arith.index_cast %mul3A_238 : i32 to index
          %get3A_240 = tpu.vector_load %arg15[%get3A_239] {strides = array<i32>} : memref<2048xi32, #tpu.memory_space<vmem>>, vector<16xi32>,
          %gather3A_241 = tpu.vector_load_idx %arg9[%get3A_240] : memref<100352xf32, #tpu.memory_space<vmem>>[vector<16xi32>], vector<16xf32>,
          %swap3A_242 = arith.index_cast %mul3A_238 : i32 to index
          %swap3A_243 = tpu.vector_load %arg21[%swap3A_242] {strides = array<i32>} : memref<2048xf32, #tpu.memory_space<vmem>>, vector<16xf32>,
          tpu.vector_store %arg21[%swap3A_242], %gather3A_241 {strides = array<i32>} : memref<2048xf32, #tpu.memory_space<vmem>>, vector<16xf32>,
          %scan3A_244 = arith.constant 5 : i32
          %scan3A_245 = arith.addi %scan3A_182, %scan3A_244 : i32
          %mul3A_246 = arith.constant 1 : i32
          %mul3A_247 = arith.muli %scan3A_245, %mul3A_246 : i32
          %add3A_248 = arith.constant 0 : i32
          %add3A_249 = arith.addi %add3A_248, %mul3A_247 : i32
          %mul3A_250 = arith.constant 16 : i32
          %mul3A_251 = arith.muli %add3A_249, %mul3A_250 : i32
          %get3A_252 = arith.index_cast %mul3A_251 : i32 to index
          %get3A_253 = tpu.vector_load %arg15[%get3A_252] {strides = array<i32>} : memref<2048xi32, #tpu.memory_space<vmem>>, vector<16xi32>,
          %gather3A_254 = tpu.vector_load_idx %arg9[%get3A_253] : memref<100352xf32, #tpu.memory_space<vmem>>[vector<16xi32>], vector<16xf32>,
          %swap3A_255 = arith.index_cast %mul3A_251 : i32 to index
          %swap3A_256 = tpu.vector_load %arg21[%swap3A_255] {strides = array<i32>} : memref<2048xf32, #tpu.memory_space<vmem>>, vector<16xf32>,
          tpu.vector_store %arg21[%swap3A_255], %gather3A_254 {strides = array<i32>} : memref<2048xf32, #tpu.memory_space<vmem>>, vector<16xf32>,
          %scan3A_257 = arith.constant 6 : i32
          %scan3A_258 = arith.addi %scan3A_182, %scan3A_257 : i32
          %mul3A_259 = arith.constant 1 : i32
          %mul3A_260 = arith.muli %scan3A_258, %mul3A_259 : i32
          %add3A_261 = arith.constant 0 : i32
          %add3A_262 = arith.addi %add3A_261, %mul3A_260 : i32
          %mul3A_263 = arith.constant 16 : i32
          %mul3A_264 = arith.muli %add3A_262, %mul3A_263 : i32
          %get3A_265 = arith.index_cast %mul3A_264 : i32 to index
          %get3A_266 = tpu.vector_load %arg15[%get3A_265] {strides = array<i32>} : memref<2048xi32, #tpu.memory_space<vmem>>, vector<16xi32>,
          %gather3A_267 = tpu.vector_load_idx %arg9[%get3A_266] : memref<100352xf32, #tpu.memory_space<vmem>>[vector<16xi32>], vector<16xf32>,
          %swap3A_268 = arith.index_cast %mul3A_264 : i32 to index
          %swap3A_269 = tpu.vector_load %arg21[%swap3A_268] {strides = array<i32>} : memref<2048xf32, #tpu.memory_space<vmem>>, vector<16xf32>,
          tpu.vector_store %arg21[%swap3A_268], %gather3A_267 {strides = array<i32>} : memref<2048xf32, #tpu.memory_space<vmem>>, vector<16xf32>,
          %scan3A_270 = arith.constant 7 : i32
          %scan3A_271 = arith.addi %scan3A_182, %scan3A_270 : i32
          %mul3A_272 = arith.constant 1 : i32
          %mul3A_273 = arith.muli %scan3A_271, %mul3A_272 : i32
          %add3A_274 = arith.constant 0 : i32
          %add3A_275 = arith.addi %add3A_274, %mul3A_273 : i32
          %mul3A_276 = arith.constant 16 : i32
          %mul3A_277 = arith.muli %add3A_275, %mul3A_276 : i32
          %get3A_278 = arith.index_cast %mul3A_277 : i32 to index
          %get3A_279 = tpu.vector_load %arg15[%get3A_278] {strides = array<i32>} : memref<2048xi32, #tpu.memory_space<vmem>>, vector<16xi32>,
          %gather3A_280 = tpu.vector_load_idx %arg9[%get3A_279] : memref<100352xf32, #tpu.memory_space<vmem>>[vector<16xi32>], vector<16xf32>,
          %swap3A_281 = arith.index_cast %mul3A_277 : i32 to index
          %swap3A_282 = tpu.vector_load %arg21[%swap3A_281] {strides = array<i32>} : memref<2048xf32, #tpu.memory_space<vmem>>, vector<16xf32>,
          tpu.vector_store %arg21[%swap3A_281], %gather3A_280 {strides = array<i32>} : memref<2048xf32, #tpu.memory_space<vmem>>, vector<16xf32>,
        }
        %scan3A_179 = arith.constant 128 : i32
        %dma_start3A_180 = arith.constant 0 : i32
        %dma_start3A_181 = tpu.memref_slice %arg10[%dma_start3A_180] : memref<100352xf32, #tpu.memory_space<vmem_shared>> -> memref<100352xf32, #tpu.memory_space<vmem_shared>>
        tpu.enqueue_indirect_dma source(%arg21 : memref<2048xf32, #tpu.memory_space<vmem>>) target(%dma_start3A_181 : memref<100352xf32, #tpu.memory_space<vmem_shared>>) offsets(%arg18 : memref<2048xi32, #tpu.memory_space<vmem>>) semaphore(%arg24 : memref<!tpu.dma_semaphore, #tpu.memory_space<semaphore_mem>>) {add = true}
      } else {
      }
    }
    %dma_wait3A = arith.constant 0 : i32
    %dma_wait3A_81 = tpu.memref_slice %arg10[%dma_wait3A] : memref<100352xf32, #tpu.memory_space<vmem_shared>> -> memref<100352xf32, #tpu.memory_space<vmem_shared>>
    tpu.wait_indirect_dma semaphore(%arg24 : memref<!tpu.dma_semaphore, #tpu.memory_space<semaphore_mem>>) src(%arg19 : memref<2048xf32, #tpu.memory_space<vmem>>) dst(%dma_wait3A_81 : memref<100352xf32, #tpu.memory_space<vmem_shared>>)
    %dma_wait3A_82 = arith.constant 0 : i32
    %dma_wait3A_83 = tpu.memref_slice %arg10[%dma_wait3A_82] : memref<100352xf32, #tpu.memory_space<vmem_shared>> -> memref<100352xf32, #tpu.memory_space<vmem_shared>>
    tpu.wait_indirect_dma semaphore(%arg24 : memref<!tpu.dma_semaphore, #tpu.memory_space<semaphore_mem>>) src(%arg19 : memref<2048xf32, #tpu.memory_space<vmem>>) dst(%dma_wait3A_83 : memref<100352xf32, #tpu.memory_space<vmem_shared>>)
    %barrier3A_84 = arith.constant 0 : index
    tpu.barrier barrier_id(%barrier3A_84)
    %mul3A_85 = arith.constant 6272 : i32
    %mul3A_86 = arith.muli %arg1, %mul3A_85 : i32
    %eq3A = arith.constant 0 : i32
    %eq3A_87 = arith.cmpi eq, %arg0, %eq3A : i32
    %convert_element_type3A = arith.extui %eq3A_87 : i1 to i32
    %cond3A = arith.constant 0 : i32
    %cond3A_88 = arith.cmpi ne, %convert_element_type3A, %cond3A : i32
    scf.if %cond3A_88 {
      "tpu.region"() ({
        %run_scoped3A = tpu.sem_alloc : memref<!tpu.dma_semaphore, #tpu.memory_space<semaphore_mem>>
        %dma_start3A_94 = tpu.memref_slice %arg7[%mul3A_86] : memref<100352xf32, #tpu.memory_space<hbm>> -> memref<6272xf32, #tpu.memory_space<hbm>>
        %dma_start3A_95 = tpu.memref_slice %arg10[%mul3A_86] : memref<100352xf32, #tpu.memory_space<vmem_shared>> -> memref<6272xf32, #tpu.memory_space<vmem_shared>>
        tpu.enqueue_dma source(%dma_start3A_95 : memref<6272xf32, #tpu.memory_space<vmem_shared>>) target(%dma_start3A_94 : memref<6272xf32, #tpu.memory_space<hbm>>) target_semaphore(%run_scoped3A : memref<!tpu.dma_semaphore, #tpu.memory_space<semaphore_mem>>)
        %dma_wait3A_96 = tpu.memref_slice %arg7[%mul3A_86] : memref<100352xf32, #tpu.memory_space<hbm>> -> memref<6272xf32, #tpu.memory_space<hbm>>
        %dma_wait3A_97 = tpu.memref_slice %arg10[%mul3A_86] : memref<100352xf32, #tpu.memory_space<vmem_shared>> -> memref<6272xf32, #tpu.memory_space<vmem_shared>>
        tpu.wait_dma2 semaphore(%run_scoped3A : memref<!tpu.dma_semaphore, #tpu.memory_space<semaphore_mem>>) src(%dma_wait3A_97 : memref<6272xf32, #tpu.memory_space<vmem_shared>>) dst(%dma_wait3A_96 : memref<6272xf32, #tpu.memory_space<hbm>>)
        tpu.yield
      }) : () -> ()
    } else {
    }
    %eq3A_89 = arith.constant 1 : i32
    %eq3A_90 = arith.cmpi eq, %arg0, %eq3A_89 : i32
    %convert_element_type3A_91 = arith.extui %eq3A_90 : i1 to i32
    %cond3A_92 = arith.constant 0 : i32
    %cond3A_93 = arith.cmpi ne, %convert_element_type3A_91, %cond3A_92 : i32
    scf.if %cond3A_93 {
      "tpu.region"() ({
        %run_scoped3A = tpu.sem_alloc : memref<!tpu.dma_semaphore, #tpu.memory_space<semaphore_mem>>
        %dma_start3A_94 = tpu.memref_slice %arg8[%mul3A_86] : memref<100352xf32, #tpu.memory_space<hbm>> -> memref<6272xf32, #tpu.memory_space<hbm>>
        %dma_start3A_95 = tpu.memref_slice %arg10[%mul3A_86] : memref<100352xf32, #tpu.memory_space<vmem_shared>> -> memref<6272xf32, #tpu.memory_space<vmem_shared>>
        tpu.enqueue_dma source(%dma_start3A_95 : memref<6272xf32, #tpu.memory_space<vmem_shared>>) target(%dma_start3A_94 : memref<6272xf32, #tpu.memory_space<hbm>>) target_semaphore(%run_scoped3A : memref<!tpu.dma_semaphore, #tpu.memory_space<semaphore_mem>>)
        %dma_wait3A_96 = tpu.memref_slice %arg8[%mul3A_86] : memref<100352xf32, #tpu.memory_space<hbm>> -> memref<6272xf32, #tpu.memory_space<hbm>>
        %dma_wait3A_97 = tpu.memref_slice %arg10[%mul3A_86] : memref<100352xf32, #tpu.memory_space<vmem_shared>> -> memref<6272xf32, #tpu.memory_space<vmem_shared>>
        tpu.wait_dma2 semaphore(%run_scoped3A : memref<!tpu.dma_semaphore, #tpu.memory_space<semaphore_mem>>) src(%dma_wait3A_97 : memref<6272xf32, #tpu.memory_space<vmem_shared>>) dst(%dma_wait3A_96 : memref<6272xf32, #tpu.memory_space<hbm>>)
        tpu.yield
      }) : () -> ()
    } else {
    }
    return
  }
}

#map = affine_map<(d0, d1) -> (0)>
module attributes {stable_mosaic.version = 14 : i64} {
  func.func @_final_body(%arg0: i32, %arg1: i32, %arg2: memref<100352xf32, #tpu.memory_space<hbm>>, %arg3: memref<100352xf32, #tpu.memory_space<hbm>>, %arg4: memref<16xf32, #tpu.memory_space<hbm>>, %arg5: memref<16xf32, #tpu.memory_space<hbm>>, %arg6: memref<100352xf32, #tpu.memory_space<hbm>>, %arg7: memref<3136xf32, #tpu.memory_space<vmem>>, %arg8: memref<3136xf32, #tpu.memory_space<vmem>>, %arg9: memref<16xf32, #tpu.memory_space<vmem>>, %arg10: memref<16xf32, #tpu.memory_space<vmem>>) attributes {dimension_semantics = [#tpu.dimension_semantics<core_parallel>, #tpu.dimension_semantics<subcore_parallel>], iteration_bounds = array<i64: 2, 16>, scalar_prefetch = 0 : i64, scratch_operands = 4 : i64, tpu.core_type = #tpu.core_type<sc_vector_subcore>, window_params = [{transform_indices = #map}, {transform_indices = #map}, {transform_indices = #map}, {transform_indices = #map}, {transform_indices = #map}]} {
    %mul3A = arith.constant 16 : i32
    %mul3A_0 = arith.muli %arg0, %mul3A : i32
    %add3A = arith.addi %mul3A_0, %arg1 : i32
    %mul3A_1 = arith.constant 3136 : i32
    %mul3A_2 = arith.muli %add3A, %mul3A_1 : i32
    "tpu.region"() ({
      %run_scoped3A = tpu.sem_alloc : memref<!tpu.dma_semaphore, #tpu.memory_space<semaphore_mem>>
      %dma_start3A = tpu.memref_slice %arg2[%mul3A_2] : memref<100352xf32, #tpu.memory_space<hbm>> -> memref<3136xf32, #tpu.memory_space<hbm>>
      %dma_start3A_10 = tpu.memref_slice %arg2[%mul3A_2] : memref<100352xf32, #tpu.memory_space<hbm>> -> memref<3136xf32, #tpu.memory_space<hbm>>
      tpu.enqueue_dma source(%dma_start3A_10 : memref<3136xf32, #tpu.memory_space<hbm>>) target(%arg7 : memref<3136xf32, #tpu.memory_space<vmem>>) target_semaphore(%run_scoped3A : memref<!tpu.dma_semaphore, #tpu.memory_space<semaphore_mem>>)
      %dma_wait3A = tpu.memref_slice %arg2[%mul3A_2] : memref<100352xf32, #tpu.memory_space<hbm>> -> memref<3136xf32, #tpu.memory_space<hbm>>
      %dma_wait3A_11 = tpu.memref_slice %arg2[%mul3A_2] : memref<100352xf32, #tpu.memory_space<hbm>> -> memref<3136xf32, #tpu.memory_space<hbm>>
      tpu.wait_dma2 semaphore(%run_scoped3A : memref<!tpu.dma_semaphore, #tpu.memory_space<semaphore_mem>>) src(%dma_wait3A_11 : memref<3136xf32, #tpu.memory_space<hbm>>) dst(%arg7 : memref<3136xf32, #tpu.memory_space<vmem>>)
      tpu.yield
    }) : () -> ()
    "tpu.region"() ({
      %run_scoped3A = tpu.sem_alloc : memref<!tpu.dma_semaphore, #tpu.memory_space<semaphore_mem>>
      %dma_start3A = tpu.memref_slice %arg3[%mul3A_2] : memref<100352xf32, #tpu.memory_space<hbm>> -> memref<3136xf32, #tpu.memory_space<hbm>>
      %dma_start3A_10 = tpu.memref_slice %arg3[%mul3A_2] : memref<100352xf32, #tpu.memory_space<hbm>> -> memref<3136xf32, #tpu.memory_space<hbm>>
      tpu.enqueue_dma source(%dma_start3A_10 : memref<3136xf32, #tpu.memory_space<hbm>>) target(%arg8 : memref<3136xf32, #tpu.memory_space<vmem>>) target_semaphore(%run_scoped3A : memref<!tpu.dma_semaphore, #tpu.memory_space<semaphore_mem>>)
      %dma_wait3A = tpu.memref_slice %arg3[%mul3A_2] : memref<100352xf32, #tpu.memory_space<hbm>> -> memref<3136xf32, #tpu.memory_space<hbm>>
      %dma_wait3A_11 = tpu.memref_slice %arg3[%mul3A_2] : memref<100352xf32, #tpu.memory_space<hbm>> -> memref<3136xf32, #tpu.memory_space<hbm>>
      tpu.wait_dma2 semaphore(%run_scoped3A : memref<!tpu.dma_semaphore, #tpu.memory_space<semaphore_mem>>) src(%dma_wait3A_11 : memref<3136xf32, #tpu.memory_space<hbm>>) dst(%arg8 : memref<3136xf32, #tpu.memory_space<vmem>>)
      tpu.yield
    }) : () -> ()
    "tpu.region"() ({
      %run_scoped3A = tpu.sem_alloc : memref<!tpu.dma_semaphore, #tpu.memory_space<semaphore_mem>>
      tpu.enqueue_dma source(%arg4 : memref<16xf32, #tpu.memory_space<hbm>>) target(%arg9 : memref<16xf32, #tpu.memory_space<vmem>>) target_semaphore(%run_scoped3A : memref<!tpu.dma_semaphore, #tpu.memory_space<semaphore_mem>>)
      tpu.wait_dma2 semaphore(%run_scoped3A : memref<!tpu.dma_semaphore, #tpu.memory_space<semaphore_mem>>) src(%arg4 : memref<16xf32, #tpu.memory_space<hbm>>) dst(%arg9 : memref<16xf32, #tpu.memory_space<vmem>>)
      tpu.yield
    }) : () -> ()
    "tpu.region"() ({
      %run_scoped3A = tpu.sem_alloc : memref<!tpu.dma_semaphore, #tpu.memory_space<semaphore_mem>>
      tpu.enqueue_dma source(%arg5 : memref<16xf32, #tpu.memory_space<hbm>>) target(%arg10 : memref<16xf32, #tpu.memory_space<vmem>>) target_semaphore(%run_scoped3A : memref<!tpu.dma_semaphore, #tpu.memory_space<semaphore_mem>>)
      tpu.wait_dma2 semaphore(%run_scoped3A : memref<!tpu.dma_semaphore, #tpu.memory_space<semaphore_mem>>) src(%arg5 : memref<16xf32, #tpu.memory_space<hbm>>) dst(%arg10 : memref<16xf32, #tpu.memory_space<vmem>>)
      tpu.yield
    }) : () -> ()
    %get3A = arith.constant 0 : index
    %get3A_3 = tpu.vector_load %arg9[%get3A] {strides = array<i32>} : memref<16xf32, #tpu.memory_space<vmem>>, vector<16xf32>,
    %get3A_4 = arith.constant 0 : index
    %get3A_5 = tpu.vector_load %arg10[%get3A_4] {strides = array<i32>} : memref<16xf32, #tpu.memory_space<vmem>>, vector<16xf32>,
    %scan3A = arith.constant 0 : i32
    %scan3A_6 = arith.constant 196 : i32
    %scan3A_7 = arith.addi %scan3A, %scan3A_6 : i32
    %scan3A_8 = arith.constant 1 : i32
    scf.for %scan3A_10 = %scan3A to %scan3A_7 step %scan3A_8  : i32 {
      %mul3A_11 = arith.constant 1 : i32
      %mul3A_12 = arith.muli %scan3A_10, %mul3A_11 : i32
      %add3A_13 = arith.constant 0 : i32
      %add3A_14 = arith.addi %add3A_13, %mul3A_12 : i32
      %mul3A_15 = arith.constant 16 : i32
      %mul3A_16 = arith.muli %add3A_14, %mul3A_15 : i32
      %get3A_17 = arith.index_cast %mul3A_16 : i32 to index
      %get3A_18 = tpu.vector_load %arg7[%get3A_17] {strides = array<i32>} : memref<3136xf32, #tpu.memory_space<vmem>>, vector<16xf32>,
      %get3A_19 = vector.shape_cast %get3A_18 : vector<16xf32> to vector<16xf32>
      %get3A_20 = arith.index_cast %mul3A_16 : i32 to index
      %get3A_21 = tpu.vector_load %arg8[%get3A_20] {strides = array<i32>} : memref<3136xf32, #tpu.memory_space<vmem>>, vector<16xf32>,
      %get3A_22 = vector.shape_cast %get3A_21 : vector<16xf32> to vector<16xf32>
      %add3A_23 = arith.addf %get3A_19, %get3A_22 : vector<16xf32>
      %mul3A_24 = arith.mulf %add3A_23, %get3A_3 : vector<16xf32>
      %max3A = arith.constant 0.000000e+00 : f32
      %max3A_25 = vector.broadcast %max3A : f32 to vector<16xf32>
      %max3A_26 = arith.maximumf %mul3A_24, %max3A_25 : vector<16xf32>
      %add3A_27 = arith.addf %max3A_26, %get3A_5 : vector<16xf32>
      %neg3A = arith.constant 0.000000e+00 : f32
      %neg3A_28 = vector.broadcast %neg3A : f32 to vector<16xf32>
      %neg3A_29 = arith.subf %neg3A_28, %add3A_27 : vector<16xf32>
      %exp3A = math.exp %neg3A_29 : vector<16xf32>
      %add3A_30 = arith.constant 1.000000e+00 : f32
      %add3A_31 = vector.broadcast %add3A_30 : f32 to vector<16xf32>
      %add3A_32 = arith.addf %add3A_31, %exp3A : vector<16xf32>
      %div3A = arith.constant 1.000000e+00 : f32
      %div3A_33 = vector.broadcast %div3A : f32 to vector<16xf32>
      %div3A_34 = arith.divf %div3A_33, %add3A_32 : vector<16xf32>
      %swap3A = arith.index_cast %mul3A_16 : i32 to index
      %swap3A_35 = tpu.vector_load %arg7[%swap3A] {strides = array<i32>} : memref<3136xf32, #tpu.memory_space<vmem>>, vector<16xf32>,
      tpu.vector_store %arg7[%swap3A], %div3A_34 {strides = array<i32>} : memref<3136xf32, #tpu.memory_space<vmem>>, vector<16xf32>,
    }
    %scan3A_9 = arith.constant 196 : i32
    "tpu.region"() ({
      %run_scoped3A = tpu.sem_alloc : memref<!tpu.dma_semaphore, #tpu.memory_space<semaphore_mem>>
      %dma_start3A = tpu.memref_slice %arg6[%mul3A_2] : memref<100352xf32, #tpu.memory_space<hbm>> -> memref<3136xf32, #tpu.memory_space<hbm>>
      %dma_start3A_10 = tpu.memref_slice %arg6[%mul3A_2] : memref<100352xf32, #tpu.memory_space<hbm>> -> memref<3136xf32, #tpu.memory_space<hbm>>
      tpu.enqueue_dma source(%arg7 : memref<3136xf32, #tpu.memory_space<vmem>>) target(%dma_start3A_10 : memref<3136xf32, #tpu.memory_space<hbm>>) target_semaphore(%run_scoped3A : memref<!tpu.dma_semaphore, #tpu.memory_space<semaphore_mem>>)
      %dma_wait3A = tpu.memref_slice %arg6[%mul3A_2] : memref<100352xf32, #tpu.memory_space<hbm>> -> memref<3136xf32, #tpu.memory_space<hbm>>
      %dma_wait3A_11 = tpu.memref_slice %arg6[%mul3A_2] : memref<100352xf32, #tpu.memory_space<hbm>> -> memref<3136xf32, #tpu.memory_space<hbm>>
      tpu.wait_dma2 semaphore(%run_scoped3A : memref<!tpu.dma_semaphore, #tpu.memory_space<semaphore_mem>>) src(%arg7 : memref<3136xf32, #tpu.memory_space<vmem>>) dst(%dma_wait3A_11 : memref<3136xf32, #tpu.memory_space<hbm>>)
      tpu.yield
    }) : () -> ()
    return
  }
}

</mosaic_0001>

<sc_bundles>
// kernel: kernel.11.cloned.1.call-start
scs
__scs_entry_jumppad:
0x0: {  	(pc) =	sbr.rel $0x88, $3  }
0x1: {  	(tag) =	ssettag $0x0;
	lr =	simm.s32 $0x1  }
0x2: {  	[smem:$0x3F9C] =	sst lr;
	_ =	strace $0xD0000000  }
0x3: {  	_ = 	snop  }
0x4: {  	_ = 	snop  }
0x5: {  	_ = 	snop  }
0x6: {  	_ = 	snop  }
0x7: {  	_ = 	snop  }
__scs_overlays_trampoline_lowered:
0x8: {  	[smem:$0x3FAB] =	sst s0  }
0x9: {  	[smem:$0x3FAC] =	sst s1  }
0xa: {  	[smem:$0x3FAD] =	sst s2  }
0xb: {  	[smem:$0x3FAE] =	sst s3  }
0xc: {  	[smem:$0x3FAF] =	sst s4  }
0xd: {  	[smem:$0x3FB0] =	sst s5  }
0xe: {  	[smem:$0x3FB1] =	sst s6  }
0xf: {  	[smem:$0x3FB2] =	sst s7  }
0x10: {  	[smem:$0x3FB3] =	sst s8  }
0x11: {  	[smem:$0x3FB4] =	sst s9;
	s0 =	simm.s32 @!p0 $0x0  }
0x12: {  	s1 =	sld [smem:$0x3F9A];
	s0 =	simm.s32 @p0 $0x1  }
0x13: {  	[smem:$0x3FB5] =	sst s0;
	s0 =	simm.s32 @!p1 $0x0  }
0x14: {  	s2 =	sld [smem:$0x3F99];
	s0 =	simm.s32 @p1 $0x1  }
0x15: {  	[smem:$0x3FB6] =	sst s0;
	s0 =	simm.s32 @!p2 $0x0  }
0x16: {  	s3 =	sld [smem:$0x3FDB];
	s0 =	simm.s32 @p2 $0x1  }
0x17: {  	s4 =	simm.s32 $0x1BF5;
	[smem:$0x3FB8] =	sst s0  }
0x18: {  	s0 =	sld [smem:$0x3F9B];
	_ =	swait.ge [sflag:s4], $0x0  }
0x19: {  	s7 =	sld [smem:$0x3F9C]  }
0x1a: {  	s8 =	sadd.s32 $0xFFFFE003, lr  }
0x1b: {  	s9 =	sadd.s32 $0xFFFFFEF7, lr;
	s5 =	simm.s32 $0xFFFFFFFF;
	p2 =	slt.u32 s8, $0xFFFFF086  }
0x1c: {  	p1 =	slt.u32 s9, $0xF7A;
	s5 =	simm.s32 @!p2 $0x0  }
0x1d: {  	s5 =	simm.s32 @p1 $0x1;
	p0 =	seq.s32 s7, s2  }
0x1e: {  	s7 =	smul.u32 @!p0 $0xF7A, s2;
	p2 =	seq.s32 @!p0 s5, $0x0  }
0x1f: {  	s9 =	smul.u32 $0xF7A, s1;
	s8 =	simm.s32 @!p0 $0x1BF5;
	p2 =	por !p2, p0  }
0x20: {  	[sflag:s8] =	ssyncset.s32 @!p0 $0xFFFFF086;
	s6 =	sadd.s32 @!p0 s3, s7;
	s7 =	simm.s32 @!p0 $0x108  }
0x21: {  	s3 =	sadd.s32 s3, s9;
	s6 =	sadd.s32 @!p0 $0x88, s6;
	s7 =	simm.s32 @p2 $0x1082  }
0x22: {  	[simem:s7], [sflag:s8] =	dma.local @!p0 [hbm:s6], $0xF7A  }
0x23: {  	s9 =	sor.u32 $0xD0000000, s2;
	s6 =	simm.s32 $0x108;
	_ =	swait.ge @!p0 [sflag:s8], $0x0  }
0x24: {  	s3 =	sadd.s32 $0x88, s3;
	s6 =	simm.s32 @!p1 $0x1082;
	[sflag:s4] =	ssyncset.s32 $0xFFFFF086  }
0x25: {  	[simem:s6], [sflag:s4] =	dma.local [hbm:s3], $0xF7A  }
0x26: {  	[smem:$0x3F9C] =	sst s1;
	(tag) =	ssettag s2;
	_ =	strace s9  }
0x27: {  	s1 =	sld [smem:$0x3FAC]  }
0x28: {  	s2 =	sld [smem:$0x3FAD]  }
0x29: {  	s4 =	sld [smem:$0x3FAF]  }
0x2a: {  	p0 =	seq.s32 s5, $0x0;
	s5 =	sld [smem:$0x3FB0]  }
0x2b: {  	s6 =	sld [smem:$0x3FB1]  }
0x2c: {  	s7 =	sld [smem:$0x3FB2]  }
0x2d: {  	s3 =	simm.s32 $0x108;
	s8 =	sld [smem:$0x3FB3]  }
0x2e: {  	s3 =	simm.s32 @!p0 $0x1082;
	s9 =	sld [smem:$0x3FB4]  }
0x2f: {  	lr =	sadd.s32 s0, s3;
	s0 =	sld [smem:$0x3FAB]  }
0x30: {  	s3 =	sld [smem:$0x3FAE]  }
0x31: {  	[smem:$0x3FB7] =	sst s10  }
0x32: {  	s10 =	sld [smem:$0x3FB5];
	_ =	sdelay $0x3  }
0x33: {  	p0 =	seq.s32 s10, $0x1;
	s10 =	sld [smem:$0x3FB7];
	_ =	sdelay $0x3  }
0x34: {  	[smem:$0x3FB7] =	sst s10  }
0x35: {  	s10 =	sld [smem:$0x3FB6];
	_ =	sdelay $0x3  }
0x36: {  	p1 =	seq.s32 s10, $0x1;
	s10 =	sld [smem:$0x3FB7];
	_ =	sdelay $0x3  }
0x37: {  	[smem:$0x3FB7] =	sst s10  }
0x38: {  	s10 =	sld [smem:$0x3FB8]  }
0x39: {  	_ = 	snop;
	(pc) =	sbr.ind lr, $3  }
0x3a: {  	_ = 	snop  }
0x3b: {  	_ = 	snop  }
0x3c: {  	p2 =	seq.s32 s10, $0x1;
	s10 =	sld [smem:$0x3FB7]  }
0x3d: {  	_ =	shalt  }
0x3e: {  	_ =	shalt  }
0x3f: {  	_ =	shalt  }
0x40: {  	_ =	shalt  }
0x41: {  	_ =	shalt  }
0x42: {  	_ =	shalt  }
0x43: {  	_ =	shalt  }
0x44: {  	_ =	shalt  }
0x45: {  	_ =	shalt  }
0x46: {  	_ =	shalt  }
0x47: {  	_ =	shalt  }
0x48: {  	_ =	shalt  }
0x49: {  	_ =	shalt  }
0x4a: {  	_ =	shalt  }
0x4b: {  	_ =	shalt  }
0x4c: {  	_ =	shalt  }
0x4d: {  	_ =	shalt  }
0x4e: {  	_ =	shalt  }
0x4f: {  	_ =	shalt  }
0x50: {  	_ =	shalt  }
0x51: {  	_ =	shalt  }
0x52: {  	_ =	shalt  }
0x53: {  	_ =	shalt  }
0x54: {  	_ =	shalt  }
0x55: {  	_ =	shalt  }
0x56: {  	_ =	shalt  }
0x57: {  	_ =	shalt  }
0x58: {  	_ =	shalt  }
0x59: {  	_ =	shalt  }
0x5a: {  	_ =	shalt  }
0x5b: {  	_ =	shalt  }
0x5c: {  	_ =	shalt  }
0x5d: {  	_ =	shalt  }
0x5e: {  	_ =	shalt  }
0x5f: {  	_ =	shalt  }
0x60: {  	_ =	shalt  }
0x61: {  	_ =	shalt  }
0x62: {  	_ =	shalt  }
0x63: {  	_ =	shalt  }
0x64: {  	_ =	shalt  }
0x65: {  	_ =	shalt  }
0x66: {  	_ =	shalt  }
0x67: {  	_ =	shalt  }
0x68: {  	_ =	shalt  }
0x69: {  	_ =	shalt  }
0x6a: {  	_ =	shalt  }
0x6b: {  	_ =	shalt  }
0x6c: {  	_ =	shalt  }
0x6d: {  	_ =	shalt  }
0x6e: {  	_ =	shalt  }
0x6f: {  	_ =	shalt  }
0x70: {  	_ =	shalt  }
0x71: {  	_ =	shalt  }
0x72: {  	_ =	shalt  }
0x73: {  	_ =	shalt  }
0x74: {  	_ =	shalt  }
0x75: {  	_ =	shalt  }
0x76: {  	_ =	shalt  }
0x77: {  	_ =	shalt  }
0x78: {  	_ =	shalt  }
0x79: {  	_ =	shalt  }
0x7a: {  	_ =	shalt  }
0x7b: {  	_ =	shalt  }
0x7c: {  	_ =	shalt  }
0x7d: {  	_ =	shalt  }
0x7e: {  	_ =	shalt  }
0x7f: {  	_ =	shalt  }
0x80: {  	_ =	shalt  }
0x81: {  	_ =	shalt  }
0x82: {  	_ =	shalt  }
0x83: {  	_ =	shalt  }
0x84: {  	_ =	shalt  }
0x85: {  	_ =	shalt  }
0x86: {  	_ =	shalt  }
0x87: {  	_ =	shalt  }
.Lfunc_end0:
.L_simem_size_0:
called_computation.2_lowered:
.L_overlay_start_0:
0x88: {  	s2 =	sld [smem:$0x3FD9]  }
0x89: {  	s3 =	sld [smem:$0x3FFE];
	_ =	sdelay $0x1  }
0x8a: {  	s1 =	srdreg.scid  }
0x8b: {  	s0 =	sand.u32 $0x1, s1  }
0x8c: {  	s17 =	sshll.u32 s0, $0xA;
	s2 =	sadd.s32 s3, s2  }
0x8d: {  	s2 =	sadd.s32 s2, s17  }
0x8e: {  	[smem:$0x3FC3] =	sst s2  }
0x8f: {  	_ = 	snop  }
0x90: {  	s2 =	sld [smem:$0x3FD0];
	(tm) =	ssettm $0x1  }
0x91: {  	s18 =	sld [smem:$0x3FFB];
	_ =	sdelay $0x3  }
0x92: {  	_ =	strace s18  }
0x93: {  	s3 =	sld [smem:$0x3FFC];
	_ =	sdelay $0x3  }
0x94: {  	_ =	strace s3  }
0x95: {  	s3 =	sld [smem:$0x3FFD];
	_ =	sdelay $0x3  }
0x96: {  	_ =	strace s3  }
0x97: {  	_ =	strace $0x8FFFFFFF  }
0x98: {  	s19 =	sld [smem:$0x3FDB];
	_ =	sdelay $0x1  }
0x99: {  	s4 =	simm.s32 $_scs_section_size  }
0x9a: {  	s5 =	simm.s32 $_size__tile_overlayer_lowered;
	s6 =	simm.s32 $_tile_overlayer_lowered  }
0x9b: {  	s22 =	simm.s32 $0x1BFF;
	s21 =	sshll.u32 s6, $0x1;
	s3 =	sadd.s32 s4, s19  }
0x9c: {  	s7 =	simm.s32 $0x0;
	s20 =	sshll.u32 s5, $0x1;
	s5 =	sadd.s32 s21, s3  }
0x9d: {  	[timem:s7], [sflag:s22] =	dma.local [hbm:s5], s20  }
0x9e: {  	_ =	swait.ge [sflag:s22], s20  }
0x9f: {  	s4 =	ssub.s32 $0x0, s20;
	[sflag:s22] =	ssyncset.done $0x0  }
0xa0: {  	[sflag:s22] =	ssyncadd.s32 s4;
	_ =	sdelay $0x1  }
0xa1: {  	s23 =	simm.s32 $0x1B8B  }
0xa2: {  	_ =	swait.ge [sflag:s23], $0x1  }
0xa3: {  	[sflag:s23] =	ssyncset.done $0x0  }
0xa4: {  	s25 =	simm.s32 $0x1B8E;
	s24 =	sld [smem:$0x3FFE];
	[sflag:s23] =	ssyncadd.s32 $0xFFFFFFFF  }
0xa5: {  	s26 =	simm.s32 $execute0_lowered;
	[smem:$0x3FD2] =	sst s25  }
0xa6: {  	s5 =	sshll.u32 s26, $0x1;
	_ =	strace $0x8000004C;
	[dreg:$0x1] =	wrdreg $0xFFFFFFFF  }
0xa7: {  	s28 =	simm.s32 $_size_execute0_lowered;
	s3 =	sadd.s32 s3, s5;
	[dreg:$0x0] =	wrdreg $0x0  }
0xa8: {  	s5 =	sshll.u32 s28, $0x1;
	[dreg:$0x2] =	wrdreg s3  }
0xa9: {  	[dreg:$0x3] =	wrdreg s5  }
0xaa: {  	[dreg:$0x4] =	wrdreg $0xC0  }
0xab: {  	_ =	task [dreg:s7], $0x5FFFF  }
0xac: {  	[dreg:$0x1] =	wrdreg $0xFFFFFFFF  }
0xad: {  	[dreg:$0x0] =	wrdreg $0x60  }
0xae: {  	[dreg:$0x2] =	wrdreg s24  }
0xaf: {  	[dreg:$0x3] =	wrdreg s2  }
0xb0: {  	[dreg:$0x4] =	wrdreg $0x9  }
0xb1: {  	_ =	task.clear_ibuf [dreg:s7], $0x5FFFF;
	_ =	strace $0x9000004C  }
0xb2: {  	s29 =	simm.s32 $0x9;
	_ =	strace $0x8000004E  }
0xb3: {  	_ =	swait.ge [sflag:s29], $0x1  }
0xb4: {  	[sflag:s29] =	ssyncadd.s32 $0xFFFFFFFF  }
0xb5: {  	_ =	strace $0x9000004E  }
0xb6: {  	_ =	sfence  }
0xb7: {  	s30 =	sld [smem:$0x0];
	_ =	sdelay $0x2  }
0xb8: {  	s31 =	sshll.u32 s1, $0xD;
	s1 =	sshrl.u32 s1, $0x2  }
0xb9: {  	s3 =	sand.u32 $0x4000, s31;
	s1 =	sadd.s32 s1, s30  }
0xba: {  	s0 =	sor.u32 s3, s0;
	s1 =	sshll.u32 s1, $0x11  }
0xbb: {  	s0 =	sor.u32 s1, s0  }
0xbc: {  	s0 =	sadd.s32 $0x8F2B, s0  }
0xbd: {  	[sflag:s0] =	ssyncadd.remote.s32 $0x1  }
0xbe: {  	_ =	sfence.sel $0xFFFF  }
0xbf: {  	[dreg:$0x0] =	wrdreg $0xFFFFFFFF;
	(pc) =	sbr.abs _section_cstart, $3  }
0xc0: {  	[dreg:$0x1] =	wrdreg $0xFFFFFFFF  }
0xc1: {  	_ =	task.clear_ibuf [dreg:s7], $0x2FFFF;
	_ =	strace $0x9FFFFFFF  }
0xc2: {  	(tm) =	ssettm $0x7FFFFFFF  }
0xc3: {  	_ =	shalt  }
tec
execute0_lowered:
.L_overlay_start_1:
0x0: {  	(tag) =	ssettag $0x1  }
0x1: {  	s4 =	rddreg [dreg:$0x0]  }
0x2: {  	s0 =	srdreg.scid;
	s7 =	rddreg [dreg:$0x1]  }
0x3: {  	s2 =	simm.s32 $0x0;
	s10 =	simm.s32 $0xC80;
	s3 =	sand.u32 $0x1, s0  }
0x4: {  	s11 =	simm.s32 $0x1900;
	s0 =	stileid.u32;
	s1 =	sshll.u32 s3, $0x4  }
0x5: {  	s12 =	simm.s32 $0x1980;
	s13 =	simm.s32 $0x0;
	s5 =	sor.u32 s0, s1  }
0x6: {  	[smem:$0x7FF] =	sst s2;
	s31 =	ssub.s32 $0x2, s3;
	s8 =	smul.u32 $0x188, s5  }
0x7: {  	s3 =	sadd.s32 $0x1400, s4;
	s1 =	rddreg [dreg:$0x2];
	s9 =	sshrl.u32 s31, $0x1  }
0x8: {  	_ =	strace $0x8000004D;
	s9 =	ssub.s32 s31, s9;
	s6 =	sadd.s32 s8, s4  }
0x9: {  	s4 =	sadd.s32 $0x1600, s4;
	s7 =	sadd.s32 s7, s8;
	s8 =	smax.u32 s9, $0x1  }
0xa: {  	s9 =	simm.s32 $0x1;
	s5 =	sadd.s32 $0x18E400, s6;
	s6 =	sadd.s32 $0x191600, s6  }
.LBB2_1:
0xb: {  	[tilespmem:s2], [sflag:$0x1] =	stream.linear.gather [hbm4b:s5+s2], $0xC40, $0x38;
	[tilespmem:$0x1A00] =	vst v63  }
0xc: {  	_ =	swait.ge [sflag:s9], $0xC40  }
0xd: {  	[sflag:s9] =	ssyncset.done $0x0  }
0xe: {  	[sflag:s9] =	ssyncadd.s32 $0xFFFFF3C0  }
0xf: {  	[tilespmem:s10], [sflag:$0x1] =	stream.linear.gather [hbm4b:s6+s2], $0xC40, $0x38;
	[tilespmem:$0x1A00] =	vst v63  }
0x10: {  	_ =	swait.ge [sflag:s9], $0xC40  }
0x11: {  	[sflag:s9] =	ssyncset.done $0x0  }
0x12: {  	[sflag:s9] =	ssyncadd.s32 $0xFFFFF3C0  }
0x13: {  	[tilespmem:s11], [sflag:$0x1] =	stream.linear.gather [hbm4b:s3+s2], $0x80, $0x38;
	[tilespmem:$0x1A00] =	vst v63  }
0x14: {  	_ =	swait.ge [sflag:s9], $0x80  }
0x15: {  	[sflag:s9] =	ssyncset.done $0x0  }
0x16: {  	[sflag:s9] =	ssyncadd.s32 $0xFFFFFF80  }
0x17: {  	[tilespmem:s12], [sflag:$0x1] =	stream.linear.gather [hbm4b:s4+s2], $0x80, $0x38;
	[tilespmem:$0x1A00] =	vst v63  }
0x18: {  	_ =	swait.ge [sflag:s9], $0x80  }
0x19: {  	[sflag:s9] =	ssyncset.done $0x0  }
0x1a: {  	[sflag:s9] =	ssyncadd.s32 $0xFFFFFF80  }
0x1b: {  	v1 =	vld [tilespmem:$0x1900]  }
0x1c: {  	s14 =	simm.s32 $0x0;
	v0 =	vld [tilespmem:$0x1980]  }
0x1d: {  	s15 =	simm.s32 $0x40;
	v2 =	vld [tilespmem:s14+$0xC80]  }
.LBB2_2:
0x1e: {  	p0 =	sne.s32 s15, $0x30C0;
	v3 =	vld [tilespmem:s14+$0x0];
	_ =	sdelay $0x4  }
0x1f: {  	v2 =	vadd.f32 v2, v3;
	_ =	sdelay $0x1  }
0x20: {  	v2 =	vmul.f32 v2, v1;
	_ =	sdelay $0x1  }
0x21: {  	v2 =	vmax.f32 v2, $0.0e+00  }
0x22: {  	v2 =	vadd.f32 v2, v0;
	_ =	sdelay $0x1  }
0x23: {  	v2 =	vsub.f32 $0.0e+00, v2;
	_ =	sdelay $0x1  }
0x24: {  	v2 =	vmul.f32 $1.442695020e+00, v2;
	_ =	sdelay $0x1  }
0x25: {  	(erf) = vpow2.f32 v2;
	_ =	sdelay $0x8  }
0x26: {  	v2 =	vpop (erf)  }
0x27: {  	v2 =	vadd.f32 $1.000000000e+00, v2;
	_ =	sdelay $0x1  }
0x28: {  	(erf) = vrcp.f32 v2;
	_ =	sdelay $0x5  }
.Ltmp0:
0x29: {  	(pc) =	sbr.rel @p0 .LBB2_2-.Ltmp0, $3  }
0x2a: {  	_ =	sdelay $0x1  }
0x2b: {  	s16 =	sshra.s32 s15, $0x2;
	v3 =	vpop (erf)  }
0x2c: {  	s15 =	sadd.s32 $0x40, s15;
	v2 =	vld [tilespmem:s16+$0xC80];
	[tilespmem:s14+$0x0] =	vst v3;
	s14 =	smov.u32 s16  }
0x2d: {  	v3 =	vld [tilespmem:s14+$0x0];
	_ =	sdelay $0x4  }
0x2e: {  	v2 =	vadd.f32 v2, v3;
	_ =	sdelay $0x1  }
0x2f: {  	v1 =	vmul.f32 v2, v1;
	_ =	sdelay $0x1  }
0x30: {  	v1 =	vmax.f32 v1, $0.0e+00  }
0x31: {  	v0 =	vadd.f32 v1, v0;
	_ =	sdelay $0x1  }
0x32: {  	v0 =	vsub.f32 $0.0e+00, v0;
	_ =	sdelay $0x1  }
0x33: {  	v0 =	vmul.f32 $1.442695020e+00, v0;
	_ =	sdelay $0x1  }
0x34: {  	(erf) = vpow2.f32 v0;
	_ =	sdelay $0x8  }
0x35: {  	v0 =	vpop (erf)  }
0x36: {  	v0 =	vadd.f32 $1.000000000e+00, v0;
	_ =	sdelay $0x1  }
0x37: {  	(erf) = vrcp.f32 v0;
	_ =	sdelay $0x7  }
0x38: {  	s13 =	sadd.s32 $0x1, s13  }
0x39: {  	p0 =	sne.s32 s13, s8;
	v0 =	vpop (erf)  }
.Ltmp1:
0x3a: {  	[tilespmem:s14+$0x0] =	vst v0;
	(pc) =	sbr.rel @p0 .LBB2_1-.Ltmp1, $4  }
0x3b: {  	[hbm4b:s7+s2] =	stream.linear.scatter [tilespmem:s2], [sflag:$0x1], $0xC40, $0x38;
	[tilespmem:$0x1A00] =	vst v63  }
0x3c: {  	_ =	swait.ge [sflag:s9], $0xC40  }
0x3d: {  	[sflag:s9] =	ssyncset.done $0x0  }
0x3e: {  	[sflag:s9] =	ssyncadd.s32 $0xFFFFF3C0  }
0x3f: {  	_ =	sfence.sel $0x180000  }
0x40: {  	[bflag:$0x0] =	sbarrier.arrive $0xFFFF  }
0x41: {  	p0 =	sne.s32 s0, $0x0;
	_ =	strace $0x9000004D  }
0x42: {  	s0 =	sadd.s32 @!p0 $0x100000, s1;
	[bflag:$0x2] =	sbarrier.arrive $0xFFFF  }
0x43: {  	[sflag:s0] =	ssyncadd.tile.s32 @!p0 $0x1;
	_ =	shalt  }
.Lfunc_end2:
_tile_overlayer_lowered:
.L_overlay_start_2:
0x44: {  	(tag) =	ssettag $0x2  }
0x45: {  	s0 =	rddreg [dreg:$0x0];
	s2 =	stileid.u32  }
0x46: {  	s1 =	rddreg [dreg:$0x1];
	p0 =	sne.s32 s2, $0x0  }
0x47: {  	s3 =	rddreg [dreg:$0x2];
	[bflag:$0x3] =	sbarrier.arrive $0xFFFF;
	s2 =	simm.s32 @!p0 $0x1C01  }
0x48: {  	[timem:s3], [sflag:s2] =	dma.local @!p0 [hbm:s0], s1  }
0x49: {  	s0 =	simm.s32 @!p0 $0x1  }
0x4a: {  	_ =	swait.ge @!p0 [sflag:s0], s1  }
0x4b: {  	s1 =	ssub.s32 @!p0 $0x0, s1;
	[sflag:s0] =	ssyncset.done @!p0 $0x0  }
0x4c: {  	[sflag:s0] =	ssyncadd.s32 @!p0 s1  }
0x4d: {  	[bflag:$0x3] =	sbarrier.arrive $0xFFFF  }
0x4e: {  	_ =	shalt  }

// kernel: kernel.5.cloned.1.call-start
scs
__scs_entry_jumppad:
0x0: {  	(pc) =	sbr.rel $0x88, $3  }
0x1: {  	(tag) =	ssettag $0x0;
	lr =	simm.s32 $0x1  }
0x2: {  	[smem:$0x3F9C] =	sst lr;
	_ =	strace $0xD0000000  }
0x3: {  	_ = 	snop  }
0x4: {  	_ = 	snop  }
0x5: {  	_ = 	snop  }
0x6: {  	_ = 	snop  }
0x7: {  	_ = 	snop  }
__scs_overlays_trampoline_lowered:
0x8: {  	[smem:$0x3FAB] =	sst s0  }
0x9: {  	[smem:$0x3FAC] =	sst s1  }
0xa: {  	[smem:$0x3FAD] =	sst s2  }
0xb: {  	[smem:$0x3FAE] =	sst s3  }
0xc: {  	[smem:$0x3FAF] =	sst s4  }
0xd: {  	[smem:$0x3FB0] =	sst s5  }
0xe: {  	[smem:$0x3FB1] =	sst s6  }
0xf: {  	[smem:$0x3FB2] =	sst s7  }
0x10: {  	[smem:$0x3FB3] =	sst s8  }
0x11: {  	[smem:$0x3FB4] =	sst s9;
	s0 =	simm.s32 @!p0 $0x0  }
0x12: {  	s1 =	sld [smem:$0x3F9A];
	s0 =	simm.s32 @p0 $0x1  }
0x13: {  	[smem:$0x3FB5] =	sst s0;
	s0 =	simm.s32 @!p1 $0x0  }
0x14: {  	s2 =	sld [smem:$0x3F99];
	s0 =	simm.s32 @p1 $0x1  }
0x15: {  	[smem:$0x3FB6] =	sst s0;
	s0 =	simm.s32 @!p2 $0x0  }
0x16: {  	s3 =	sld [smem:$0x3FDB];
	s0 =	simm.s32 @p2 $0x1  }
0x17: {  	s4 =	simm.s32 $0x1BF5;
	[smem:$0x3FB8] =	sst s0  }
0x18: {  	s0 =	sld [smem:$0x3F9B];
	_ =	swait.ge [sflag:s4], $0x0  }
0x19: {  	s7 =	sld [smem:$0x3F9C]  }
0x1a: {  	s8 =	sadd.s32 $0xFFFFE003, lr  }
0x1b: {  	s9 =	sadd.s32 $0xFFFFFEF7, lr;
	s5 =	simm.s32 $0xFFFFFFFF;
	p2 =	slt.u32 s8, $0xFFFFF086  }
0x1c: {  	p1 =	slt.u32 s9, $0xF7A;
	s5 =	simm.s32 @!p2 $0x0  }
0x1d: {  	s5 =	simm.s32 @p1 $0x1;
	p0 =	seq.s32 s7, s2  }
0x1e: {  	s7 =	smul.u32 @!p0 $0xF7A, s2;
	p2 =	seq.s32 @!p0 s5, $0x0  }
0x1f: {  	s9 =	smul.u32 $0xF7A, s1;
	s8 =	simm.s32 @!p0 $0x1BF5;
	p2 =	por !p2, p0  }
0x20: {  	[sflag:s8] =	ssyncset.s32 @!p0 $0xFFFFF086;
	s6 =	sadd.s32 @!p0 s3, s7;
	s7 =	simm.s32 @!p0 $0x108  }
0x21: {  	s3 =	sadd.s32 s3, s9;
	s6 =	sadd.s32 @!p0 $0x88, s6;
	s7 =	simm.s32 @p2 $0x1082  }
0x22: {  	[simem:s7], [sflag:s8] =	dma.local @!p0 [hbm:s6], $0xF7A  }
0x23: {  	s9 =	sor.u32 $0xD0000000, s2;
	s6 =	simm.s32 $0x108;
	_ =	swait.ge @!p0 [sflag:s8], $0x0  }
0x24: {  	s3 =	sadd.s32 $0x88, s3;
	s6 =	simm.s32 @!p1 $0x1082;
	[sflag:s4] =	ssyncset.s32 $0xFFFFF086  }
0x25: {  	[simem:s6], [sflag:s4] =	dma.local [hbm:s3], $0xF7A  }
0x26: {  	[smem:$0x3F9C] =	sst s1;
	(tag) =	ssettag s2;
	_ =	strace s9  }
0x27: {  	s1 =	sld [smem:$0x3FAC]  }
0x28: {  	s2 =	sld [smem:$0x3FAD]  }
0x29: {  	s4 =	sld [smem:$0x3FAF]  }
0x2a: {  	p0 =	seq.s32 s5, $0x0;
	s5 =	sld [smem:$0x3FB0]  }
0x2b: {  	s6 =	sld [smem:$0x3FB1]  }
0x2c: {  	s7 =	sld [smem:$0x3FB2]  }
0x2d: {  	s3 =	simm.s32 $0x108;
	s8 =	sld [smem:$0x3FB3]  }
0x2e: {  	s3 =	simm.s32 @!p0 $0x1082;
	s9 =	sld [smem:$0x3FB4]  }
0x2f: {  	lr =	sadd.s32 s0, s3;
	s0 =	sld [smem:$0x3FAB]  }
0x30: {  	s3 =	sld [smem:$0x3FAE]  }
0x31: {  	[smem:$0x3FB7] =	sst s10  }
0x32: {  	s10 =	sld [smem:$0x3FB5];
	_ =	sdelay $0x3  }
0x33: {  	p0 =	seq.s32 s10, $0x1;
	s10 =	sld [smem:$0x3FB7];
	_ =	sdelay $0x3  }
0x34: {  	[smem:$0x3FB7] =	sst s10  }
0x35: {  	s10 =	sld [smem:$0x3FB6];
	_ =	sdelay $0x3  }
0x36: {  	p1 =	seq.s32 s10, $0x1;
	s10 =	sld [smem:$0x3FB7];
	_ =	sdelay $0x3  }
0x37: {  	[smem:$0x3FB7] =	sst s10  }
0x38: {  	s10 =	sld [smem:$0x3FB8]  }
0x39: {  	_ = 	snop;
	(pc) =	sbr.ind lr, $3  }
0x3a: {  	_ = 	snop  }
0x3b: {  	_ = 	snop  }
0x3c: {  	p2 =	seq.s32 s10, $0x1;
	s10 =	sld [smem:$0x3FB7]  }
0x3d: {  	_ =	shalt  }
0x3e: {  	_ =	shalt  }
0x3f: {  	_ =	shalt  }
0x40: {  	_ =	shalt  }
0x41: {  	_ =	shalt  }
0x42: {  	_ =	shalt  }
0x43: {  	_ =	shalt  }
0x44: {  	_ =	shalt  }
0x45: {  	_ =	shalt  }
0x46: {  	_ =	shalt  }
0x47: {  	_ =	shalt  }
0x48: {  	_ =	shalt  }
0x49: {  	_ =	shalt  }
0x4a: {  	_ =	shalt  }
0x4b: {  	_ =	shalt  }
0x4c: {  	_ =	shalt  }
0x4d: {  	_ =	shalt  }
0x4e: {  	_ =	shalt  }
0x4f: {  	_ =	shalt  }
0x50: {  	_ =	shalt  }
0x51: {  	_ =	shalt  }
0x52: {  	_ =	shalt  }
0x53: {  	_ =	shalt  }
0x54: {  	_ =	shalt  }
0x55: {  	_ =	shalt  }
0x56: {  	_ =	shalt  }
0x57: {  	_ =	shalt  }
0x58: {  	_ =	shalt  }
0x59: {  	_ =	shalt  }
0x5a: {  	_ =	shalt  }
0x5b: {  	_ =	shalt  }
0x5c: {  	_ =	shalt  }
0x5d: {  	_ =	shalt  }
0x5e: {  	_ =	shalt  }
0x5f: {  	_ =	shalt  }
0x60: {  	_ =	shalt  }
0x61: {  	_ =	shalt  }
0x62: {  	_ =	shalt  }
0x63: {  	_ =	shalt  }
0x64: {  	_ =	shalt  }
0x65: {  	_ =	shalt  }
0x66: {  	_ =	shalt  }
0x67: {  	_ =	shalt  }
0x68: {  	_ =	shalt  }
0x69: {  	_ =	shalt  }
0x6a: {  	_ =	shalt  }
0x6b: {  	_ =	shalt  }
0x6c: {  	_ =	shalt  }
0x6d: {  	_ =	shalt  }
0x6e: {  	_ =	shalt  }
0x6f: {  	_ =	shalt  }
0x70: {  	_ =	shalt  }
0x71: {  	_ =	shalt  }
0x72: {  	_ =	shalt  }
0x73: {  	_ =	shalt  }
0x74: {  	_ =	shalt  }
0x75: {  	_ =	shalt  }
0x76: {  	_ =	shalt  }
0x77: {  	_ =	shalt  }
0x78: {  	_ =	shalt  }
0x79: {  	_ =	shalt  }
0x7a: {  	_ =	shalt  }
0x7b: {  	_ =	shalt  }
0x7c: {  	_ =	shalt  }
0x7d: {  	_ =	shalt  }
0x7e: {  	_ =	shalt  }
0x7f: {  	_ =	shalt  }
0x80: {  	_ =	shalt  }
0x81: {  	_ =	shalt  }
0x82: {  	_ =	shalt  }
0x83: {  	_ =	shalt  }
0x84: {  	_ =	shalt  }
0x85: {  	_ =	shalt  }
0x86: {  	_ =	shalt  }
0x87: {  	_ =	shalt  }
.Lfunc_end0:
.L_simem_size_0:
called_computation_lowered:
.L_overlay_start_0:
0x88: {  	s2 =	sld [smem:$0x3FD9]  }
0x89: {  	s3 =	sld [smem:$0x3FFE];
	_ =	sdelay $0x1  }
0x8a: {  	s1 =	srdreg.scid  }
0x8b: {  	s0 =	sand.u32 $0x1, s1  }
0x8c: {  	s17 =	sshll.u32 s0, $0xA;
	s2 =	sadd.s32 s3, s2  }
0x8d: {  	s2 =	sadd.s32 s2, s17  }
0x8e: {  	[smem:$0x3FC3] =	sst s2  }
0x8f: {  	_ = 	snop  }
0x90: {  	s2 =	sld [smem:$0x3FD0];
	(tm) =	ssettm $0x1  }
0x91: {  	s18 =	sld [smem:$0x3FFB];
	_ =	sdelay $0x3  }
0x92: {  	_ =	strace s18  }
0x93: {  	s3 =	sld [smem:$0x3FFC];
	_ =	sdelay $0x3  }
0x94: {  	_ =	strace s3  }
0x95: {  	s3 =	sld [smem:$0x3FFD];
	_ =	sdelay $0x3  }
0x96: {  	_ =	strace s3  }
0x97: {  	_ =	strace $0x8FFFFFFF  }
0x98: {  	s19 =	sld [smem:$0x3FDB];
	_ =	sdelay $0x1  }
0x99: {  	s4 =	simm.s32 $_scs_section_size  }
0x9a: {  	s5 =	simm.s32 $_size__tile_overlayer_lowered;
	s6 =	simm.s32 $_tile_overlayer_lowered  }
0x9b: {  	s22 =	simm.s32 $0x1BFF;
	s21 =	sshll.u32 s6, $0x1;
	s3 =	sadd.s32 s4, s19  }
0x9c: {  	s7 =	simm.s32 $0x0;
	s20 =	sshll.u32 s5, $0x1;
	s5 =	sadd.s32 s21, s3  }
0x9d: {  	[timem:s7], [sflag:s22] =	dma.local [hbm:s5], s20  }
0x9e: {  	_ =	swait.ge [sflag:s22], s20  }
0x9f: {  	s4 =	ssub.s32 $0x0, s20;
	[sflag:s22] =	ssyncset.done $0x0  }
0xa0: {  	[sflag:s22] =	ssyncadd.s32 s4;
	_ =	sdelay $0x1  }
0xa1: {  	s23 =	simm.s32 $0x1B8B  }
0xa2: {  	_ =	swait.ge [sflag:s23], $0x1  }
0xa3: {  	[sflag:s23] =	ssyncset.done $0x0  }
0xa4: {  	s25 =	simm.s32 $0x1B8E;
	s24 =	sld [smem:$0x3FFE];
	[sflag:s23] =	ssyncadd.s32 $0xFFFFFFFF  }
0xa5: {  	s26 =	simm.s32 $execute0_lowered;
	[smem:$0x3FD2] =	sst s25  }
0xa6: {  	s5 =	sshll.u32 s26, $0x1;
	_ =	strace $0x80000046;
	[dreg:$0x1] =	wrdreg $0xFFFFFFFF  }
0xa7: {  	s28 =	simm.s32 $_size_execute0_lowered;
	s3 =	sadd.s32 s3, s5;
	[dreg:$0x0] =	wrdreg $0x0  }
0xa8: {  	s5 =	sshll.u32 s28, $0x1;
	[dreg:$0x2] =	wrdreg s3  }
0xa9: {  	[dreg:$0x3] =	wrdreg s5  }
0xaa: {  	[dreg:$0x4] =	wrdreg $0xC0  }
0xab: {  	_ =	task [dreg:s7], $0x5FFFF  }
0xac: {  	[dreg:$0x1] =	wrdreg $0xFFFFFFFF  }
0xad: {  	[dreg:$0x0] =	wrdreg $0x60  }
0xae: {  	[dreg:$0x2] =	wrdreg s24  }
0xaf: {  	[dreg:$0x3] =	wrdreg s2  }
0xb0: {  	[dreg:$0x4] =	wrdreg $0x188000  }
0xb1: {  	[dreg:$0x5] =	wrdreg $0x9  }
0xb2: {  	_ =	task.clear_ibuf [dreg:s7], $0x6FFFF;
	_ =	strace $0x90000046  }
0xb3: {  	s29 =	simm.s32 $0x9;
	_ =	strace $0x80000048  }
0xb4: {  	_ =	swait.ge [sflag:s29], $0x1  }
0xb5: {  	[sflag:s29] =	ssyncadd.s32 $0xFFFFFFFF  }
0xb6: {  	_ =	strace $0x90000048  }
0xb7: {  	_ =	sfence  }
0xb8: {  	s30 =	sld [smem:$0x0];
	_ =	sdelay $0x2  }
0xb9: {  	s31 =	sshll.u32 s1, $0xD;
	s1 =	sshrl.u32 s1, $0x2  }
0xba: {  	s3 =	sand.u32 $0x4000, s31;
	s1 =	sadd.s32 s1, s30  }
0xbb: {  	s0 =	sor.u32 s3, s0;
	s1 =	sshll.u32 s1, $0x11  }
0xbc: {  	s0 =	sor.u32 s1, s0  }
0xbd: {  	s0 =	sadd.s32 $0x8F2B, s0  }
0xbe: {  	[sflag:s0] =	ssyncadd.remote.s32 $0x1  }
0xbf: {  	_ =	sfence.sel $0xFFFF  }
0xc0: {  	[dreg:$0x0] =	wrdreg $0xFFFFFFFF;
	(pc) =	sbr.abs _section_cstart, $3  }
0xc1: {  	[dreg:$0x1] =	wrdreg $0xFFFFFFFF  }
0xc2: {  	_ =	task.clear_ibuf [dreg:s7], $0x2FFFF;
	_ =	strace $0x9FFFFFFF  }
0xc3: {  	(tm) =	ssettm $0x7FFFFFFF  }
tec
execute0_lowered:
.L_overlay_start_1:
0x0: {  	(tag) =	ssettag $0x1  }
0x1: {  	s0 =	rddreg [dreg:$0x0]  }
0x2: {  	s2 =	rddreg [dreg:$0x2];
	s3 =	simm.s32 $0x0;
	s1 =	srdreg.scid  }
0x3: {  	s4 =	stileid.u32;
	s16 =	simm.s32 $0x4;
	s17 =	simm.s32 $0x2  }
0x4: {  	s18 =	simm.s32 $0x1AD00;
	s19 =	simm.s32 $0x1C500;
	s20 =	simm.s32 $0x1  }
0x5: {  	s21 =	simm.s32 $0x800;
	s22 =	simm.s32 $0x1D500;
	s23 =	simm.s32 $0x1ED00  }
0x6: {  	s24 =	simm.s32 $0x3;
	s25 =	simm.s32 $0x1CD00;
	s26 =	simm.s32 $0x1E500  }
0x7: {  	s28 =	simm.s32 $0x1DD00;
	s29 =	simm.s32 $0x0;
	[smem:$0x7FF] =	sst s3  }
0x8: {  	s5 =	sadd.s32 $0xC4A00, s0;
	s1 =	sand.u32 $0x1, s1;
	s13 =	smul.u32 $0x1880, s4  }
0x9: {  	s6 =	sadd.s32 $0x1400, s0;
	s7 =	ssub.s32 $0x2, s1;
	s8 =	sshll.u32 s1, $0x4  }
0xa: {  	_ =	strace $0x80000047;
	s9 =	sshrl.u32 s7, $0x1;
	s10 =	sor.u32 s4, s8  }
0xb: {  	s8 =	simm.s32 $0x62;
	s15 =	sshrl.u32 s13, $0x3;
	s14 =	ssub.s32 s7, s9  }
0xc: {  	s7 =	sadd.s32 s13, s2;
	s11 =	smul.u32 $0x61, s10;
	p0 =	slt.u32 s10, $0x15  }
.Ltmp0:
0xd: {  	s10 =	smin.u32 s10, $0x15;
	s8 =	simm.s32 @!p0 $0x61;
	(pc) =	sbr.rel .LBB2_1-.Ltmp0, $4  }
0xe: {  	p0 =	seq.s32 s1, $0x1;
	s1 =	simm.s32 $0x18B200;
	s10 =	sadd.s32 s10, s11  }
0xf: {  	s9 =	sadd.s32 $0xC40, s7;
	s1 =	simm.s32 @!p0 $0x188000;
	s12 =	sshll.u32 s10, $0x8  }
0x10: {  	s13 =	smax.u32 s14, $0x1;
	s0 =	sadd.s32 s1, s0;
	s11 =	sadd.s32 s5, s12  }
0x11: {  	v0 =	vimm.f32 $0.0e+00;
	s12 =	sadd.s32 s6, s12;
	s14 =	sadd.s32 s0, s15;
	s15 =	simm.s32 $0x1A080  }
.LBB2_16:
0x12: {  	_ =	swait.ge [sflag:s24], $0x800  }
0x13: {  	[sflag:s24] =	ssyncset.done $0x0  }
0x14: {  	[sflag:s24] =	ssyncadd.s32 $0xFFFFF800  }
0x15: {  	s0 =	stileid.u32;
	_ =	swait.ge [sflag:s24], $0x800  }
0x16: {  	s1 =	sshrl.u32 s7, $0x3;
	s29 =	sadd.s32 $0x1, s29;
	[sflag:s24] =	ssyncset.done $0x0  }
0x17: {  	s0 =	sshll.u32 s0, $0x6;
	p0 =	sne.s32 s29, s13;
	[sflag:s24] =	ssyncadd.s32 $0xFFFFF800  }
.Ltmp1:
0x18: {  	s0 =	sor.u32 $0x1C04, s0;
	[bflag:$0x0] =	sbarrier.arrive $0xFFFF;
	(pc) =	sbr.rel @!p0 .LBB2_17-.Ltmp1, $4  }
0x19: {  	[hbm:s14], [sflag:s0] =	dma.local [spmem:s1], $0x310  }
0x1a: {  	_ =	swait.ge [sflag:s16], $0x310  }
0x1b: {  	[sflag:s16] =	ssyncset.done $0x0  }
0x1c: {  	[sflag:s16] =	ssyncadd.s32 $0xFFFFFCF0  }
.LBB2_1:
0x1d: {  	s0 =	rddreg [dreg:$0x1]  }
0x1e: {  	[tilespmem:s3], [sflag:$0x2] =	stream.linear.gather [hbm4b:s0+s3], $0x186A0, $0x38;
	[tilespmem:$0x1F500] =	vst v63  }
0x1f: {  	s1 =	simm.s32 $0x0;
	s0 =	simm.s32 $0x40  }
.LBB2_2:
0x20: {  	p0 =	sne.s32 s0, $0x30C0;
	[tilespmem:s1+$0x1A080] =	vst v0;
	s1 =	smov.u32 s0;
	s0 =	sadd.s32 $0x40, s0  }
.Ltmp2:
0x21: {  	(pc) =	sbr.rel @p0 .LBB2_2-.Ltmp2, $2  }
0x22: {  	_ =	sdelay $0x2  }
0x23: {  	s1 =	sshra.s32 s1, $0x2  }
0x24: {  	[tilespmem:s1+$0x1A080] =	vst v0  }
0x25: {  	[spmem:s7] =	stream.linear.scatter [tilespmem:s15], [sflag:$0x4], $0xC40, $0x38;
	[tilespmem:$0x1F500] =	vst v63  }
0x26: {  	_ =	swait.ge [sflag:s16], $0xC40  }
0x27: {  	[sflag:s16] =	ssyncset.done $0x0  }
0x28: {  	[sflag:s16] =	ssyncadd.s32 $0xFFFFF3C0  }
0x29: {  	[spmem:s9] =	stream.linear.scatter [tilespmem:s15], [sflag:$0x4], $0xC40, $0x38;
	[tilespmem:$0x1F500] =	vst v63  }
0x2a: {  	_ =	swait.ge [sflag:s16], $0xC40  }
0x2b: {  	[sflag:s16] =	ssyncset.done $0x0  }
0x2c: {  	[sflag:s16] =	ssyncadd.s32 $0xFFFFF3C0  }
0x2d: {  	_ =	swait.ge [sflag:s17], $0x186A0  }
0x2e: {  	[sflag:s17] =	ssyncset.done $0x0  }
.Ltmp3:
0x2f: {  	[sflag:s17] =	ssyncadd.s32 $0xFFFE7960;
	(pc) =	sbr.rel .LBB2_4-.Ltmp3, $4  }
0x30: {  	s30 =	simm.s32 $0x0;
	[bflag:$0x0] =	sbarrier.arrive $0xFFFF  }
0x31: {  	[tilespmem:s18], [sflag:$0x1] =	stream.linear.gather [hbm4b:s11+s30], $0x800, $0x38;
	[tilespmem:$0x1F500] =	vst v63  }
0x32: {  	_ = 	snop  }
0x33: {  	[tilespmem:s19], [sflag:$0x1] =	stream.linear.gather [hbm4b:s12+s30], $0x800, $0x38;
	[tilespmem:$0x1F500] =	vst v63  }
.LBB2_15:
0x34: {  	p0 =	sne.s32 s30, s8  }
.Ltmp4:
0x35: {  	_ = 	snop;
	(pc) =	sbr.rel @!p0 .LBB2_16-.Ltmp4, $1  }
0x36: {  	_ =	sdelay $0x3  }
.LBB2_4:
0x37: {  	s0 =	smulhi.u32 $0xAAAAAAAB, s30;
	_ =	sdelay $0x1  }
0x38: {  	s0 =	sshrl.u32 s0, $0x1  }
0x39: {  	s0 =	smul.u32 $0x3, s0;
	_ =	sdelay $0x1  }
0x3a: {  	s0 =	ssub.s32 s30, s0  }
0x3b: {  	_ =	swait.ge [sflag:s20], $0x800;
	p1 =	seq.s32 s0, $0x2  }
.Ltmp5:
0x3c: {  	[sflag:s20] =	ssyncset.done $0x0;
	(pc) =	sbr.rel @p1 .LBB2_12-.Ltmp5, $4  }
0x3d: {  	[sflag:s20] =	ssyncadd.s32 $0xFFFFF800  }
0x3e: {  	_ =	swait.ge [sflag:s20], $0x800  }
0x3f: {  	[sflag:s20] =	ssyncset.done $0x0  }
0x40: {  	p0 =	slt.u32 s30, $0x2;
	[sflag:s20] =	ssyncadd.s32 $0xFFFFF800;
	s30 =	sadd.s32 $0x1, s30  }
0x41: {  	p1 =	seq.s32 s0, $0x1  }
.Ltmp6:
0x42: {  	_ = 	snop;
	(pc) =	sbr.rel @!p1 .LBB2_6-.Ltmp6, $1  }
0x43: {  	_ =	sdelay $0x3  }
0x44: {  	s0 =	simm.s32 @!p0 $0x3;
	p1 =	sge.u32 s30, s8  }
0x45: {  	_ =	swait.ge @!p0 [sflag:s0], $0x800;
	s1 =	sadd.s32 @!p1 s10, s30  }
0x46: {  	[sflag:s0] =	ssyncset.done @!p0 $0x0;
	s1 =	sshll.u32 @!p1 s1, $0x8  }
0x47: {  	[sflag:s0] =	ssyncadd.s32 @!p0 $0xFFFFF800;
	s0 =	sand.u32 @!p1 $0x1FFFFF00, s1  }
0x48: {  	s4 =	simm.s32 @!p1 $0x0;
	s31 =	simm.s32 @!p1 $0x1BD00;
	s1 =	sadd.s32 @!p1 s5, s0  }
0x49: {  	[tilespmem:s31], [sflag:$0x1] =	stream.linear.gather @!p1 [hbm4b:s1+s4], $0x800, $0x38;
	[tilespmem:$0x1F500] =	vst v63  }
0x4a: {  	s0 =	sadd.s32 @!p1 s6, s0;
	s1 =	simm.s32 @!p1 $0x1D500  }
0x4b: {  	[tilespmem:s1], [sflag:$0x1] =	stream.linear.gather @!p1 [hbm4b:s0+s4], $0x800, $0x38;
	[tilespmem:$0x1F500] =	vst v63  }
0x4c: {  	s31 =	simm.s32 $0xFFFFFFF8;
	s0 =	simm.s32 $0x1B540;
	s1 =	simm.s32 $0x1E540  }
.LBB2_10:
0x4d: {  	v1 =	vld [tilespmem:s0+$0xFFFFFFC0];
	_ =	sdelay $0x7  }
0x4e: {  	v1 =	vld.idx.msk [tilespmem:v1+s3+$0x0], $0xffff;
	_ =	sdelay $0x4  }
0x4f: {  	[tilespmem:s1+$0xFFFFFFC0] =	vst v1  }
0x50: {  	v1 =	vld [tilespmem:s0+$0xFFFFFFD0];
	_ =	sdelay $0x7  }
0x51: {  	v1 =	vld.idx.msk [tilespmem:v1+s3+$0x0], $0xffff;
	_ =	sdelay $0x4  }
0x52: {  	[tilespmem:s1+$0xFFFFFFD0] =	vst v1  }
0x53: {  	v1 =	vld [tilespmem:s0+$0xFFFFFFE0];
	_ =	sdelay $0x7  }
0x54: {  	v1 =	vld.idx.msk [tilespmem:v1+s3+$0x0], $0xffff;
	_ =	sdelay $0x4  }
0x55: {  	[tilespmem:s1+$0xFFFFFFE0] =	vst v1  }
0x56: {  	v1 =	vld [tilespmem:s0+$0xFFFFFFF0];
	_ =	sdelay $0x7  }
0x57: {  	v1 =	vld.idx.msk [tilespmem:v1+s3+$0x0], $0xffff;
	_ =	sdelay $0x4  }
0x58: {  	[tilespmem:s1+$0xFFFFFFF0] =	vst v1  }
0x59: {  	v1 =	vld [tilespmem:s0+$0x0];
	_ =	sdelay $0x7  }
0x5a: {  	v1 =	vld.idx.msk [tilespmem:v1+s3+$0x0], $0xffff;
	_ =	sdelay $0x4  }
0x5b: {  	[tilespmem:s1+$0x0] =	vst v1  }
0x5c: {  	v1 =	vld [tilespmem:s0+$0x10];
	_ =	sdelay $0x7  }
0x5d: {  	v1 =	vld.idx.msk [tilespmem:v1+s3+$0x0], $0xffff;
	_ =	sdelay $0x4  }
0x5e: {  	[tilespmem:s1+$0x10] =	vst v1  }
0x5f: {  	v1 =	vld [tilespmem:s0+$0x20];
	_ =	sdelay $0x7  }
0x60: {  	v1 =	vld.idx.msk [tilespmem:v1+s3+$0x0], $0xffff;
	_ =	sdelay $0x4  }
0x61: {  	[tilespmem:s1+$0x20] =	vst v1  }
0x62: {  	v1 =	vld [tilespmem:s0+$0x30];
	_ =	sdelay $0x6  }
0x63: {  	s31 =	sadd.s32 $0x8, s31  }
0x64: {  	p0 =	slt.u32 s31, $0x78;
	v1 =	vld.idx.msk [tilespmem:v1+s3+$0x0], $0xffff  }
.Ltmp7:
0x65: {  	_ = 	snop;
	(pc) =	sbr.rel @p0 .LBB2_10-.Ltmp7, $2  }
0x66: {  	_ =	sdelay $0x2  }
0x67: {  	s0 =	sadd.s32 $0x80, s0;
	[tilespmem:s1+$0x30] =	vst v1;
	s1 =	sadd.s32 $0x80, s1  }
.Ltmp8:
0x68: {  	(pc) =	sbr.rel .LBB2_15-.Ltmp8, $2  }
0x69: {  	_ =	sdelay $0x2  }
0x6a: {  	[spmem:s2] =	stream.indirect.scatter.add.f32 [tilespmem:s26], [sflag:$0x3], $0x1, s25, s21, $0xb8;
	[tilespmem:$0x1F500] =	vst v63  }
.LBB2_12:
0x6b: {  	s0 =	simm.s32 @!p0 $0x3;
	p1 =	sge.u32 s30, s8  }
0x6c: {  	_ =	swait.ge @!p0 [sflag:s0], $0x800;
	s1 =	sadd.s32 @!p1 s10, s30  }
0x6d: {  	[sflag:s0] =	ssyncset.done @!p0 $0x0;
	s1 =	sshll.u32 @!p1 s1, $0x8  }
0x6e: {  	[sflag:s0] =	ssyncadd.s32 @!p0 $0xFFFFF800;
	s0 =	sand.u32 @!p1 $0x1FFFFF00, s1  }
0x6f: {  	s4 =	simm.s32 @!p1 $0x0;
	s31 =	simm.s32 @!p1 $0x1AD00;
	s1 =	sadd.s32 @!p1 s5, s0  }
0x70: {  	[tilespmem:s31], [sflag:$0x1] =	stream.linear.gather @!p1 [hbm4b:s1+s4], $0x800, $0x38;
	[tilespmem:$0x1F500] =	vst v63  }
0x71: {  	s0 =	sadd.s32 @!p1 s6, s0;
	s1 =	simm.s32 @!p1 $0x1C500  }
0x72: {  	[tilespmem:s1], [sflag:$0x1] =	stream.linear.gather @!p1 [hbm4b:s0+s4], $0x800, $0x38;
	[tilespmem:$0x1F500] =	vst v63  }
0x73: {  	s31 =	simm.s32 $0xFFFFFFF8;
	s0 =	simm.s32 $0x1BD40;
	s1 =	simm.s32 $0x1ED40  }
.LBB2_13:
0x74: {  	v1 =	vld [tilespmem:s0+$0xFFFFFFC0];
	_ =	sdelay $0x7  }
0x75: {  	v1 =	vld.idx.msk [tilespmem:v1+s3+$0x0], $0xffff;
	_ =	sdelay $0x4  }
0x76: {  	[tilespmem:s1+$0xFFFFFFC0] =	vst v1  }
0x77: {  	v1 =	vld [tilespmem:s0+$0xFFFFFFD0];
	_ =	sdelay $0x7  }
0x78: {  	v1 =	vld.idx.msk [tilespmem:v1+s3+$0x0], $0xffff;
	_ =	sdelay $0x4  }
0x79: {  	[tilespmem:s1+$0xFFFFFFD0] =	vst v1  }
0x7a: {  	v1 =	vld [tilespmem:s0+$0xFFFFFFE0];
	_ =	sdelay $0x7  }
0x7b: {  	v1 =	vld.idx.msk [tilespmem:v1+s3+$0x0], $0xffff;
	_ =	sdelay $0x4  }
0x7c: {  	[tilespmem:s1+$0xFFFFFFE0] =	vst v1  }
0x7d: {  	v1 =	vld [tilespmem:s0+$0xFFFFFFF0];
	_ =	sdelay $0x7  }
0x7e: {  	v1 =	vld.idx.msk [tilespmem:v1+s3+$0x0], $0xffff;
	_ =	sdelay $0x4  }
0x7f: {  	[tilespmem:s1+$0xFFFFFFF0] =	vst v1  }
0x80: {  	v1 =	vld [tilespmem:s0+$0x0];
	_ =	sdelay $0x7  }
0x81: {  	v1 =	vld.idx.msk [tilespmem:v1+s3+$0x0], $0xffff;
	_ =	sdelay $0x4  }
0x82: {  	[tilespmem:s1+$0x0] =	vst v1  }
0x83: {  	v1 =	vld [tilespmem:s0+$0x10];
	_ =	sdelay $0x7  }
0x84: {  	v1 =	vld.idx.msk [tilespmem:v1+s3+$0x0], $0xffff;
	_ =	sdelay $0x4  }
0x85: {  	[tilespmem:s1+$0x10] =	vst v1  }
0x86: {  	v1 =	vld [tilespmem:s0+$0x20];
	_ =	sdelay $0x7  }
0x87: {  	v1 =	vld.idx.msk [tilespmem:v1+s3+$0x0], $0xffff;
	_ =	sdelay $0x4  }
0x88: {  	[tilespmem:s1+$0x20] =	vst v1  }
0x89: {  	v1 =	vld [tilespmem:s0+$0x30];
	_ =	sdelay $0x6  }
0x8a: {  	s31 =	sadd.s32 $0x8, s31  }
0x8b: {  	p0 =	slt.u32 s31, $0x78;
	v1 =	vld.idx.msk [tilespmem:v1+s3+$0x0], $0xffff  }
.Ltmp9:
0x8c: {  	_ = 	snop;
	(pc) =	sbr.rel @p0 .LBB2_13-.Ltmp9, $2  }
0x8d: {  	_ =	sdelay $0x2  }
0x8e: {  	s0 =	sadd.s32 $0x80, s0;
	[tilespmem:s1+$0x30] =	vst v1;
	s1 =	sadd.s32 $0x80, s1  }
.Ltmp10:
0x8f: {  	(pc) =	sbr.rel .LBB2_15-.Ltmp10, $2  }
0x90: {  	_ =	sdelay $0x2  }
0x91: {  	[spmem:s2] =	stream.indirect.scatter.add.f32 [tilespmem:s23], [sflag:$0x3], $0x1, s22, s21, $0xb8;
	[tilespmem:$0x1F500] =	vst v63  }
.LBB2_6:
0x92: {  	s0 =	simm.s32 @!p0 $0x3;
	p1 =	sge.u32 s30, s8  }
0x93: {  	_ =	swait.ge @!p0 [sflag:s0], $0x800;
	s1 =	sadd.s32 @!p1 s10, s30  }
0x94: {  	[sflag:s0] =	ssyncset.done @!p0 $0x0;
	s1 =	sshll.u32 @!p1 s1, $0x8  }
0x95: {  	[sflag:s0] =	ssyncadd.s32 @!p0 $0xFFFFF800;
	s0 =	sand.u32 @!p1 $0x1FFFFF00, s1  }
0x96: {  	s31 =	simm.s32 @!p1 $0x0;
	s4 =	simm.s32 @!p1 $0x1B500;
	s1 =	sadd.s32 @!p1 s5, s0  }
0x97: {  	[tilespmem:s4], [sflag:$0x1] =	stream.linear.gather @!p1 [hbm4b:s1+s31], $0x800, $0x38;
	[tilespmem:$0x1F500] =	vst v63  }
0x98: {  	s0 =	sadd.s32 @!p1 s6, s0;
	s1 =	simm.s32 @!p1 $0x1CD00  }
0x99: {  	[tilespmem:s1], [sflag:$0x1] =	stream.linear.gather @!p1 [hbm4b:s0+s31], $0x800, $0x38;
	[tilespmem:$0x1F500] =	vst v63  }
0x9a: {  	s31 =	simm.s32 $0xFFFFFFF8;
	s0 =	simm.s32 $0x1AD40;
	s1 =	simm.s32 $0x1DD40  }
.LBB2_7:
0x9b: {  	v1 =	vld [tilespmem:s0+$0xFFFFFFC0];
	_ =	sdelay $0x7  }
0x9c: {  	v1 =	vld.idx.msk [tilespmem:v1+s3+$0x0], $0xffff;
	_ =	sdelay $0x4  }
0x9d: {  	[tilespmem:s1+$0xFFFFFFC0] =	vst v1  }
0x9e: {  	v1 =	vld [tilespmem:s0+$0xFFFFFFD0];
	_ =	sdelay $0x7  }
0x9f: {  	v1 =	vld.idx.msk [tilespmem:v1+s3+$0x0], $0xffff;
	_ =	sdelay $0x4  }
0xa0: {  	[tilespmem:s1+$0xFFFFFFD0] =	vst v1  }
0xa1: {  	v1 =	vld [tilespmem:s0+$0xFFFFFFE0];
	_ =	sdelay $0x7  }
0xa2: {  	v1 =	vld.idx.msk [tilespmem:v1+s3+$0x0], $0xffff;
	_ =	sdelay $0x4  }
0xa3: {  	[tilespmem:s1+$0xFFFFFFE0] =	vst v1  }
0xa4: {  	v1 =	vld [tilespmem:s0+$0xFFFFFFF0];
	_ =	sdelay $0x7  }
0xa5: {  	v1 =	vld.idx.msk [tilespmem:v1+s3+$0x0], $0xffff;
	_ =	sdelay $0x4  }
0xa6: {  	[tilespmem:s1+$0xFFFFFFF0] =	vst v1  }
0xa7: {  	v1 =	vld [tilespmem:s0+$0x0];
	_ =	sdelay $0x7  }
0xa8: {  	v1 =	vld.idx.msk [tilespmem:v1+s3+$0x0], $0xffff;
	_ =	sdelay $0x4  }
0xa9: {  	[tilespmem:s1+$0x0] =	vst v1  }
0xaa: {  	v1 =	vld [tilespmem:s0+$0x10];
	_ =	sdelay $0x7  }
0xab: {  	v1 =	vld.idx.msk [tilespmem:v1+s3+$0x0], $0xffff;
	_ =	sdelay $0x4  }
0xac: {  	[tilespmem:s1+$0x10] =	vst v1  }
0xad: {  	v1 =	vld [tilespmem:s0+$0x20];
	_ =	sdelay $0x7  }
0xae: {  	v1 =	vld.idx.msk [tilespmem:v1+s3+$0x0], $0xffff;
	_ =	sdelay $0x4  }
0xaf: {  	[tilespmem:s1+$0x20] =	vst v1  }
0xb0: {  	v1 =	vld [tilespmem:s0+$0x30];
	_ =	sdelay $0x6  }
0xb1: {  	s31 =	sadd.s32 $0x8, s31  }
0xb2: {  	p0 =	slt.u32 s31, $0x78;
	v1 =	vld.idx.msk [tilespmem:v1+s3+$0x0], $0xffff  }
.Ltmp11:
0xb3: {  	_ = 	snop;
	(pc) =	sbr.rel @p0 .LBB2_7-.Ltmp11, $2  }
0xb4: {  	_ =	sdelay $0x2  }
0xb5: {  	s0 =	sadd.s32 $0x80, s0;
	[tilespmem:s1+$0x30] =	vst v1;
	s1 =	sadd.s32 $0x80, s1  }
.Ltmp12:
0xb6: {  	(pc) =	sbr.rel .LBB2_15-.Ltmp12, $2  }
0xb7: {  	_ =	sdelay $0x2  }
0xb8: {  	[spmem:s2] =	stream.indirect.scatter.add.f32 [tilespmem:s28], [sflag:$0x3], $0x1, s19, s21, $0xb8;
	[tilespmem:$0x1F500] =	vst v63  }
.LBB2_17:
0xb9: {  	_ =	sfence.sel $0x180000  }
0xba: {  	[bflag:$0x0] =	sbarrier.arrive $0xFFFF  }
0xbb: {  	_ =	strace $0x90000047  }
0xbc: {  	s0 =	stileid.u32;
	[bflag:$0x2] =	sbarrier.arrive $0xFFFF  }
0xbd: {  	p0 =	sne.s32 s0, $0x0;
	s0 =	rddreg [dreg:$0x3]  }
0xbe: {  	s0 =	sadd.s32 @!p0 $0x100000, s0  }
0xbf: {  	[sflag:s0] =	ssyncadd.tile.s32 @!p0 $0x1;
	_ =	shalt  }
.Lfunc_end2:
_tile_overlayer_lowered:
.L_overlay_start_2:
0xc0: {  	(tag) =	ssettag $0x2  }
0xc1: {  	s0 =	rddreg [dreg:$0x0];
	s2 =	stileid.u32  }
0xc2: {  	s1 =	rddreg [dreg:$0x1];
	p0 =	sne.s32 s2, $0x0  }
0xc3: {  	s3 =	rddreg [dreg:$0x2];
	[bflag:$0x3] =	sbarrier.arrive $0xFFFF;
	s2 =	simm.s32 @!p0 $0x1C04  }
0xc4: {  	[timem:s3], [sflag:s2] =	dma.local @!p0 [hbm:s0], s1  }
0xc5: {  	s0 =	simm.s32 @!p0 $0x4  }
0xc6: {  	_ =	swait.ge @!p0 [sflag:s0], s1  }
0xc7: {  	s1 =	ssub.s32 @!p0 $0x0, s1;
	[sflag:s0] =	ssyncset.done @!p0 $0x0  }
0xc8: {  	[sflag:s0] =	ssyncadd.s32 @!p0 s1  }
0xc9: {  	[bflag:$0x3] =	sbarrier.arrive $0xFFFF  }
0xca: {  	_ =	shalt  }

// kernel: kernel.8.cloned.1.call-start
scs
__scs_entry_jumppad:
0x0: {  	(pc) =	sbr.rel $0x88, $3  }
0x1: {  	(tag) =	ssettag $0x0;
	lr =	simm.s32 $0x1  }
0x2: {  	[smem:$0x3F9C] =	sst lr;
	_ =	strace $0xD0000000  }
0x3: {  	_ = 	snop  }
0x4: {  	_ = 	snop  }
0x5: {  	_ = 	snop  }
0x6: {  	_ = 	snop  }
0x7: {  	_ = 	snop  }
__scs_overlays_trampoline_lowered:
0x8: {  	[smem:$0x3FAB] =	sst s0  }
0x9: {  	[smem:$0x3FAC] =	sst s1  }
0xa: {  	[smem:$0x3FAD] =	sst s2  }
0xb: {  	[smem:$0x3FAE] =	sst s3  }
0xc: {  	[smem:$0x3FAF] =	sst s4  }
0xd: {  	[smem:$0x3FB0] =	sst s5  }
0xe: {  	[smem:$0x3FB1] =	sst s6  }
0xf: {  	[smem:$0x3FB2] =	sst s7  }
0x10: {  	[smem:$0x3FB3] =	sst s8  }
0x11: {  	[smem:$0x3FB4] =	sst s9;
	s0 =	simm.s32 @!p0 $0x0  }
0x12: {  	s1 =	sld [smem:$0x3F9A];
	s0 =	simm.s32 @p0 $0x1  }
0x13: {  	[smem:$0x3FB5] =	sst s0;
	s0 =	simm.s32 @!p1 $0x0  }
0x14: {  	s2 =	sld [smem:$0x3F99];
	s0 =	simm.s32 @p1 $0x1  }
0x15: {  	[smem:$0x3FB6] =	sst s0;
	s0 =	simm.s32 @!p2 $0x0  }
0x16: {  	s3 =	sld [smem:$0x3FDB];
	s0 =	simm.s32 @p2 $0x1  }
0x17: {  	s4 =	simm.s32 $0x1BF5;
	[smem:$0x3FB8] =	sst s0  }
0x18: {  	s0 =	sld [smem:$0x3F9B];
	_ =	swait.ge [sflag:s4], $0x0  }
0x19: {  	s7 =	sld [smem:$0x3F9C]  }
0x1a: {  	s8 =	sadd.s32 $0xFFFFE003, lr  }
0x1b: {  	s9 =	sadd.s32 $0xFFFFFEF7, lr;
	s5 =	simm.s32 $0xFFFFFFFF;
	p2 =	slt.u32 s8, $0xFFFFF086  }
0x1c: {  	p1 =	slt.u32 s9, $0xF7A;
	s5 =	simm.s32 @!p2 $0x0  }
0x1d: {  	s5 =	simm.s32 @p1 $0x1;
	p0 =	seq.s32 s7, s2  }
0x1e: {  	s7 =	smul.u32 @!p0 $0xF7A, s2;
	p2 =	seq.s32 @!p0 s5, $0x0  }
0x1f: {  	s9 =	smul.u32 $0xF7A, s1;
	s8 =	simm.s32 @!p0 $0x1BF5;
	p2 =	por !p2, p0  }
0x20: {  	[sflag:s8] =	ssyncset.s32 @!p0 $0xFFFFF086;
	s6 =	sadd.s32 @!p0 s3, s7;
	s7 =	simm.s32 @!p0 $0x108  }
0x21: {  	s3 =	sadd.s32 s3, s9;
	s6 =	sadd.s32 @!p0 $0x88, s6;
	s7 =	simm.s32 @p2 $0x1082  }
0x22: {  	[simem:s7], [sflag:s8] =	dma.local @!p0 [hbm:s6], $0xF7A  }
0x23: {  	s9 =	sor.u32 $0xD0000000, s2;
	s6 =	simm.s32 $0x108;
	_ =	swait.ge @!p0 [sflag:s8], $0x0  }
0x24: {  	s3 =	sadd.s32 $0x88, s3;
	s6 =	simm.s32 @!p1 $0x1082;
	[sflag:s4] =	ssyncset.s32 $0xFFFFF086  }
0x25: {  	[simem:s6], [sflag:s4] =	dma.local [hbm:s3], $0xF7A  }
0x26: {  	[smem:$0x3F9C] =	sst s1;
	(tag) =	ssettag s2;
	_ =	strace s9  }
0x27: {  	s1 =	sld [smem:$0x3FAC]  }
0x28: {  	s2 =	sld [smem:$0x3FAD]  }
0x29: {  	s4 =	sld [smem:$0x3FAF]  }
0x2a: {  	p0 =	seq.s32 s5, $0x0;
	s5 =	sld [smem:$0x3FB0]  }
0x2b: {  	s6 =	sld [smem:$0x3FB1]  }
0x2c: {  	s7 =	sld [smem:$0x3FB2]  }
0x2d: {  	s3 =	simm.s32 $0x108;
	s8 =	sld [smem:$0x3FB3]  }
0x2e: {  	s3 =	simm.s32 @!p0 $0x1082;
	s9 =	sld [smem:$0x3FB4]  }
0x2f: {  	lr =	sadd.s32 s0, s3;
	s0 =	sld [smem:$0x3FAB]  }
0x30: {  	s3 =	sld [smem:$0x3FAE]  }
0x31: {  	[smem:$0x3FB7] =	sst s10  }
0x32: {  	s10 =	sld [smem:$0x3FB5];
	_ =	sdelay $0x3  }
0x33: {  	p0 =	seq.s32 s10, $0x1;
	s10 =	sld [smem:$0x3FB7];
	_ =	sdelay $0x3  }
0x34: {  	[smem:$0x3FB7] =	sst s10  }
0x35: {  	s10 =	sld [smem:$0x3FB6];
	_ =	sdelay $0x3  }
0x36: {  	p1 =	seq.s32 s10, $0x1;
	s10 =	sld [smem:$0x3FB7];
	_ =	sdelay $0x3  }
0x37: {  	[smem:$0x3FB7] =	sst s10  }
0x38: {  	s10 =	sld [smem:$0x3FB8]  }
0x39: {  	_ = 	snop;
	(pc) =	sbr.ind lr, $3  }
0x3a: {  	_ = 	snop  }
0x3b: {  	_ = 	snop  }
0x3c: {  	p2 =	seq.s32 s10, $0x1;
	s10 =	sld [smem:$0x3FB7]  }
0x3d: {  	_ =	shalt  }
0x3e: {  	_ =	shalt  }
0x3f: {  	_ =	shalt  }
0x40: {  	_ =	shalt  }
0x41: {  	_ =	shalt  }
0x42: {  	_ =	shalt  }
0x43: {  	_ =	shalt  }
0x44: {  	_ =	shalt  }
0x45: {  	_ =	shalt  }
0x46: {  	_ =	shalt  }
0x47: {  	_ =	shalt  }
0x48: {  	_ =	shalt  }
0x49: {  	_ =	shalt  }
0x4a: {  	_ =	shalt  }
0x4b: {  	_ =	shalt  }
0x4c: {  	_ =	shalt  }
0x4d: {  	_ =	shalt  }
0x4e: {  	_ =	shalt  }
0x4f: {  	_ =	shalt  }
0x50: {  	_ =	shalt  }
0x51: {  	_ =	shalt  }
0x52: {  	_ =	shalt  }
0x53: {  	_ =	shalt  }
0x54: {  	_ =	shalt  }
0x55: {  	_ =	shalt  }
0x56: {  	_ =	shalt  }
0x57: {  	_ =	shalt  }
0x58: {  	_ =	shalt  }
0x59: {  	_ =	shalt  }
0x5a: {  	_ =	shalt  }
0x5b: {  	_ =	shalt  }
0x5c: {  	_ =	shalt  }
0x5d: {  	_ =	shalt  }
0x5e: {  	_ =	shalt  }
0x5f: {  	_ =	shalt  }
0x60: {  	_ =	shalt  }
0x61: {  	_ =	shalt  }
0x62: {  	_ =	shalt  }
0x63: {  	_ =	shalt  }
0x64: {  	_ =	shalt  }
0x65: {  	_ =	shalt  }
0x66: {  	_ =	shalt  }
0x67: {  	_ =	shalt  }
0x68: {  	_ =	shalt  }
0x69: {  	_ =	shalt  }
0x6a: {  	_ =	shalt  }
0x6b: {  	_ =	shalt  }
0x6c: {  	_ =	shalt  }
0x6d: {  	_ =	shalt  }
0x6e: {  	_ =	shalt  }
0x6f: {  	_ =	shalt  }
0x70: {  	_ =	shalt  }
0x71: {  	_ =	shalt  }
0x72: {  	_ =	shalt  }
0x73: {  	_ =	shalt  }
0x74: {  	_ =	shalt  }
0x75: {  	_ =	shalt  }
0x76: {  	_ =	shalt  }
0x77: {  	_ =	shalt  }
0x78: {  	_ =	shalt  }
0x79: {  	_ =	shalt  }
0x7a: {  	_ =	shalt  }
0x7b: {  	_ =	shalt  }
0x7c: {  	_ =	shalt  }
0x7d: {  	_ =	shalt  }
0x7e: {  	_ =	shalt  }
0x7f: {  	_ =	shalt  }
0x80: {  	_ =	shalt  }
0x81: {  	_ =	shalt  }
0x82: {  	_ =	shalt  }
0x83: {  	_ =	shalt  }
0x84: {  	_ =	shalt  }
0x85: {  	_ =	shalt  }
0x86: {  	_ =	shalt  }
0x87: {  	_ =	shalt  }
.Lfunc_end0:
.L_simem_size_0:
called_computation.1_lowered:
.L_overlay_start_0:
0x88: {  	s2 =	sld [smem:$0x3FD9]  }
0x89: {  	s3 =	sld [smem:$0x3FFE];
	_ =	sdelay $0x1  }
0x8a: {  	s1 =	srdreg.scid  }
0x8b: {  	s0 =	sand.u32 $0x1, s1  }
0x8c: {  	s17 =	sshll.u32 s0, $0xA;
	s2 =	sadd.s32 s3, s2  }
0x8d: {  	s2 =	sadd.s32 s2, s17  }
0x8e: {  	[smem:$0x3FC3] =	sst s2  }
0x8f: {  	_ = 	snop  }
0x90: {  	s2 =	sld [smem:$0x3FD0];
	(tm) =	ssettm $0x1  }
0x91: {  	s18 =	sld [smem:$0x3FFB];
	_ =	sdelay $0x3  }
0x92: {  	_ =	strace s18  }
0x93: {  	s3 =	sld [smem:$0x3FFC];
	_ =	sdelay $0x3  }
0x94: {  	_ =	strace s3  }
0x95: {  	s3 =	sld [smem:$0x3FFD];
	_ =	sdelay $0x3  }
0x96: {  	_ =	strace s3  }
0x97: {  	_ =	strace $0x8FFFFFFF  }
0x98: {  	s19 =	sld [smem:$0x3FDB];
	_ =	sdelay $0x1  }
0x99: {  	s4 =	simm.s32 $_scs_section_size  }
0x9a: {  	s5 =	simm.s32 $_size__tile_overlayer_lowered;
	s6 =	simm.s32 $_tile_overlayer_lowered  }
0x9b: {  	s22 =	simm.s32 $0x1BFF;
	s21 =	sshll.u32 s6, $0x1;
	s3 =	sadd.s32 s4, s19  }
0x9c: {  	s7 =	simm.s32 $0x0;
	s20 =	sshll.u32 s5, $0x1;
	s5 =	sadd.s32 s21, s3  }
0x9d: {  	[timem:s7], [sflag:s22] =	dma.local [hbm:s5], s20  }
0x9e: {  	_ =	swait.ge [sflag:s22], s20  }
0x9f: {  	s4 =	ssub.s32 $0x0, s20;
	[sflag:s22] =	ssyncset.done $0x0  }
0xa0: {  	[sflag:s22] =	ssyncadd.s32 s4;
	_ =	sdelay $0x1  }
0xa1: {  	s23 =	simm.s32 $0x1B8B  }
0xa2: {  	_ =	swait.ge [sflag:s23], $0x1  }
0xa3: {  	[sflag:s23] =	ssyncset.done $0x0  }
0xa4: {  	s25 =	simm.s32 $0x1B8E;
	s24 =	sld [smem:$0x3FFE];
	[sflag:s23] =	ssyncadd.s32 $0xFFFFFFFF  }
0xa5: {  	s26 =	simm.s32 $execute0_lowered;
	[smem:$0x3FD2] =	sst s25  }
0xa6: {  	s5 =	sshll.u32 s26, $0x1;
	_ =	strace $0x80000049;
	[dreg:$0x1] =	wrdreg $0xFFFFFFFF  }
0xa7: {  	s28 =	simm.s32 $_size_execute0_lowered;
	s3 =	sadd.s32 s3, s5;
	[dreg:$0x0] =	wrdreg $0x0  }
0xa8: {  	s5 =	sshll.u32 s28, $0x1;
	[dreg:$0x2] =	wrdreg s3  }
0xa9: {  	[dreg:$0x3] =	wrdreg s5  }
0xaa: {  	[dreg:$0x4] =	wrdreg $0xC0  }
0xab: {  	_ =	task [dreg:s7], $0x5FFFF  }
0xac: {  	[dreg:$0x1] =	wrdreg $0xFFFFFFFF  }
0xad: {  	[dreg:$0x0] =	wrdreg $0x60  }
0xae: {  	[dreg:$0x2] =	wrdreg s24  }
0xaf: {  	[dreg:$0x3] =	wrdreg s2  }
0xb0: {  	[dreg:$0x4] =	wrdreg $0x188000  }
0xb1: {  	[dreg:$0x5] =	wrdreg $0x9  }
0xb2: {  	_ =	task.clear_ibuf [dreg:s7], $0x6FFFF;
	_ =	strace $0x90000049  }
0xb3: {  	s29 =	simm.s32 $0x9;
	_ =	strace $0x8000004B  }
0xb4: {  	_ =	swait.ge [sflag:s29], $0x1  }
0xb5: {  	[sflag:s29] =	ssyncadd.s32 $0xFFFFFFFF  }
0xb6: {  	_ =	strace $0x9000004B  }
0xb7: {  	_ =	sfence  }
0xb8: {  	s30 =	sld [smem:$0x0];
	_ =	sdelay $0x2  }
0xb9: {  	s31 =	sshll.u32 s1, $0xD;
	s1 =	sshrl.u32 s1, $0x2  }
0xba: {  	s3 =	sand.u32 $0x4000, s31;
	s1 =	sadd.s32 s1, s30  }
0xbb: {  	s0 =	sor.u32 s3, s0;
	s1 =	sshll.u32 s1, $0x11  }
0xbc: {  	s0 =	sor.u32 s1, s0  }
0xbd: {  	s0 =	sadd.s32 $0x8F2B, s0  }
0xbe: {  	[sflag:s0] =	ssyncadd.remote.s32 $0x1  }
0xbf: {  	_ =	sfence.sel $0xFFFF  }
0xc0: {  	[dreg:$0x0] =	wrdreg $0xFFFFFFFF;
	(pc) =	sbr.abs _section_cstart, $3  }
0xc1: {  	[dreg:$0x1] =	wrdreg $0xFFFFFFFF  }
0xc2: {  	_ =	task.clear_ibuf [dreg:s7], $0x2FFFF;
	_ =	strace $0x9FFFFFFF  }
0xc3: {  	(tm) =	ssettm $0x7FFFFFFF  }
tec
execute0_lowered:
.L_overlay_start_1:
0x0: {  	(tag) =	ssettag $0x1  }
0x1: {  	s0 =	rddreg [dreg:$0x0]  }
0x2: {  	s2 =	rddreg [dreg:$0x2];
	s3 =	simm.s32 $0x0  }
0x3: {  	s1 =	srdreg.scid;
	s12 =	stileid.u32;
	s28 =	simm.s32 $0x3  }
0x4: {  	s29 =	simm.s32 $0x1DD80;
	s30 =	simm.s32 $0x1E580;
	s31 =	simm.s32 $0x1A080  }
0x5: {  	[smem:$0x7FF] =	sst s3;
	s5 =	sadd.s32 $0xC4A00, s0;
	s6 =	sadd.s32 $0x1400, s0  }
0x6: {  	s1 =	sand.u32 $0x1, s1;
	s4 =	sadd.s32 $0x188000, s0;
	s8 =	smul.u32 $0x1880, s12  }
0x7: {  	s10 =	sadd.s32 $0x18B200, s0;
	_ =	strace $0x8000004A;
	s7 =	ssub.s32 $0x2, s1  }
0x8: {  	s11 =	sshll.u32 s1, $0x4;
	p0 =	seq.s32 s1, $0x1;
	s1 =	simm.s32 $0x191600  }
0x9: {  	s9 =	sshrl.u32 s7, $0x1;
	s11 =	sor.u32 s12, s11;
	s12 =	sshrl.u32 s8, $0x3  }
0xa: {  	s13 =	sadd.s32 $0x800, s8;
	s15 =	sadd.s32 $0x1000, s8;
	s1 =	simm.s32 @!p0 $0x18E400  }
0xb: {  	s7 =	ssub.s32 s7, s9;
	s17 =	sadd.s32 s4, s12;
	s18 =	sadd.s32 s10, s12  }
0xc: {  	s9 =	sadd.s32 s8, s2;
	s14 =	sshrl.u32 s13, $0x3;
	s19 =	sshrl.u32 s15, $0x3  }
0xd: {  	s13 =	sadd.s32 s13, s2;
	s8 =	sadd.s32 $0x1800, s8;
	s22 =	sadd.s32 s15, s2  }
0xe: {  	s24 =	smul.u32 $0x61, s11;
	p0 =	slt.u32 s11, $0x15;
	[dreg:$0x4] =	wrdreg s17  }
0xf: {  	s25 =	smin.u32 s11, $0x15;
	s0 =	sadd.s32 s1, s0;
	[dreg:$0x5] =	wrdreg s18  }
0x10: {  	s1 =	simm.s32 $0x1C580;
	s11 =	simm.s32 $0x0;
	[dreg:$0x8] =	wrdreg s13  }
0x11: {  	s16 =	sadd.s32 s4, s14;
	s14 =	sadd.s32 s10, s14;
	[dreg:$0xb] =	wrdreg s22  }
0x12: {  	s20 =	sadd.s32 s4, s19;
	s21 =	sadd.s32 s10, s19;
	[dreg:$0x6] =	wrdreg s16  }
0x13: {  	s23 =	sshrl.u32 s8, $0x3;
	s18 =	sadd.s32 s8, s2;
	[dreg:$0x7] =	wrdreg s14  }
0x14: {  	s19 =	sadd.s32 $0xC40, s9;
	s22 =	sadd.s32 s0, s12;
	[dreg:$0x9] =	wrdreg s20  }
0x15: {  	s0 =	simm.s32 $0x1D580;
	s8 =	simm.s32 $0x2;
	[dreg:$0xa] =	wrdreg s21  }
.Ltmp0:
0x16: {  	s4 =	sadd.s32 s4, s23;
	s17 =	sadd.s32 s10, s23;
	(pc) =	sbr.rel .LBB2_1-.Ltmp0, $4  }
0x17: {  	s20 =	sadd.s32 s25, s24;
	s21 =	simm.s32 $0x62;
	s25 =	smax.u32 s7, $0x1  }
0x18: {  	s7 =	simm.s32 $0x1ED80;
	s10 =	simm.s32 $0x1CD80;
	[dreg:$0xc] =	wrdreg s4  }
0x19: {  	s21 =	simm.s32 @!p0 $0x61;
	s26 =	sshll.u32 s20, $0x8;
	s4 =	simm.s32 $0x1  }
0x1a: {  	v0 =	vimm.f32 $0.0e+00;
	s23 =	sadd.s32 s5, s26;
	s24 =	sadd.s32 s6, s26;
	s26 =	simm.s32 $0x800  }
.LBB2_22:
0x1b: {  	_ =	swait.ge [sflag:s8], $0x800  }
0x1c: {  	[sflag:s8] =	ssyncset.done $0x0  }
0x1d: {  	[sflag:s8] =	ssyncadd.s32 $0xFFFFF800  }
0x1e: {  	s12 =	stileid.u32;
	_ =	swait.ge [sflag:s8], $0x800  }
0x1f: {  	s13 =	sshrl.u32 s9, $0x3;
	s11 =	sadd.s32 $0x1, s11;
	[sflag:s8] =	ssyncset.done $0x0  }
0x20: {  	s12 =	sshll.u32 s12, $0x6;
	p0 =	sne.s32 s11, s25;
	[sflag:s8] =	ssyncadd.s32 $0xFFFFF800  }
.Ltmp1:
0x21: {  	s12 =	sor.u32 $0x1C03, s12;
	[bflag:$0x0] =	sbarrier.arrive $0xFFFF;
	(pc) =	sbr.rel @!p0 .LBB2_23-.Ltmp1, $4  }
0x22: {  	[hbm:s22], [sflag:s12] =	dma.local [spmem:s13], $0x310  }
0x23: {  	_ =	swait.ge [sflag:s28], $0x310  }
0x24: {  	[sflag:s28] =	ssyncset.done $0x0  }
0x25: {  	[sflag:s28] =	ssyncadd.s32 $0xFFFFFCF0  }
.LBB2_1:
0x26: {  	s12 =	rddreg [dreg:$0x1];
	s13 =	simm.s32 $0x1AD00  }
0x27: {  	[tilespmem:s13], [sflag:$0x3] =	stream.linear.gather [hbm4b:s12+s3], $0x80, $0x38;
	[tilespmem:$0x1F580] =	vst v63  }
0x28: {  	_ =	swait.ge [sflag:s28], $0x80  }
0x29: {  	[sflag:s28] =	ssyncset.done $0x0  }
0x2a: {  	s15 =	rddreg [dreg:$0x4];
	[sflag:s28] =	ssyncadd.s32 $0xFFFFFF80  }
0x2b: {  	v1 =	vld [tilespmem:$0x1AD00];
	[tilespmem:s29], [sflag:$0x3] =	stream.linear.gather [hbm4b:s15+s3], $0x800, $0x38  }
0x2c: {  	_ =	swait.ge [sflag:s28], $0x800  }
0x2d: {  	[sflag:s28] =	ssyncset.done $0x0  }
0x2e: {  	s16 =	rddreg [dreg:$0x5];
	[sflag:s28] =	ssyncadd.s32 $0xFFFFF800  }
0x2f: {  	[tilespmem:s30], [sflag:$0x3] =	stream.linear.gather [hbm4b:s16+s3], $0x800, $0x38;
	[tilespmem:$0x1F580] =	vst v63  }
0x30: {  	_ =	swait.ge [sflag:s28], $0x800  }
0x31: {  	[sflag:s28] =	ssyncset.done $0x0  }
0x32: {  	s12 =	simm.s32 $0x0;
	[sflag:s28] =	ssyncadd.s32 $0xFFFFF800  }
0x33: {  	s13 =	simm.s32 $0x40;
	v2 =	vld [tilespmem:s12+$0x1E580]  }
.LBB2_2:
0x34: {  	p0 =	sne.s32 s13, $0x1FC0;
	v3 =	vld [tilespmem:s12+$0x1DD80];
	_ =	sdelay $0x4  }
0x35: {  	v2 =	vadd.f32 v2, v3  }
.Ltmp2:
0x36: {  	(pc) =	sbr.rel @p0 .LBB2_2-.Ltmp2, $3  }
0x37: {  	v2 =	vmul.f32 v2, v1;
	_ =	sdelay $0x1  }
0x38: {  	s14 =	sshra.s32 s13, $0x2;
	v3 =	vmax.f32 v2, $0.0e+00  }
0x39: {  	s13 =	sadd.s32 $0x40, s13;
	v2 =	vld [tilespmem:s14+$0x1E580];
	[tilespmem:s12+$0x1DD80] =	vst v3;
	s12 =	smov.u32 s14  }
0x3a: {  	v3 =	vld [tilespmem:s12+$0x1DD80];
	_ =	sdelay $0x4  }
0x3b: {  	v2 =	vadd.f32 v2, v3;
	_ =	sdelay $0x1  }
0x3c: {  	v2 =	vmul.f32 v2, v1;
	_ =	sdelay $0x1  }
0x3d: {  	v2 =	vmax.f32 v2, $0.0e+00  }
0x3e: {  	[tilespmem:s12+$0x1DD80] =	vst v2  }
0x3f: {  	[spmem:s9] =	stream.linear.scatter [tilespmem:s29], [sflag:$0x3], $0x800, $0x38;
	[tilespmem:$0x1F580] =	vst v63  }
0x40: {  	_ =	swait.ge [sflag:s28], $0x800  }
0x41: {  	[sflag:s28] =	ssyncset.done $0x0  }
0x42: {  	s15 =	simm.s32 $0x0;
	s13 =	rddreg [dreg:$0x6];
	[sflag:s28] =	ssyncadd.s32 $0xFFFFF800  }
0x43: {  	[tilespmem:s29], [sflag:$0x3] =	stream.linear.gather [hbm4b:s13+s15], $0x800, $0x38;
	[tilespmem:$0x1F580] =	vst v63  }
0x44: {  	_ =	swait.ge [sflag:s28], $0x800  }
0x45: {  	[sflag:s28] =	ssyncset.done $0x0  }
0x46: {  	s16 =	rddreg [dreg:$0x7];
	[sflag:s28] =	ssyncadd.s32 $0xFFFFF800  }
0x47: {  	[tilespmem:s30], [sflag:$0x3] =	stream.linear.gather [hbm4b:s16+s15], $0x800, $0x38;
	[tilespmem:$0x1F580] =	vst v63  }
0x48: {  	_ =	swait.ge [sflag:s28], $0x800  }
0x49: {  	[sflag:s28] =	ssyncset.done $0x0  }
0x4a: {  	s12 =	simm.s32 $0x0;
	[sflag:s28] =	ssyncadd.s32 $0xFFFFF800  }
0x4b: {  	s13 =	simm.s32 $0x40;
	v2 =	vld [tilespmem:s12+$0x1E580]  }
.LBB2_4:
0x4c: {  	p0 =	sne.s32 s13, $0x1FC0;
	v3 =	vld [tilespmem:s12+$0x1DD80];
	_ =	sdelay $0x4  }
0x4d: {  	v2 =	vadd.f32 v2, v3  }
.Ltmp3:
0x4e: {  	(pc) =	sbr.rel @p0 .LBB2_4-.Ltmp3, $3  }
0x4f: {  	v2 =	vmul.f32 v2, v1;
	_ =	sdelay $0x1  }
0x50: {  	s14 =	sshra.s32 s13, $0x2;
	v3 =	vmax.f32 v2, $0.0e+00  }
0x51: {  	s13 =	sadd.s32 $0x40, s13;
	v2 =	vld [tilespmem:s14+$0x1E580];
	[tilespmem:s12+$0x1DD80] =	vst v3;
	s12 =	smov.u32 s14  }
0x52: {  	v3 =	vld [tilespmem:s12+$0x1DD80];
	_ =	sdelay $0x4  }
0x53: {  	v2 =	vadd.f32 v2, v3;
	_ =	sdelay $0x1  }
0x54: {  	v2 =	vmul.f32 v2, v1;
	_ =	sdelay $0x1  }
0x55: {  	v2 =	vmax.f32 v2, $0.0e+00  }
0x56: {  	s14 =	rddreg [dreg:$0x8];
	[tilespmem:s12+$0x1DD80] =	vst v2  }
0x57: {  	[spmem:s14] =	stream.linear.scatter [tilespmem:s29], [sflag:$0x3], $0x800, $0x38;
	[tilespmem:$0x1F580] =	vst v63  }
0x58: {  	_ =	swait.ge [sflag:s28], $0x800  }
0x59: {  	[sflag:s28] =	ssyncset.done $0x0  }
0x5a: {  	s15 =	simm.s32 $0x0;
	s13 =	rddreg [dreg:$0x9];
	[sflag:s28] =	ssyncadd.s32 $0xFFFFF800  }
0x5b: {  	[tilespmem:s29], [sflag:$0x3] =	stream.linear.gather [hbm4b:s13+s15], $0x800, $0x38;
	[tilespmem:$0x1F580] =	vst v63  }
0x5c: {  	_ =	swait.ge [sflag:s28], $0x800  }
0x5d: {  	[sflag:s28] =	ssyncset.done $0x0  }
0x5e: {  	s16 =	rddreg [dreg:$0xa];
	[sflag:s28] =	ssyncadd.s32 $0xFFFFF800  }
0x5f: {  	[tilespmem:s30], [sflag:$0x3] =	stream.linear.gather [hbm4b:s16+s15], $0x800, $0x38;
	[tilespmem:$0x1F580] =	vst v63  }
0x60: {  	_ =	swait.ge [sflag:s28], $0x800  }
0x61: {  	[sflag:s28] =	ssyncset.done $0x0  }
0x62: {  	s12 =	simm.s32 $0x0;
	[sflag:s28] =	ssyncadd.s32 $0xFFFFF800  }
0x63: {  	s13 =	simm.s32 $0x40;
	v2 =	vld [tilespmem:s12+$0x1E580]  }
.LBB2_6:
0x64: {  	p0 =	sne.s32 s13, $0x1FC0;
	v3 =	vld [tilespmem:s12+$0x1DD80];
	_ =	sdelay $0x4  }
0x65: {  	v2 =	vadd.f32 v2, v3  }
.Ltmp4:
0x66: {  	(pc) =	sbr.rel @p0 .LBB2_6-.Ltmp4, $3  }
0x67: {  	v2 =	vmul.f32 v2, v1;
	_ =	sdelay $0x1  }
0x68: {  	s14 =	sshra.s32 s13, $0x2;
	v3 =	vmax.f32 v2, $0.0e+00  }
0x69: {  	s13 =	sadd.s32 $0x40, s13;
	v2 =	vld [tilespmem:s14+$0x1E580];
	[tilespmem:s12+$0x1DD80] =	vst v3;
	s12 =	smov.u32 s14  }
0x6a: {  	v3 =	vld [tilespmem:s12+$0x1DD80];
	_ =	sdelay $0x4  }
0x6b: {  	v2 =	vadd.f32 v2, v3;
	_ =	sdelay $0x1  }
0x6c: {  	v2 =	vmul.f32 v2, v1;
	_ =	sdelay $0x1  }
0x6d: {  	v2 =	vmax.f32 v2, $0.0e+00  }
0x6e: {  	s15 =	rddreg [dreg:$0xb];
	[tilespmem:s12+$0x1DD80] =	vst v2  }
0x6f: {  	[spmem:s15] =	stream.linear.scatter [tilespmem:s29], [sflag:$0x3], $0x800, $0x38;
	[tilespmem:$0x1F580] =	vst v63  }
0x70: {  	_ =	swait.ge [sflag:s28], $0x800  }
0x71: {  	[sflag:s28] =	ssyncset.done $0x0  }
0x72: {  	s16 =	simm.s32 $0x0;
	s13 =	rddreg [dreg:$0xc];
	[sflag:s28] =	ssyncadd.s32 $0xFFFFF800  }
0x73: {  	[tilespmem:s29], [sflag:$0x3] =	stream.linear.gather [hbm4b:s13+s16], $0x80, $0x38;
	[tilespmem:$0x1F580] =	vst v63  }
0x74: {  	_ =	swait.ge [sflag:s28], $0x80  }
0x75: {  	[sflag:s28] =	ssyncset.done $0x0  }
0x76: {  	[sflag:s28] =	ssyncadd.s32 $0xFFFFFF80  }
0x77: {  	[tilespmem:s30], [sflag:$0x3] =	stream.linear.gather [hbm4b:s17+s16], $0x80, $0x38;
	[tilespmem:$0x1F580] =	vst v63  }
0x78: {  	_ =	swait.ge [sflag:s28], $0x80  }
0x79: {  	[sflag:s28] =	ssyncset.done $0x0  }
0x7a: {  	[sflag:s28] =	ssyncadd.s32 $0xFFFFFF80  }
0x7b: {  	v2 =	vld [tilespmem:$0x1DD80]  }
0x7c: {  	v3 =	vld [tilespmem:$0x1E580]  }
0x7d: {  	v4 =	vld [tilespmem:$0x1DD90]  }
0x7e: {  	v5 =	vld [tilespmem:$0x1E590]  }
0x7f: {  	v6 =	vld [tilespmem:$0x1DDA0]  }
0x80: {  	v7 =	vld [tilespmem:$0x1E5A0]  }
0x81: {  	v8 =	vld [tilespmem:$0x1DDB0]  }
0x82: {  	v9 =	vld [tilespmem:$0x1E5B0]  }
0x83: {  	v10 =	vld [tilespmem:$0x1DDC0]  }
0x84: {  	v11 =	vld [tilespmem:$0x1E5C0]  }
0x85: {  	v12 =	vld [tilespmem:$0x1DDD0]  }
0x86: {  	v13 =	vld [tilespmem:$0x1E5D0]  }
0x87: {  	v56 =	vld [tilespmem:$0x1DDF0]  }
0x88: {  	v57 =	vld [tilespmem:$0x1E5F0]  }
0x89: {  	v14 =	vld [tilespmem:$0x1DDE0];
	v2 =	vadd.f32 v3, v2  }
0x8a: {  	v3 =	vld [tilespmem:$0x1E5E0];
	v4 =	vadd.f32 v5, v4  }
0x8b: {  	v6 =	vadd.f32 v7, v6;
	v2 =	vmul.f32 v2, v1  }
0x8c: {  	v8 =	vadd.f32 v9, v8;
	v58 =	vadd.f32 v11, v10;
	v4 =	vmul.f32 v4, v1  }
0x8d: {  	v61 =	vadd.f32 v57, v56;
	v6 =	vmul.f32 v6, v1;
	v2 =	vmax.f32 v2, $0.0e+00  }
0x8e: {  	v8 =	vmul.f32 v8, v1;
	v4 =	vmax.f32 v4, $0.0e+00;
	[tilespmem:$0x1DD80] =	vst v2;
	v2 =	vadd.f32 v13, v12  }
0x8f: {  	v60 =	vmul.f32 v58, v1;
	v59 =	vmax.f32 v6, $0.0e+00;
	[tilespmem:$0x1DD90] =	vst v4;
	v3 =	vadd.f32 v3, v14  }
0x90: {  	v62 =	vmax.f32 v8, $0.0e+00;
	[tilespmem:$0x1DDA0] =	vst v59;
	v2 =	vmul.f32 v2, v1  }
0x91: {  	v63 =	vmax.f32 v60, $0.0e+00;
	[tilespmem:$0x1DDB0] =	vst v62;
	v3 =	vmul.f32 v3, v1;
	v1 =	vmul.f32 v61, v1  }
0x92: {  	[tilespmem:$0x1DDC0] =	vst v63;
	v2 =	vmax.f32 v2, $0.0e+00  }
0x93: {  	v1 =	vmax.f32 v1, $0.0e+00;
	[tilespmem:$0x1DDD0] =	vst v2  }
0x94: {  	v2 =	vmax.f32 v3, $0.0e+00;
	[tilespmem:$0x1DDF0] =	vst v1  }
0x95: {  	[tilespmem:$0x1DDE0] =	vst v2  }
0x96: {  	[spmem:s18] =	stream.linear.scatter [tilespmem:s29], [sflag:$0x3], $0x80, $0x38;
	[tilespmem:$0x1F580] =	vst v63  }
0x97: {  	_ =	swait.ge [sflag:s28], $0x80  }
0x98: {  	[sflag:s28] =	ssyncset.done $0x0  }
0x99: {  	[sflag:s28] =	ssyncadd.s32 $0xFFFFFF80  }
0x9a: {  	[bflag:$0x0] =	sbarrier.arrive $0xFFFF  }
0x9b: {  	[tilespmem:s16], [sflag:$0x3] =	stream.linear.gather [spmem:s2], $0x18800, $0x38;
	[tilespmem:$0x1F580] =	vst v63  }
0x9c: {  	_ =	swait.ge [sflag:s28], $0x18800  }
0x9d: {  	[sflag:s28] =	ssyncset.done $0x0  }
0x9e: {  	[sflag:s28] =	ssyncadd.s32 $0xFFFE7800  }
0x9f: {  	s12 =	simm.s32 $0x40;
	s13 =	simm.s32 $0x0;
	[bflag:$0x0] =	sbarrier.arrive $0xFFFF  }
.LBB2_8:
0xa0: {  	p0 =	sne.s32 s12, $0x30C0;
	[tilespmem:s13+$0x1A080] =	vst v0;
	s13 =	smov.u32 s12;
	s12 =	sadd.s32 $0x40, s12  }
.Ltmp5:
0xa1: {  	(pc) =	sbr.rel @p0 .LBB2_8-.Ltmp5, $2  }
0xa2: {  	_ =	sdelay $0x2  }
0xa3: {  	s13 =	sshra.s32 s13, $0x2  }
0xa4: {  	[tilespmem:s13+$0x1A080] =	vst v0  }
0xa5: {  	[spmem:s9] =	stream.linear.scatter [tilespmem:s31], [sflag:$0x3], $0xC40, $0x38;
	[tilespmem:$0x1F580] =	vst v63  }
0xa6: {  	_ =	swait.ge [sflag:s28], $0xC40  }
0xa7: {  	[sflag:s28] =	ssyncset.done $0x0  }
0xa8: {  	[sflag:s28] =	ssyncadd.s32 $0xFFFFF3C0  }
0xa9: {  	[spmem:s19] =	stream.linear.scatter [tilespmem:s31], [sflag:$0x3], $0xC40, $0x38;
	[tilespmem:$0x1F580] =	vst v63  }
0xaa: {  	_ =	swait.ge [sflag:s28], $0xC40  }
0xab: {  	[sflag:s28] =	ssyncset.done $0x0  }
.Ltmp6:
0xac: {  	[sflag:s28] =	ssyncadd.s32 $0xFFFFF3C0;
	(pc) =	sbr.rel .LBB2_10-.Ltmp6, $4  }
0xad: {  	s12 =	simm.s32 $0x0;
	s16 =	simm.s32 $0x1AD80;
	[bflag:$0x0] =	sbarrier.arrive $0xFFFF  }
0xae: {  	[tilespmem:s16], [sflag:$0x1] =	stream.linear.gather [hbm4b:s23+s12], $0x800, $0x38;
	[tilespmem:$0x1F580] =	vst v63  }
0xaf: {  	_ = 	snop  }
0xb0: {  	[tilespmem:s1], [sflag:$0x1] =	stream.linear.gather [hbm4b:s24+s12], $0x800, $0x38;
	[tilespmem:$0x1F580] =	vst v63  }
.LBB2_21:
0xb1: {  	p0 =	sne.s32 s12, s21  }
.Ltmp7:
0xb2: {  	_ = 	snop;
	(pc) =	sbr.rel @!p0 .LBB2_22-.Ltmp7, $1  }
0xb3: {  	_ =	sdelay $0x3  }
.LBB2_10:
0xb4: {  	s13 =	smulhi.u32 $0xAAAAAAAB, s12;
	_ =	sdelay $0x1  }
0xb5: {  	s13 =	sshrl.u32 s13, $0x1  }
0xb6: {  	s13 =	smul.u32 $0x3, s13;
	_ =	sdelay $0x1  }
0xb7: {  	s13 =	ssub.s32 s12, s13  }
0xb8: {  	_ =	swait.ge [sflag:s4], $0x800;
	p1 =	seq.s32 s13, $0x2  }
.Ltmp8:
0xb9: {  	[sflag:s4] =	ssyncset.done $0x0;
	(pc) =	sbr.rel @p1 .LBB2_18-.Ltmp8, $4  }
0xba: {  	[sflag:s4] =	ssyncadd.s32 $0xFFFFF800  }
0xbb: {  	_ =	swait.ge [sflag:s4], $0x800  }
0xbc: {  	[sflag:s4] =	ssyncset.done $0x0  }
0xbd: {  	p0 =	slt.u32 s12, $0x2;
	[sflag:s4] =	ssyncadd.s32 $0xFFFFF800;
	s12 =	sadd.s32 $0x1, s12  }
0xbe: {  	p1 =	seq.s32 s13, $0x1  }
.Ltmp9:
0xbf: {  	_ = 	snop;
	(pc) =	sbr.rel @!p1 .LBB2_12-.Ltmp9, $1  }
0xc0: {  	_ =	sdelay $0x3  }
0xc1: {  	s13 =	simm.s32 @!p0 $0x2;
	p1 =	sge.u32 s12, s21  }
0xc2: {  	_ =	swait.ge @!p0 [sflag:s13], $0x800;
	s14 =	sadd.s32 @!p1 s20, s12  }
0xc3: {  	[sflag:s13] =	ssyncset.done @!p0 $0x0;
	s14 =	sshll.u32 @!p1 s14, $0x8  }
0xc4: {  	[sflag:s13] =	ssyncadd.s32 @!p0 $0xFFFFF800;
	s13 =	sand.u32 @!p1 $0x1FFFFF00, s14  }
0xc5: {  	s15 =	simm.s32 @!p1 $0x0;
	s16 =	simm.s32 @!p1 $0x1BD80;
	s14 =	sadd.s32 @!p1 s5, s13  }
0xc6: {  	[tilespmem:s16], [sflag:$0x1] =	stream.linear.gather @!p1 [hbm4b:s14+s15], $0x800, $0x38;
	[tilespmem:$0x1F580] =	vst v63  }
0xc7: {  	s13 =	sadd.s32 @!p1 s6, s13;
	s14 =	simm.s32 @!p1 $0x1D580  }
0xc8: {  	[tilespmem:s14], [sflag:$0x1] =	stream.linear.gather @!p1 [hbm4b:s13+s15], $0x800, $0x38;
	[tilespmem:$0x1F580] =	vst v63  }
0xc9: {  	s13 =	simm.s32 $0xFFFFFFF8;
	s14 =	simm.s32 $0x1B5C0;
	s15 =	simm.s32 $0x1E5C0  }
.LBB2_16:
0xca: {  	v1 =	vld [tilespmem:s14+$0xFFFFFFC0];
	_ =	sdelay $0x7  }
0xcb: {  	v1 =	vld.idx.msk [tilespmem:v1+s3+$0x0], $0xffff;
	_ =	sdelay $0x4  }
0xcc: {  	[tilespmem:s15+$0xFFFFFFC0] =	vst v1  }
0xcd: {  	v1 =	vld [tilespmem:s14+$0xFFFFFFD0];
	_ =	sdelay $0x7  }
0xce: {  	v1 =	vld.idx.msk [tilespmem:v1+s3+$0x0], $0xffff;
	_ =	sdelay $0x4  }
0xcf: {  	[tilespmem:s15+$0xFFFFFFD0] =	vst v1  }
0xd0: {  	v1 =	vld [tilespmem:s14+$0xFFFFFFE0];
	_ =	sdelay $0x7  }
0xd1: {  	v1 =	vld.idx.msk [tilespmem:v1+s3+$0x0], $0xffff;
	_ =	sdelay $0x4  }
0xd2: {  	[tilespmem:s15+$0xFFFFFFE0] =	vst v1  }
0xd3: {  	v1 =	vld [tilespmem:s14+$0xFFFFFFF0];
	_ =	sdelay $0x7  }
0xd4: {  	v1 =	vld.idx.msk [tilespmem:v1+s3+$0x0], $0xffff;
	_ =	sdelay $0x4  }
0xd5: {  	[tilespmem:s15+$0xFFFFFFF0] =	vst v1  }
0xd6: {  	v1 =	vld [tilespmem:s14+$0x0];
	_ =	sdelay $0x7  }
0xd7: {  	v1 =	vld.idx.msk [tilespmem:v1+s3+$0x0], $0xffff;
	_ =	sdelay $0x4  }
0xd8: {  	[tilespmem:s15+$0x0] =	vst v1  }
0xd9: {  	v1 =	vld [tilespmem:s14+$0x10];
	_ =	sdelay $0x7  }
0xda: {  	v1 =	vld.idx.msk [tilespmem:v1+s3+$0x0], $0xffff;
	_ =	sdelay $0x4  }
0xdb: {  	[tilespmem:s15+$0x10] =	vst v1  }
0xdc: {  	v1 =	vld [tilespmem:s14+$0x20];
	_ =	sdelay $0x7  }
0xdd: {  	v1 =	vld.idx.msk [tilespmem:v1+s3+$0x0], $0xffff;
	_ =	sdelay $0x4  }
0xde: {  	[tilespmem:s15+$0x20] =	vst v1  }
0xdf: {  	v1 =	vld [tilespmem:s14+$0x30];
	_ =	sdelay $0x6  }
0xe0: {  	s13 =	sadd.s32 $0x8, s13  }
0xe1: {  	p0 =	slt.u32 s13, $0x78;
	v1 =	vld.idx.msk [tilespmem:v1+s3+$0x0], $0xffff  }
.Ltmp10:
0xe2: {  	_ = 	snop;
	(pc) =	sbr.rel @p0 .LBB2_16-.Ltmp10, $2  }
0xe3: {  	_ =	sdelay $0x2  }
0xe4: {  	s14 =	sadd.s32 $0x80, s14;
	[tilespmem:s15+$0x30] =	vst v1;
	s15 =	sadd.s32 $0x80, s15  }
.Ltmp11:
0xe5: {  	(pc) =	sbr.rel .LBB2_21-.Ltmp11, $2  }
0xe6: {  	_ =	sdelay $0x2  }
0xe7: {  	[spmem:s2] =	stream.indirect.scatter.add.f32 [tilespmem:s30], [sflag:$0x2], $0x1, s10, s26, $0xb8;
	[tilespmem:$0x1F580] =	vst v63  }
.LBB2_18:
0xe8: {  	s13 =	simm.s32 @!p0 $0x2;
	p1 =	sge.u32 s12, s21  }
0xe9: {  	_ =	swait.ge @!p0 [sflag:s13], $0x800;
	s14 =	sadd.s32 @!p1 s20, s12  }
0xea: {  	[sflag:s13] =	ssyncset.done @!p0 $0x0;
	s14 =	sshll.u32 @!p1 s14, $0x8  }
0xeb: {  	[sflag:s13] =	ssyncadd.s32 @!p0 $0xFFFFF800;
	s13 =	sand.u32 @!p1 $0x1FFFFF00, s14  }
0xec: {  	s15 =	simm.s32 @!p1 $0x0;
	s16 =	simm.s32 @!p1 $0x1AD80;
	s14 =	sadd.s32 @!p1 s5, s13  }
0xed: {  	[tilespmem:s16], [sflag:$0x1] =	stream.linear.gather @!p1 [hbm4b:s14+s15], $0x800, $0x38;
	[tilespmem:$0x1F580] =	vst v63  }
0xee: {  	s13 =	sadd.s32 @!p1 s6, s13;
	s14 =	simm.s32 @!p1 $0x1C580  }
0xef: {  	[tilespmem:s14], [sflag:$0x1] =	stream.linear.gather @!p1 [hbm4b:s13+s15], $0x800, $0x38;
	[tilespmem:$0x1F580] =	vst v63  }
0xf0: {  	s13 =	simm.s32 $0xFFFFFFF8;
	s14 =	simm.s32 $0x1BDC0;
	s15 =	simm.s32 $0x1EDC0  }
.LBB2_19:
0xf1: {  	v1 =	vld [tilespmem:s14+$0xFFFFFFC0];
	_ =	sdelay $0x7  }
0xf2: {  	v1 =	vld.idx.msk [tilespmem:v1+s3+$0x0], $0xffff;
	_ =	sdelay $0x4  }
0xf3: {  	[tilespmem:s15+$0xFFFFFFC0] =	vst v1  }
0xf4: {  	v1 =	vld [tilespmem:s14+$0xFFFFFFD0];
	_ =	sdelay $0x7  }
0xf5: {  	v1 =	vld.idx.msk [tilespmem:v1+s3+$0x0], $0xffff;
	_ =	sdelay $0x4  }
0xf6: {  	[tilespmem:s15+$0xFFFFFFD0] =	vst v1  }
0xf7: {  	v1 =	vld [tilespmem:s14+$0xFFFFFFE0];
	_ =	sdelay $0x7  }
0xf8: {  	v1 =	vld.idx.msk [tilespmem:v1+s3+$0x0], $0xffff;
	_ =	sdelay $0x4  }
0xf9: {  	[tilespmem:s15+$0xFFFFFFE0] =	vst v1  }
0xfa: {  	v1 =	vld [tilespmem:s14+$0xFFFFFFF0];
	_ =	sdelay $0x7  }
0xfb: {  	v1 =	vld.idx.msk [tilespmem:v1+s3+$0x0], $0xffff;
	_ =	sdelay $0x4  }
0xfc: {  	[tilespmem:s15+$0xFFFFFFF0] =	vst v1  }
0xfd: {  	v1 =	vld [tilespmem:s14+$0x0];
	_ =	sdelay $0x7  }
0xfe: {  	v1 =	vld.idx.msk [tilespmem:v1+s3+$0x0], $0xffff;
	_ =	sdelay $0x4  }
0xff: {  	[tilespmem:s15+$0x0] =	vst v1  }
0x100: {  	v1 =	vld [tilespmem:s14+$0x10];
	_ =	sdelay $0x7  }
0x101: {  	v1 =	vld.idx.msk [tilespmem:v1+s3+$0x0], $0xffff;
	_ =	sdelay $0x4  }
0x102: {  	[tilespmem:s15+$0x10] =	vst v1  }
0x103: {  	v1 =	vld [tilespmem:s14+$0x20];
	_ =	sdelay $0x7  }
0x104: {  	v1 =	vld.idx.msk [tilespmem:v1+s3+$0x0], $0xffff;
	_ =	sdelay $0x4  }
0x105: {  	[tilespmem:s15+$0x20] =	vst v1  }
0x106: {  	v1 =	vld [tilespmem:s14+$0x30];
	_ =	sdelay $0x6  }
0x107: {  	s13 =	sadd.s32 $0x8, s13  }
0x108: {  	p0 =	slt.u32 s13, $0x78;
	v1 =	vld.idx.msk [tilespmem:v1+s3+$0x0], $0xffff  }
.Ltmp12:
0x109: {  	_ = 	snop;
	(pc) =	sbr.rel @p0 .LBB2_19-.Ltmp12, $2  }
0x10a: {  	_ =	sdelay $0x2  }
0x10b: {  	s14 =	sadd.s32 $0x80, s14;
	[tilespmem:s15+$0x30] =	vst v1;
	s15 =	sadd.s32 $0x80, s15  }
.Ltmp13:
0x10c: {  	(pc) =	sbr.rel .LBB2_21-.Ltmp13, $2  }
0x10d: {  	_ =	sdelay $0x2  }
0x10e: {  	[spmem:s2] =	stream.indirect.scatter.add.f32 [tilespmem:s7], [sflag:$0x2], $0x1, s0, s26, $0xb8;
	[tilespmem:$0x1F580] =	vst v63  }
.LBB2_12:
0x10f: {  	s13 =	simm.s32 @!p0 $0x2;
	p1 =	sge.u32 s12, s21  }
0x110: {  	_ =	swait.ge @!p0 [sflag:s13], $0x800;
	s14 =	sadd.s32 @!p1 s20, s12  }
0x111: {  	[sflag:s13] =	ssyncset.done @!p0 $0x0;
	s14 =	sshll.u32 @!p1 s14, $0x8  }
0x112: {  	[sflag:s13] =	ssyncadd.s32 @!p0 $0xFFFFF800;
	s13 =	sand.u32 @!p1 $0x1FFFFF00, s14  }
0x113: {  	s15 =	simm.s32 @!p1 $0x0;
	s16 =	simm.s32 @!p1 $0x1B580;
	s14 =	sadd.s32 @!p1 s5, s13  }
0x114: {  	[tilespmem:s16], [sflag:$0x1] =	stream.linear.gather @!p1 [hbm4b:s14+s15], $0x800, $0x38;
	[tilespmem:$0x1F580] =	vst v63  }
0x115: {  	s13 =	sadd.s32 @!p1 s6, s13;
	s14 =	simm.s32 @!p1 $0x1CD80  }
0x116: {  	[tilespmem:s14], [sflag:$0x1] =	stream.linear.gather @!p1 [hbm4b:s13+s15], $0x800, $0x38;
	[tilespmem:$0x1F580] =	vst v63  }
0x117: {  	s13 =	simm.s32 $0xFFFFFFF8;
	s14 =	simm.s32 $0x1ADC0;
	s15 =	simm.s32 $0x1DDC0  }
.LBB2_13:
0x118: {  	v1 =	vld [tilespmem:s14+$0xFFFFFFC0];
	_ =	sdelay $0x7  }
0x119: {  	v1 =	vld.idx.msk [tilespmem:v1+s3+$0x0], $0xffff;
	_ =	sdelay $0x4  }
0x11a: {  	[tilespmem:s15+$0xFFFFFFC0] =	vst v1  }
0x11b: {  	v1 =	vld [tilespmem:s14+$0xFFFFFFD0];
	_ =	sdelay $0x7  }
0x11c: {  	v1 =	vld.idx.msk [tilespmem:v1+s3+$0x0], $0xffff;
	_ =	sdelay $0x4  }
0x11d: {  	[tilespmem:s15+$0xFFFFFFD0] =	vst v1  }
0x11e: {  	v1 =	vld [tilespmem:s14+$0xFFFFFFE0];
	_ =	sdelay $0x7  }
0x11f: {  	v1 =	vld.idx.msk [tilespmem:v1+s3+$0x0], $0xffff;
	_ =	sdelay $0x4  }
0x120: {  	[tilespmem:s15+$0xFFFFFFE0] =	vst v1  }
0x121: {  	v1 =	vld [tilespmem:s14+$0xFFFFFFF0];
	_ =	sdelay $0x7  }
0x122: {  	v1 =	vld.idx.msk [tilespmem:v1+s3+$0x0], $0xffff;
	_ =	sdelay $0x4  }
0x123: {  	[tilespmem:s15+$0xFFFFFFF0] =	vst v1  }
0x124: {  	v1 =	vld [tilespmem:s14+$0x0];
	_ =	sdelay $0x7  }
0x125: {  	v1 =	vld.idx.msk [tilespmem:v1+s3+$0x0], $0xffff;
	_ =	sdelay $0x4  }
0x126: {  	[tilespmem:s15+$0x0] =	vst v1  }
0x127: {  	v1 =	vld [tilespmem:s14+$0x10];
	_ =	sdelay $0x7  }
0x128: {  	v1 =	vld.idx.msk [tilespmem:v1+s3+$0x0], $0xffff;
	_ =	sdelay $0x4  }
0x129: {  	[tilespmem:s15+$0x10] =	vst v1  }
0x12a: {  	v1 =	vld [tilespmem:s14+$0x20];
	_ =	sdelay $0x7  }
0x12b: {  	v1 =	vld.idx.msk [tilespmem:v1+s3+$0x0], $0xffff;
	_ =	sdelay $0x4  }
0x12c: {  	[tilespmem:s15+$0x20] =	vst v1  }
0x12d: {  	v1 =	vld [tilespmem:s14+$0x30];
	_ =	sdelay $0x6  }
0x12e: {  	s13 =	sadd.s32 $0x8, s13  }
0x12f: {  	p0 =	slt.u32 s13, $0x78;
	v1 =	vld.idx.msk [tilespmem:v1+s3+$0x0], $0xffff  }
.Ltmp14:
0x130: {  	_ = 	snop;
	(pc) =	sbr.rel @p0 .LBB2_13-.Ltmp14, $2  }
0x131: {  	_ =	sdelay $0x2  }
0x132: {  	s14 =	sadd.s32 $0x80, s14;
	[tilespmem:s15+$0x30] =	vst v1;
	s15 =	sadd.s32 $0x80, s15  }
.Ltmp15:
0x133: {  	(pc) =	sbr.rel .LBB2_21-.Ltmp15, $2  }
0x134: {  	_ =	sdelay $0x2  }
0x135: {  	[spmem:s2] =	stream.indirect.scatter.add.f32 [tilespmem:s29], [sflag:$0x2], $0x1, s1, s26, $0xb8;
	[tilespmem:$0x1F580] =	vst v63  }
.LBB2_23:
0x136: {  	_ =	sfence.sel $0x180000  }
0x137: {  	[bflag:$0x0] =	sbarrier.arrive $0xFFFF  }
0x138: {  	_ =	strace $0x9000004A  }
0x139: {  	s0 =	stileid.u32;
	[bflag:$0x2] =	sbarrier.arrive $0xFFFF  }
0x13a: {  	p0 =	sne.s32 s0, $0x0;
	s0 =	rddreg [dreg:$0x3]  }
0x13b: {  	s0 =	sadd.s32 @!p0 $0x100000, s0  }
0x13c: {  	[sflag:s0] =	ssyncadd.tile.s32 @!p0 $0x1;
	_ =	shalt  }
.Lfunc_end2:
_tile_overlayer_lowered:
.L_overlay_start_2:
0x13d: {  	(tag) =	ssettag $0x2  }
0x13e: {  	s0 =	rddreg [dreg:$0x0];
	s2 =	stileid.u32  }
0x13f: {  	s1 =	rddreg [dreg:$0x1];
	p0 =	sne.s32 s2, $0x0  }
0x140: {  	s3 =	rddreg [dreg:$0x2];
	[bflag:$0x3] =	sbarrier.arrive $0xFFFF;
	s2 =	simm.s32 @!p0 $0x1C03  }
0x141: {  	[timem:s3], [sflag:s2] =	dma.local @!p0 [hbm:s0], s1  }
0x142: {  	s0 =	simm.s32 @!p0 $0x3  }
0x143: {  	_ =	swait.ge @!p0 [sflag:s0], s1  }
0x144: {  	s1 =	ssub.s32 @!p0 $0x0, s1;
	[sflag:s0] =	ssyncset.done @!p0 $0x0  }
0x145: {  	[sflag:s0] =	ssyncadd.s32 @!p0 s1  }
0x146: {  	[bflag:$0x3] =	sbarrier.arrive $0xFFFF  }
0x147: {  	_ =	shalt  }

</sc_bundles>
